<compile_context>
chip_gen: v7x
topology: tpu7x:2x2x1
jax: 0.10.2.dev20260603
libtpu: 0.0.44.dev20260713+nightly
codegen_flags: <defaults>
</compile_context>

<pallas_src>
import functools

import jax
import jax.numpy as jnp
from jax import lax
from jax.experimental import pallas as pl
from jax.experimental.pallas import tpu as pltpu
from jax.experimental.pallas import tpu_sc as plsc

EMB_DIM = 32
NUM_HP_BINS = 256

NC = 2
NS = 16
NW = NC * NS

TROW = EMB_DIM + 1


def _make_kernel(b, u, n_utype):
  rows_w = b // NW
  n_look = rows_w * u
  n_bg = rows_w // 16
  mesh = plsc.VectorSubcoreMesh(
      core_axis_name="c", subcore_axis_name="s", num_cores=NC, num_subcores=NS
  )

  @functools.partial(
      pl.kernel,
      out_type=jax.ShapeDtypeStruct((u, 2 * EMB_DIM, b), jnp.float32),
      mesh=mesh,
      scratch_types=[
          pltpu.VMEM((n_utype * TROW,), jnp.float32),
          pltpu.VMEM((NUM_HP_BINS * TROW,), jnp.float32),
          pltpu.VMEM((n_look,), jnp.int32),
          pltpu.VMEM((n_look,), jnp.float32),
          pltpu.VMEM((2 * EMB_DIM, 128), jnp.float32),
          pltpu.VMEM((2 * EMB_DIM, 128), jnp.float32),
          pltpu.SemaphoreType.DMA,
          pltpu.SemaphoreType.DMA,
      ],
      compiler_params=pltpu.CompilerParams(needs_layout_passes=False),
  )
  def emb_kernel(ut_hbm, hp_hbm, utab_hbm, htab_hbm, out_hbm,
                 utab_v, htab_v, uidx_v, hp_v, cba, cbb, sema, semb):
    wid = lax.axis_index("s") * NC + lax.axis_index("c")
    kbase = wid * n_look
    b0 = wid * rows_w
    cbs = (cba, cbb)
    sems = (sema, semb)

    pltpu.sync_copy(utab_hbm, utab_v)
    pltpu.sync_copy(htab_hbm, htab_v)
    pltpu.sync_copy(ut_hbm.at[pl.ds(kbase, n_look)], uidx_v)
    pltpu.sync_copy(hp_hbm.at[pl.ds(kbase, n_look)], hp_v)

    l200 = lax.iota(jnp.int32, 16) * u

    def make_unit(cb):
      def unit_body(ui):
        @plsc.parallel_loop(0, n_bg, unroll=4)
        def bg_body(g):
          idxv = l200 + (g * (16 * u) + ui)
          uu = plsc.load_gather(uidx_v, [idxv]) * TROW
          hpv = plsc.load_gather(hp_v, [idxv])
          hh = (hpv * float(NUM_HP_BINS - 1)).astype(jnp.int32) * TROW
          for c in range(EMB_DIM):
            vu = plsc.load_gather(utab_v, [uu + c])
            cb[c, pl.ds(g * 16, 16)] = vu
            vh = plsc.load_gather(htab_v, [hh + c])
            cb[EMB_DIM + c, pl.ds(g * 16, 16)] = vh
      return unit_body

    def fire(ui, par):
      return pltpu.async_copy(
          cbs[par], out_hbm.at[ui, :, pl.ds(b0, 128)], sems[par])

    make_unit(cbs[0])(0)
    cp0 = fire(0, 0)
    make_unit(cbs[1])(1)
    cp1 = fire(1, 1)

    def unit_pair(p, _):
      ui = 2 * p + 2
      cp0.wait()
      make_unit(cbs[0])(ui)
      fire(ui, 0)
      cp1.wait()
      make_unit(cbs[1])(ui + 1)
      fire(ui + 1, 1)
      return ()

    lax.fori_loop(0, (u - 2) // 2, unit_pair, ())
    cp0.wait()
    cp1.wait()

  return emb_kernel


def kernel(utype, hp, utype_table, hp_table):
  b, u = utype.shape
  n_total = b * u
  n_utype = utype_table.shape[0]
  utab_p = jnp.pad(utype_table, ((0, 0), (0, TROW - EMB_DIM))).reshape(-1)
  htab_p = jnp.pad(hp_table, ((0, 0), (0, TROW - EMB_DIM))).reshape(-1)
  out_t = _make_kernel(b, u, n_utype)(
      utype.reshape(n_total).astype(jnp.int32), hp.reshape(n_total),
      utab_p, htab_p)
  return jnp.transpose(out_t, (2, 0, 1))

# --- scband reference (transcript-rebuilt; emitter-appended) ---
"""Pipeline reference for scband-unit-type-hp-embedding-62130996904145 (READ-ONLY COPY).

The authoritative reference and input builder live on the scoring server;
editing this copy changes nothing except your own understanding.
"""

import jax, jax.numpy as jnp
import numpy as np

NUM_UTYPE = 1000
NUM_HP_BINS = 256
EMB_DIM = 32
BATCH = 4096
NUM_UNITS = 200


def setup_inputs(seed: int = 0) -> dict:
    key = jax.random.key(seed)
    k1, k2, k3, k4 = jax.random.split(key, 4)
    utype = jax.random.randint(k1, (BATCH, NUM_UNITS), 0, NUM_UTYPE)
    hp = jax.random.uniform(k2, (BATCH, NUM_UNITS), dtype=jnp.float32)
    utype_table = jax.random.normal(k3, (NUM_UTYPE, EMB_DIM), dtype=jnp.float32)
    hp_table = jax.random.normal(k4, (NUM_HP_BINS, EMB_DIM), dtype=jnp.float32)
    return {"utype": utype, "hp": hp, "utype_table": utype_table, "hp_table": hp_table}


def reference(utype, hp, utype_table, hp_table):
    # type_emb = self.utype_emb(utype)
    type_emb = jnp.take(utype_table, utype, axis=0)
    # hp = (hp * (self.num_hp_bins - 1)).long()
    hp_idx = (hp * (NUM_HP_BINS - 1)).astype(jnp.int32)
    # hp_emb = self.hp_emb(hp)
    hp_emb = jnp.take(hp_table, hp_idx, axis=0)
    # unit_emb = torch.cat([type_emb, hp_emb], 2)
    unit_emb = jnp.concatenate([type_emb, hp_emb], axis=2)
    return unit_emb

if __name__ == "__main__":
    import jax
    _d = setup_inputs()
    print(jax.jit(kernel)(*tuple(_d.values())))

</pallas_src>

<mosaic_0001>
#map = affine_map<(d0, d1) -> (0)>
#map1 = affine_map<(d0, d1) -> (0, 0, 0)>
module attributes {stable_mosaic.version = 14 : i64} {
  func.func @emb_kernel(%arg0: i32, %arg1: i32, %arg2: memref<819200xi32, #tpu.memory_space<hbm>>, %arg3: memref<819200xf32, #tpu.memory_space<hbm>>, %arg4: memref<33000xf32, #tpu.memory_space<hbm>>, %arg5: memref<8448xf32, #tpu.memory_space<hbm>>, %arg6: memref<200x64x4096xf32, #tpu.memory_space<hbm>>, %arg7: memref<33000xf32, #tpu.memory_space<vmem>>, %arg8: memref<8448xf32, #tpu.memory_space<vmem>>, %arg9: memref<25600xi32, #tpu.memory_space<vmem>>, %arg10: memref<25600xf32, #tpu.memory_space<vmem>>, %arg11: memref<64x128xf32, #tpu.memory_space<vmem>>, %arg12: memref<64x128xf32, #tpu.memory_space<vmem>>, %arg13: memref<!tpu.dma_semaphore, #tpu.memory_space<semaphore_mem>>, %arg14: memref<!tpu.dma_semaphore, #tpu.memory_space<semaphore_mem>>) attributes {dimension_semantics = [#tpu.dimension_semantics<core_parallel>, #tpu.dimension_semantics<subcore_parallel>], iteration_bounds = array<i64: 2, 16>, scalar_prefetch = 0 : i64, scratch_operands = 8 : i64, tpu.core_type = #tpu.core_type<sc_vector_subcore>, window_params = [{transform_indices = #map}, {transform_indices = #map}, {transform_indices = #map}, {transform_indices = #map}, {transform_indices = #map1}]} {
    %mul3A = arith.constant 2 : i32
    %mul3A_0 = arith.muli %arg1, %mul3A : i32
    %add3A = arith.addi %mul3A_0, %arg0 : i32
    %mul3A_1 = arith.constant 25600 : i32
    %mul3A_2 = arith.muli %add3A, %mul3A_1 : i32
    %mul3A_3 = arith.constant 128 : i32
    %mul3A_4 = arith.muli %add3A, %mul3A_3 : i32
    "tpu.region"() ({
      %run_scoped3A = tpu.sem_alloc : memref<!tpu.dma_semaphore, #tpu.memory_space<semaphore_mem>>
      tpu.enqueue_dma source(%arg4 : memref<33000xf32, #tpu.memory_space<hbm>>) target(%arg7 : memref<33000xf32, #tpu.memory_space<vmem>>) target_semaphore(%run_scoped3A : memref<!tpu.dma_semaphore, #tpu.memory_space<semaphore_mem>>)
      tpu.wait_dma2 semaphore(%run_scoped3A : memref<!tpu.dma_semaphore, #tpu.memory_space<semaphore_mem>>) src(%arg4 : memref<33000xf32, #tpu.memory_space<hbm>>) dst(%arg7 : memref<33000xf32, #tpu.memory_space<vmem>>)
      tpu.yield
    }) : () -> ()
    "tpu.region"() ({
      %run_scoped3A = tpu.sem_alloc : memref<!tpu.dma_semaphore, #tpu.memory_space<semaphore_mem>>
      tpu.enqueue_dma source(%arg5 : memref<8448xf32, #tpu.memory_space<hbm>>) target(%arg8 : memref<8448xf32, #tpu.memory_space<vmem>>) target_semaphore(%run_scoped3A : memref<!tpu.dma_semaphore, #tpu.memory_space<semaphore_mem>>)
      tpu.wait_dma2 semaphore(%run_scoped3A : memref<!tpu.dma_semaphore, #tpu.memory_space<semaphore_mem>>) src(%arg5 : memref<8448xf32, #tpu.memory_space<hbm>>) dst(%arg8 : memref<8448xf32, #tpu.memory_space<vmem>>)
      tpu.yield
    }) : () -> ()
    "tpu.region"() ({
      %run_scoped3A = tpu.sem_alloc : memref<!tpu.dma_semaphore, #tpu.memory_space<semaphore_mem>>
      %dma_start3A_45 = tpu.memref_slice %arg2[%mul3A_2] : memref<819200xi32, #tpu.memory_space<hbm>> -> memref<25600xi32, #tpu.memory_space<hbm>>
      %dma_start3A_46 = tpu.memref_slice %arg2[%mul3A_2] : memref<819200xi32, #tpu.memory_space<hbm>> -> memref<25600xi32, #tpu.memory_space<hbm>>
      tpu.enqueue_dma source(%dma_start3A_46 : memref<25600xi32, #tpu.memory_space<hbm>>) target(%arg9 : memref<25600xi32, #tpu.memory_space<vmem>>) target_semaphore(%run_scoped3A : memref<!tpu.dma_semaphore, #tpu.memory_space<semaphore_mem>>)
      %dma_wait3A_47 = tpu.memref_slice %arg2[%mul3A_2] : memref<819200xi32, #tpu.memory_space<hbm>> -> memref<25600xi32, #tpu.memory_space<hbm>>
      %dma_wait3A_48 = tpu.memref_slice %arg2[%mul3A_2] : memref<819200xi32, #tpu.memory_space<hbm>> -> memref<25600xi32, #tpu.memory_space<hbm>>
      tpu.wait_dma2 semaphore(%run_scoped3A : memref<!tpu.dma_semaphore, #tpu.memory_space<semaphore_mem>>) src(%dma_wait3A_48 : memref<25600xi32, #tpu.memory_space<hbm>>) dst(%arg9 : memref<25600xi32, #tpu.memory_space<vmem>>)
      tpu.yield
    }) : () -> ()
    "tpu.region"() ({
      %run_scoped3A = tpu.sem_alloc : memref<!tpu.dma_semaphore, #tpu.memory_space<semaphore_mem>>
      %dma_start3A_45 = tpu.memref_slice %arg3[%mul3A_2] : memref<819200xf32, #tpu.memory_space<hbm>> -> memref<25600xf32, #tpu.memory_space<hbm>>
      %dma_start3A_46 = tpu.memref_slice %arg3[%mul3A_2] : memref<819200xf32, #tpu.memory_space<hbm>> -> memref<25600xf32, #tpu.memory_space<hbm>>
      tpu.enqueue_dma source(%dma_start3A_46 : memref<25600xf32, #tpu.memory_space<hbm>>) target(%arg10 : memref<25600xf32, #tpu.memory_space<vmem>>) target_semaphore(%run_scoped3A : memref<!tpu.dma_semaphore, #tpu.memory_space<semaphore_mem>>)
      %dma_wait3A_47 = tpu.memref_slice %arg3[%mul3A_2] : memref<819200xf32, #tpu.memory_space<hbm>> -> memref<25600xf32, #tpu.memory_space<hbm>>
      %dma_wait3A_48 = tpu.memref_slice %arg3[%mul3A_2] : memref<819200xf32, #tpu.memory_space<hbm>> -> memref<25600xf32, #tpu.memory_space<hbm>>
      tpu.wait_dma2 semaphore(%run_scoped3A : memref<!tpu.dma_semaphore, #tpu.memory_space<semaphore_mem>>) src(%dma_wait3A_48 : memref<25600xf32, #tpu.memory_space<hbm>>) dst(%arg10 : memref<25600xf32, #tpu.memory_space<vmem>>)
      tpu.yield
    }) : () -> ()
    %iota3A = tpu.iota {dimensions = array<i32: 0>} : vector<16xi32>
    %mul3A_5 = arith.constant 200 : i32
    %mul3A_6 = vector.broadcast %mul3A_5 : i32 to vector<16xi32>
    %mul3A_7 = arith.muli %iota3A, %mul3A_6 : vector<16xi32>
    %parallel_loop3A = arith.constant 0 : i32
    %parallel_loop3A_8 = arith.constant 8 : i32
    %parallel_loop3A_9 = arith.constant 1 : i32
    scf.for %parallel_loop3A_45 = %parallel_loop3A to %parallel_loop3A_8 step %parallel_loop3A_9  : i32 {
      %parallel_loop3A_46 = arith.constant 3200 : i32
      %parallel_loop3A_47 = arith.muli %parallel_loop3A_45, %parallel_loop3A_46 : i32
      %parallel_loop3A_48 = arith.constant 0 : i32
      %parallel_loop3A_49 = arith.addi %parallel_loop3A_47, %parallel_loop3A_48 : i32
      %parallel_loop3A_50 = vector.broadcast %parallel_loop3A_49 : i32 to vector<16xi32>
      %parallel_loop3A_51 = arith.addi %mul3A_7, %parallel_loop3A_50 : vector<16xi32>
      %parallel_loop3A_52 = tpu.vector_load_idx %arg9[%parallel_loop3A_51] : memref<25600xi32, #tpu.memory_space<vmem>>[vector<16xi32>], vector<16xi32>,
      %parallel_loop3A_53 = arith.constant 33 : i32
      %parallel_loop3A_54 = vector.broadcast %parallel_loop3A_53 : i32 to vector<16xi32>
      %parallel_loop3A_55 = arith.muli %parallel_loop3A_52, %parallel_loop3A_54 : vector<16xi32>
      %parallel_loop3A_56 = tpu.vector_load_idx %arg10[%parallel_loop3A_51] : memref<25600xf32, #tpu.memory_space<vmem>>[vector<16xi32>], vector<16xf32>,
      %parallel_loop3A_57 = arith.constant 2.550000e+02 : f32
      %parallel_loop3A_58 = vector.broadcast %parallel_loop3A_57 : f32 to vector<16xf32>
      %parallel_loop3A_59 = arith.mulf %parallel_loop3A_56, %parallel_loop3A_58 : vector<16xf32>
      %parallel_loop3A_60 = arith.fptosi %parallel_loop3A_59 : vector<16xf32> to vector<16xi32>
      %parallel_loop3A_61 = arith.constant 33 : i32
      %parallel_loop3A_62 = vector.broadcast %parallel_loop3A_61 : i32 to vector<16xi32>
      %parallel_loop3A_63 = arith.muli %parallel_loop3A_60, %parallel_loop3A_62 : vector<16xi32>
      %parallel_loop3A_64 = arith.constant 0 : i32
      %parallel_loop3A_65 = vector.broadcast %parallel_loop3A_64 : i32 to vector<16xi32>
      %parallel_loop3A_66 = arith.addi %parallel_loop3A_55, %parallel_loop3A_65 : vector<16xi32>
      %parallel_loop3A_67 = tpu.vector_load_idx %arg7[%parallel_loop3A_66] : memref<33000xf32, #tpu.memory_space<vmem>>[vector<16xi32>], vector<16xf32>,
      %parallel_loop3A_68 = arith.constant 16 : i32
      %parallel_loop3A_69 = arith.muli %parallel_loop3A_45, %parallel_loop3A_68 : i32
      %parallel_loop3A_70 = arith.constant 0 : i32
      %parallel_loop3A_71 = arith.index_cast %parallel_loop3A_70 : i32 to index
      %parallel_loop3A_72 = arith.index_cast %parallel_loop3A_69 : i32 to index
      %parallel_loop3A_73 = tpu.vector_load %arg11[%parallel_loop3A_71, %parallel_loop3A_72] {strides = array<i32>} : memref<64x128xf32, #tpu.memory_space<vmem>>, vector<16xf32>,
      tpu.vector_store %arg11[%parallel_loop3A_71, %parallel_loop3A_72], %parallel_loop3A_67 {strides = array<i32>} : memref<64x128xf32, #tpu.memory_space<vmem>>, vector<16xf32>,
      %parallel_loop3A_74 = arith.constant 0 : i32
      %parallel_loop3A_75 = vector.broadcast %parallel_loop3A_74 : i32 to vector<16xi32>
      %parallel_loop3A_76 = arith.addi %parallel_loop3A_63, %parallel_loop3A_75 : vector<16xi32>
      %parallel_loop3A_77 = tpu.vector_load_idx %arg8[%parallel_loop3A_76] : memref<8448xf32, #tpu.memory_space<vmem>>[vector<16xi32>], vector<16xf32>,
      %parallel_loop3A_78 = arith.constant 16 : i32
      %parallel_loop3A_79 = arith.muli %parallel_loop3A_45, %parallel_loop3A_78 : i32
      %parallel_loop3A_80 = arith.constant 32 : i32
      %parallel_loop3A_81 = arith.index_cast %parallel_loop3A_80 : i32 to index
      %parallel_loop3A_82 = arith.index_cast %parallel_loop3A_79 : i32 to index
      %parallel_loop3A_83 = tpu.vector_load %arg11[%parallel_loop3A_81, %parallel_loop3A_82] {strides = array<i32>} : memref<64x128xf32, #tpu.memory_space<vmem>>, vector<16xf32>,
      tpu.vector_store %arg11[%parallel_loop3A_81, %parallel_loop3A_82], %parallel_loop3A_77 {strides = array<i32>} : memref<64x128xf32, #tpu.memory_space<vmem>>, vector<16xf32>,
      %parallel_loop3A_84 = arith.constant 1 : i32
      %parallel_loop3A_85 = vector.broadcast %parallel_loop3A_84 : i32 to vector<16xi32>
      %parallel_loop3A_86 = arith.addi %parallel_loop3A_55, %parallel_loop3A_85 : vector<16xi32>
      %parallel_loop3A_87 = tpu.vector_load_idx %arg7[%parallel_loop3A_86] : memref<33000xf32, #tpu.memory_space<vmem>>[vector<16xi32>], vector<16xf32>,
      %parallel_loop3A_88 = arith.constant 16 : i32
      %parallel_loop3A_89 = arith.muli %parallel_loop3A_45, %parallel_loop3A_88 : i32
      %parallel_loop3A_90 = arith.constant 1 : i32
      %parallel_loop3A_91 = arith.index_cast %parallel_loop3A_90 : i32 to index
      %parallel_loop3A_92 = arith.index_cast %parallel_loop3A_89 : i32 to index
      %parallel_loop3A_93 = tpu.vector_load %arg11[%parallel_loop3A_91, %parallel_loop3A_92] {strides = array<i32>} : memref<64x128xf32, #tpu.memory_space<vmem>>, vector<16xf32>,
      tpu.vector_store %arg11[%parallel_loop3A_91, %parallel_loop3A_92], %parallel_loop3A_87 {strides = array<i32>} : memref<64x128xf32, #tpu.memory_space<vmem>>, vector<16xf32>,
      %parallel_loop3A_94 = arith.constant 1 : i32
      %parallel_loop3A_95 = vector.broadcast %parallel_loop3A_94 : i32 to vector<16xi32>
      %parallel_loop3A_96 = arith.addi %parallel_loop3A_63, %parallel_loop3A_95 : vector<16xi32>
      %parallel_loop3A_97 = tpu.vector_load_idx %arg8[%parallel_loop3A_96] : memref<8448xf32, #tpu.memory_space<vmem>>[vector<16xi32>], vector<16xf32>,
      %parallel_loop3A_98 = arith.constant 16 : i32
      %parallel_loop3A_99 = arith.muli %parallel_loop3A_45, %parallel_loop3A_98 : i32
      %parallel_loop3A_100 = arith.constant 33 : i32
      %parallel_loop3A_101 = arith.index_cast %parallel_loop3A_100 : i32 to index
      %parallel_loop3A_102 = arith.index_cast %parallel_loop3A_99 : i32 to index
      %parallel_loop3A_103 = tpu.vector_load %arg11[%parallel_loop3A_101, %parallel_loop3A_102] {strides = array<i32>} : memref<64x128xf32, #tpu.memory_space<vmem>>, vector<16xf32>,
      tpu.vector_store %arg11[%parallel_loop3A_101, %parallel_loop3A_102], %parallel_loop3A_97 {strides = array<i32>} : memref<64x128xf32, #tpu.memory_space<vmem>>, vector<16xf32>,
      %parallel_loop3A_104 = arith.constant 2 : i32
      %parallel_loop3A_105 = vector.broadcast %parallel_loop3A_104 : i32 to vector<16xi32>
      %parallel_loop3A_106 = arith.addi %parallel_loop3A_55, %parallel_loop3A_105 : vector<16xi32>
      %parallel_loop3A_107 = tpu.vector_load_idx %arg7[%parallel_loop3A_106] : memref<33000xf32, #tpu.memory_space<vmem>>[vector<16xi32>], vector<16xf32>,
      %parallel_loop3A_108 = arith.constant 16 : i32
      %parallel_loop3A_109 = arith.muli %parallel_loop3A_45, %parallel_loop3A_108 : i32
      %parallel_loop3A_110 = arith.constant 2 : i32
      %parallel_loop3A_111 = arith.index_cast %parallel_loop3A_110 : i32 to index
      %parallel_loop3A_112 = arith.index_cast %parallel_loop3A_109 : i32 to index
      %parallel_loop3A_113 = tpu.vector_load %arg11[%parallel_loop3A_111, %parallel_loop3A_112] {strides = array<i32>} : memref<64x128xf32, #tpu.memory_space<vmem>>, vector<16xf32>,
      tpu.vector_store %arg11[%parallel_loop3A_111, %parallel_loop3A_112], %parallel_loop3A_107 {strides = array<i32>} : memref<64x128xf32, #tpu.memory_space<vmem>>, vector<16xf32>,
      %parallel_loop3A_114 = arith.constant 2 : i32
      %parallel_loop3A_115 = vector.broadcast %parallel_loop3A_114 : i32 to vector<16xi32>
      %parallel_loop3A_116 = arith.addi %parallel_loop3A_63, %parallel_loop3A_115 : vector<16xi32>
      %parallel_loop3A_117 = tpu.vector_load_idx %arg8[%parallel_loop3A_116] : memref<8448xf32, #tpu.memory_space<vmem>>[vector<16xi32>], vector<16xf32>,
      %parallel_loop3A_118 = arith.constant 16 : i32
      %parallel_loop3A_119 = arith.muli %parallel_loop3A_45, %parallel_loop3A_118 : i32
      %parallel_loop3A_120 = arith.constant 34 : i32
      %parallel_loop3A_121 = arith.index_cast %parallel_loop3A_120 : i32 to index
      %parallel_loop3A_122 = arith.index_cast %parallel_loop3A_119 : i32 to index
      %parallel_loop3A_123 = tpu.vector_load %arg11[%parallel_loop3A_121, %parallel_loop3A_122] {strides = array<i32>} : memref<64x128xf32, #tpu.memory_space<vmem>>, vector<16xf32>,
      tpu.vector_store %arg11[%parallel_loop3A_121, %parallel_loop3A_122], %parallel_loop3A_117 {strides = array<i32>} : memref<64x128xf32, #tpu.memory_space<vmem>>, vector<16xf32>,
      %parallel_loop3A_124 = arith.constant 3 : i32
      %parallel_loop3A_125 = vector.broadcast %parallel_loop3A_124 : i32 to vector<16xi32>
      %parallel_loop3A_126 = arith.addi %parallel_loop3A_55, %parallel_loop3A_125 : vector<16xi32>
      %parallel_loop3A_127 = tpu.vector_load_idx %arg7[%parallel_loop3A_126] : memref<33000xf32, #tpu.memory_space<vmem>>[vector<16xi32>], vector<16xf32>,
      %parallel_loop3A_128 = arith.constant 16 : i32
      %parallel_loop3A_129 = arith.muli %parallel_loop3A_45, %parallel_loop3A_128 : i32
      %parallel_loop3A_130 = arith.constant 3 : i32
      %parallel_loop3A_131 = arith.index_cast %parallel_loop3A_130 : i32 to index
      %parallel_loop3A_132 = arith.index_cast %parallel_loop3A_129 : i32 to index
      %parallel_loop3A_133 = tpu.vector_load %arg11[%parallel_loop3A_131, %parallel_loop3A_132] {strides = array<i32>} : memref<64x128xf32, #tpu.memory_space<vmem>>, vector<16xf32>,
      tpu.vector_store %arg11[%parallel_loop3A_131, %parallel_loop3A_132], %parallel_loop3A_127 {strides = array<i32>} : memref<64x128xf32, #tpu.memory_space<vmem>>, vector<16xf32>,
      %parallel_loop3A_134 = arith.constant 3 : i32
      %parallel_loop3A_135 = vector.broadcast %parallel_loop3A_134 : i32 to vector<16xi32>
      %parallel_loop3A_136 = arith.addi %parallel_loop3A_63, %parallel_loop3A_135 : vector<16xi32>
      %parallel_loop3A_137 = tpu.vector_load_idx %arg8[%parallel_loop3A_136] : memref<8448xf32, #tpu.memory_space<vmem>>[vector<16xi32>], vector<16xf32>,
      %parallel_loop3A_138 = arith.constant 16 : i32
      %parallel_loop3A_139 = arith.muli %parallel_loop3A_45, %parallel_loop3A_138 : i32
      %parallel_loop3A_140 = arith.constant 35 : i32
      %parallel_loop3A_141 = arith.index_cast %parallel_loop3A_140 : i32 to index
      %parallel_loop3A_142 = arith.index_cast %parallel_loop3A_139 : i32 to index
      %parallel_loop3A_143 = tpu.vector_load %arg11[%parallel_loop3A_141, %parallel_loop3A_142] {strides = array<i32>} : memref<64x128xf32, #tpu.memory_space<vmem>>, vector<16xf32>,
      tpu.vector_store %arg11[%parallel_loop3A_141, %parallel_loop3A_142], %parallel_loop3A_137 {strides = array<i32>} : memref<64x128xf32, #tpu.memory_space<vmem>>, vector<16xf32>,
      %parallel_loop3A_144 = arith.constant 4 : i32
      %parallel_loop3A_145 = vector.broadcast %parallel_loop3A_144 : i32 to vector<16xi32>
      %parallel_loop3A_146 = arith.addi %parallel_loop3A_55, %parallel_loop3A_145 : vector<16xi32>
      %parallel_loop3A_147 = tpu.vector_load_idx %arg7[%parallel_loop3A_146] : memref<33000xf32, #tpu.memory_space<vmem>>[vector<16xi32>], vector<16xf32>,
      %parallel_loop3A_148 = arith.constant 16 : i32
      %parallel_loop3A_149 = arith.muli %parallel_loop3A_45, %parallel_loop3A_148 : i32
      %parallel_loop3A_150 = arith.constant 4 : i32
      %parallel_loop3A_151 = arith.index_cast %parallel_loop3A_150 : i32 to index
      %parallel_loop3A_152 = arith.index_cast %parallel_loop3A_149 : i32 to index
      %parallel_loop3A_153 = tpu.vector_load %arg11[%parallel_loop3A_151, %parallel_loop3A_152] {strides = array<i32>} : memref<64x128xf32, #tpu.memory_space<vmem>>, vector<16xf32>,
      tpu.vector_store %arg11[%parallel_loop3A_151, %parallel_loop3A_152], %parallel_loop3A_147 {strides = array<i32>} : memref<64x128xf32, #tpu.memory_space<vmem>>, vector<16xf32>,
      %parallel_loop3A_154 = arith.constant 4 : i32
      %parallel_loop3A_155 = vector.broadcast %parallel_loop3A_154 : i32 to vector<16xi32>
      %parallel_loop3A_156 = arith.addi %parallel_loop3A_63, %parallel_loop3A_155 : vector<16xi32>
      %parallel_loop3A_157 = tpu.vector_load_idx %arg8[%parallel_loop3A_156] : memref<8448xf32, #tpu.memory_space<vmem>>[vector<16xi32>], vector<16xf32>,
      %parallel_loop3A_158 = arith.constant 16 : i32
      %parallel_loop3A_159 = arith.muli %parallel_loop3A_45, %parallel_loop3A_158 : i32
      %parallel_loop3A_160 = arith.constant 36 : i32
      %parallel_loop3A_161 = arith.index_cast %parallel_loop3A_160 : i32 to index
      %parallel_loop3A_162 = arith.index_cast %parallel_loop3A_159 : i32 to index
      %parallel_loop3A_163 = tpu.vector_load %arg11[%parallel_loop3A_161, %parallel_loop3A_162] {strides = array<i32>} : memref<64x128xf32, #tpu.memory_space<vmem>>, vector<16xf32>,
      tpu.vector_store %arg11[%parallel_loop3A_161, %parallel_loop3A_162], %parallel_loop3A_157 {strides = array<i32>} : memref<64x128xf32, #tpu.memory_space<vmem>>, vector<16xf32>,
      %parallel_loop3A_164 = arith.constant 5 : i32
      %parallel_loop3A_165 = vector.broadcast %parallel_loop3A_164 : i32 to vector<16xi32>
      %parallel_loop3A_166 = arith.addi %parallel_loop3A_55, %parallel_loop3A_165 : vector<16xi32>
      %parallel_loop3A_167 = tpu.vector_load_idx %arg7[%parallel_loop3A_166] : memref<33000xf32, #tpu.memory_space<vmem>>[vector<16xi32>], vector<16xf32>,
      %parallel_loop3A_168 = arith.constant 16 : i32
      %parallel_loop3A_169 = arith.muli %parallel_loop3A_45, %parallel_loop3A_168 : i32
      %parallel_loop3A_170 = arith.constant 5 : i32
      %parallel_loop3A_171 = arith.index_cast %parallel_loop3A_170 : i32 to index
      %parallel_loop3A_172 = arith.index_cast %parallel_loop3A_169 : i32 to index
      %parallel_loop3A_173 = tpu.vector_load %arg11[%parallel_loop3A_171, %parallel_loop3A_172] {strides = array<i32>} : memref<64x128xf32, #tpu.memory_space<vmem>>, vector<16xf32>,
      tpu.vector_store %arg11[%parallel_loop3A_171, %parallel_loop3A_172], %parallel_loop3A_167 {strides = array<i32>} : memref<64x128xf32, #tpu.memory_space<vmem>>, vector<16xf32>,
      %parallel_loop3A_174 = arith.constant 5 : i32
      %parallel_loop3A_175 = vector.broadcast %parallel_loop3A_174 : i32 to vector<16xi32>
      %parallel_loop3A_176 = arith.addi %parallel_loop3A_63, %parallel_loop3A_175 : vector<16xi32>
      %parallel_loop3A_177 = tpu.vector_load_idx %arg8[%parallel_loop3A_176] : memref<8448xf32, #tpu.memory_space<vmem>>[vector<16xi32>], vector<16xf32>,
      %parallel_loop3A_178 = arith.constant 16 : i32
      %parallel_loop3A_179 = arith.muli %parallel_loop3A_45, %parallel_loop3A_178 : i32
      %parallel_loop3A_180 = arith.constant 37 : i32
      %parallel_loop3A_181 = arith.index_cast %parallel_loop3A_180 : i32 to index
      %parallel_loop3A_182 = arith.index_cast %parallel_loop3A_179 : i32 to index
      %parallel_loop3A_183 = tpu.vector_load %arg11[%parallel_loop3A_181, %parallel_loop3A_182] {strides = array<i32>} : memref<64x128xf32, #tpu.memory_space<vmem>>, vector<16xf32>,
      tpu.vector_store %arg11[%parallel_loop3A_181, %parallel_loop3A_182], %parallel_loop3A_177 {strides = array<i32>} : memref<64x128xf32, #tpu.memory_space<vmem>>, vector<16xf32>,
      %parallel_loop3A_184 = arith.constant 6 : i32
      %parallel_loop3A_185 = vector.broadcast %parallel_loop3A_184 : i32 to vector<16xi32>
      %parallel_loop3A_186 = arith.addi %parallel_loop3A_55, %parallel_loop3A_185 : vector<16xi32>
      %parallel_loop3A_187 = tpu.vector_load_idx %arg7[%parallel_loop3A_186] : memref<33000xf32, #tpu.memory_space<vmem>>[vector<16xi32>], vector<16xf32>,
      %parallel_loop3A_188 = arith.constant 16 : i32
      %parallel_loop3A_189 = arith.muli %parallel_loop3A_45, %parallel_loop3A_188 : i32
      %parallel_loop3A_190 = arith.constant 6 : i32
      %parallel_loop3A_191 = arith.index_cast %parallel_loop3A_190 : i32 to index
      %parallel_loop3A_192 = arith.index_cast %parallel_loop3A_189 : i32 to index
      %parallel_loop3A_193 = tpu.vector_load %arg11[%parallel_loop3A_191, %parallel_loop3A_192] {strides = array<i32>} : memref<64x128xf32, #tpu.memory_space<vmem>>, vector<16xf32>,
      tpu.vector_store %arg11[%parallel_loop3A_191, %parallel_loop3A_192], %parallel_loop3A_187 {strides = array<i32>} : memref<64x128xf32, #tpu.memory_space<vmem>>, vector<16xf32>,
      %parallel_loop3A_194 = arith.constant 6 : i32
      %parallel_loop3A_195 = vector.broadcast %parallel_loop3A_194 : i32 to vector<16xi32>
      %parallel_loop3A_196 = arith.addi %parallel_loop3A_63, %parallel_loop3A_195 : vector<16xi32>
      %parallel_loop3A_197 = tpu.vector_load_idx %arg8[%parallel_loop3A_196] : memref<8448xf32, #tpu.memory_space<vmem>>[vector<16xi32>], vector<16xf32>,
      %parallel_loop3A_198 = arith.constant 16 : i32
      %parallel_loop3A_199 = arith.muli %parallel_loop3A_45, %parallel_loop3A_198 : i32
      %parallel_loop3A_200 = arith.constant 38 : i32
      %parallel_loop3A_201 = arith.index_cast %parallel_loop3A_200 : i32 to index
      %parallel_loop3A_202 = arith.index_cast %parallel_loop3A_199 : i32 to index
      %parallel_loop3A_203 = tpu.vector_load %arg11[%parallel_loop3A_201, %parallel_loop3A_202] {strides = array<i32>} : memref<64x128xf32, #tpu.memory_space<vmem>>, vector<16xf32>,
      tpu.vector_store %arg11[%parallel_loop3A_201, %parallel_loop3A_202], %parallel_loop3A_197 {strides = array<i32>} : memref<64x128xf32, #tpu.memory_space<vmem>>, vector<16xf32>,
      %parallel_loop3A_204 = arith.constant 7 : i32
      %parallel_loop3A_205 = vector.broadcast %parallel_loop3A_204 : i32 to vector<16xi32>
      %parallel_loop3A_206 = arith.addi %parallel_loop3A_55, %parallel_loop3A_205 : vector<16xi32>
      %parallel_loop3A_207 = tpu.vector_load_idx %arg7[%parallel_loop3A_206] : memref<33000xf32, #tpu.memory_space<vmem>>[vector<16xi32>], vector<16xf32>,
      %parallel_loop3A_208 = arith.constant 16 : i32
      %parallel_loop3A_209 = arith.muli %parallel_loop3A_45, %parallel_loop3A_208 : i32
      %parallel_loop3A_210 = arith.constant 7 : i32
      %parallel_loop3A_211 = arith.index_cast %parallel_loop3A_210 : i32 to index
      %parallel_loop3A_212 = arith.index_cast %parallel_loop3A_209 : i32 to index
      %parallel_loop3A_213 = tpu.vector_load %arg11[%parallel_loop3A_211, %parallel_loop3A_212] {strides = array<i32>} : memref<64x128xf32, #tpu.memory_space<vmem>>, vector<16xf32>,
      tpu.vector_store %arg11[%parallel_loop3A_211, %parallel_loop3A_212], %parallel_loop3A_207 {strides = array<i32>} : memref<64x128xf32, #tpu.memory_space<vmem>>, vector<16xf32>,
      %parallel_loop3A_214 = arith.constant 7 : i32
      %parallel_loop3A_215 = vector.broadcast %parallel_loop3A_214 : i32 to vector<16xi32>
      %parallel_loop3A_216 = arith.addi %parallel_loop3A_63, %parallel_loop3A_215 : vector<16xi32>
      %parallel_loop3A_217 = tpu.vector_load_idx %arg8[%parallel_loop3A_216] : memref<8448xf32, #tpu.memory_space<vmem>>[vector<16xi32>], vector<16xf32>,
      %parallel_loop3A_218 = arith.constant 16 : i32
      %parallel_loop3A_219 = arith.muli %parallel_loop3A_45, %parallel_loop3A_218 : i32
      %parallel_loop3A_220 = arith.constant 39 : i32
      %parallel_loop3A_221 = arith.index_cast %parallel_loop3A_220 : i32 to index
      %parallel_loop3A_222 = arith.index_cast %parallel_loop3A_219 : i32 to index
      %parallel_loop3A_223 = tpu.vector_load %arg11[%parallel_loop3A_221, %parallel_loop3A_222] {strides = array<i32>} : memref<64x128xf32, #tpu.memory_space<vmem>>, vector<16xf32>,
      tpu.vector_store %arg11[%parallel_loop3A_221, %parallel_loop3A_222], %parallel_loop3A_217 {strides = array<i32>} : memref<64x128xf32, #tpu.memory_space<vmem>>, vector<16xf32>,
      %parallel_loop3A_224 = arith.constant 8 : i32
      %parallel_loop3A_225 = vector.broadcast %parallel_loop3A_224 : i32 to vector<16xi32>
      %parallel_loop3A_226 = arith.addi %parallel_loop3A_55, %parallel_loop3A_225 : vector<16xi32>
      %parallel_loop3A_227 = tpu.vector_load_idx %arg7[%parallel_loop3A_226] : memref<33000xf32, #tpu.memory_space<vmem>>[vector<16xi32>], vector<16xf32>,
      %parallel_loop3A_228 = arith.constant 16 : i32
      %parallel_loop3A_229 = arith.muli %parallel_loop3A_45, %parallel_loop3A_228 : i32
      %parallel_loop3A_230 = arith.constant 8 : i32
      %parallel_loop3A_231 = arith.index_cast %parallel_loop3A_230 : i32 to index
      %parallel_loop3A_232 = arith.index_cast %parallel_loop3A_229 : i32 to index
      %parallel_loop3A_233 = tpu.vector_load %arg11[%parallel_loop3A_231, %parallel_loop3A_232] {strides = array<i32>} : memref<64x128xf32, #tpu.memory_space<vmem>>, vector<16xf32>,
      tpu.vector_store %arg11[%parallel_loop3A_231, %parallel_loop3A_232], %parallel_loop3A_227 {strides = array<i32>} : memref<64x128xf32, #tpu.memory_space<vmem>>, vector<16xf32>,
      %parallel_loop3A_234 = arith.constant 8 : i32
      %parallel_loop3A_235 = vector.broadcast %parallel_loop3A_234 : i32 to vector<16xi32>
      %parallel_loop3A_236 = arith.addi %parallel_loop3A_63, %parallel_loop3A_235 : vector<16xi32>
      %parallel_loop3A_237 = tpu.vector_load_idx %arg8[%parallel_loop3A_236] : memref<8448xf32, #tpu.memory_space<vmem>>[vector<16xi32>], vector<16xf32>,
      %parallel_loop3A_238 = arith.constant 16 : i32
      %parallel_loop3A_239 = arith.muli %parallel_loop3A_45, %parallel_loop3A_238 : i32
      %parallel_loop3A_240 = arith.constant 40 : i32
      %parallel_loop3A_241 = arith.index_cast %parallel_loop3A_240 : i32 to index
      %parallel_loop3A_242 = arith.index_cast %parallel_loop3A_239 : i32 to index
      %parallel_loop3A_243 = tpu.vector_load %arg11[%parallel_loop3A_241, %parallel_loop3A_242] {strides = array<i32>} : memref<64x128xf32, #tpu.memory_space<vmem>>, vector<16xf32>,
      tpu.vector_store %arg11[%parallel_loop3A_241, %parallel_loop3A_242], %parallel_loop3A_237 {strides = array<i32>} : memref<64x128xf32, #tpu.memory_space<vmem>>, vector<16xf32>,
      %parallel_loop3A_244 = arith.constant 9 : i32
      %parallel_loop3A_245 = vector.broadcast %parallel_loop3A_244 : i32 to vector<16xi32>
      %parallel_loop3A_246 = arith.addi %parallel_loop3A_55, %parallel_loop3A_245 : vector<16xi32>
      %parallel_loop3A_247 = tpu.vector_load_idx %arg7[%parallel_loop3A_246] : memref<33000xf32, #tpu.memory_space<vmem>>[vector<16xi32>], vector<16xf32>,
      %parallel_loop3A_248 = arith.constant 16 : i32
      %parallel_loop3A_249 = arith.muli %parallel_loop3A_45, %parallel_loop3A_248 : i32
      %parallel_loop3A_250 = arith.constant 9 : i32
      %parallel_loop3A_251 = arith.index_cast %parallel_loop3A_250 : i32 to index
      %parallel_loop3A_252 = arith.index_cast %parallel_loop3A_249 : i32 to index
      %parallel_loop3A_253 = tpu.vector_load %arg11[%parallel_loop3A_251, %parallel_loop3A_252] {strides = array<i32>} : memref<64x128xf32, #tpu.memory_space<vmem>>, vector<16xf32>,
      tpu.vector_store %arg11[%parallel_loop3A_251, %parallel_loop3A_252], %parallel_loop3A_247 {strides = array<i32>} : memref<64x128xf32, #tpu.memory_space<vmem>>, vector<16xf32>,
      %parallel_loop3A_254 = arith.constant 9 : i32
      %parallel_loop3A_255 = vector.broadcast %parallel_loop3A_254 : i32 to vector<16xi32>
      %parallel_loop3A_256 = arith.addi %parallel_loop3A_63, %parallel_loop3A_255 : vector<16xi32>
      %parallel_loop3A_257 = tpu.vector_load_idx %arg8[%parallel_loop3A_256] : memref<8448xf32, #tpu.memory_space<vmem>>[vector<16xi32>], vector<16xf32>,
      %parallel_loop3A_258 = arith.constant 16 : i32
      %parallel_loop3A_259 = arith.muli %parallel_loop3A_45, %parallel_loop3A_258 : i32
      %parallel_loop3A_260 = arith.constant 41 : i32
      %parallel_loop3A_261 = arith.index_cast %parallel_loop3A_260 : i32 to index
      %parallel_loop3A_262 = arith.index_cast %parallel_loop3A_259 : i32 to index
      %parallel_loop3A_263 = tpu.vector_load %arg11[%parallel_loop3A_261, %parallel_loop3A_262] {strides = array<i32>} : memref<64x128xf32, #tpu.memory_space<vmem>>, vector<16xf32>,
      tpu.vector_store %arg11[%parallel_loop3A_261, %parallel_loop3A_262], %parallel_loop3A_257 {strides = array<i32>} : memref<64x128xf32, #tpu.memory_space<vmem>>, vector<16xf32>,
      %parallel_loop3A_264 = arith.constant 10 : i32
      %parallel_loop3A_265 = vector.broadcast %parallel_loop3A_264 : i32 to vector<16xi32>
      %parallel_loop3A_266 = arith.addi %parallel_loop3A_55, %parallel_loop3A_265 : vector<16xi32>
      %parallel_loop3A_267 = tpu.vector_load_idx %arg7[%parallel_loop3A_266] : memref<33000xf32, #tpu.memory_space<vmem>>[vector<16xi32>], vector<16xf32>,
      %parallel_loop3A_268 = arith.constant 16 : i32
      %parallel_loop3A_269 = arith.muli %parallel_loop3A_45, %parallel_loop3A_268 : i32
      %parallel_loop3A_270 = arith.constant 10 : i32
      %parallel_loop3A_271 = arith.index_cast %parallel_loop3A_270 : i32 to index
      %parallel_loop3A_272 = arith.index_cast %parallel_loop3A_269 : i32 to index
      %parallel_loop3A_273 = tpu.vector_load %arg11[%parallel_loop3A_271, %parallel_loop3A_272] {strides = array<i32>} : memref<64x128xf32, #tpu.memory_space<vmem>>, vector<16xf32>,
      tpu.vector_store %arg11[%parallel_loop3A_271, %parallel_loop3A_272], %parallel_loop3A_267 {strides = array<i32>} : memref<64x128xf32, #tpu.memory_space<vmem>>, vector<16xf32>,
      %parallel_loop3A_274 = arith.constant 10 : i32
      %parallel_loop3A_275 = vector.broadcast %parallel_loop3A_274 : i32 to vector<16xi32>
      %parallel_loop3A_276 = arith.addi %parallel_loop3A_63, %parallel_loop3A_275 : vector<16xi32>
      %parallel_loop3A_277 = tpu.vector_load_idx %arg8[%parallel_loop3A_276] : memref<8448xf32, #tpu.memory_space<vmem>>[vector<16xi32>], vector<16xf32>,
      %parallel_loop3A_278 = arith.constant 16 : i32
      %parallel_loop3A_279 = arith.muli %parallel_loop3A_45, %parallel_loop3A_278 : i32
      %parallel_loop3A_280 = arith.constant 42 : i32
      %parallel_loop3A_281 = arith.index_cast %parallel_loop3A_280 : i32 to index
      %parallel_loop3A_282 = arith.index_cast %parallel_loop3A_279 : i32 to index
      %parallel_loop3A_283 = tpu.vector_load %arg11[%parallel_loop3A_281, %parallel_loop3A_282] {strides = array<i32>} : memref<64x128xf32, #tpu.memory_space<vmem>>, vector<16xf32>,
      tpu.vector_store %arg11[%parallel_loop3A_281, %parallel_loop3A_282], %parallel_loop3A_277 {strides = array<i32>} : memref<64x128xf32, #tpu.memory_space<vmem>>, vector<16xf32>,
      %parallel_loop3A_284 = arith.constant 11 : i32
      %parallel_loop3A_285 = vector.broadcast %parallel_loop3A_284 : i32 to vector<16xi32>
      %parallel_loop3A_286 = arith.addi %parallel_loop3A_55, %parallel_loop3A_285 : vector<16xi32>
      %parallel_loop3A_287 = tpu.vector_load_idx %arg7[%parallel_loop3A_286] : memref<33000xf32, #tpu.memory_space<vmem>>[vector<16xi32>], vector<16xf32>,
      %parallel_loop3A_288 = arith.constant 16 : i32
      %parallel_loop3A_289 = arith.muli %parallel_loop3A_45, %parallel_loop3A_288 : i32
      %parallel_loop3A_290 = arith.constant 11 : i32
      %parallel_loop3A_291 = arith.index_cast %parallel_loop3A_290 : i32 to index
      %parallel_loop3A_292 = arith.index_cast %parallel_loop3A_289 : i32 to index
      %parallel_loop3A_293 = tpu.vector_load %arg11[%parallel_loop3A_291, %parallel_loop3A_292] {strides = array<i32>} : memref<64x128xf32, #tpu.memory_space<vmem>>, vector<16xf32>,
      tpu.vector_store %arg11[%parallel_loop3A_291, %parallel_loop3A_292], %parallel_loop3A_287 {strides = array<i32>} : memref<64x128xf32, #tpu.memory_space<vmem>>, vector<16xf32>,
      %parallel_loop3A_294 = arith.constant 11 : i32
      %parallel_loop3A_295 = vector.broadcast %parallel_loop3A_294 : i32 to vector<16xi32>
      %parallel_loop3A_296 = arith.addi %parallel_loop3A_63, %parallel_loop3A_295 : vector<16xi32>
      %parallel_loop3A_297 = tpu.vector_load_idx %arg8[%parallel_loop3A_296] : memref<8448xf32, #tpu.memory_space<vmem>>[vector<16xi32>], vector<16xf32>,
      %parallel_loop3A_298 = arith.constant 16 : i32
      %parallel_loop3A_299 = arith.muli %parallel_loop3A_45, %parallel_loop3A_298 : i32
      %parallel_loop3A_300 = arith.constant 43 : i32
      %parallel_loop3A_301 = arith.index_cast %parallel_loop3A_300 : i32 to index
      %parallel_loop3A_302 = arith.index_cast %parallel_loop3A_299 : i32 to index
      %parallel_loop3A_303 = tpu.vector_load %arg11[%parallel_loop3A_301, %parallel_loop3A_302] {strides = array<i32>} : memref<64x128xf32, #tpu.memory_space<vmem>>, vector<16xf32>,
      tpu.vector_store %arg11[%parallel_loop3A_301, %parallel_loop3A_302], %parallel_loop3A_297 {strides = array<i32>} : memref<64x128xf32, #tpu.memory_space<vmem>>, vector<16xf32>,
      %parallel_loop3A_304 = arith.constant 12 : i32
      %parallel_loop3A_305 = vector.broadcast %parallel_loop3A_304 : i32 to vector<16xi32>
      %parallel_loop3A_306 = arith.addi %parallel_loop3A_55, %parallel_loop3A_305 : vector<16xi32>
      %parallel_loop3A_307 = tpu.vector_load_idx %arg7[%parallel_loop3A_306] : memref<33000xf32, #tpu.memory_space<vmem>>[vector<16xi32>], vector<16xf32>,
      %parallel_loop3A_308 = arith.constant 16 : i32
      %parallel_loop3A_309 = arith.muli %parallel_loop3A_45, %parallel_loop3A_308 : i32
      %parallel_loop3A_310 = arith.constant 12 : i32
      %parallel_loop3A_311 = arith.index_cast %parallel_loop3A_310 : i32 to index
      %parallel_loop3A_312 = arith.index_cast %parallel_loop3A_309 : i32 to index
      %parallel_loop3A_313 = tpu.vector_load %arg11[%parallel_loop3A_311, %parallel_loop3A_312] {strides = array<i32>} : memref<64x128xf32, #tpu.memory_space<vmem>>, vector<16xf32>,
      tpu.vector_store %arg11[%parallel_loop3A_311, %parallel_loop3A_312], %parallel_loop3A_307 {strides = array<i32>} : memref<64x128xf32, #tpu.memory_space<vmem>>, vector<16xf32>,
      %parallel_loop3A_314 = arith.constant 12 : i32
      %parallel_loop3A_315 = vector.broadcast %parallel_loop3A_314 : i32 to vector<16xi32>
      %parallel_loop3A_316 = arith.addi %parallel_loop3A_63, %parallel_loop3A_315 : vector<16xi32>
      %parallel_loop3A_317 = tpu.vector_load_idx %arg8[%parallel_loop3A_316] : memref<8448xf32, #tpu.memory_space<vmem>>[vector<16xi32>], vector<16xf32>,
      %parallel_loop3A_318 = arith.constant 16 : i32
      %parallel_loop3A_319 = arith.muli %parallel_loop3A_45, %parallel_loop3A_318 : i32
      %parallel_loop3A_320 = arith.constant 44 : i32
      %parallel_loop3A_321 = arith.index_cast %parallel_loop3A_320 : i32 to index
      %parallel_loop3A_322 = arith.index_cast %parallel_loop3A_319 : i32 to index
      %parallel_loop3A_323 = tpu.vector_load %arg11[%parallel_loop3A_321, %parallel_loop3A_322] {strides = array<i32>} : memref<64x128xf32, #tpu.memory_space<vmem>>, vector<16xf32>,
      tpu.vector_store %arg11[%parallel_loop3A_321, %parallel_loop3A_322], %parallel_loop3A_317 {strides = array<i32>} : memref<64x128xf32, #tpu.memory_space<vmem>>, vector<16xf32>,
      %parallel_loop3A_324 = arith.constant 13 : i32
      %parallel_loop3A_325 = vector.broadcast %parallel_loop3A_324 : i32 to vector<16xi32>
      %parallel_loop3A_326 = arith.addi %parallel_loop3A_55, %parallel_loop3A_325 : vector<16xi32>
      %parallel_loop3A_327 = tpu.vector_load_idx %arg7[%parallel_loop3A_326] : memref<33000xf32, #tpu.memory_space<vmem>>[vector<16xi32>], vector<16xf32>,
      %parallel_loop3A_328 = arith.constant 16 : i32
      %parallel_loop3A_329 = arith.muli %parallel_loop3A_45, %parallel_loop3A_328 : i32
      %parallel_loop3A_330 = arith.constant 13 : i32
      %parallel_loop3A_331 = arith.index_cast %parallel_loop3A_330 : i32 to index
      %parallel_loop3A_332 = arith.index_cast %parallel_loop3A_329 : i32 to index
      %parallel_loop3A_333 = tpu.vector_load %arg11[%parallel_loop3A_331, %parallel_loop3A_332] {strides = array<i32>} : memref<64x128xf32, #tpu.memory_space<vmem>>, vector<16xf32>,
      tpu.vector_store %arg11[%parallel_loop3A_331, %parallel_loop3A_332], %parallel_loop3A_327 {strides = array<i32>} : memref<64x128xf32, #tpu.memory_space<vmem>>, vector<16xf32>,
      %parallel_loop3A_334 = arith.constant 13 : i32
      %parallel_loop3A_335 = vector.broadcast %parallel_loop3A_334 : i32 to vector<16xi32>
      %parallel_loop3A_336 = arith.addi %parallel_loop3A_63, %parallel_loop3A_335 : vector<16xi32>
      %parallel_loop3A_337 = tpu.vector_load_idx %arg8[%parallel_loop3A_336] : memref<8448xf32, #tpu.memory_space<vmem>>[vector<16xi32>], vector<16xf32>,
      %parallel_loop3A_338 = arith.constant 16 : i32
      %parallel_loop3A_339 = arith.muli %parallel_loop3A_45, %parallel_loop3A_338 : i32
      %parallel_loop3A_340 = arith.constant 45 : i32
      %parallel_loop3A_341 = arith.index_cast %parallel_loop3A_340 : i32 to index
      %parallel_loop3A_342 = arith.index_cast %parallel_loop3A_339 : i32 to index
      %parallel_loop3A_343 = tpu.vector_load %arg11[%parallel_loop3A_341, %parallel_loop3A_342] {strides = array<i32>} : memref<64x128xf32, #tpu.memory_space<vmem>>, vector<16xf32>,
      tpu.vector_store %arg11[%parallel_loop3A_341, %parallel_loop3A_342], %parallel_loop3A_337 {strides = array<i32>} : memref<64x128xf32, #tpu.memory_space<vmem>>, vector<16xf32>,
      %parallel_loop3A_344 = arith.constant 14 : i32
      %parallel_loop3A_345 = vector.broadcast %parallel_loop3A_344 : i32 to vector<16xi32>
      %parallel_loop3A_346 = arith.addi %parallel_loop3A_55, %parallel_loop3A_345 : vector<16xi32>
      %parallel_loop3A_347 = tpu.vector_load_idx %arg7[%parallel_loop3A_346] : memref<33000xf32, #tpu.memory_space<vmem>>[vector<16xi32>], vector<16xf32>,
      %parallel_loop3A_348 = arith.constant 16 : i32
      %parallel_loop3A_349 = arith.muli %parallel_loop3A_45, %parallel_loop3A_348 : i32
      %parallel_loop3A_350 = arith.constant 14 : i32
      %parallel_loop3A_351 = arith.index_cast %parallel_loop3A_350 : i32 to index
      %parallel_loop3A_352 = arith.index_cast %parallel_loop3A_349 : i32 to index
      %parallel_loop3A_353 = tpu.vector_load %arg11[%parallel_loop3A_351, %parallel_loop3A_352] {strides = array<i32>} : memref<64x128xf32, #tpu.memory_space<vmem>>, vector<16xf32>,
      tpu.vector_store %arg11[%parallel_loop3A_351, %parallel_loop3A_352], %parallel_loop3A_347 {strides = array<i32>} : memref<64x128xf32, #tpu.memory_space<vmem>>, vector<16xf32>,
      %parallel_loop3A_354 = arith.constant 14 : i32
      %parallel_loop3A_355 = vector.broadcast %parallel_loop3A_354 : i32 to vector<16xi32>
      %parallel_loop3A_356 = arith.addi %parallel_loop3A_63, %parallel_loop3A_355 : vector<16xi32>
      %parallel_loop3A_357 = tpu.vector_load_idx %arg8[%parallel_loop3A_356] : memref<8448xf32, #tpu.memory_space<vmem>>[vector<16xi32>], vector<16xf32>,
      %parallel_loop3A_358 = arith.constant 16 : i32
      %parallel_loop3A_359 = arith.muli %parallel_loop3A_45, %parallel_loop3A_358 : i32
      %parallel_loop3A_360 = arith.constant 46 : i32
      %parallel_loop3A_361 = arith.index_cast %parallel_loop3A_360 : i32 to index
      %parallel_loop3A_362 = arith.index_cast %parallel_loop3A_359 : i32 to index
      %parallel_loop3A_363 = tpu.vector_load %arg11[%parallel_loop3A_361, %parallel_loop3A_362] {strides = array<i32>} : memref<64x128xf32, #tpu.memory_space<vmem>>, vector<16xf32>,
      tpu.vector_store %arg11[%parallel_loop3A_361, %parallel_loop3A_362], %parallel_loop3A_357 {strides = array<i32>} : memref<64x128xf32, #tpu.memory_space<vmem>>, vector<16xf32>,
      %parallel_loop3A_364 = arith.constant 15 : i32
      %parallel_loop3A_365 = vector.broadcast %parallel_loop3A_364 : i32 to vector<16xi32>
      %parallel_loop3A_366 = arith.addi %parallel_loop3A_55, %parallel_loop3A_365 : vector<16xi32>
      %parallel_loop3A_367 = tpu.vector_load_idx %arg7[%parallel_loop3A_366] : memref<33000xf32, #tpu.memory_space<vmem>>[vector<16xi32>], vector<16xf32>,
      %parallel_loop3A_368 = arith.constant 16 : i32
      %parallel_loop3A_369 = arith.muli %parallel_loop3A_45, %parallel_loop3A_368 : i32
      %parallel_loop3A_370 = arith.constant 15 : i32
      %parallel_loop3A_371 = arith.index_cast %parallel_loop3A_370 : i32 to index
      %parallel_loop3A_372 = arith.index_cast %parallel_loop3A_369 : i32 to index
      %parallel_loop3A_373 = tpu.vector_load %arg11[%parallel_loop3A_371, %parallel_loop3A_372] {strides = array<i32>} : memref<64x128xf32, #tpu.memory_space<vmem>>, vector<16xf32>,
      tpu.vector_store %arg11[%parallel_loop3A_371, %parallel_loop3A_372], %parallel_loop3A_367 {strides = array<i32>} : memref<64x128xf32, #tpu.memory_space<vmem>>, vector<16xf32>,
      %parallel_loop3A_374 = arith.constant 15 : i32
      %parallel_loop3A_375 = vector.broadcast %parallel_loop3A_374 : i32 to vector<16xi32>
      %parallel_loop3A_376 = arith.addi %parallel_loop3A_63, %parallel_loop3A_375 : vector<16xi32>
      %parallel_loop3A_377 = tpu.vector_load_idx %arg8[%parallel_loop3A_376] : memref<8448xf32, #tpu.memory_space<vmem>>[vector<16xi32>], vector<16xf32>,
      %parallel_loop3A_378 = arith.constant 16 : i32
      %parallel_loop3A_379 = arith.muli %parallel_loop3A_45, %parallel_loop3A_378 : i32
      %parallel_loop3A_380 = arith.constant 47 : i32
      %parallel_loop3A_381 = arith.index_cast %parallel_loop3A_380 : i32 to index
      %parallel_loop3A_382 = arith.index_cast %parallel_loop3A_379 : i32 to index
      %parallel_loop3A_383 = tpu.vector_load %arg11[%parallel_loop3A_381, %parallel_loop3A_382] {strides = array<i32>} : memref<64x128xf32, #tpu.memory_space<vmem>>, vector<16xf32>,
      tpu.vector_store %arg11[%parallel_loop3A_381, %parallel_loop3A_382], %parallel_loop3A_377 {strides = array<i32>} : memref<64x128xf32, #tpu.memory_space<vmem>>, vector<16xf32>,
      %parallel_loop3A_384 = arith.constant 16 : i32
      %parallel_loop3A_385 = vector.broadcast %parallel_loop3A_384 : i32 to vector<16xi32>
      %parallel_loop3A_386 = arith.addi %parallel_loop3A_55, %parallel_loop3A_385 : vector<16xi32>
      %parallel_loop3A_387 = tpu.vector_load_idx %arg7[%parallel_loop3A_386] : memref<33000xf32, #tpu.memory_space<vmem>>[vector<16xi32>], vector<16xf32>,
      %parallel_loop3A_388 = arith.constant 16 : i32
      %parallel_loop3A_389 = arith.muli %parallel_loop3A_45, %parallel_loop3A_388 : i32
      %parallel_loop3A_390 = arith.constant 16 : i32
      %parallel_loop3A_391 = arith.index_cast %parallel_loop3A_390 : i32 to index
      %parallel_loop3A_392 = arith.index_cast %parallel_loop3A_389 : i32 to index
      %parallel_loop3A_393 = tpu.vector_load %arg11[%parallel_loop3A_391, %parallel_loop3A_392] {strides = array<i32>} : memref<64x128xf32, #tpu.memory_space<vmem>>, vector<16xf32>,
      tpu.vector_store %arg11[%parallel_loop3A_391, %parallel_loop3A_392], %parallel_loop3A_387 {strides = array<i32>} : memref<64x128xf32, #tpu.memory_space<vmem>>, vector<16xf32>,
      %parallel_loop3A_394 = arith.constant 16 : i32
      %parallel_loop3A_395 = vector.broadcast %parallel_loop3A_394 : i32 to vector<16xi32>
      %parallel_loop3A_396 = arith.addi %parallel_loop3A_63, %parallel_loop3A_395 : vector<16xi32>
      %parallel_loop3A_397 = tpu.vector_load_idx %arg8[%parallel_loop3A_396] : memref<8448xf32, #tpu.memory_space<vmem>>[vector<16xi32>], vector<16xf32>,
      %parallel_loop3A_398 = arith.constant 16 : i32
      %parallel_loop3A_399 = arith.muli %parallel_loop3A_45, %parallel_loop3A_398 : i32
      %parallel_loop3A_400 = arith.constant 48 : i32
      %parallel_loop3A_401 = arith.index_cast %parallel_loop3A_400 : i32 to index
      %parallel_loop3A_402 = arith.index_cast %parallel_loop3A_399 : i32 to index
      %parallel_loop3A_403 = tpu.vector_load %arg11[%parallel_loop3A_401, %parallel_loop3A_402] {strides = array<i32>} : memref<64x128xf32, #tpu.memory_space<vmem>>, vector<16xf32>,
      tpu.vector_store %arg11[%parallel_loop3A_401, %parallel_loop3A_402], %parallel_loop3A_397 {strides = array<i32>} : memref<64x128xf32, #tpu.memory_space<vmem>>, vector<16xf32>,
      %parallel_loop3A_404 = arith.constant 17 : i32
      %parallel_loop3A_405 = vector.broadcast %parallel_loop3A_404 : i32 to vector<16xi32>
      %parallel_loop3A_406 = arith.addi %parallel_loop3A_55, %parallel_loop3A_405 : vector<16xi32>
      %parallel_loop3A_407 = tpu.vector_load_idx %arg7[%parallel_loop3A_406] : memref<33000xf32, #tpu.memory_space<vmem>>[vector<16xi32>], vector<16xf32>,
      %parallel_loop3A_408 = arith.constant 16 : i32
      %parallel_loop3A_409 = arith.muli %parallel_loop3A_45, %parallel_loop3A_408 : i32
      %parallel_loop3A_410 = arith.constant 17 : i32
      %parallel_loop3A_411 = arith.index_cast %parallel_loop3A_410 : i32 to index
      %parallel_loop3A_412 = arith.index_cast %parallel_loop3A_409 : i32 to index
      %parallel_loop3A_413 = tpu.vector_load %arg11[%parallel_loop3A_411, %parallel_loop3A_412] {strides = array<i32>} : memref<64x128xf32, #tpu.memory_space<vmem>>, vector<16xf32>,
      tpu.vector_store %arg11[%parallel_loop3A_411, %parallel_loop3A_412], %parallel_loop3A_407 {strides = array<i32>} : memref<64x128xf32, #tpu.memory_space<vmem>>, vector<16xf32>,
      %parallel_loop3A_414 = arith.constant 17 : i32
      %parallel_loop3A_415 = vector.broadcast %parallel_loop3A_414 : i32 to vector<16xi32>
      %parallel_loop3A_416 = arith.addi %parallel_loop3A_63, %parallel_loop3A_415 : vector<16xi32>
      %parallel_loop3A_417 = tpu.vector_load_idx %arg8[%parallel_loop3A_416] : memref<8448xf32, #tpu.memory_space<vmem>>[vector<16xi32>], vector<16xf32>,
      %parallel_loop3A_418 = arith.constant 16 : i32
      %parallel_loop3A_419 = arith.muli %parallel_loop3A_45, %parallel_loop3A_418 : i32
      %parallel_loop3A_420 = arith.constant 49 : i32
      %parallel_loop3A_421 = arith.index_cast %parallel_loop3A_420 : i32 to index
      %parallel_loop3A_422 = arith.index_cast %parallel_loop3A_419 : i32 to index
      %parallel_loop3A_423 = tpu.vector_load %arg11[%parallel_loop3A_421, %parallel_loop3A_422] {strides = array<i32>} : memref<64x128xf32, #tpu.memory_space<vmem>>, vector<16xf32>,
      tpu.vector_store %arg11[%parallel_loop3A_421, %parallel_loop3A_422], %parallel_loop3A_417 {strides = array<i32>} : memref<64x128xf32, #tpu.memory_space<vmem>>, vector<16xf32>,
      %parallel_loop3A_424 = arith.constant 18 : i32
      %parallel_loop3A_425 = vector.broadcast %parallel_loop3A_424 : i32 to vector<16xi32>
      %parallel_loop3A_426 = arith.addi %parallel_loop3A_55, %parallel_loop3A_425 : vector<16xi32>
      %parallel_loop3A_427 = tpu.vector_load_idx %arg7[%parallel_loop3A_426] : memref<33000xf32, #tpu.memory_space<vmem>>[vector<16xi32>], vector<16xf32>,
      %parallel_loop3A_428 = arith.constant 16 : i32
      %parallel_loop3A_429 = arith.muli %parallel_loop3A_45, %parallel_loop3A_428 : i32
      %parallel_loop3A_430 = arith.constant 18 : i32
      %parallel_loop3A_431 = arith.index_cast %parallel_loop3A_430 : i32 to index
      %parallel_loop3A_432 = arith.index_cast %parallel_loop3A_429 : i32 to index
      %parallel_loop3A_433 = tpu.vector_load %arg11[%parallel_loop3A_431, %parallel_loop3A_432] {strides = array<i32>} : memref<64x128xf32, #tpu.memory_space<vmem>>, vector<16xf32>,
      tpu.vector_store %arg11[%parallel_loop3A_431, %parallel_loop3A_432], %parallel_loop3A_427 {strides = array<i32>} : memref<64x128xf32, #tpu.memory_space<vmem>>, vector<16xf32>,
      %parallel_loop3A_434 = arith.constant 18 : i32
      %parallel_loop3A_435 = vector.broadcast %parallel_loop3A_434 : i32 to vector<16xi32>
      %parallel_loop3A_436 = arith.addi %parallel_loop3A_63, %parallel_loop3A_435 : vector<16xi32>
      %parallel_loop3A_437 = tpu.vector_load_idx %arg8[%parallel_loop3A_436] : memref<8448xf32, #tpu.memory_space<vmem>>[vector<16xi32>], vector<16xf32>,
      %parallel_loop3A_438 = arith.constant 16 : i32
      %parallel_loop3A_439 = arith.muli %parallel_loop3A_45, %parallel_loop3A_438 : i32
      %parallel_loop3A_440 = arith.constant 50 : i32
      %parallel_loop3A_441 = arith.index_cast %parallel_loop3A_440 : i32 to index
      %parallel_loop3A_442 = arith.index_cast %parallel_loop3A_439 : i32 to index
      %parallel_loop3A_443 = tpu.vector_load %arg11[%parallel_loop3A_441, %parallel_loop3A_442] {strides = array<i32>} : memref<64x128xf32, #tpu.memory_space<vmem>>, vector<16xf32>,
      tpu.vector_store %arg11[%parallel_loop3A_441, %parallel_loop3A_442], %parallel_loop3A_437 {strides = array<i32>} : memref<64x128xf32, #tpu.memory_space<vmem>>, vector<16xf32>,
      %parallel_loop3A_444 = arith.constant 19 : i32
      %parallel_loop3A_445 = vector.broadcast %parallel_loop3A_444 : i32 to vector<16xi32>
      %parallel_loop3A_446 = arith.addi %parallel_loop3A_55, %parallel_loop3A_445 : vector<16xi32>
      %parallel_loop3A_447 = tpu.vector_load_idx %arg7[%parallel_loop3A_446] : memref<33000xf32, #tpu.memory_space<vmem>>[vector<16xi32>], vector<16xf32>,
      %parallel_loop3A_448 = arith.constant 16 : i32
      %parallel_loop3A_449 = arith.muli %parallel_loop3A_45, %parallel_loop3A_448 : i32
      %parallel_loop3A_450 = arith.constant 19 : i32
      %parallel_loop3A_451 = arith.index_cast %parallel_loop3A_450 : i32 to index
      %parallel_loop3A_452 = arith.index_cast %parallel_loop3A_449 : i32 to index
      %parallel_loop3A_453 = tpu.vector_load %arg11[%parallel_loop3A_451, %parallel_loop3A_452] {strides = array<i32>} : memref<64x128xf32, #tpu.memory_space<vmem>>, vector<16xf32>,
      tpu.vector_store %arg11[%parallel_loop3A_451, %parallel_loop3A_452], %parallel_loop3A_447 {strides = array<i32>} : memref<64x128xf32, #tpu.memory_space<vmem>>, vector<16xf32>,
      %parallel_loop3A_454 = arith.constant 19 : i32
      %parallel_loop3A_455 = vector.broadcast %parallel_loop3A_454 : i32 to vector<16xi32>
      %parallel_loop3A_456 = arith.addi %parallel_loop3A_63, %parallel_loop3A_455 : vector<16xi32>
      %parallel_loop3A_457 = tpu.vector_load_idx %arg8[%parallel_loop3A_456] : memref<8448xf32, #tpu.memory_space<vmem>>[vector<16xi32>], vector<16xf32>,
      %parallel_loop3A_458 = arith.constant 16 : i32
      %parallel_loop3A_459 = arith.muli %parallel_loop3A_45, %parallel_loop3A_458 : i32
      %parallel_loop3A_460 = arith.constant 51 : i32
      %parallel_loop3A_461 = arith.index_cast %parallel_loop3A_460 : i32 to index
      %parallel_loop3A_462 = arith.index_cast %parallel_loop3A_459 : i32 to index
      %parallel_loop3A_463 = tpu.vector_load %arg11[%parallel_loop3A_461, %parallel_loop3A_462] {strides = array<i32>} : memref<64x128xf32, #tpu.memory_space<vmem>>, vector<16xf32>,
      tpu.vector_store %arg11[%parallel_loop3A_461, %parallel_loop3A_462], %parallel_loop3A_457 {strides = array<i32>} : memref<64x128xf32, #tpu.memory_space<vmem>>, vector<16xf32>,
      %parallel_loop3A_464 = arith.constant 20 : i32
      %parallel_loop3A_465 = vector.broadcast %parallel_loop3A_464 : i32 to vector<16xi32>
      %parallel_loop3A_466 = arith.addi %parallel_loop3A_55, %parallel_loop3A_465 : vector<16xi32>
      %parallel_loop3A_467 = tpu.vector_load_idx %arg7[%parallel_loop3A_466] : memref<33000xf32, #tpu.memory_space<vmem>>[vector<16xi32>], vector<16xf32>,
      %parallel_loop3A_468 = arith.constant 16 : i32
      %parallel_loop3A_469 = arith.muli %parallel_loop3A_45, %parallel_loop3A_468 : i32
      %parallel_loop3A_470 = arith.constant 20 : i32
      %parallel_loop3A_471 = arith.index_cast %parallel_loop3A_470 : i32 to index
      %parallel_loop3A_472 = arith.index_cast %parallel_loop3A_469 : i32 to index
      %parallel_loop3A_473 = tpu.vector_load %arg11[%parallel_loop3A_471, %parallel_loop3A_472] {strides = array<i32>} : memref<64x128xf32, #tpu.memory_space<vmem>>, vector<16xf32>,
      tpu.vector_store %arg11[%parallel_loop3A_471, %parallel_loop3A_472], %parallel_loop3A_467 {strides = array<i32>} : memref<64x128xf32, #tpu.memory_space<vmem>>, vector<16xf32>,
      %parallel_loop3A_474 = arith.constant 20 : i32
      %parallel_loop3A_475 = vector.broadcast %parallel_loop3A_474 : i32 to vector<16xi32>
      %parallel_loop3A_476 = arith.addi %parallel_loop3A_63, %parallel_loop3A_475 : vector<16xi32>
      %parallel_loop3A_477 = tpu.vector_load_idx %arg8[%parallel_loop3A_476] : memref<8448xf32, #tpu.memory_space<vmem>>[vector<16xi32>], vector<16xf32>,
      %parallel_loop3A_478 = arith.constant 16 : i32
      %parallel_loop3A_479 = arith.muli %parallel_loop3A_45, %parallel_loop3A_478 : i32
      %parallel_loop3A_480 = arith.constant 52 : i32
      %parallel_loop3A_481 = arith.index_cast %parallel_loop3A_480 : i32 to index
      %parallel_loop3A_482 = arith.index_cast %parallel_loop3A_479 : i32 to index
      %parallel_loop3A_483 = tpu.vector_load %arg11[%parallel_loop3A_481, %parallel_loop3A_482] {strides = array<i32>} : memref<64x128xf32, #tpu.memory_space<vmem>>, vector<16xf32>,
      tpu.vector_store %arg11[%parallel_loop3A_481, %parallel_loop3A_482], %parallel_loop3A_477 {strides = array<i32>} : memref<64x128xf32, #tpu.memory_space<vmem>>, vector<16xf32>,
      %parallel_loop3A_484 = arith.constant 21 : i32
      %parallel_loop3A_485 = vector.broadcast %parallel_loop3A_484 : i32 to vector<16xi32>
      %parallel_loop3A_486 = arith.addi %parallel_loop3A_55, %parallel_loop3A_485 : vector<16xi32>
      %parallel_loop3A_487 = tpu.vector_load_idx %arg7[%parallel_loop3A_486] : memref<33000xf32, #tpu.memory_space<vmem>>[vector<16xi32>], vector<16xf32>,
      %parallel_loop3A_488 = arith.constant 16 : i32
      %parallel_loop3A_489 = arith.muli %parallel_loop3A_45, %parallel_loop3A_488 : i32
      %parallel_loop3A_490 = arith.constant 21 : i32
      %parallel_loop3A_491 = arith.index_cast %parallel_loop3A_490 : i32 to index
      %parallel_loop3A_492 = arith.index_cast %parallel_loop3A_489 : i32 to index
      %parallel_loop3A_493 = tpu.vector_load %arg11[%parallel_loop3A_491, %parallel_loop3A_492] {strides = array<i32>} : memref<64x128xf32, #tpu.memory_space<vmem>>, vector<16xf32>,
      tpu.vector_store %arg11[%parallel_loop3A_491, %parallel_loop3A_492], %parallel_loop3A_487 {strides = array<i32>} : memref<64x128xf32, #tpu.memory_space<vmem>>, vector<16xf32>,
      %parallel_loop3A_494 = arith.constant 21 : i32
      %parallel_loop3A_495 = vector.broadcast %parallel_loop3A_494 : i32 to vector<16xi32>
      %parallel_loop3A_496 = arith.addi %parallel_loop3A_63, %parallel_loop3A_495 : vector<16xi32>
      %parallel_loop3A_497 = tpu.vector_load_idx %arg8[%parallel_loop3A_496] : memref<8448xf32, #tpu.memory_space<vmem>>[vector<16xi32>], vector<16xf32>,
      %parallel_loop3A_498 = arith.constant 16 : i32
      %parallel_loop3A_499 = arith.muli %parallel_loop3A_45, %parallel_loop3A_498 : i32
      %parallel_loop3A_500 = arith.constant 53 : i32
      %parallel_loop3A_501 = arith.index_cast %parallel_loop3A_500 : i32 to index
      %parallel_loop3A_502 = arith.index_cast %parallel_loop3A_499 : i32 to index
      %parallel_loop3A_503 = tpu.vector_load %arg11[%parallel_loop3A_501, %parallel_loop3A_502] {strides = array<i32>} : memref<64x128xf32, #tpu.memory_space<vmem>>, vector<16xf32>,
      tpu.vector_store %arg11[%parallel_loop3A_501, %parallel_loop3A_502], %parallel_loop3A_497 {strides = array<i32>} : memref<64x128xf32, #tpu.memory_space<vmem>>, vector<16xf32>,
      %parallel_loop3A_504 = arith.constant 22 : i32
      %parallel_loop3A_505 = vector.broadcast %parallel_loop3A_504 : i32 to vector<16xi32>
      %parallel_loop3A_506 = arith.addi %parallel_loop3A_55, %parallel_loop3A_505 : vector<16xi32>
      %parallel_loop3A_507 = tpu.vector_load_idx %arg7[%parallel_loop3A_506] : memref<33000xf32, #tpu.memory_space<vmem>>[vector<16xi32>], vector<16xf32>,
      %parallel_loop3A_508 = arith.constant 16 : i32
      %parallel_loop3A_509 = arith.muli %parallel_loop3A_45, %parallel_loop3A_508 : i32
      %parallel_loop3A_510 = arith.constant 22 : i32
      %parallel_loop3A_511 = arith.index_cast %parallel_loop3A_510 : i32 to index
      %parallel_loop3A_512 = arith.index_cast %parallel_loop3A_509 : i32 to index
      %parallel_loop3A_513 = tpu.vector_load %arg11[%parallel_loop3A_511, %parallel_loop3A_512] {strides = array<i32>} : memref<64x128xf32, #tpu.memory_space<vmem>>, vector<16xf32>,
      tpu.vector_store %arg11[%parallel_loop3A_511, %parallel_loop3A_512], %parallel_loop3A_507 {strides = array<i32>} : memref<64x128xf32, #tpu.memory_space<vmem>>, vector<16xf32>,
      %parallel_loop3A_514 = arith.constant 22 : i32
      %parallel_loop3A_515 = vector.broadcast %parallel_loop3A_514 : i32 to vector<16xi32>
      %parallel_loop3A_516 = arith.addi %parallel_loop3A_63, %parallel_loop3A_515 : vector<16xi32>
      %parallel_loop3A_517 = tpu.vector_load_idx %arg8[%parallel_loop3A_516] : memref<8448xf32, #tpu.memory_space<vmem>>[vector<16xi32>], vector<16xf32>,
      %parallel_loop3A_518 = arith.constant 16 : i32
      %parallel_loop3A_519 = arith.muli %parallel_loop3A_45, %parallel_loop3A_518 : i32
      %parallel_loop3A_520 = arith.constant 54 : i32
      %parallel_loop3A_521 = arith.index_cast %parallel_loop3A_520 : i32 to index
      %parallel_loop3A_522 = arith.index_cast %parallel_loop3A_519 : i32 to index
      %parallel_loop3A_523 = tpu.vector_load %arg11[%parallel_loop3A_521, %parallel_loop3A_522] {strides = array<i32>} : memref<64x128xf32, #tpu.memory_space<vmem>>, vector<16xf32>,
      tpu.vector_store %arg11[%parallel_loop3A_521, %parallel_loop3A_522], %parallel_loop3A_517 {strides = array<i32>} : memref<64x128xf32, #tpu.memory_space<vmem>>, vector<16xf32>,
      %parallel_loop3A_524 = arith.constant 23 : i32
      %parallel_loop3A_525 = vector.broadcast %parallel_loop3A_524 : i32 to vector<16xi32>
      %parallel_loop3A_526 = arith.addi %parallel_loop3A_55, %parallel_loop3A_525 : vector<16xi32>
      %parallel_loop3A_527 = tpu.vector_load_idx %arg7[%parallel_loop3A_526] : memref<33000xf32, #tpu.memory_space<vmem>>[vector<16xi32>], vector<16xf32>,
      %parallel_loop3A_528 = arith.constant 16 : i32
      %parallel_loop3A_529 = arith.muli %parallel_loop3A_45, %parallel_loop3A_528 : i32
      %parallel_loop3A_530 = arith.constant 23 : i32
      %parallel_loop3A_531 = arith.index_cast %parallel_loop3A_530 : i32 to index
      %parallel_loop3A_532 = arith.index_cast %parallel_loop3A_529 : i32 to index
      %parallel_loop3A_533 = tpu.vector_load %arg11[%parallel_loop3A_531, %parallel_loop3A_532] {strides = array<i32>} : memref<64x128xf32, #tpu.memory_space<vmem>>, vector<16xf32>,
      tpu.vector_store %arg11[%parallel_loop3A_531, %parallel_loop3A_532], %parallel_loop3A_527 {strides = array<i32>} : memref<64x128xf32, #tpu.memory_space<vmem>>, vector<16xf32>,
      %parallel_loop3A_534 = arith.constant 23 : i32
      %parallel_loop3A_535 = vector.broadcast %parallel_loop3A_534 : i32 to vector<16xi32>
      %parallel_loop3A_536 = arith.addi %parallel_loop3A_63, %parallel_loop3A_535 : vector<16xi32>
      %parallel_loop3A_537 = tpu.vector_load_idx %arg8[%parallel_loop3A_536] : memref<8448xf32, #tpu.memory_space<vmem>>[vector<16xi32>], vector<16xf32>,
      %parallel_loop3A_538 = arith.constant 16 : i32
      %parallel_loop3A_539 = arith.muli %parallel_loop3A_45, %parallel_loop3A_538 : i32
      %parallel_loop3A_540 = arith.constant 55 : i32
      %parallel_loop3A_541 = arith.index_cast %parallel_loop3A_540 : i32 to index
      %parallel_loop3A_542 = arith.index_cast %parallel_loop3A_539 : i32 to index
      %parallel_loop3A_543 = tpu.vector_load %arg11[%parallel_loop3A_541, %parallel_loop3A_542] {strides = array<i32>} : memref<64x128xf32, #tpu.memory_space<vmem>>, vector<16xf32>,
      tpu.vector_store %arg11[%parallel_loop3A_541, %parallel_loop3A_542], %parallel_loop3A_537 {strides = array<i32>} : memref<64x128xf32, #tpu.memory_space<vmem>>, vector<16xf32>,
      %parallel_loop3A_544 = arith.constant 24 : i32
      %parallel_loop3A_545 = vector.broadcast %parallel_loop3A_544 : i32 to vector<16xi32>
      %parallel_loop3A_546 = arith.addi %parallel_loop3A_55, %parallel_loop3A_545 : vector<16xi32>
      %parallel_loop3A_547 = tpu.vector_load_idx %arg7[%parallel_loop3A_546] : memref<33000xf32, #tpu.memory_space<vmem>>[vector<16xi32>], vector<16xf32>,
      %parallel_loop3A_548 = arith.constant 16 : i32
      %parallel_loop3A_549 = arith.muli %parallel_loop3A_45, %parallel_loop3A_548 : i32
      %parallel_loop3A_550 = arith.constant 24 : i32
      %parallel_loop3A_551 = arith.index_cast %parallel_loop3A_550 : i32 to index
      %parallel_loop3A_552 = arith.index_cast %parallel_loop3A_549 : i32 to index
      %parallel_loop3A_553 = tpu.vector_load %arg11[%parallel_loop3A_551, %parallel_loop3A_552] {strides = array<i32>} : memref<64x128xf32, #tpu.memory_space<vmem>>, vector<16xf32>,
      tpu.vector_store %arg11[%parallel_loop3A_551, %parallel_loop3A_552], %parallel_loop3A_547 {strides = array<i32>} : memref<64x128xf32, #tpu.memory_space<vmem>>, vector<16xf32>,
      %parallel_loop3A_554 = arith.constant 24 : i32
      %parallel_loop3A_555 = vector.broadcast %parallel_loop3A_554 : i32 to vector<16xi32>
      %parallel_loop3A_556 = arith.addi %parallel_loop3A_63, %parallel_loop3A_555 : vector<16xi32>
      %parallel_loop3A_557 = tpu.vector_load_idx %arg8[%parallel_loop3A_556] : memref<8448xf32, #tpu.memory_space<vmem>>[vector<16xi32>], vector<16xf32>,
      %parallel_loop3A_558 = arith.constant 16 : i32
      %parallel_loop3A_559 = arith.muli %parallel_loop3A_45, %parallel_loop3A_558 : i32
      %parallel_loop3A_560 = arith.constant 56 : i32
      %parallel_loop3A_561 = arith.index_cast %parallel_loop3A_560 : i32 to index
      %parallel_loop3A_562 = arith.index_cast %parallel_loop3A_559 : i32 to index
      %parallel_loop3A_563 = tpu.vector_load %arg11[%parallel_loop3A_561, %parallel_loop3A_562] {strides = array<i32>} : memref<64x128xf32, #tpu.memory_space<vmem>>, vector<16xf32>,
      tpu.vector_store %arg11[%parallel_loop3A_561, %parallel_loop3A_562], %parallel_loop3A_557 {strides = array<i32>} : memref<64x128xf32, #tpu.memory_space<vmem>>, vector<16xf32>,
      %parallel_loop3A_564 = arith.constant 25 : i32
      %parallel_loop3A_565 = vector.broadcast %parallel_loop3A_564 : i32 to vector<16xi32>
      %parallel_loop3A_566 = arith.addi %parallel_loop3A_55, %parallel_loop3A_565 : vector<16xi32>
      %parallel_loop3A_567 = tpu.vector_load_idx %arg7[%parallel_loop3A_566] : memref<33000xf32, #tpu.memory_space<vmem>>[vector<16xi32>], vector<16xf32>,
      %parallel_loop3A_568 = arith.constant 16 : i32
      %parallel_loop3A_569 = arith.muli %parallel_loop3A_45, %parallel_loop3A_568 : i32
      %parallel_loop3A_570 = arith.constant 25 : i32
      %parallel_loop3A_571 = arith.index_cast %parallel_loop3A_570 : i32 to index
      %parallel_loop3A_572 = arith.index_cast %parallel_loop3A_569 : i32 to index
      %parallel_loop3A_573 = tpu.vector_load %arg11[%parallel_loop3A_571, %parallel_loop3A_572] {strides = array<i32>} : memref<64x128xf32, #tpu.memory_space<vmem>>, vector<16xf32>,
      tpu.vector_store %arg11[%parallel_loop3A_571, %parallel_loop3A_572], %parallel_loop3A_567 {strides = array<i32>} : memref<64x128xf32, #tpu.memory_space<vmem>>, vector<16xf32>,
      %parallel_loop3A_574 = arith.constant 25 : i32
      %parallel_loop3A_575 = vector.broadcast %parallel_loop3A_574 : i32 to vector<16xi32>
      %parallel_loop3A_576 = arith.addi %parallel_loop3A_63, %parallel_loop3A_575 : vector<16xi32>
      %parallel_loop3A_577 = tpu.vector_load_idx %arg8[%parallel_loop3A_576] : memref<8448xf32, #tpu.memory_space<vmem>>[vector<16xi32>], vector<16xf32>,
      %parallel_loop3A_578 = arith.constant 16 : i32
      %parallel_loop3A_579 = arith.muli %parallel_loop3A_45, %parallel_loop3A_578 : i32
      %parallel_loop3A_580 = arith.constant 57 : i32
      %parallel_loop3A_581 = arith.index_cast %parallel_loop3A_580 : i32 to index
      %parallel_loop3A_582 = arith.index_cast %parallel_loop3A_579 : i32 to index
      %parallel_loop3A_583 = tpu.vector_load %arg11[%parallel_loop3A_581, %parallel_loop3A_582] {strides = array<i32>} : memref<64x128xf32, #tpu.memory_space<vmem>>, vector<16xf32>,
      tpu.vector_store %arg11[%parallel_loop3A_581, %parallel_loop3A_582], %parallel_loop3A_577 {strides = array<i32>} : memref<64x128xf32, #tpu.memory_space<vmem>>, vector<16xf32>,
      %parallel_loop3A_584 = arith.constant 26 : i32
      %parallel_loop3A_585 = vector.broadcast %parallel_loop3A_584 : i32 to vector<16xi32>
      %parallel_loop3A_586 = arith.addi %parallel_loop3A_55, %parallel_loop3A_585 : vector<16xi32>
      %parallel_loop3A_587 = tpu.vector_load_idx %arg7[%parallel_loop3A_586] : memref<33000xf32, #tpu.memory_space<vmem>>[vector<16xi32>], vector<16xf32>,
      %parallel_loop3A_588 = arith.constant 16 : i32
      %parallel_loop3A_589 = arith.muli %parallel_loop3A_45, %parallel_loop3A_588 : i32
      %parallel_loop3A_590 = arith.constant 26 : i32
      %parallel_loop3A_591 = arith.index_cast %parallel_loop3A_590 : i32 to index
      %parallel_loop3A_592 = arith.index_cast %parallel_loop3A_589 : i32 to index
      %parallel_loop3A_593 = tpu.vector_load %arg11[%parallel_loop3A_591, %parallel_loop3A_592] {strides = array<i32>} : memref<64x128xf32, #tpu.memory_space<vmem>>, vector<16xf32>,
      tpu.vector_store %arg11[%parallel_loop3A_591, %parallel_loop3A_592], %parallel_loop3A_587 {strides = array<i32>} : memref<64x128xf32, #tpu.memory_space<vmem>>, vector<16xf32>,
      %parallel_loop3A_594 = arith.constant 26 : i32
      %parallel_loop3A_595 = vector.broadcast %parallel_loop3A_594 : i32 to vector<16xi32>
      %parallel_loop3A_596 = arith.addi %parallel_loop3A_63, %parallel_loop3A_595 : vector<16xi32>
      %parallel_loop3A_597 = tpu.vector_load_idx %arg8[%parallel_loop3A_596] : memref<8448xf32, #tpu.memory_space<vmem>>[vector<16xi32>], vector<16xf32>,
      %parallel_loop3A_598 = arith.constant 16 : i32
      %parallel_loop3A_599 = arith.muli %parallel_loop3A_45, %parallel_loop3A_598 : i32
      %parallel_loop3A_600 = arith.constant 58 : i32
      %parallel_loop3A_601 = arith.index_cast %parallel_loop3A_600 : i32 to index
      %parallel_loop3A_602 = arith.index_cast %parallel_loop3A_599 : i32 to index
      %parallel_loop3A_603 = tpu.vector_load %arg11[%parallel_loop3A_601, %parallel_loop3A_602] {strides = array<i32>} : memref<64x128xf32, #tpu.memory_space<vmem>>, vector<16xf32>,
      tpu.vector_store %arg11[%parallel_loop3A_601, %parallel_loop3A_602], %parallel_loop3A_597 {strides = array<i32>} : memref<64x128xf32, #tpu.memory_space<vmem>>, vector<16xf32>,
      %parallel_loop3A_604 = arith.constant 27 : i32
      %parallel_loop3A_605 = vector.broadcast %parallel_loop3A_604 : i32 to vector<16xi32>
      %parallel_loop3A_606 = arith.addi %parallel_loop3A_55, %parallel_loop3A_605 : vector<16xi32>
      %parallel_loop3A_607 = tpu.vector_load_idx %arg7[%parallel_loop3A_606] : memref<33000xf32, #tpu.memory_space<vmem>>[vector<16xi32>], vector<16xf32>,
      %parallel_loop3A_608 = arith.constant 16 : i32
      %parallel_loop3A_609 = arith.muli %parallel_loop3A_45, %parallel_loop3A_608 : i32
      %parallel_loop3A_610 = arith.constant 27 : i32
      %parallel_loop3A_611 = arith.index_cast %parallel_loop3A_610 : i32 to index
      %parallel_loop3A_612 = arith.index_cast %parallel_loop3A_609 : i32 to index
      %parallel_loop3A_613 = tpu.vector_load %arg11[%parallel_loop3A_611, %parallel_loop3A_612] {strides = array<i32>} : memref<64x128xf32, #tpu.memory_space<vmem>>, vector<16xf32>,
      tpu.vector_store %arg11[%parallel_loop3A_611, %parallel_loop3A_612], %parallel_loop3A_607 {strides = array<i32>} : memref<64x128xf32, #tpu.memory_space<vmem>>, vector<16xf32>,
      %parallel_loop3A_614 = arith.constant 27 : i32
      %parallel_loop3A_615 = vector.broadcast %parallel_loop3A_614 : i32 to vector<16xi32>
      %parallel_loop3A_616 = arith.addi %parallel_loop3A_63, %parallel_loop3A_615 : vector<16xi32>
      %parallel_loop3A_617 = tpu.vector_load_idx %arg8[%parallel_loop3A_616] : memref<8448xf32, #tpu.memory_space<vmem>>[vector<16xi32>], vector<16xf32>,
      %parallel_loop3A_618 = arith.constant 16 : i32
      %parallel_loop3A_619 = arith.muli %parallel_loop3A_45, %parallel_loop3A_618 : i32
      %parallel_loop3A_620 = arith.constant 59 : i32
      %parallel_loop3A_621 = arith.index_cast %parallel_loop3A_620 : i32 to index
      %parallel_loop3A_622 = arith.index_cast %parallel_loop3A_619 : i32 to index
      %parallel_loop3A_623 = tpu.vector_load %arg11[%parallel_loop3A_621, %parallel_loop3A_622] {strides = array<i32>} : memref<64x128xf32, #tpu.memory_space<vmem>>, vector<16xf32>,
      tpu.vector_store %arg11[%parallel_loop3A_621, %parallel_loop3A_622], %parallel_loop3A_617 {strides = array<i32>} : memref<64x128xf32, #tpu.memory_space<vmem>>, vector<16xf32>,
      %parallel_loop3A_624 = arith.constant 28 : i32
      %parallel_loop3A_625 = vector.broadcast %parallel_loop3A_624 : i32 to vector<16xi32>
      %parallel_loop3A_626 = arith.addi %parallel_loop3A_55, %parallel_loop3A_625 : vector<16xi32>
      %parallel_loop3A_627 = tpu.vector_load_idx %arg7[%parallel_loop3A_626] : memref<33000xf32, #tpu.memory_space<vmem>>[vector<16xi32>], vector<16xf32>,
      %parallel_loop3A_628 = arith.constant 16 : i32
      %parallel_loop3A_629 = arith.muli %parallel_loop3A_45, %parallel_loop3A_628 : i32
      %parallel_loop3A_630 = arith.constant 28 : i32
      %parallel_loop3A_631 = arith.index_cast %parallel_loop3A_630 : i32 to index
      %parallel_loop3A_632 = arith.index_cast %parallel_loop3A_629 : i32 to index
      %parallel_loop3A_633 = tpu.vector_load %arg11[%parallel_loop3A_631, %parallel_loop3A_632] {strides = array<i32>} : memref<64x128xf32, #tpu.memory_space<vmem>>, vector<16xf32>,
      tpu.vector_store %arg11[%parallel_loop3A_631, %parallel_loop3A_632], %parallel_loop3A_627 {strides = array<i32>} : memref<64x128xf32, #tpu.memory_space<vmem>>, vector<16xf32>,
      %parallel_loop3A_634 = arith.constant 28 : i32
      %parallel_loop3A_635 = vector.broadcast %parallel_loop3A_634 : i32 to vector<16xi32>
      %parallel_loop3A_636 = arith.addi %parallel_loop3A_63, %parallel_loop3A_635 : vector<16xi32>
      %parallel_loop3A_637 = tpu.vector_load_idx %arg8[%parallel_loop3A_636] : memref<8448xf32, #tpu.memory_space<vmem>>[vector<16xi32>], vector<16xf32>,
      %parallel_loop3A_638 = arith.constant 16 : i32
      %parallel_loop3A_639 = arith.muli %parallel_loop3A_45, %parallel_loop3A_638 : i32
      %parallel_loop3A_640 = arith.constant 60 : i32
      %parallel_loop3A_641 = arith.index_cast %parallel_loop3A_640 : i32 to index
      %parallel_loop3A_642 = arith.index_cast %parallel_loop3A_639 : i32 to index
      %parallel_loop3A_643 = tpu.vector_load %arg11[%parallel_loop3A_641, %parallel_loop3A_642] {strides = array<i32>} : memref<64x128xf32, #tpu.memory_space<vmem>>, vector<16xf32>,
      tpu.vector_store %arg11[%parallel_loop3A_641, %parallel_loop3A_642], %parallel_loop3A_637 {strides = array<i32>} : memref<64x128xf32, #tpu.memory_space<vmem>>, vector<16xf32>,
      %parallel_loop3A_644 = arith.constant 29 : i32
      %parallel_loop3A_645 = vector.broadcast %parallel_loop3A_644 : i32 to vector<16xi32>
      %parallel_loop3A_646 = arith.addi %parallel_loop3A_55, %parallel_loop3A_645 : vector<16xi32>
      %parallel_loop3A_647 = tpu.vector_load_idx %arg7[%parallel_loop3A_646] : memref<33000xf32, #tpu.memory_space<vmem>>[vector<16xi32>], vector<16xf32>,
      %parallel_loop3A_648 = arith.constant 16 : i32
      %parallel_loop3A_649 = arith.muli %parallel_loop3A_45, %parallel_loop3A_648 : i32
      %parallel_loop3A_650 = arith.constant 29 : i32
      %parallel_loop3A_651 = arith.index_cast %parallel_loop3A_650 : i32 to index
      %parallel_loop3A_652 = arith.index_cast %parallel_loop3A_649 : i32 to index
      %parallel_loop3A_653 = tpu.vector_load %arg11[%parallel_loop3A_651, %parallel_loop3A_652] {strides = array<i32>} : memref<64x128xf32, #tpu.memory_space<vmem>>, vector<16xf32>,
      tpu.vector_store %arg11[%parallel_loop3A_651, %parallel_loop3A_652], %parallel_loop3A_647 {strides = array<i32>} : memref<64x128xf32, #tpu.memory_space<vmem>>, vector<16xf32>,
      %parallel_loop3A_654 = arith.constant 29 : i32
      %parallel_loop3A_655 = vector.broadcast %parallel_loop3A_654 : i32 to vector<16xi32>
      %parallel_loop3A_656 = arith.addi %parallel_loop3A_63, %parallel_loop3A_655 : vector<16xi32>
      %parallel_loop3A_657 = tpu.vector_load_idx %arg8[%parallel_loop3A_656] : memref<8448xf32, #tpu.memory_space<vmem>>[vector<16xi32>], vector<16xf32>,
      %parallel_loop3A_658 = arith.constant 16 : i32
      %parallel_loop3A_659 = arith.muli %parallel_loop3A_45, %parallel_loop3A_658 : i32
      %parallel_loop3A_660 = arith.constant 61 : i32
      %parallel_loop3A_661 = arith.index_cast %parallel_loop3A_660 : i32 to index
      %parallel_loop3A_662 = arith.index_cast %parallel_loop3A_659 : i32 to index
      %parallel_loop3A_663 = tpu.vector_load %arg11[%parallel_loop3A_661, %parallel_loop3A_662] {strides = array<i32>} : memref<64x128xf32, #tpu.memory_space<vmem>>, vector<16xf32>,
      tpu.vector_store %arg11[%parallel_loop3A_661, %parallel_loop3A_662], %parallel_loop3A_657 {strides = array<i32>} : memref<64x128xf32, #tpu.memory_space<vmem>>, vector<16xf32>,
      %parallel_loop3A_664 = arith.constant 30 : i32
      %parallel_loop3A_665 = vector.broadcast %parallel_loop3A_664 : i32 to vector<16xi32>
      %parallel_loop3A_666 = arith.addi %parallel_loop3A_55, %parallel_loop3A_665 : vector<16xi32>
      %parallel_loop3A_667 = tpu.vector_load_idx %arg7[%parallel_loop3A_666] : memref<33000xf32, #tpu.memory_space<vmem>>[vector<16xi32>], vector<16xf32>,
      %parallel_loop3A_668 = arith.constant 16 : i32
      %parallel_loop3A_669 = arith.muli %parallel_loop3A_45, %parallel_loop3A_668 : i32
      %parallel_loop3A_670 = arith.constant 30 : i32
      %parallel_loop3A_671 = arith.index_cast %parallel_loop3A_670 : i32 to index
      %parallel_loop3A_672 = arith.index_cast %parallel_loop3A_669 : i32 to index
      %parallel_loop3A_673 = tpu.vector_load %arg11[%parallel_loop3A_671, %parallel_loop3A_672] {strides = array<i32>} : memref<64x128xf32, #tpu.memory_space<vmem>>, vector<16xf32>,
      tpu.vector_store %arg11[%parallel_loop3A_671, %parallel_loop3A_672], %parallel_loop3A_667 {strides = array<i32>} : memref<64x128xf32, #tpu.memory_space<vmem>>, vector<16xf32>,
      %parallel_loop3A_674 = arith.constant 30 : i32
      %parallel_loop3A_675 = vector.broadcast %parallel_loop3A_674 : i32 to vector<16xi32>
      %parallel_loop3A_676 = arith.addi %parallel_loop3A_63, %parallel_loop3A_675 : vector<16xi32>
      %parallel_loop3A_677 = tpu.vector_load_idx %arg8[%parallel_loop3A_676] : memref<8448xf32, #tpu.memory_space<vmem>>[vector<16xi32>], vector<16xf32>,
      %parallel_loop3A_678 = arith.constant 16 : i32
      %parallel_loop3A_679 = arith.muli %parallel_loop3A_45, %parallel_loop3A_678 : i32
      %parallel_loop3A_680 = arith.constant 62 : i32
      %parallel_loop3A_681 = arith.index_cast %parallel_loop3A_680 : i32 to index
      %parallel_loop3A_682 = arith.index_cast %parallel_loop3A_679 : i32 to index
      %parallel_loop3A_683 = tpu.vector_load %arg11[%parallel_loop3A_681, %parallel_loop3A_682] {strides = array<i32>} : memref<64x128xf32, #tpu.memory_space<vmem>>, vector<16xf32>,
      tpu.vector_store %arg11[%parallel_loop3A_681, %parallel_loop3A_682], %parallel_loop3A_677 {strides = array<i32>} : memref<64x128xf32, #tpu.memory_space<vmem>>, vector<16xf32>,
      %parallel_loop3A_684 = arith.constant 31 : i32
      %parallel_loop3A_685 = vector.broadcast %parallel_loop3A_684 : i32 to vector<16xi32>
      %parallel_loop3A_686 = arith.addi %parallel_loop3A_55, %parallel_loop3A_685 : vector<16xi32>
      %parallel_loop3A_687 = tpu.vector_load_idx %arg7[%parallel_loop3A_686] : memref<33000xf32, #tpu.memory_space<vmem>>[vector<16xi32>], vector<16xf32>,
      %parallel_loop3A_688 = arith.constant 16 : i32
      %parallel_loop3A_689 = arith.muli %parallel_loop3A_45, %parallel_loop3A_688 : i32
      %parallel_loop3A_690 = arith.constant 31 : i32
      %parallel_loop3A_691 = arith.index_cast %parallel_loop3A_690 : i32 to index
      %parallel_loop3A_692 = arith.index_cast %parallel_loop3A_689 : i32 to index
      %parallel_loop3A_693 = tpu.vector_load %arg11[%parallel_loop3A_691, %parallel_loop3A_692] {strides = array<i32>} : memref<64x128xf32, #tpu.memory_space<vmem>>, vector<16xf32>,
      tpu.vector_store %arg11[%parallel_loop3A_691, %parallel_loop3A_692], %parallel_loop3A_687 {strides = array<i32>} : memref<64x128xf32, #tpu.memory_space<vmem>>, vector<16xf32>,
      %parallel_loop3A_694 = arith.constant 31 : i32
      %parallel_loop3A_695 = vector.broadcast %parallel_loop3A_694 : i32 to vector<16xi32>
      %parallel_loop3A_696 = arith.addi %parallel_loop3A_63, %parallel_loop3A_695 : vector<16xi32>
      %parallel_loop3A_697 = tpu.vector_load_idx %arg8[%parallel_loop3A_696] : memref<8448xf32, #tpu.memory_space<vmem>>[vector<16xi32>], vector<16xf32>,
      %parallel_loop3A_698 = arith.constant 16 : i32
      %parallel_loop3A_699 = arith.muli %parallel_loop3A_45, %parallel_loop3A_698 : i32
      %parallel_loop3A_700 = arith.constant 63 : i32
      %parallel_loop3A_701 = arith.index_cast %parallel_loop3A_700 : i32 to index
      %parallel_loop3A_702 = arith.index_cast %parallel_loop3A_699 : i32 to index
      %parallel_loop3A_703 = tpu.vector_load %arg11[%parallel_loop3A_701, %parallel_loop3A_702] {strides = array<i32>} : memref<64x128xf32, #tpu.memory_space<vmem>>, vector<16xf32>,
      tpu.vector_store %arg11[%parallel_loop3A_701, %parallel_loop3A_702], %parallel_loop3A_697 {strides = array<i32>} : memref<64x128xf32, #tpu.memory_space<vmem>>, vector<16xf32>,
    } {sc.loop_unroll_factor = 4 : i64, sc.parallel_access}
    %dma_start3A = arith.constant 0 : i32
    %dma_start3A_10 = arith.constant 0 : i32
    %dma_start3A_11 = tpu.memref_slice %arg6[%dma_start3A, %dma_start3A_10, %mul3A_4] : memref<200x64x4096xf32, #tpu.memory_space<hbm>> -> memref<1x64x128xf32, #tpu.memory_space<hbm>>
    %dma_start3A_12 = tpu.memref_squeeze %dma_start3A_11 : memref<1x64x128xf32, #tpu.memory_space<hbm>> -> memref<64x128xf32, #tpu.memory_space<hbm>>
    %dma_start3A_13 = arith.constant 0 : i32
    %dma_start3A_14 = tpu.memref_slice %arg6[%dma_start3A, %dma_start3A_13, %mul3A_4] : memref<200x64x4096xf32, #tpu.memory_space<hbm>> -> memref<1x64x128xf32, #tpu.memory_space<hbm>>
    %dma_start3A_15 = tpu.memref_squeeze %dma_start3A_14 : memref<1x64x128xf32, #tpu.memory_space<hbm>> -> memref<64x128xf32, #tpu.memory_space<hbm>>
    tpu.enqueue_dma source(%arg11 : memref<64x128xf32, #tpu.memory_space<vmem>>) target(%dma_start3A_15 : memref<64x128xf32, #tpu.memory_space<hbm>>) target_semaphore(%arg13 : memref<!tpu.dma_semaphore, #tpu.memory_space<semaphore_mem>>)
    %parallel_loop3A_16 = arith.constant 0 : i32
    %parallel_loop3A_17 = arith.constant 8 : i32
    %parallel_loop3A_18 = arith.constant 1 : i32
    scf.for %parallel_loop3A_45 = %parallel_loop3A_16 to %parallel_loop3A_17 step %parallel_loop3A_18  : i32 {
      %parallel_loop3A_46 = arith.constant 3200 : i32
      %parallel_loop3A_47 = arith.muli %parallel_loop3A_45, %parallel_loop3A_46 : i32
      %parallel_loop3A_48 = arith.constant 1 : i32
      %parallel_loop3A_49 = arith.addi %parallel_loop3A_47, %parallel_loop3A_48 : i32
      %parallel_loop3A_50 = vector.broadcast %parallel_loop3A_49 : i32 to vector<16xi32>
      %parallel_loop3A_51 = arith.addi %mul3A_7, %parallel_loop3A_50 : vector<16xi32>
      %parallel_loop3A_52 = tpu.vector_load_idx %arg9[%parallel_loop3A_51] : memref<25600xi32, #tpu.memory_space<vmem>>[vector<16xi32>], vector<16xi32>,
      %parallel_loop3A_53 = arith.constant 33 : i32
      %parallel_loop3A_54 = vector.broadcast %parallel_loop3A_53 : i32 to vector<16xi32>
      %parallel_loop3A_55 = arith.muli %parallel_loop3A_52, %parallel_loop3A_54 : vector<16xi32>
      %parallel_loop3A_56 = tpu.vector_load_idx %arg10[%parallel_loop3A_51] : memref<25600xf32, #tpu.memory_space<vmem>>[vector<16xi32>], vector<16xf32>,
      %parallel_loop3A_57 = arith.constant 2.550000e+02 : f32
      %parallel_loop3A_58 = vector.broadcast %parallel_loop3A_57 : f32 to vector<16xf32>
      %parallel_loop3A_59 = arith.mulf %parallel_loop3A_56, %parallel_loop3A_58 : vector<16xf32>
      %parallel_loop3A_60 = arith.fptosi %parallel_loop3A_59 : vector<16xf32> to vector<16xi32>
      %parallel_loop3A_61 = arith.constant 33 : i32
      %parallel_loop3A_62 = vector.broadcast %parallel_loop3A_61 : i32 to vector<16xi32>
      %parallel_loop3A_63 = arith.muli %parallel_loop3A_60, %parallel_loop3A_62 : vector<16xi32>
      %parallel_loop3A_64 = arith.constant 0 : i32
      %parallel_loop3A_65 = vector.broadcast %parallel_loop3A_64 : i32 to vector<16xi32>
      %parallel_loop3A_66 = arith.addi %parallel_loop3A_55, %parallel_loop3A_65 : vector<16xi32>
      %parallel_loop3A_67 = tpu.vector_load_idx %arg7[%parallel_loop3A_66] : memref<33000xf32, #tpu.memory_space<vmem>>[vector<16xi32>], vector<16xf32>,
      %parallel_loop3A_68 = arith.constant 16 : i32
      %parallel_loop3A_69 = arith.muli %parallel_loop3A_45, %parallel_loop3A_68 : i32
      %parallel_loop3A_70 = arith.constant 0 : i32
      %parallel_loop3A_71 = arith.index_cast %parallel_loop3A_70 : i32 to index
      %parallel_loop3A_72 = arith.index_cast %parallel_loop3A_69 : i32 to index
      %parallel_loop3A_73 = tpu.vector_load %arg12[%parallel_loop3A_71, %parallel_loop3A_72] {strides = array<i32>} : memref<64x128xf32, #tpu.memory_space<vmem>>, vector<16xf32>,
      tpu.vector_store %arg12[%parallel_loop3A_71, %parallel_loop3A_72], %parallel_loop3A_67 {strides = array<i32>} : memref<64x128xf32, #tpu.memory_space<vmem>>, vector<16xf32>,
      %parallel_loop3A_74 = arith.constant 0 : i32
      %parallel_loop3A_75 = vector.broadcast %parallel_loop3A_74 : i32 to vector<16xi32>
      %parallel_loop3A_76 = arith.addi %parallel_loop3A_63, %parallel_loop3A_75 : vector<16xi32>
      %parallel_loop3A_77 = tpu.vector_load_idx %arg8[%parallel_loop3A_76] : memref<8448xf32, #tpu.memory_space<vmem>>[vector<16xi32>], vector<16xf32>,
      %parallel_loop3A_78 = arith.constant 16 : i32
      %parallel_loop3A_79 = arith.muli %parallel_loop3A_45, %parallel_loop3A_78 : i32
      %parallel_loop3A_80 = arith.constant 32 : i32
      %parallel_loop3A_81 = arith.index_cast %parallel_loop3A_80 : i32 to index
      %parallel_loop3A_82 = arith.index_cast %parallel_loop3A_79 : i32 to index
      %parallel_loop3A_83 = tpu.vector_load %arg12[%parallel_loop3A_81, %parallel_loop3A_82] {strides = array<i32>} : memref<64x128xf32, #tpu.memory_space<vmem>>, vector<16xf32>,
      tpu.vector_store %arg12[%parallel_loop3A_81, %parallel_loop3A_82], %parallel_loop3A_77 {strides = array<i32>} : memref<64x128xf32, #tpu.memory_space<vmem>>, vector<16xf32>,
      %parallel_loop3A_84 = arith.constant 1 : i32
      %parallel_loop3A_85 = vector.broadcast %parallel_loop3A_84 : i32 to vector<16xi32>
      %parallel_loop3A_86 = arith.addi %parallel_loop3A_55, %parallel_loop3A_85 : vector<16xi32>
      %parallel_loop3A_87 = tpu.vector_load_idx %arg7[%parallel_loop3A_86] : memref<33000xf32, #tpu.memory_space<vmem>>[vector<16xi32>], vector<16xf32>,
      %parallel_loop3A_88 = arith.constant 16 : i32
      %parallel_loop3A_89 = arith.muli %parallel_loop3A_45, %parallel_loop3A_88 : i32
      %parallel_loop3A_90 = arith.constant 1 : i32
      %parallel_loop3A_91 = arith.index_cast %parallel_loop3A_90 : i32 to index
      %parallel_loop3A_92 = arith.index_cast %parallel_loop3A_89 : i32 to index
      %parallel_loop3A_93 = tpu.vector_load %arg12[%parallel_loop3A_91, %parallel_loop3A_92] {strides = array<i32>} : memref<64x128xf32, #tpu.memory_space<vmem>>, vector<16xf32>,
      tpu.vector_store %arg12[%parallel_loop3A_91, %parallel_loop3A_92], %parallel_loop3A_87 {strides = array<i32>} : memref<64x128xf32, #tpu.memory_space<vmem>>, vector<16xf32>,
      %parallel_loop3A_94 = arith.constant 1 : i32
      %parallel_loop3A_95 = vector.broadcast %parallel_loop3A_94 : i32 to vector<16xi32>
      %parallel_loop3A_96 = arith.addi %parallel_loop3A_63, %parallel_loop3A_95 : vector<16xi32>
      %parallel_loop3A_97 = tpu.vector_load_idx %arg8[%parallel_loop3A_96] : memref<8448xf32, #tpu.memory_space<vmem>>[vector<16xi32>], vector<16xf32>,
      %parallel_loop3A_98 = arith.constant 16 : i32
      %parallel_loop3A_99 = arith.muli %parallel_loop3A_45, %parallel_loop3A_98 : i32
      %parallel_loop3A_100 = arith.constant 33 : i32
      %parallel_loop3A_101 = arith.index_cast %parallel_loop3A_100 : i32 to index
      %parallel_loop3A_102 = arith.index_cast %parallel_loop3A_99 : i32 to index
      %parallel_loop3A_103 = tpu.vector_load %arg12[%parallel_loop3A_101, %parallel_loop3A_102] {strides = array<i32>} : memref<64x128xf32, #tpu.memory_space<vmem>>, vector<16xf32>,
      tpu.vector_store %arg12[%parallel_loop3A_101, %parallel_loop3A_102], %parallel_loop3A_97 {strides = array<i32>} : memref<64x128xf32, #tpu.memory_space<vmem>>, vector<16xf32>,
      %parallel_loop3A_104 = arith.constant 2 : i32
      %parallel_loop3A_105 = vector.broadcast %parallel_loop3A_104 : i32 to vector<16xi32>
      %parallel_loop3A_106 = arith.addi %parallel_loop3A_55, %parallel_loop3A_105 : vector<16xi32>
      %parallel_loop3A_107 = tpu.vector_load_idx %arg7[%parallel_loop3A_106] : memref<33000xf32, #tpu.memory_space<vmem>>[vector<16xi32>], vector<16xf32>,
      %parallel_loop3A_108 = arith.constant 16 : i32
      %parallel_loop3A_109 = arith.muli %parallel_loop3A_45, %parallel_loop3A_108 : i32
      %parallel_loop3A_110 = arith.constant 2 : i32
      %parallel_loop3A_111 = arith.index_cast %parallel_loop3A_110 : i32 to index
      %parallel_loop3A_112 = arith.index_cast %parallel_loop3A_109 : i32 to index
      %parallel_loop3A_113 = tpu.vector_load %arg12[%parallel_loop3A_111, %parallel_loop3A_112] {strides = array<i32>} : memref<64x128xf32, #tpu.memory_space<vmem>>, vector<16xf32>,
      tpu.vector_store %arg12[%parallel_loop3A_111, %parallel_loop3A_112], %parallel_loop3A_107 {strides = array<i32>} : memref<64x128xf32, #tpu.memory_space<vmem>>, vector<16xf32>,
      %parallel_loop3A_114 = arith.constant 2 : i32
      %parallel_loop3A_115 = vector.broadcast %parallel_loop3A_114 : i32 to vector<16xi32>
      %parallel_loop3A_116 = arith.addi %parallel_loop3A_63, %parallel_loop3A_115 : vector<16xi32>
      %parallel_loop3A_117 = tpu.vector_load_idx %arg8[%parallel_loop3A_116] : memref<8448xf32, #tpu.memory_space<vmem>>[vector<16xi32>], vector<16xf32>,
      %parallel_loop3A_118 = arith.constant 16 : i32
      %parallel_loop3A_119 = arith.muli %parallel_loop3A_45, %parallel_loop3A_118 : i32
      %parallel_loop3A_120 = arith.constant 34 : i32
      %parallel_loop3A_121 = arith.index_cast %parallel_loop3A_120 : i32 to index
      %parallel_loop3A_122 = arith.index_cast %parallel_loop3A_119 : i32 to index
      %parallel_loop3A_123 = tpu.vector_load %arg12[%parallel_loop3A_121, %parallel_loop3A_122] {strides = array<i32>} : memref<64x128xf32, #tpu.memory_space<vmem>>, vector<16xf32>,
      tpu.vector_store %arg12[%parallel_loop3A_121, %parallel_loop3A_122], %parallel_loop3A_117 {strides = array<i32>} : memref<64x128xf32, #tpu.memory_space<vmem>>, vector<16xf32>,
      %parallel_loop3A_124 = arith.constant 3 : i32
      %parallel_loop3A_125 = vector.broadcast %parallel_loop3A_124 : i32 to vector<16xi32>
      %parallel_loop3A_126 = arith.addi %parallel_loop3A_55, %parallel_loop3A_125 : vector<16xi32>
      %parallel_loop3A_127 = tpu.vector_load_idx %arg7[%parallel_loop3A_126] : memref<33000xf32, #tpu.memory_space<vmem>>[vector<16xi32>], vector<16xf32>,
      %parallel_loop3A_128 = arith.constant 16 : i32
      %parallel_loop3A_129 = arith.muli %parallel_loop3A_45, %parallel_loop3A_128 : i32
      %parallel_loop3A_130 = arith.constant 3 : i32
      %parallel_loop3A_131 = arith.index_cast %parallel_loop3A_130 : i32 to index
      %parallel_loop3A_132 = arith.index_cast %parallel_loop3A_129 : i32 to index
      %parallel_loop3A_133 = tpu.vector_load %arg12[%parallel_loop3A_131, %parallel_loop3A_132] {strides = array<i32>} : memref<64x128xf32, #tpu.memory_space<vmem>>, vector<16xf32>,
      tpu.vector_store %arg12[%parallel_loop3A_131, %parallel_loop3A_132], %parallel_loop3A_127 {strides = array<i32>} : memref<64x128xf32, #tpu.memory_space<vmem>>, vector<16xf32>,
      %parallel_loop3A_134 = arith.constant 3 : i32
      %parallel_loop3A_135 = vector.broadcast %parallel_loop3A_134 : i32 to vector<16xi32>
      %parallel_loop3A_136 = arith.addi %parallel_loop3A_63, %parallel_loop3A_135 : vector<16xi32>
      %parallel_loop3A_137 = tpu.vector_load_idx %arg8[%parallel_loop3A_136] : memref<8448xf32, #tpu.memory_space<vmem>>[vector<16xi32>], vector<16xf32>,
      %parallel_loop3A_138 = arith.constant 16 : i32
      %parallel_loop3A_139 = arith.muli %parallel_loop3A_45, %parallel_loop3A_138 : i32
      %parallel_loop3A_140 = arith.constant 35 : i32
      %parallel_loop3A_141 = arith.index_cast %parallel_loop3A_140 : i32 to index
      %parallel_loop3A_142 = arith.index_cast %parallel_loop3A_139 : i32 to index
      %parallel_loop3A_143 = tpu.vector_load %arg12[%parallel_loop3A_141, %parallel_loop3A_142] {strides = array<i32>} : memref<64x128xf32, #tpu.memory_space<vmem>>, vector<16xf32>,
      tpu.vector_store %arg12[%parallel_loop3A_141, %parallel_loop3A_142], %parallel_loop3A_137 {strides = array<i32>} : memref<64x128xf32, #tpu.memory_space<vmem>>, vector<16xf32>,
      %parallel_loop3A_144 = arith.constant 4 : i32
      %parallel_loop3A_145 = vector.broadcast %parallel_loop3A_144 : i32 to vector<16xi32>
      %parallel_loop3A_146 = arith.addi %parallel_loop3A_55, %parallel_loop3A_145 : vector<16xi32>
      %parallel_loop3A_147 = tpu.vector_load_idx %arg7[%parallel_loop3A_146] : memref<33000xf32, #tpu.memory_space<vmem>>[vector<16xi32>], vector<16xf32>,
      %parallel_loop3A_148 = arith.constant 16 : i32
      %parallel_loop3A_149 = arith.muli %parallel_loop3A_45, %parallel_loop3A_148 : i32
      %parallel_loop3A_150 = arith.constant 4 : i32
      %parallel_loop3A_151 = arith.index_cast %parallel_loop3A_150 : i32 to index
      %parallel_loop3A_152 = arith.index_cast %parallel_loop3A_149 : i32 to index
      %parallel_loop3A_153 = tpu.vector_load %arg12[%parallel_loop3A_151, %parallel_loop3A_152] {strides = array<i32>} : memref<64x128xf32, #tpu.memory_space<vmem>>, vector<16xf32>,
      tpu.vector_store %arg12[%parallel_loop3A_151, %parallel_loop3A_152], %parallel_loop3A_147 {strides = array<i32>} : memref<64x128xf32, #tpu.memory_space<vmem>>, vector<16xf32>,
      %parallel_loop3A_154 = arith.constant 4 : i32
      %parallel_loop3A_155 = vector.broadcast %parallel_loop3A_154 : i32 to vector<16xi32>
      %parallel_loop3A_156 = arith.addi %parallel_loop3A_63, %parallel_loop3A_155 : vector<16xi32>
      %parallel_loop3A_157 = tpu.vector_load_idx %arg8[%parallel_loop3A_156] : memref<8448xf32, #tpu.memory_space<vmem>>[vector<16xi32>], vector<16xf32>,
      %parallel_loop3A_158 = arith.constant 16 : i32
      %parallel_loop3A_159 = arith.muli %parallel_loop3A_45, %parallel_loop3A_158 : i32
      %parallel_loop3A_160 = arith.constant 36 : i32
      %parallel_loop3A_161 = arith.index_cast %parallel_loop3A_160 : i32 to index
      %parallel_loop3A_162 = arith.index_cast %parallel_loop3A_159 : i32 to index
      %parallel_loop3A_163 = tpu.vector_load %arg12[%parallel_loop3A_161, %parallel_loop3A_162] {strides = array<i32>} : memref<64x128xf32, #tpu.memory_space<vmem>>, vector<16xf32>,
      tpu.vector_store %arg12[%parallel_loop3A_161, %parallel_loop3A_162], %parallel_loop3A_157 {strides = array<i32>} : memref<64x128xf32, #tpu.memory_space<vmem>>, vector<16xf32>,
      %parallel_loop3A_164 = arith.constant 5 : i32
      %parallel_loop3A_165 = vector.broadcast %parallel_loop3A_164 : i32 to vector<16xi32>
      %parallel_loop3A_166 = arith.addi %parallel_loop3A_55, %parallel_loop3A_165 : vector<16xi32>
      %parallel_loop3A_167 = tpu.vector_load_idx %arg7[%parallel_loop3A_166] : memref<33000xf32, #tpu.memory_space<vmem>>[vector<16xi32>], vector<16xf32>,
      %parallel_loop3A_168 = arith.constant 16 : i32
      %parallel_loop3A_169 = arith.muli %parallel_loop3A_45, %parallel_loop3A_168 : i32
      %parallel_loop3A_170 = arith.constant 5 : i32
      %parallel_loop3A_171 = arith.index_cast %parallel_loop3A_170 : i32 to index
      %parallel_loop3A_172 = arith.index_cast %parallel_loop3A_169 : i32 to index
      %parallel_loop3A_173 = tpu.vector_load %arg12[%parallel_loop3A_171, %parallel_loop3A_172] {strides = array<i32>} : memref<64x128xf32, #tpu.memory_space<vmem>>, vector<16xf32>,
      tpu.vector_store %arg12[%parallel_loop3A_171, %parallel_loop3A_172], %parallel_loop3A_167 {strides = array<i32>} : memref<64x128xf32, #tpu.memory_space<vmem>>, vector<16xf32>,
      %parallel_loop3A_174 = arith.constant 5 : i32
      %parallel_loop3A_175 = vector.broadcast %parallel_loop3A_174 : i32 to vector<16xi32>
      %parallel_loop3A_176 = arith.addi %parallel_loop3A_63, %parallel_loop3A_175 : vector<16xi32>
      %parallel_loop3A_177 = tpu.vector_load_idx %arg8[%parallel_loop3A_176] : memref<8448xf32, #tpu.memory_space<vmem>>[vector<16xi32>], vector<16xf32>,
      %parallel_loop3A_178 = arith.constant 16 : i32
      %parallel_loop3A_179 = arith.muli %parallel_loop3A_45, %parallel_loop3A_178 : i32
      %parallel_loop3A_180 = arith.constant 37 : i32
      %parallel_loop3A_181 = arith.index_cast %parallel_loop3A_180 : i32 to index
      %parallel_loop3A_182 = arith.index_cast %parallel_loop3A_179 : i32 to index
      %parallel_loop3A_183 = tpu.vector_load %arg12[%parallel_loop3A_181, %parallel_loop3A_182] {strides = array<i32>} : memref<64x128xf32, #tpu.memory_space<vmem>>, vector<16xf32>,
      tpu.vector_store %arg12[%parallel_loop3A_181, %parallel_loop3A_182], %parallel_loop3A_177 {strides = array<i32>} : memref<64x128xf32, #tpu.memory_space<vmem>>, vector<16xf32>,
      %parallel_loop3A_184 = arith.constant 6 : i32
      %parallel_loop3A_185 = vector.broadcast %parallel_loop3A_184 : i32 to vector<16xi32>
      %parallel_loop3A_186 = arith.addi %parallel_loop3A_55, %parallel_loop3A_185 : vector<16xi32>
      %parallel_loop3A_187 = tpu.vector_load_idx %arg7[%parallel_loop3A_186] : memref<33000xf32, #tpu.memory_space<vmem>>[vector<16xi32>], vector<16xf32>,
      %parallel_loop3A_188 = arith.constant 16 : i32
      %parallel_loop3A_189 = arith.muli %parallel_loop3A_45, %parallel_loop3A_188 : i32
      %parallel_loop3A_190 = arith.constant 6 : i32
      %parallel_loop3A_191 = arith.index_cast %parallel_loop3A_190 : i32 to index
      %parallel_loop3A_192 = arith.index_cast %parallel_loop3A_189 : i32 to index
      %parallel_loop3A_193 = tpu.vector_load %arg12[%parallel_loop3A_191, %parallel_loop3A_192] {strides = array<i32>} : memref<64x128xf32, #tpu.memory_space<vmem>>, vector<16xf32>,
      tpu.vector_store %arg12[%parallel_loop3A_191, %parallel_loop3A_192], %parallel_loop3A_187 {strides = array<i32>} : memref<64x128xf32, #tpu.memory_space<vmem>>, vector<16xf32>,
      %parallel_loop3A_194 = arith.constant 6 : i32
      %parallel_loop3A_195 = vector.broadcast %parallel_loop3A_194 : i32 to vector<16xi32>
      %parallel_loop3A_196 = arith.addi %parallel_loop3A_63, %parallel_loop3A_195 : vector<16xi32>
      %parallel_loop3A_197 = tpu.vector_load_idx %arg8[%parallel_loop3A_196] : memref<8448xf32, #tpu.memory_space<vmem>>[vector<16xi32>], vector<16xf32>,
      %parallel_loop3A_198 = arith.constant 16 : i32
      %parallel_loop3A_199 = arith.muli %parallel_loop3A_45, %parallel_loop3A_198 : i32
      %parallel_loop3A_200 = arith.constant 38 : i32
      %parallel_loop3A_201 = arith.index_cast %parallel_loop3A_200 : i32 to index
      %parallel_loop3A_202 = arith.index_cast %parallel_loop3A_199 : i32 to index
      %parallel_loop3A_203 = tpu.vector_load %arg12[%parallel_loop3A_201, %parallel_loop3A_202] {strides = array<i32>} : memref<64x128xf32, #tpu.memory_space<vmem>>, vector<16xf32>,
      tpu.vector_store %arg12[%parallel_loop3A_201, %parallel_loop3A_202], %parallel_loop3A_197 {strides = array<i32>} : memref<64x128xf32, #tpu.memory_space<vmem>>, vector<16xf32>,
      %parallel_loop3A_204 = arith.constant 7 : i32
      %parallel_loop3A_205 = vector.broadcast %parallel_loop3A_204 : i32 to vector<16xi32>
      %parallel_loop3A_206 = arith.addi %parallel_loop3A_55, %parallel_loop3A_205 : vector<16xi32>
      %parallel_loop3A_207 = tpu.vector_load_idx %arg7[%parallel_loop3A_206] : memref<33000xf32, #tpu.memory_space<vmem>>[vector<16xi32>], vector<16xf32>,
      %parallel_loop3A_208 = arith.constant 16 : i32
      %parallel_loop3A_209 = arith.muli %parallel_loop3A_45, %parallel_loop3A_208 : i32
      %parallel_loop3A_210 = arith.constant 7 : i32
      %parallel_loop3A_211 = arith.index_cast %parallel_loop3A_210 : i32 to index
      %parallel_loop3A_212 = arith.index_cast %parallel_loop3A_209 : i32 to index
      %parallel_loop3A_213 = tpu.vector_load %arg12[%parallel_loop3A_211, %parallel_loop3A_212] {strides = array<i32>} : memref<64x128xf32, #tpu.memory_space<vmem>>, vector<16xf32>,
      tpu.vector_store %arg12[%parallel_loop3A_211, %parallel_loop3A_212], %parallel_loop3A_207 {strides = array<i32>} : memref<64x128xf32, #tpu.memory_space<vmem>>, vector<16xf32>,
      %parallel_loop3A_214 = arith.constant 7 : i32
      %parallel_loop3A_215 = vector.broadcast %parallel_loop3A_214 : i32 to vector<16xi32>
      %parallel_loop3A_216 = arith.addi %parallel_loop3A_63, %parallel_loop3A_215 : vector<16xi32>
      %parallel_loop3A_217 = tpu.vector_load_idx %arg8[%parallel_loop3A_216] : memref<8448xf32, #tpu.memory_space<vmem>>[vector<16xi32>], vector<16xf32>,
      %parallel_loop3A_218 = arith.constant 16 : i32
      %parallel_loop3A_219 = arith.muli %parallel_loop3A_45, %parallel_loop3A_218 : i32
      %parallel_loop3A_220 = arith.constant 39 : i32
      %parallel_loop3A_221 = arith.index_cast %parallel_loop3A_220 : i32 to index
      %parallel_loop3A_222 = arith.index_cast %parallel_loop3A_219 : i32 to index
      %parallel_loop3A_223 = tpu.vector_load %arg12[%parallel_loop3A_221, %parallel_loop3A_222] {strides = array<i32>} : memref<64x128xf32, #tpu.memory_space<vmem>>, vector<16xf32>,
      tpu.vector_store %arg12[%parallel_loop3A_221, %parallel_loop3A_222], %parallel_loop3A_217 {strides = array<i32>} : memref<64x128xf32, #tpu.memory_space<vmem>>, vector<16xf32>,
      %parallel_loop3A_224 = arith.constant 8 : i32
      %parallel_loop3A_225 = vector.broadcast %parallel_loop3A_224 : i32 to vector<16xi32>
      %parallel_loop3A_226 = arith.addi %parallel_loop3A_55, %parallel_loop3A_225 : vector<16xi32>
      %parallel_loop3A_227 = tpu.vector_load_idx %arg7[%parallel_loop3A_226] : memref<33000xf32, #tpu.memory_space<vmem>>[vector<16xi32>], vector<16xf32>,
      %parallel_loop3A_228 = arith.constant 16 : i32
      %parallel_loop3A_229 = arith.muli %parallel_loop3A_45, %parallel_loop3A_228 : i32
      %parallel_loop3A_230 = arith.constant 8 : i32
      %parallel_loop3A_231 = arith.index_cast %parallel_loop3A_230 : i32 to index
      %parallel_loop3A_232 = arith.index_cast %parallel_loop3A_229 : i32 to index
      %parallel_loop3A_233 = tpu.vector_load %arg12[%parallel_loop3A_231, %parallel_loop3A_232] {strides = array<i32>} : memref<64x128xf32, #tpu.memory_space<vmem>>, vector<16xf32>,
      tpu.vector_store %arg12[%parallel_loop3A_231, %parallel_loop3A_232], %parallel_loop3A_227 {strides = array<i32>} : memref<64x128xf32, #tpu.memory_space<vmem>>, vector<16xf32>,
      %parallel_loop3A_234 = arith.constant 8 : i32
      %parallel_loop3A_235 = vector.broadcast %parallel_loop3A_234 : i32 to vector<16xi32>
      %parallel_loop3A_236 = arith.addi %parallel_loop3A_63, %parallel_loop3A_235 : vector<16xi32>
      %parallel_loop3A_237 = tpu.vector_load_idx %arg8[%parallel_loop3A_236] : memref<8448xf32, #tpu.memory_space<vmem>>[vector<16xi32>], vector<16xf32>,
      %parallel_loop3A_238 = arith.constant 16 : i32
      %parallel_loop3A_239 = arith.muli %parallel_loop3A_45, %parallel_loop3A_238 : i32
      %parallel_loop3A_240 = arith.constant 40 : i32
      %parallel_loop3A_241 = arith.index_cast %parallel_loop3A_240 : i32 to index
      %parallel_loop3A_242 = arith.index_cast %parallel_loop3A_239 : i32 to index
      %parallel_loop3A_243 = tpu.vector_load %arg12[%parallel_loop3A_241, %parallel_loop3A_242] {strides = array<i32>} : memref<64x128xf32, #tpu.memory_space<vmem>>, vector<16xf32>,
      tpu.vector_store %arg12[%parallel_loop3A_241, %parallel_loop3A_242], %parallel_loop3A_237 {strides = array<i32>} : memref<64x128xf32, #tpu.memory_space<vmem>>, vector<16xf32>,
      %parallel_loop3A_244 = arith.constant 9 : i32
      %parallel_loop3A_245 = vector.broadcast %parallel_loop3A_244 : i32 to vector<16xi32>
      %parallel_loop3A_246 = arith.addi %parallel_loop3A_55, %parallel_loop3A_245 : vector<16xi32>
      %parallel_loop3A_247 = tpu.vector_load_idx %arg7[%parallel_loop3A_246] : memref<33000xf32, #tpu.memory_space<vmem>>[vector<16xi32>], vector<16xf32>,
      %parallel_loop3A_248 = arith.constant 16 : i32
      %parallel_loop3A_249 = arith.muli %parallel_loop3A_45, %parallel_loop3A_248 : i32
      %parallel_loop3A_250 = arith.constant 9 : i32
      %parallel_loop3A_251 = arith.index_cast %parallel_loop3A_250 : i32 to index
      %parallel_loop3A_252 = arith.index_cast %parallel_loop3A_249 : i32 to index
      %parallel_loop3A_253 = tpu.vector_load %arg12[%parallel_loop3A_251, %parallel_loop3A_252] {strides = array<i32>} : memref<64x128xf32, #tpu.memory_space<vmem>>, vector<16xf32>,
      tpu.vector_store %arg12[%parallel_loop3A_251, %parallel_loop3A_252], %parallel_loop3A_247 {strides = array<i32>} : memref<64x128xf32, #tpu.memory_space<vmem>>, vector<16xf32>,
      %parallel_loop3A_254 = arith.constant 9 : i32
      %parallel_loop3A_255 = vector.broadcast %parallel_loop3A_254 : i32 to vector<16xi32>
      %parallel_loop3A_256 = arith.addi %parallel_loop3A_63, %parallel_loop3A_255 : vector<16xi32>
      %parallel_loop3A_257 = tpu.vector_load_idx %arg8[%parallel_loop3A_256] : memref<8448xf32, #tpu.memory_space<vmem>>[vector<16xi32>], vector<16xf32>,
      %parallel_loop3A_258 = arith.constant 16 : i32
      %parallel_loop3A_259 = arith.muli %parallel_loop3A_45, %parallel_loop3A_258 : i32
      %parallel_loop3A_260 = arith.constant 41 : i32
      %parallel_loop3A_261 = arith.index_cast %parallel_loop3A_260 : i32 to index
      %parallel_loop3A_262 = arith.index_cast %parallel_loop3A_259 : i32 to index
      %parallel_loop3A_263 = tpu.vector_load %arg12[%parallel_loop3A_261, %parallel_loop3A_262] {strides = array<i32>} : memref<64x128xf32, #tpu.memory_space<vmem>>, vector<16xf32>,
      tpu.vector_store %arg12[%parallel_loop3A_261, %parallel_loop3A_262], %parallel_loop3A_257 {strides = array<i32>} : memref<64x128xf32, #tpu.memory_space<vmem>>, vector<16xf32>,
      %parallel_loop3A_264 = arith.constant 10 : i32
      %parallel_loop3A_265 = vector.broadcast %parallel_loop3A_264 : i32 to vector<16xi32>
      %parallel_loop3A_266 = arith.addi %parallel_loop3A_55, %parallel_loop3A_265 : vector<16xi32>
      %parallel_loop3A_267 = tpu.vector_load_idx %arg7[%parallel_loop3A_266] : memref<33000xf32, #tpu.memory_space<vmem>>[vector<16xi32>], vector<16xf32>,
      %parallel_loop3A_268 = arith.constant 16 : i32
      %parallel_loop3A_269 = arith.muli %parallel_loop3A_45, %parallel_loop3A_268 : i32
      %parallel_loop3A_270 = arith.constant 10 : i32
      %parallel_loop3A_271 = arith.index_cast %parallel_loop3A_270 : i32 to index
      %parallel_loop3A_272 = arith.index_cast %parallel_loop3A_269 : i32 to index
      %parallel_loop3A_273 = tpu.vector_load %arg12[%parallel_loop3A_271, %parallel_loop3A_272] {strides = array<i32>} : memref<64x128xf32, #tpu.memory_space<vmem>>, vector<16xf32>,
      tpu.vector_store %arg12[%parallel_loop3A_271, %parallel_loop3A_272], %parallel_loop3A_267 {strides = array<i32>} : memref<64x128xf32, #tpu.memory_space<vmem>>, vector<16xf32>,
      %parallel_loop3A_274 = arith.constant 10 : i32
      %parallel_loop3A_275 = vector.broadcast %parallel_loop3A_274 : i32 to vector<16xi32>
      %parallel_loop3A_276 = arith.addi %parallel_loop3A_63, %parallel_loop3A_275 : vector<16xi32>
      %parallel_loop3A_277 = tpu.vector_load_idx %arg8[%parallel_loop3A_276] : memref<8448xf32, #tpu.memory_space<vmem>>[vector<16xi32>], vector<16xf32>,
      %parallel_loop3A_278 = arith.constant 16 : i32
      %parallel_loop3A_279 = arith.muli %parallel_loop3A_45, %parallel_loop3A_278 : i32
      %parallel_loop3A_280 = arith.constant 42 : i32
      %parallel_loop3A_281 = arith.index_cast %parallel_loop3A_280 : i32 to index
      %parallel_loop3A_282 = arith.index_cast %parallel_loop3A_279 : i32 to index
      %parallel_loop3A_283 = tpu.vector_load %arg12[%parallel_loop3A_281, %parallel_loop3A_282] {strides = array<i32>} : memref<64x128xf32, #tpu.memory_space<vmem>>, vector<16xf32>,
      tpu.vector_store %arg12[%parallel_loop3A_281, %parallel_loop3A_282], %parallel_loop3A_277 {strides = array<i32>} : memref<64x128xf32, #tpu.memory_space<vmem>>, vector<16xf32>,
      %parallel_loop3A_284 = arith.constant 11 : i32
      %parallel_loop3A_285 = vector.broadcast %parallel_loop3A_284 : i32 to vector<16xi32>
      %parallel_loop3A_286 = arith.addi %parallel_loop3A_55, %parallel_loop3A_285 : vector<16xi32>
      %parallel_loop3A_287 = tpu.vector_load_idx %arg7[%parallel_loop3A_286] : memref<33000xf32, #tpu.memory_space<vmem>>[vector<16xi32>], vector<16xf32>,
      %parallel_loop3A_288 = arith.constant 16 : i32
      %parallel_loop3A_289 = arith.muli %parallel_loop3A_45, %parallel_loop3A_288 : i32
      %parallel_loop3A_290 = arith.constant 11 : i32
      %parallel_loop3A_291 = arith.index_cast %parallel_loop3A_290 : i32 to index
      %parallel_loop3A_292 = arith.index_cast %parallel_loop3A_289 : i32 to index
      %parallel_loop3A_293 = tpu.vector_load %arg12[%parallel_loop3A_291, %parallel_loop3A_292] {strides = array<i32>} : memref<64x128xf32, #tpu.memory_space<vmem>>, vector<16xf32>,
      tpu.vector_store %arg12[%parallel_loop3A_291, %parallel_loop3A_292], %parallel_loop3A_287 {strides = array<i32>} : memref<64x128xf32, #tpu.memory_space<vmem>>, vector<16xf32>,
      %parallel_loop3A_294 = arith.constant 11 : i32
      %parallel_loop3A_295 = vector.broadcast %parallel_loop3A_294 : i32 to vector<16xi32>
      %parallel_loop3A_296 = arith.addi %parallel_loop3A_63, %parallel_loop3A_295 : vector<16xi32>
      %parallel_loop3A_297 = tpu.vector_load_idx %arg8[%parallel_loop3A_296] : memref<8448xf32, #tpu.memory_space<vmem>>[vector<16xi32>], vector<16xf32>,
      %parallel_loop3A_298 = arith.constant 16 : i32
      %parallel_loop3A_299 = arith.muli %parallel_loop3A_45, %parallel_loop3A_298 : i32
      %parallel_loop3A_300 = arith.constant 43 : i32
      %parallel_loop3A_301 = arith.index_cast %parallel_loop3A_300 : i32 to index
      %parallel_loop3A_302 = arith.index_cast %parallel_loop3A_299 : i32 to index
      %parallel_loop3A_303 = tpu.vector_load %arg12[%parallel_loop3A_301, %parallel_loop3A_302] {strides = array<i32>} : memref<64x128xf32, #tpu.memory_space<vmem>>, vector<16xf32>,
      tpu.vector_store %arg12[%parallel_loop3A_301, %parallel_loop3A_302], %parallel_loop3A_297 {strides = array<i32>} : memref<64x128xf32, #tpu.memory_space<vmem>>, vector<16xf32>,
      %parallel_loop3A_304 = arith.constant 12 : i32
      %parallel_loop3A_305 = vector.broadcast %parallel_loop3A_304 : i32 to vector<16xi32>
      %parallel_loop3A_306 = arith.addi %parallel_loop3A_55, %parallel_loop3A_305 : vector<16xi32>
      %parallel_loop3A_307 = tpu.vector_load_idx %arg7[%parallel_loop3A_306] : memref<33000xf32, #tpu.memory_space<vmem>>[vector<16xi32>], vector<16xf32>,
      %parallel_loop3A_308 = arith.constant 16 : i32
      %parallel_loop3A_309 = arith.muli %parallel_loop3A_45, %parallel_loop3A_308 : i32
      %parallel_loop3A_310 = arith.constant 12 : i32
      %parallel_loop3A_311 = arith.index_cast %parallel_loop3A_310 : i32 to index
      %parallel_loop3A_312 = arith.index_cast %parallel_loop3A_309 : i32 to index
      %parallel_loop3A_313 = tpu.vector_load %arg12[%parallel_loop3A_311, %parallel_loop3A_312] {strides = array<i32>} : memref<64x128xf32, #tpu.memory_space<vmem>>, vector<16xf32>,
      tpu.vector_store %arg12[%parallel_loop3A_311, %parallel_loop3A_312], %parallel_loop3A_307 {strides = array<i32>} : memref<64x128xf32, #tpu.memory_space<vmem>>, vector<16xf32>,
      %parallel_loop3A_314 = arith.constant 12 : i32
      %parallel_loop3A_315 = vector.broadcast %parallel_loop3A_314 : i32 to vector<16xi32>
      %parallel_loop3A_316 = arith.addi %parallel_loop3A_63, %parallel_loop3A_315 : vector<16xi32>
      %parallel_loop3A_317 = tpu.vector_load_idx %arg8[%parallel_loop3A_316] : memref<8448xf32, #tpu.memory_space<vmem>>[vector<16xi32>], vector<16xf32>,
      %parallel_loop3A_318 = arith.constant 16 : i32
      %parallel_loop3A_319 = arith.muli %parallel_loop3A_45, %parallel_loop3A_318 : i32
      %parallel_loop3A_320 = arith.constant 44 : i32
      %parallel_loop3A_321 = arith.index_cast %parallel_loop3A_320 : i32 to index
      %parallel_loop3A_322 = arith.index_cast %parallel_loop3A_319 : i32 to index
      %parallel_loop3A_323 = tpu.vector_load %arg12[%parallel_loop3A_321, %parallel_loop3A_322] {strides = array<i32>} : memref<64x128xf32, #tpu.memory_space<vmem>>, vector<16xf32>,
      tpu.vector_store %arg12[%parallel_loop3A_321, %parallel_loop3A_322], %parallel_loop3A_317 {strides = array<i32>} : memref<64x128xf32, #tpu.memory_space<vmem>>, vector<16xf32>,
      %parallel_loop3A_324 = arith.constant 13 : i32
      %parallel_loop3A_325 = vector.broadcast %parallel_loop3A_324 : i32 to vector<16xi32>
      %parallel_loop3A_326 = arith.addi %parallel_loop3A_55, %parallel_loop3A_325 : vector<16xi32>
      %parallel_loop3A_327 = tpu.vector_load_idx %arg7[%parallel_loop3A_326] : memref<33000xf32, #tpu.memory_space<vmem>>[vector<16xi32>], vector<16xf32>,
      %parallel_loop3A_328 = arith.constant 16 : i32
      %parallel_loop3A_329 = arith.muli %parallel_loop3A_45, %parallel_loop3A_328 : i32
      %parallel_loop3A_330 = arith.constant 13 : i32
      %parallel_loop3A_331 = arith.index_cast %parallel_loop3A_330 : i32 to index
      %parallel_loop3A_332 = arith.index_cast %parallel_loop3A_329 : i32 to index
      %parallel_loop3A_333 = tpu.vector_load %arg12[%parallel_loop3A_331, %parallel_loop3A_332] {strides = array<i32>} : memref<64x128xf32, #tpu.memory_space<vmem>>, vector<16xf32>,
      tpu.vector_store %arg12[%parallel_loop3A_331, %parallel_loop3A_332], %parallel_loop3A_327 {strides = array<i32>} : memref<64x128xf32, #tpu.memory_space<vmem>>, vector<16xf32>,
      %parallel_loop3A_334 = arith.constant 13 : i32
      %parallel_loop3A_335 = vector.broadcast %parallel_loop3A_334 : i32 to vector<16xi32>
      %parallel_loop3A_336 = arith.addi %parallel_loop3A_63, %parallel_loop3A_335 : vector<16xi32>
      %parallel_loop3A_337 = tpu.vector_load_idx %arg8[%parallel_loop3A_336] : memref<8448xf32, #tpu.memory_space<vmem>>[vector<16xi32>], vector<16xf32>,
      %parallel_loop3A_338 = arith.constant 16 : i32
      %parallel_loop3A_339 = arith.muli %parallel_loop3A_45, %parallel_loop3A_338 : i32
      %parallel_loop3A_340 = arith.constant 45 : i32
      %parallel_loop3A_341 = arith.index_cast %parallel_loop3A_340 : i32 to index
      %parallel_loop3A_342 = arith.index_cast %parallel_loop3A_339 : i32 to index
      %parallel_loop3A_343 = tpu.vector_load %arg12[%parallel_loop3A_341, %parallel_loop3A_342] {strides = array<i32>} : memref<64x128xf32, #tpu.memory_space<vmem>>, vector<16xf32>,
      tpu.vector_store %arg12[%parallel_loop3A_341, %parallel_loop3A_342], %parallel_loop3A_337 {strides = array<i32>} : memref<64x128xf32, #tpu.memory_space<vmem>>, vector<16xf32>,
      %parallel_loop3A_344 = arith.constant 14 : i32
      %parallel_loop3A_345 = vector.broadcast %parallel_loop3A_344 : i32 to vector<16xi32>
      %parallel_loop3A_346 = arith.addi %parallel_loop3A_55, %parallel_loop3A_345 : vector<16xi32>
      %parallel_loop3A_347 = tpu.vector_load_idx %arg7[%parallel_loop3A_346] : memref<33000xf32, #tpu.memory_space<vmem>>[vector<16xi32>], vector<16xf32>,
      %parallel_loop3A_348 = arith.constant 16 : i32
      %parallel_loop3A_349 = arith.muli %parallel_loop3A_45, %parallel_loop3A_348 : i32
      %parallel_loop3A_350 = arith.constant 14 : i32
      %parallel_loop3A_351 = arith.index_cast %parallel_loop3A_350 : i32 to index
      %parallel_loop3A_352 = arith.index_cast %parallel_loop3A_349 : i32 to index
      %parallel_loop3A_353 = tpu.vector_load %arg12[%parallel_loop3A_351, %parallel_loop3A_352] {strides = array<i32>} : memref<64x128xf32, #tpu.memory_space<vmem>>, vector<16xf32>,
      tpu.vector_store %arg12[%parallel_loop3A_351, %parallel_loop3A_352], %parallel_loop3A_347 {strides = array<i32>} : memref<64x128xf32, #tpu.memory_space<vmem>>, vector<16xf32>,
      %parallel_loop3A_354 = arith.constant 14 : i32
      %parallel_loop3A_355 = vector.broadcast %parallel_loop3A_354 : i32 to vector<16xi32>
      %parallel_loop3A_356 = arith.addi %parallel_loop3A_63, %parallel_loop3A_355 : vector<16xi32>
      %parallel_loop3A_357 = tpu.vector_load_idx %arg8[%parallel_loop3A_356] : memref<8448xf32, #tpu.memory_space<vmem>>[vector<16xi32>], vector<16xf32>,
      %parallel_loop3A_358 = arith.constant 16 : i32
      %parallel_loop3A_359 = arith.muli %parallel_loop3A_45, %parallel_loop3A_358 : i32
      %parallel_loop3A_360 = arith.constant 46 : i32
      %parallel_loop3A_361 = arith.index_cast %parallel_loop3A_360 : i32 to index
      %parallel_loop3A_362 = arith.index_cast %parallel_loop3A_359 : i32 to index
      %parallel_loop3A_363 = tpu.vector_load %arg12[%parallel_loop3A_361, %parallel_loop3A_362] {strides = array<i32>} : memref<64x128xf32, #tpu.memory_space<vmem>>, vector<16xf32>,
      tpu.vector_store %arg12[%parallel_loop3A_361, %parallel_loop3A_362], %parallel_loop3A_357 {strides = array<i32>} : memref<64x128xf32, #tpu.memory_space<vmem>>, vector<16xf32>,
      %parallel_loop3A_364 = arith.constant 15 : i32
      %parallel_loop3A_365 = vector.broadcast %parallel_loop3A_364 : i32 to vector<16xi32>
      %parallel_loop3A_366 = arith.addi %parallel_loop3A_55, %parallel_loop3A_365 : vector<16xi32>
      %parallel_loop3A_367 = tpu.vector_load_idx %arg7[%parallel_loop3A_366] : memref<33000xf32, #tpu.memory_space<vmem>>[vector<16xi32>], vector<16xf32>,
      %parallel_loop3A_368 = arith.constant 16 : i32
      %parallel_loop3A_369 = arith.muli %parallel_loop3A_45, %parallel_loop3A_368 : i32
      %parallel_loop3A_370 = arith.constant 15 : i32
      %parallel_loop3A_371 = arith.index_cast %parallel_loop3A_370 : i32 to index
      %parallel_loop3A_372 = arith.index_cast %parallel_loop3A_369 : i32 to index
      %parallel_loop3A_373 = tpu.vector_load %arg12[%parallel_loop3A_371, %parallel_loop3A_372] {strides = array<i32>} : memref<64x128xf32, #tpu.memory_space<vmem>>, vector<16xf32>,
      tpu.vector_store %arg12[%parallel_loop3A_371, %parallel_loop3A_372], %parallel_loop3A_367 {strides = array<i32>} : memref<64x128xf32, #tpu.memory_space<vmem>>, vector<16xf32>,
      %parallel_loop3A_374 = arith.constant 15 : i32
      %parallel_loop3A_375 = vector.broadcast %parallel_loop3A_374 : i32 to vector<16xi32>
      %parallel_loop3A_376 = arith.addi %parallel_loop3A_63, %parallel_loop3A_375 : vector<16xi32>
      %parallel_loop3A_377 = tpu.vector_load_idx %arg8[%parallel_loop3A_376] : memref<8448xf32, #tpu.memory_space<vmem>>[vector<16xi32>], vector<16xf32>,
      %parallel_loop3A_378 = arith.constant 16 : i32
      %parallel_loop3A_379 = arith.muli %parallel_loop3A_45, %parallel_loop3A_378 : i32
      %parallel_loop3A_380 = arith.constant 47 : i32
      %parallel_loop3A_381 = arith.index_cast %parallel_loop3A_380 : i32 to index
      %parallel_loop3A_382 = arith.index_cast %parallel_loop3A_379 : i32 to index
      %parallel_loop3A_383 = tpu.vector_load %arg12[%parallel_loop3A_381, %parallel_loop3A_382] {strides = array<i32>} : memref<64x128xf32, #tpu.memory_space<vmem>>, vector<16xf32>,
      tpu.vector_store %arg12[%parallel_loop3A_381, %parallel_loop3A_382], %parallel_loop3A_377 {strides = array<i32>} : memref<64x128xf32, #tpu.memory_space<vmem>>, vector<16xf32>,
      %parallel_loop3A_384 = arith.constant 16 : i32
      %parallel_loop3A_385 = vector.broadcast %parallel_loop3A_384 : i32 to vector<16xi32>
      %parallel_loop3A_386 = arith.addi %parallel_loop3A_55, %parallel_loop3A_385 : vector<16xi32>
      %parallel_loop3A_387 = tpu.vector_load_idx %arg7[%parallel_loop3A_386] : memref<33000xf32, #tpu.memory_space<vmem>>[vector<16xi32>], vector<16xf32>,
      %parallel_loop3A_388 = arith.constant 16 : i32
      %parallel_loop3A_389 = arith.muli %parallel_loop3A_45, %parallel_loop3A_388 : i32
      %parallel_loop3A_390 = arith.constant 16 : i32
      %parallel_loop3A_391 = arith.index_cast %parallel_loop3A_390 : i32 to index
      %parallel_loop3A_392 = arith.index_cast %parallel_loop3A_389 : i32 to index
      %parallel_loop3A_393 = tpu.vector_load %arg12[%parallel_loop3A_391, %parallel_loop3A_392] {strides = array<i32>} : memref<64x128xf32, #tpu.memory_space<vmem>>, vector<16xf32>,
      tpu.vector_store %arg12[%parallel_loop3A_391, %parallel_loop3A_392], %parallel_loop3A_387 {strides = array<i32>} : memref<64x128xf32, #tpu.memory_space<vmem>>, vector<16xf32>,
      %parallel_loop3A_394 = arith.constant 16 : i32
      %parallel_loop3A_395 = vector.broadcast %parallel_loop3A_394 : i32 to vector<16xi32>
      %parallel_loop3A_396 = arith.addi %parallel_loop3A_63, %parallel_loop3A_395 : vector<16xi32>
      %parallel_loop3A_397 = tpu.vector_load_idx %arg8[%parallel_loop3A_396] : memref<8448xf32, #tpu.memory_space<vmem>>[vector<16xi32>], vector<16xf32>,
      %parallel_loop3A_398 = arith.constant 16 : i32
      %parallel_loop3A_399 = arith.muli %parallel_loop3A_45, %parallel_loop3A_398 : i32
      %parallel_loop3A_400 = arith.constant 48 : i32
      %parallel_loop3A_401 = arith.index_cast %parallel_loop3A_400 : i32 to index
      %parallel_loop3A_402 = arith.index_cast %parallel_loop3A_399 : i32 to index
      %parallel_loop3A_403 = tpu.vector_load %arg12[%parallel_loop3A_401, %parallel_loop3A_402] {strides = array<i32>} : memref<64x128xf32, #tpu.memory_space<vmem>>, vector<16xf32>,
      tpu.vector_store %arg12[%parallel_loop3A_401, %parallel_loop3A_402], %parallel_loop3A_397 {strides = array<i32>} : memref<64x128xf32, #tpu.memory_space<vmem>>, vector<16xf32>,
      %parallel_loop3A_404 = arith.constant 17 : i32
      %parallel_loop3A_405 = vector.broadcast %parallel_loop3A_404 : i32 to vector<16xi32>
      %parallel_loop3A_406 = arith.addi %parallel_loop3A_55, %parallel_loop3A_405 : vector<16xi32>
      %parallel_loop3A_407 = tpu.vector_load_idx %arg7[%parallel_loop3A_406] : memref<33000xf32, #tpu.memory_space<vmem>>[vector<16xi32>], vector<16xf32>,
      %parallel_loop3A_408 = arith.constant 16 : i32
      %parallel_loop3A_409 = arith.muli %parallel_loop3A_45, %parallel_loop3A_408 : i32
      %parallel_loop3A_410 = arith.constant 17 : i32
      %parallel_loop3A_411 = arith.index_cast %parallel_loop3A_410 : i32 to index
      %parallel_loop3A_412 = arith.index_cast %parallel_loop3A_409 : i32 to index
      %parallel_loop3A_413 = tpu.vector_load %arg12[%parallel_loop3A_411, %parallel_loop3A_412] {strides = array<i32>} : memref<64x128xf32, #tpu.memory_space<vmem>>, vector<16xf32>,
      tpu.vector_store %arg12[%parallel_loop3A_411, %parallel_loop3A_412], %parallel_loop3A_407 {strides = array<i32>} : memref<64x128xf32, #tpu.memory_space<vmem>>, vector<16xf32>,
      %parallel_loop3A_414 = arith.constant 17 : i32
      %parallel_loop3A_415 = vector.broadcast %parallel_loop3A_414 : i32 to vector<16xi32>
      %parallel_loop3A_416 = arith.addi %parallel_loop3A_63, %parallel_loop3A_415 : vector<16xi32>
      %parallel_loop3A_417 = tpu.vector_load_idx %arg8[%parallel_loop3A_416] : memref<8448xf32, #tpu.memory_space<vmem>>[vector<16xi32>], vector<16xf32>,
      %parallel_loop3A_418 = arith.constant 16 : i32
      %parallel_loop3A_419 = arith.muli %parallel_loop3A_45, %parallel_loop3A_418 : i32
      %parallel_loop3A_420 = arith.constant 49 : i32
      %parallel_loop3A_421 = arith.index_cast %parallel_loop3A_420 : i32 to index
      %parallel_loop3A_422 = arith.index_cast %parallel_loop3A_419 : i32 to index
      %parallel_loop3A_423 = tpu.vector_load %arg12[%parallel_loop3A_421, %parallel_loop3A_422] {strides = array<i32>} : memref<64x128xf32, #tpu.memory_space<vmem>>, vector<16xf32>,
      tpu.vector_store %arg12[%parallel_loop3A_421, %parallel_loop3A_422], %parallel_loop3A_417 {strides = array<i32>} : memref<64x128xf32, #tpu.memory_space<vmem>>, vector<16xf32>,
      %parallel_loop3A_424 = arith.constant 18 : i32
      %parallel_loop3A_425 = vector.broadcast %parallel_loop3A_424 : i32 to vector<16xi32>
      %parallel_loop3A_426 = arith.addi %parallel_loop3A_55, %parallel_loop3A_425 : vector<16xi32>
      %parallel_loop3A_427 = tpu.vector_load_idx %arg7[%parallel_loop3A_426] : memref<33000xf32, #tpu.memory_space<vmem>>[vector<16xi32>], vector<16xf32>,
      %parallel_loop3A_428 = arith.constant 16 : i32
      %parallel_loop3A_429 = arith.muli %parallel_loop3A_45, %parallel_loop3A_428 : i32
      %parallel_loop3A_430 = arith.constant 18 : i32
      %parallel_loop3A_431 = arith.index_cast %parallel_loop3A_430 : i32 to index
      %parallel_loop3A_432 = arith.index_cast %parallel_loop3A_429 : i32 to index
      %parallel_loop3A_433 = tpu.vector_load %arg12[%parallel_loop3A_431, %parallel_loop3A_432] {strides = array<i32>} : memref<64x128xf32, #tpu.memory_space<vmem>>, vector<16xf32>,
      tpu.vector_store %arg12[%parallel_loop3A_431, %parallel_loop3A_432], %parallel_loop3A_427 {strides = array<i32>} : memref<64x128xf32, #tpu.memory_space<vmem>>, vector<16xf32>,
      %parallel_loop3A_434 = arith.constant 18 : i32
      %parallel_loop3A_435 = vector.broadcast %parallel_loop3A_434 : i32 to vector<16xi32>
      %parallel_loop3A_436 = arith.addi %parallel_loop3A_63, %parallel_loop3A_435 : vector<16xi32>
      %parallel_loop3A_437 = tpu.vector_load_idx %arg8[%parallel_loop3A_436] : memref<8448xf32, #tpu.memory_space<vmem>>[vector<16xi32>], vector<16xf32>,
      %parallel_loop3A_438 = arith.constant 16 : i32
      %parallel_loop3A_439 = arith.muli %parallel_loop3A_45, %parallel_loop3A_438 : i32
      %parallel_loop3A_440 = arith.constant 50 : i32
      %parallel_loop3A_441 = arith.index_cast %parallel_loop3A_440 : i32 to index
      %parallel_loop3A_442 = arith.index_cast %parallel_loop3A_439 : i32 to index
      %parallel_loop3A_443 = tpu.vector_load %arg12[%parallel_loop3A_441, %parallel_loop3A_442] {strides = array<i32>} : memref<64x128xf32, #tpu.memory_space<vmem>>, vector<16xf32>,
      tpu.vector_store %arg12[%parallel_loop3A_441, %parallel_loop3A_442], %parallel_loop3A_437 {strides = array<i32>} : memref<64x128xf32, #tpu.memory_space<vmem>>, vector<16xf32>,
      %parallel_loop3A_444 = arith.constant 19 : i32
      %parallel_loop3A_445 = vector.broadcast %parallel_loop3A_444 : i32 to vector<16xi32>
      %parallel_loop3A_446 = arith.addi %parallel_loop3A_55, %parallel_loop3A_445 : vector<16xi32>
      %parallel_loop3A_447 = tpu.vector_load_idx %arg7[%parallel_loop3A_446] : memref<33000xf32, #tpu.memory_space<vmem>>[vector<16xi32>], vector<16xf32>,
      %parallel_loop3A_448 = arith.constant 16 : i32
      %parallel_loop3A_449 = arith.muli %parallel_loop3A_45, %parallel_loop3A_448 : i32
      %parallel_loop3A_450 = arith.constant 19 : i32
      %parallel_loop3A_451 = arith.index_cast %parallel_loop3A_450 : i32 to index
      %parallel_loop3A_452 = arith.index_cast %parallel_loop3A_449 : i32 to index
      %parallel_loop3A_453 = tpu.vector_load %arg12[%parallel_loop3A_451, %parallel_loop3A_452] {strides = array<i32>} : memref<64x128xf32, #tpu.memory_space<vmem>>, vector<16xf32>,
      tpu.vector_store %arg12[%parallel_loop3A_451, %parallel_loop3A_452], %parallel_loop3A_447 {strides = array<i32>} : memref<64x128xf32, #tpu.memory_space<vmem>>, vector<16xf32>,
      %parallel_loop3A_454 = arith.constant 19 : i32
      %parallel_loop3A_455 = vector.broadcast %parallel_loop3A_454 : i32 to vector<16xi32>
      %parallel_loop3A_456 = arith.addi %parallel_loop3A_63, %parallel_loop3A_455 : vector<16xi32>
      %parallel_loop3A_457 = tpu.vector_load_idx %arg8[%parallel_loop3A_456] : memref<8448xf32, #tpu.memory_space<vmem>>[vector<16xi32>], vector<16xf32>,
      %parallel_loop3A_458 = arith.constant 16 : i32
      %parallel_loop3A_459 = arith.muli %parallel_loop3A_45, %parallel_loop3A_458 : i32
      %parallel_loop3A_460 = arith.constant 51 : i32
      %parallel_loop3A_461 = arith.index_cast %parallel_loop3A_460 : i32 to index
      %parallel_loop3A_462 = arith.index_cast %parallel_loop3A_459 : i32 to index
      %parallel_loop3A_463 = tpu.vector_load %arg12[%parallel_loop3A_461, %parallel_loop3A_462] {strides = array<i32>} : memref<64x128xf32, #tpu.memory_space<vmem>>, vector<16xf32>,
      tpu.vector_store %arg12[%parallel_loop3A_461, %parallel_loop3A_462], %parallel_loop3A_457 {strides = array<i32>} : memref<64x128xf32, #tpu.memory_space<vmem>>, vector<16xf32>,
      %parallel_loop3A_464 = arith.constant 20 : i32
      %parallel_loop3A_465 = vector.broadcast %parallel_loop3A_464 : i32 to vector<16xi32>
      %parallel_loop3A_466 = arith.addi %parallel_loop3A_55, %parallel_loop3A_465 : vector<16xi32>
      %parallel_loop3A_467 = tpu.vector_load_idx %arg7[%parallel_loop3A_466] : memref<33000xf32, #tpu.memory_space<vmem>>[vector<16xi32>], vector<16xf32>,
      %parallel_loop3A_468 = arith.constant 16 : i32
      %parallel_loop3A_469 = arith.muli %parallel_loop3A_45, %parallel_loop3A_468 : i32
      %parallel_loop3A_470 = arith.constant 20 : i32
      %parallel_loop3A_471 = arith.index_cast %parallel_loop3A_470 : i32 to index
      %parallel_loop3A_472 = arith.index_cast %parallel_loop3A_469 : i32 to index
      %parallel_loop3A_473 = tpu.vector_load %arg12[%parallel_loop3A_471, %parallel_loop3A_472] {strides = array<i32>} : memref<64x128xf32, #tpu.memory_space<vmem>>, vector<16xf32>,
      tpu.vector_store %arg12[%parallel_loop3A_471, %parallel_loop3A_472], %parallel_loop3A_467 {strides = array<i32>} : memref<64x128xf32, #tpu.memory_space<vmem>>, vector<16xf32>,
      %parallel_loop3A_474 = arith.constant 20 : i32
      %parallel_loop3A_475 = vector.broadcast %parallel_loop3A_474 : i32 to vector<16xi32>
      %parallel_loop3A_476 = arith.addi %parallel_loop3A_63, %parallel_loop3A_475 : vector<16xi32>
      %parallel_loop3A_477 = tpu.vector_load_idx %arg8[%parallel_loop3A_476] : memref<8448xf32, #tpu.memory_space<vmem>>[vector<16xi32>], vector<16xf32>,
      %parallel_loop3A_478 = arith.constant 16 : i32
      %parallel_loop3A_479 = arith.muli %parallel_loop3A_45, %parallel_loop3A_478 : i32
      %parallel_loop3A_480 = arith.constant 52 : i32
      %parallel_loop3A_481 = arith.index_cast %parallel_loop3A_480 : i32 to index
      %parallel_loop3A_482 = arith.index_cast %parallel_loop3A_479 : i32 to index
      %parallel_loop3A_483 = tpu.vector_load %arg12[%parallel_loop3A_481, %parallel_loop3A_482] {strides = array<i32>} : memref<64x128xf32, #tpu.memory_space<vmem>>, vector<16xf32>,
      tpu.vector_store %arg12[%parallel_loop3A_481, %parallel_loop3A_482], %parallel_loop3A_477 {strides = array<i32>} : memref<64x128xf32, #tpu.memory_space<vmem>>, vector<16xf32>,
      %parallel_loop3A_484 = arith.constant 21 : i32
      %parallel_loop3A_485 = vector.broadcast %parallel_loop3A_484 : i32 to vector<16xi32>
      %parallel_loop3A_486 = arith.addi %parallel_loop3A_55, %parallel_loop3A_485 : vector<16xi32>
      %parallel_loop3A_487 = tpu.vector_load_idx %arg7[%parallel_loop3A_486] : memref<33000xf32, #tpu.memory_space<vmem>>[vector<16xi32>], vector<16xf32>,
      %parallel_loop3A_488 = arith.constant 16 : i32
      %parallel_loop3A_489 = arith.muli %parallel_loop3A_45, %parallel_loop3A_488 : i32
      %parallel_loop3A_490 = arith.constant 21 : i32
      %parallel_loop3A_491 = arith.index_cast %parallel_loop3A_490 : i32 to index
      %parallel_loop3A_492 = arith.index_cast %parallel_loop3A_489 : i32 to index
      %parallel_loop3A_493 = tpu.vector_load %arg12[%parallel_loop3A_491, %parallel_loop3A_492] {strides = array<i32>} : memref<64x128xf32, #tpu.memory_space<vmem>>, vector<16xf32>,
      tpu.vector_store %arg12[%parallel_loop3A_491, %parallel_loop3A_492], %parallel_loop3A_487 {strides = array<i32>} : memref<64x128xf32, #tpu.memory_space<vmem>>, vector<16xf32>,
      %parallel_loop3A_494 = arith.constant 21 : i32
      %parallel_loop3A_495 = vector.broadcast %parallel_loop3A_494 : i32 to vector<16xi32>
      %parallel_loop3A_496 = arith.addi %parallel_loop3A_63, %parallel_loop3A_495 : vector<16xi32>
      %parallel_loop3A_497 = tpu.vector_load_idx %arg8[%parallel_loop3A_496] : memref<8448xf32, #tpu.memory_space<vmem>>[vector<16xi32>], vector<16xf32>,
      %parallel_loop3A_498 = arith.constant 16 : i32
      %parallel_loop3A_499 = arith.muli %parallel_loop3A_45, %parallel_loop3A_498 : i32
      %parallel_loop3A_500 = arith.constant 53 : i32
      %parallel_loop3A_501 = arith.index_cast %parallel_loop3A_500 : i32 to index
      %parallel_loop3A_502 = arith.index_cast %parallel_loop3A_499 : i32 to index
      %parallel_loop3A_503 = tpu.vector_load %arg12[%parallel_loop3A_501, %parallel_loop3A_502] {strides = array<i32>} : memref<64x128xf32, #tpu.memory_space<vmem>>, vector<16xf32>,
      tpu.vector_store %arg12[%parallel_loop3A_501, %parallel_loop3A_502], %parallel_loop3A_497 {strides = array<i32>} : memref<64x128xf32, #tpu.memory_space<vmem>>, vector<16xf32>,
      %parallel_loop3A_504 = arith.constant 22 : i32
      %parallel_loop3A_505 = vector.broadcast %parallel_loop3A_504 : i32 to vector<16xi32>
      %parallel_loop3A_506 = arith.addi %parallel_loop3A_55, %parallel_loop3A_505 : vector<16xi32>
      %parallel_loop3A_507 = tpu.vector_load_idx %arg7[%parallel_loop3A_506] : memref<33000xf32, #tpu.memory_space<vmem>>[vector<16xi32>], vector<16xf32>,
      %parallel_loop3A_508 = arith.constant 16 : i32
      %parallel_loop3A_509 = arith.muli %parallel_loop3A_45, %parallel_loop3A_508 : i32
      %parallel_loop3A_510 = arith.constant 22 : i32
      %parallel_loop3A_511 = arith.index_cast %parallel_loop3A_510 : i32 to index
      %parallel_loop3A_512 = arith.index_cast %parallel_loop3A_509 : i32 to index
      %parallel_loop3A_513 = tpu.vector_load %arg12[%parallel_loop3A_511, %parallel_loop3A_512] {strides = array<i32>} : memref<64x128xf32, #tpu.memory_space<vmem>>, vector<16xf32>,
      tpu.vector_store %arg12[%parallel_loop3A_511, %parallel_loop3A_512], %parallel_loop3A_507 {strides = array<i32>} : memref<64x128xf32, #tpu.memory_space<vmem>>, vector<16xf32>,
      %parallel_loop3A_514 = arith.constant 22 : i32
      %parallel_loop3A_515 = vector.broadcast %parallel_loop3A_514 : i32 to vector<16xi32>
      %parallel_loop3A_516 = arith.addi %parallel_loop3A_63, %parallel_loop3A_515 : vector<16xi32>
      %parallel_loop3A_517 = tpu.vector_load_idx %arg8[%parallel_loop3A_516] : memref<8448xf32, #tpu.memory_space<vmem>>[vector<16xi32>], vector<16xf32>,
      %parallel_loop3A_518 = arith.constant 16 : i32
      %parallel_loop3A_519 = arith.muli %parallel_loop3A_45, %parallel_loop3A_518 : i32
      %parallel_loop3A_520 = arith.constant 54 : i32
      %parallel_loop3A_521 = arith.index_cast %parallel_loop3A_520 : i32 to index
      %parallel_loop3A_522 = arith.index_cast %parallel_loop3A_519 : i32 to index
      %parallel_loop3A_523 = tpu.vector_load %arg12[%parallel_loop3A_521, %parallel_loop3A_522] {strides = array<i32>} : memref<64x128xf32, #tpu.memory_space<vmem>>, vector<16xf32>,
      tpu.vector_store %arg12[%parallel_loop3A_521, %parallel_loop3A_522], %parallel_loop3A_517 {strides = array<i32>} : memref<64x128xf32, #tpu.memory_space<vmem>>, vector<16xf32>,
      %parallel_loop3A_524 = arith.constant 23 : i32
      %parallel_loop3A_525 = vector.broadcast %parallel_loop3A_524 : i32 to vector<16xi32>
      %parallel_loop3A_526 = arith.addi %parallel_loop3A_55, %parallel_loop3A_525 : vector<16xi32>
      %parallel_loop3A_527 = tpu.vector_load_idx %arg7[%parallel_loop3A_526] : memref<33000xf32, #tpu.memory_space<vmem>>[vector<16xi32>], vector<16xf32>,
      %parallel_loop3A_528 = arith.constant 16 : i32
      %parallel_loop3A_529 = arith.muli %parallel_loop3A_45, %parallel_loop3A_528 : i32
      %parallel_loop3A_530 = arith.constant 23 : i32
      %parallel_loop3A_531 = arith.index_cast %parallel_loop3A_530 : i32 to index
      %parallel_loop3A_532 = arith.index_cast %parallel_loop3A_529 : i32 to index
      %parallel_loop3A_533 = tpu.vector_load %arg12[%parallel_loop3A_531, %parallel_loop3A_532] {strides = array<i32>} : memref<64x128xf32, #tpu.memory_space<vmem>>, vector<16xf32>,
      tpu.vector_store %arg12[%parallel_loop3A_531, %parallel_loop3A_532], %parallel_loop3A_527 {strides = array<i32>} : memref<64x128xf32, #tpu.memory_space<vmem>>, vector<16xf32>,
      %parallel_loop3A_534 = arith.constant 23 : i32
      %parallel_loop3A_535 = vector.broadcast %parallel_loop3A_534 : i32 to vector<16xi32>
      %parallel_loop3A_536 = arith.addi %parallel_loop3A_63, %parallel_loop3A_535 : vector<16xi32>
      %parallel_loop3A_537 = tpu.vector_load_idx %arg8[%parallel_loop3A_536] : memref<8448xf32, #tpu.memory_space<vmem>>[vector<16xi32>], vector<16xf32>,
      %parallel_loop3A_538 = arith.constant 16 : i32
      %parallel_loop3A_539 = arith.muli %parallel_loop3A_45, %parallel_loop3A_538 : i32
      %parallel_loop3A_540 = arith.constant 55 : i32
      %parallel_loop3A_541 = arith.index_cast %parallel_loop3A_540 : i32 to index
      %parallel_loop3A_542 = arith.index_cast %parallel_loop3A_539 : i32 to index
      %parallel_loop3A_543 = tpu.vector_load %arg12[%parallel_loop3A_541, %parallel_loop3A_542] {strides = array<i32>} : memref<64x128xf32, #tpu.memory_space<vmem>>, vector<16xf32>,
      tpu.vector_store %arg12[%parallel_loop3A_541, %parallel_loop3A_542], %parallel_loop3A_537 {strides = array<i32>} : memref<64x128xf32, #tpu.memory_space<vmem>>, vector<16xf32>,
      %parallel_loop3A_544 = arith.constant 24 : i32
      %parallel_loop3A_545 = vector.broadcast %parallel_loop3A_544 : i32 to vector<16xi32>
      %parallel_loop3A_546 = arith.addi %parallel_loop3A_55, %parallel_loop3A_545 : vector<16xi32>
      %parallel_loop3A_547 = tpu.vector_load_idx %arg7[%parallel_loop3A_546] : memref<33000xf32, #tpu.memory_space<vmem>>[vector<16xi32>], vector<16xf32>,
      %parallel_loop3A_548 = arith.constant 16 : i32
      %parallel_loop3A_549 = arith.muli %parallel_loop3A_45, %parallel_loop3A_548 : i32
      %parallel_loop3A_550 = arith.constant 24 : i32
      %parallel_loop3A_551 = arith.index_cast %parallel_loop3A_550 : i32 to index
      %parallel_loop3A_552 = arith.index_cast %parallel_loop3A_549 : i32 to index
      %parallel_loop3A_553 = tpu.vector_load %arg12[%parallel_loop3A_551, %parallel_loop3A_552] {strides = array<i32>} : memref<64x128xf32, #tpu.memory_space<vmem>>, vector<16xf32>,
      tpu.vector_store %arg12[%parallel_loop3A_551, %parallel_loop3A_552], %parallel_loop3A_547 {strides = array<i32>} : memref<64x128xf32, #tpu.memory_space<vmem>>, vector<16xf32>,
      %parallel_loop3A_554 = arith.constant 24 : i32
      %parallel_loop3A_555 = vector.broadcast %parallel_loop3A_554 : i32 to vector<16xi32>
      %parallel_loop3A_556 = arith.addi %parallel_loop3A_63, %parallel_loop3A_555 : vector<16xi32>
      %parallel_loop3A_557 = tpu.vector_load_idx %arg8[%parallel_loop3A_556] : memref<8448xf32, #tpu.memory_space<vmem>>[vector<16xi32>], vector<16xf32>,
      %parallel_loop3A_558 = arith.constant 16 : i32
      %parallel_loop3A_559 = arith.muli %parallel_loop3A_45, %parallel_loop3A_558 : i32
      %parallel_loop3A_560 = arith.constant 56 : i32
      %parallel_loop3A_561 = arith.index_cast %parallel_loop3A_560 : i32 to index
      %parallel_loop3A_562 = arith.index_cast %parallel_loop3A_559 : i32 to index
      %parallel_loop3A_563 = tpu.vector_load %arg12[%parallel_loop3A_561, %parallel_loop3A_562] {strides = array<i32>} : memref<64x128xf32, #tpu.memory_space<vmem>>, vector<16xf32>,
      tpu.vector_store %arg12[%parallel_loop3A_561, %parallel_loop3A_562], %parallel_loop3A_557 {strides = array<i32>} : memref<64x128xf32, #tpu.memory_space<vmem>>, vector<16xf32>,
      %parallel_loop3A_564 = arith.constant 25 : i32
      %parallel_loop3A_565 = vector.broadcast %parallel_loop3A_564 : i32 to vector<16xi32>
      %parallel_loop3A_566 = arith.addi %parallel_loop3A_55, %parallel_loop3A_565 : vector<16xi32>
      %parallel_loop3A_567 = tpu.vector_load_idx %arg7[%parallel_loop3A_566] : memref<33000xf32, #tpu.memory_space<vmem>>[vector<16xi32>], vector<16xf32>,
      %parallel_loop3A_568 = arith.constant 16 : i32
      %parallel_loop3A_569 = arith.muli %parallel_loop3A_45, %parallel_loop3A_568 : i32
      %parallel_loop3A_570 = arith.constant 25 : i32
      %parallel_loop3A_571 = arith.index_cast %parallel_loop3A_570 : i32 to index
      %parallel_loop3A_572 = arith.index_cast %parallel_loop3A_569 : i32 to index
      %parallel_loop3A_573 = tpu.vector_load %arg12[%parallel_loop3A_571, %parallel_loop3A_572] {strides = array<i32>} : memref<64x128xf32, #tpu.memory_space<vmem>>, vector<16xf32>,
      tpu.vector_store %arg12[%parallel_loop3A_571, %parallel_loop3A_572], %parallel_loop3A_567 {strides = array<i32>} : memref<64x128xf32, #tpu.memory_space<vmem>>, vector<16xf32>,
      %parallel_loop3A_574 = arith.constant 25 : i32
      %parallel_loop3A_575 = vector.broadcast %parallel_loop3A_574 : i32 to vector<16xi32>
      %parallel_loop3A_576 = arith.addi %parallel_loop3A_63, %parallel_loop3A_575 : vector<16xi32>
      %parallel_loop3A_577 = tpu.vector_load_idx %arg8[%parallel_loop3A_576] : memref<8448xf32, #tpu.memory_space<vmem>>[vector<16xi32>], vector<16xf32>,
      %parallel_loop3A_578 = arith.constant 16 : i32
      %parallel_loop3A_579 = arith.muli %parallel_loop3A_45, %parallel_loop3A_578 : i32
      %parallel_loop3A_580 = arith.constant 57 : i32
      %parallel_loop3A_581 = arith.index_cast %parallel_loop3A_580 : i32 to index
      %parallel_loop3A_582 = arith.index_cast %parallel_loop3A_579 : i32 to index
      %parallel_loop3A_583 = tpu.vector_load %arg12[%parallel_loop3A_581, %parallel_loop3A_582] {strides = array<i32>} : memref<64x128xf32, #tpu.memory_space<vmem>>, vector<16xf32>,
      tpu.vector_store %arg12[%parallel_loop3A_581, %parallel_loop3A_582], %parallel_loop3A_577 {strides = array<i32>} : memref<64x128xf32, #tpu.memory_space<vmem>>, vector<16xf32>,
      %parallel_loop3A_584 = arith.constant 26 : i32
      %parallel_loop3A_585 = vector.broadcast %parallel_loop3A_584 : i32 to vector<16xi32>
      %parallel_loop3A_586 = arith.addi %parallel_loop3A_55, %parallel_loop3A_585 : vector<16xi32>
      %parallel_loop3A_587 = tpu.vector_load_idx %arg7[%parallel_loop3A_586] : memref<33000xf32, #tpu.memory_space<vmem>>[vector<16xi32>], vector<16xf32>,
      %parallel_loop3A_588 = arith.constant 16 : i32
      %parallel_loop3A_589 = arith.muli %parallel_loop3A_45, %parallel_loop3A_588 : i32
      %parallel_loop3A_590 = arith.constant 26 : i32
      %parallel_loop3A_591 = arith.index_cast %parallel_loop3A_590 : i32 to index
      %parallel_loop3A_592 = arith.index_cast %parallel_loop3A_589 : i32 to index
      %parallel_loop3A_593 = tpu.vector_load %arg12[%parallel_loop3A_591, %parallel_loop3A_592] {strides = array<i32>} : memref<64x128xf32, #tpu.memory_space<vmem>>, vector<16xf32>,
      tpu.vector_store %arg12[%parallel_loop3A_591, %parallel_loop3A_592], %parallel_loop3A_587 {strides = array<i32>} : memref<64x128xf32, #tpu.memory_space<vmem>>, vector<16xf32>,
      %parallel_loop3A_594 = arith.constant 26 : i32
      %parallel_loop3A_595 = vector.broadcast %parallel_loop3A_594 : i32 to vector<16xi32>
      %parallel_loop3A_596 = arith.addi %parallel_loop3A_63, %parallel_loop3A_595 : vector<16xi32>
      %parallel_loop3A_597 = tpu.vector_load_idx %arg8[%parallel_loop3A_596] : memref<8448xf32, #tpu.memory_space<vmem>>[vector<16xi32>], vector<16xf32>,
      %parallel_loop3A_598 = arith.constant 16 : i32
      %parallel_loop3A_599 = arith.muli %parallel_loop3A_45, %parallel_loop3A_598 : i32
      %parallel_loop3A_600 = arith.constant 58 : i32
      %parallel_loop3A_601 = arith.index_cast %parallel_loop3A_600 : i32 to index
      %parallel_loop3A_602 = arith.index_cast %parallel_loop3A_599 : i32 to index
      %parallel_loop3A_603 = tpu.vector_load %arg12[%parallel_loop3A_601, %parallel_loop3A_602] {strides = array<i32>} : memref<64x128xf32, #tpu.memory_space<vmem>>, vector<16xf32>,
      tpu.vector_store %arg12[%parallel_loop3A_601, %parallel_loop3A_602], %parallel_loop3A_597 {strides = array<i32>} : memref<64x128xf32, #tpu.memory_space<vmem>>, vector<16xf32>,
      %parallel_loop3A_604 = arith.constant 27 : i32
      %parallel_loop3A_605 = vector.broadcast %parallel_loop3A_604 : i32 to vector<16xi32>
      %parallel_loop3A_606 = arith.addi %parallel_loop3A_55, %parallel_loop3A_605 : vector<16xi32>
      %parallel_loop3A_607 = tpu.vector_load_idx %arg7[%parallel_loop3A_606] : memref<33000xf32, #tpu.memory_space<vmem>>[vector<16xi32>], vector<16xf32>,
      %parallel_loop3A_608 = arith.constant 16 : i32
      %parallel_loop3A_609 = arith.muli %parallel_loop3A_45, %parallel_loop3A_608 : i32
      %parallel_loop3A_610 = arith.constant 27 : i32
      %parallel_loop3A_611 = arith.index_cast %parallel_loop3A_610 : i32 to index
      %parallel_loop3A_612 = arith.index_cast %parallel_loop3A_609 : i32 to index
      %parallel_loop3A_613 = tpu.vector_load %arg12[%parallel_loop3A_611, %parallel_loop3A_612] {strides = array<i32>} : memref<64x128xf32, #tpu.memory_space<vmem>>, vector<16xf32>,
      tpu.vector_store %arg12[%parallel_loop3A_611, %parallel_loop3A_612], %parallel_loop3A_607 {strides = array<i32>} : memref<64x128xf32, #tpu.memory_space<vmem>>, vector<16xf32>,
      %parallel_loop3A_614 = arith.constant 27 : i32
      %parallel_loop3A_615 = vector.broadcast %parallel_loop3A_614 : i32 to vector<16xi32>
      %parallel_loop3A_616 = arith.addi %parallel_loop3A_63, %parallel_loop3A_615 : vector<16xi32>
      %parallel_loop3A_617 = tpu.vector_load_idx %arg8[%parallel_loop3A_616] : memref<8448xf32, #tpu.memory_space<vmem>>[vector<16xi32>], vector<16xf32>,
      %parallel_loop3A_618 = arith.constant 16 : i32
      %parallel_loop3A_619 = arith.muli %parallel_loop3A_45, %parallel_loop3A_618 : i32
      %parallel_loop3A_620 = arith.constant 59 : i32
      %parallel_loop3A_621 = arith.index_cast %parallel_loop3A_620 : i32 to index
      %parallel_loop3A_622 = arith.index_cast %parallel_loop3A_619 : i32 to index
      %parallel_loop3A_623 = tpu.vector_load %arg12[%parallel_loop3A_621, %parallel_loop3A_622] {strides = array<i32>} : memref<64x128xf32, #tpu.memory_space<vmem>>, vector<16xf32>,
      tpu.vector_store %arg12[%parallel_loop3A_621, %parallel_loop3A_622], %parallel_loop3A_617 {strides = array<i32>} : memref<64x128xf32, #tpu.memory_space<vmem>>, vector<16xf32>,
      %parallel_loop3A_624 = arith.constant 28 : i32
      %parallel_loop3A_625 = vector.broadcast %parallel_loop3A_624 : i32 to vector<16xi32>
      %parallel_loop3A_626 = arith.addi %parallel_loop3A_55, %parallel_loop3A_625 : vector<16xi32>
      %parallel_loop3A_627 = tpu.vector_load_idx %arg7[%parallel_loop3A_626] : memref<33000xf32, #tpu.memory_space<vmem>>[vector<16xi32>], vector<16xf32>,
      %parallel_loop3A_628 = arith.constant 16 : i32
      %parallel_loop3A_629 = arith.muli %parallel_loop3A_45, %parallel_loop3A_628 : i32
      %parallel_loop3A_630 = arith.constant 28 : i32
      %parallel_loop3A_631 = arith.index_cast %parallel_loop3A_630 : i32 to index
      %parallel_loop3A_632 = arith.index_cast %parallel_loop3A_629 : i32 to index
      %parallel_loop3A_633 = tpu.vector_load %arg12[%parallel_loop3A_631, %parallel_loop3A_632] {strides = array<i32>} : memref<64x128xf32, #tpu.memory_space<vmem>>, vector<16xf32>,
      tpu.vector_store %arg12[%parallel_loop3A_631, %parallel_loop3A_632], %parallel_loop3A_627 {strides = array<i32>} : memref<64x128xf32, #tpu.memory_space<vmem>>, vector<16xf32>,
      %parallel_loop3A_634 = arith.constant 28 : i32
      %parallel_loop3A_635 = vector.broadcast %parallel_loop3A_634 : i32 to vector<16xi32>
      %parallel_loop3A_636 = arith.addi %parallel_loop3A_63, %parallel_loop3A_635 : vector<16xi32>
      %parallel_loop3A_637 = tpu.vector_load_idx %arg8[%parallel_loop3A_636] : memref<8448xf32, #tpu.memory_space<vmem>>[vector<16xi32>], vector<16xf32>,
      %parallel_loop3A_638 = arith.constant 16 : i32
      %parallel_loop3A_639 = arith.muli %parallel_loop3A_45, %parallel_loop3A_638 : i32
      %parallel_loop3A_640 = arith.constant 60 : i32
      %parallel_loop3A_641 = arith.index_cast %parallel_loop3A_640 : i32 to index
      %parallel_loop3A_642 = arith.index_cast %parallel_loop3A_639 : i32 to index
      %parallel_loop3A_643 = tpu.vector_load %arg12[%parallel_loop3A_641, %parallel_loop3A_642] {strides = array<i32>} : memref<64x128xf32, #tpu.memory_space<vmem>>, vector<16xf32>,
      tpu.vector_store %arg12[%parallel_loop3A_641, %parallel_loop3A_642], %parallel_loop3A_637 {strides = array<i32>} : memref<64x128xf32, #tpu.memory_space<vmem>>, vector<16xf32>,
      %parallel_loop3A_644 = arith.constant 29 : i32
      %parallel_loop3A_645 = vector.broadcast %parallel_loop3A_644 : i32 to vector<16xi32>
      %parallel_loop3A_646 = arith.addi %parallel_loop3A_55, %parallel_loop3A_645 : vector<16xi32>
      %parallel_loop3A_647 = tpu.vector_load_idx %arg7[%parallel_loop3A_646] : memref<33000xf32, #tpu.memory_space<vmem>>[vector<16xi32>], vector<16xf32>,
      %parallel_loop3A_648 = arith.constant 16 : i32
      %parallel_loop3A_649 = arith.muli %parallel_loop3A_45, %parallel_loop3A_648 : i32
      %parallel_loop3A_650 = arith.constant 29 : i32
      %parallel_loop3A_651 = arith.index_cast %parallel_loop3A_650 : i32 to index
      %parallel_loop3A_652 = arith.index_cast %parallel_loop3A_649 : i32 to index
      %parallel_loop3A_653 = tpu.vector_load %arg12[%parallel_loop3A_651, %parallel_loop3A_652] {strides = array<i32>} : memref<64x128xf32, #tpu.memory_space<vmem>>, vector<16xf32>,
      tpu.vector_store %arg12[%parallel_loop3A_651, %parallel_loop3A_652], %parallel_loop3A_647 {strides = array<i32>} : memref<64x128xf32, #tpu.memory_space<vmem>>, vector<16xf32>,
      %parallel_loop3A_654 = arith.constant 29 : i32
      %parallel_loop3A_655 = vector.broadcast %parallel_loop3A_654 : i32 to vector<16xi32>
      %parallel_loop3A_656 = arith.addi %parallel_loop3A_63, %parallel_loop3A_655 : vector<16xi32>
      %parallel_loop3A_657 = tpu.vector_load_idx %arg8[%parallel_loop3A_656] : memref<8448xf32, #tpu.memory_space<vmem>>[vector<16xi32>], vector<16xf32>,
      %parallel_loop3A_658 = arith.constant 16 : i32
      %parallel_loop3A_659 = arith.muli %parallel_loop3A_45, %parallel_loop3A_658 : i32
      %parallel_loop3A_660 = arith.constant 61 : i32
      %parallel_loop3A_661 = arith.index_cast %parallel_loop3A_660 : i32 to index
      %parallel_loop3A_662 = arith.index_cast %parallel_loop3A_659 : i32 to index
      %parallel_loop3A_663 = tpu.vector_load %arg12[%parallel_loop3A_661, %parallel_loop3A_662] {strides = array<i32>} : memref<64x128xf32, #tpu.memory_space<vmem>>, vector<16xf32>,
      tpu.vector_store %arg12[%parallel_loop3A_661, %parallel_loop3A_662], %parallel_loop3A_657 {strides = array<i32>} : memref<64x128xf32, #tpu.memory_space<vmem>>, vector<16xf32>,
      %parallel_loop3A_664 = arith.constant 30 : i32
      %parallel_loop3A_665 = vector.broadcast %parallel_loop3A_664 : i32 to vector<16xi32>
      %parallel_loop3A_666 = arith.addi %parallel_loop3A_55, %parallel_loop3A_665 : vector<16xi32>
      %parallel_loop3A_667 = tpu.vector_load_idx %arg7[%parallel_loop3A_666] : memref<33000xf32, #tpu.memory_space<vmem>>[vector<16xi32>], vector<16xf32>,
      %parallel_loop3A_668 = arith.constant 16 : i32
      %parallel_loop3A_669 = arith.muli %parallel_loop3A_45, %parallel_loop3A_668 : i32
      %parallel_loop3A_670 = arith.constant 30 : i32
      %parallel_loop3A_671 = arith.index_cast %parallel_loop3A_670 : i32 to index
      %parallel_loop3A_672 = arith.index_cast %parallel_loop3A_669 : i32 to index
      %parallel_loop3A_673 = tpu.vector_load %arg12[%parallel_loop3A_671, %parallel_loop3A_672] {strides = array<i32>} : memref<64x128xf32, #tpu.memory_space<vmem>>, vector<16xf32>,
      tpu.vector_store %arg12[%parallel_loop3A_671, %parallel_loop3A_672], %parallel_loop3A_667 {strides = array<i32>} : memref<64x128xf32, #tpu.memory_space<vmem>>, vector<16xf32>,
      %parallel_loop3A_674 = arith.constant 30 : i32
      %parallel_loop3A_675 = vector.broadcast %parallel_loop3A_674 : i32 to vector<16xi32>
      %parallel_loop3A_676 = arith.addi %parallel_loop3A_63, %parallel_loop3A_675 : vector<16xi32>
      %parallel_loop3A_677 = tpu.vector_load_idx %arg8[%parallel_loop3A_676] : memref<8448xf32, #tpu.memory_space<vmem>>[vector<16xi32>], vector<16xf32>,
      %parallel_loop3A_678 = arith.constant 16 : i32
      %parallel_loop3A_679 = arith.muli %parallel_loop3A_45, %parallel_loop3A_678 : i32
      %parallel_loop3A_680 = arith.constant 62 : i32
      %parallel_loop3A_681 = arith.index_cast %parallel_loop3A_680 : i32 to index
      %parallel_loop3A_682 = arith.index_cast %parallel_loop3A_679 : i32 to index
      %parallel_loop3A_683 = tpu.vector_load %arg12[%parallel_loop3A_681, %parallel_loop3A_682] {strides = array<i32>} : memref<64x128xf32, #tpu.memory_space<vmem>>, vector<16xf32>,
      tpu.vector_store %arg12[%parallel_loop3A_681, %parallel_loop3A_682], %parallel_loop3A_677 {strides = array<i32>} : memref<64x128xf32, #tpu.memory_space<vmem>>, vector<16xf32>,
      %parallel_loop3A_684 = arith.constant 31 : i32
      %parallel_loop3A_685 = vector.broadcast %parallel_loop3A_684 : i32 to vector<16xi32>
      %parallel_loop3A_686 = arith.addi %parallel_loop3A_55, %parallel_loop3A_685 : vector<16xi32>
      %parallel_loop3A_687 = tpu.vector_load_idx %arg7[%parallel_loop3A_686] : memref<33000xf32, #tpu.memory_space<vmem>>[vector<16xi32>], vector<16xf32>,
      %parallel_loop3A_688 = arith.constant 16 : i32
      %parallel_loop3A_689 = arith.muli %parallel_loop3A_45, %parallel_loop3A_688 : i32
      %parallel_loop3A_690 = arith.constant 31 : i32
      %parallel_loop3A_691 = arith.index_cast %parallel_loop3A_690 : i32 to index
      %parallel_loop3A_692 = arith.index_cast %parallel_loop3A_689 : i32 to index
      %parallel_loop3A_693 = tpu.vector_load %arg12[%parallel_loop3A_691, %parallel_loop3A_692] {strides = array<i32>} : memref<64x128xf32, #tpu.memory_space<vmem>>, vector<16xf32>,
      tpu.vector_store %arg12[%parallel_loop3A_691, %parallel_loop3A_692], %parallel_loop3A_687 {strides = array<i32>} : memref<64x128xf32, #tpu.memory_space<vmem>>, vector<16xf32>,
      %parallel_loop3A_694 = arith.constant 31 : i32
      %parallel_loop3A_695 = vector.broadcast %parallel_loop3A_694 : i32 to vector<16xi32>
      %parallel_loop3A_696 = arith.addi %parallel_loop3A_63, %parallel_loop3A_695 : vector<16xi32>
      %parallel_loop3A_697 = tpu.vector_load_idx %arg8[%parallel_loop3A_696] : memref<8448xf32, #tpu.memory_space<vmem>>[vector<16xi32>], vector<16xf32>,
      %parallel_loop3A_698 = arith.constant 16 : i32
      %parallel_loop3A_699 = arith.muli %parallel_loop3A_45, %parallel_loop3A_698 : i32
      %parallel_loop3A_700 = arith.constant 63 : i32
      %parallel_loop3A_701 = arith.index_cast %parallel_loop3A_700 : i32 to index
      %parallel_loop3A_702 = arith.index_cast %parallel_loop3A_699 : i32 to index
      %parallel_loop3A_703 = tpu.vector_load %arg12[%parallel_loop3A_701, %parallel_loop3A_702] {strides = array<i32>} : memref<64x128xf32, #tpu.memory_space<vmem>>, vector<16xf32>,
      tpu.vector_store %arg12[%parallel_loop3A_701, %parallel_loop3A_702], %parallel_loop3A_697 {strides = array<i32>} : memref<64x128xf32, #tpu.memory_space<vmem>>, vector<16xf32>,
    } {sc.loop_unroll_factor = 4 : i64, sc.parallel_access}
    %dma_start3A_19 = arith.constant 1 : i32
    %dma_start3A_20 = arith.constant 0 : i32
    %dma_start3A_21 = tpu.memref_slice %arg6[%dma_start3A_19, %dma_start3A_20, %mul3A_4] : memref<200x64x4096xf32, #tpu.memory_space<hbm>> -> memref<1x64x128xf32, #tpu.memory_space<hbm>>
    %dma_start3A_22 = tpu.memref_squeeze %dma_start3A_21 : memref<1x64x128xf32, #tpu.memory_space<hbm>> -> memref<64x128xf32, #tpu.memory_space<hbm>>
    %dma_start3A_23 = arith.constant 0 : i32
    %dma_start3A_24 = tpu.memref_slice %arg6[%dma_start3A_19, %dma_start3A_23, %mul3A_4] : memref<200x64x4096xf32, #tpu.memory_space<hbm>> -> memref<1x64x128xf32, #tpu.memory_space<hbm>>
    %dma_start3A_25 = tpu.memref_squeeze %dma_start3A_24 : memref<1x64x128xf32, #tpu.memory_space<hbm>> -> memref<64x128xf32, #tpu.memory_space<hbm>>
    tpu.enqueue_dma source(%arg12 : memref<64x128xf32, #tpu.memory_space<vmem>>) target(%dma_start3A_25 : memref<64x128xf32, #tpu.memory_space<hbm>>) target_semaphore(%arg14 : memref<!tpu.dma_semaphore, #tpu.memory_space<semaphore_mem>>)
    %scan3A = arith.constant 0 : i32
    %scan3A_26 = arith.constant 1 : i32
    %scan3A_27 = arith.constant 0 : i32
    %scan3A_28 = arith.constant 99 : i32
    %scan3A_29 = arith.addi %scan3A_27, %scan3A_28 : i32
    %scan3A_30 = arith.constant 1 : i32
    scf.for %scan3A_45 = %scan3A_27 to %scan3A_29 step %scan3A_30  : i32 {
      %mul3A_46 = arith.constant 2 : i32
      %mul3A_47 = arith.muli %mul3A_46, %scan3A_45 : i32
      %add3A_48 = arith.constant 2 : i32
      %add3A_49 = arith.addi %mul3A_47, %add3A_48 : i32
      %dma_wait3A_50 = arith.constant 0 : i32
      %dma_wait3A_51 = tpu.memref_slice %arg6[%scan3A, %dma_wait3A_50, %mul3A_4] : memref<200x64x4096xf32, #tpu.memory_space<hbm>> -> memref<1x64x128xf32, #tpu.memory_space<hbm>>
      %dma_wait3A_52 = tpu.memref_squeeze %dma_wait3A_51 : memref<1x64x128xf32, #tpu.memory_space<hbm>> -> memref<64x128xf32, #tpu.memory_space<hbm>>
      %dma_wait3A_53 = arith.constant 0 : i32
      %dma_wait3A_54 = tpu.memref_slice %arg6[%scan3A, %dma_wait3A_53, %mul3A_4] : memref<200x64x4096xf32, #tpu.memory_space<hbm>> -> memref<1x64x128xf32, #tpu.memory_space<hbm>>
      %dma_wait3A_55 = tpu.memref_squeeze %dma_wait3A_54 : memref<1x64x128xf32, #tpu.memory_space<hbm>> -> memref<64x128xf32, #tpu.memory_space<hbm>>
      tpu.wait_dma2 semaphore(%arg13 : memref<!tpu.dma_semaphore, #tpu.memory_space<semaphore_mem>>) src(%arg11 : memref<64x128xf32, #tpu.memory_space<vmem>>) dst(%dma_wait3A_55 : memref<64x128xf32, #tpu.memory_space<hbm>>)
      %parallel_loop3A_56 = arith.constant 0 : i32
      %parallel_loop3A_57 = arith.constant 8 : i32
      %parallel_loop3A_58 = arith.constant 1 : i32
      scf.for %parallel_loop3A_84 = %parallel_loop3A_56 to %parallel_loop3A_57 step %parallel_loop3A_58  : i32 {
        %parallel_loop3A_85 = arith.constant 3200 : i32
        %parallel_loop3A_86 = arith.muli %parallel_loop3A_84, %parallel_loop3A_85 : i32
        %parallel_loop3A_87 = arith.addi %parallel_loop3A_86, %add3A_49 : i32
        %parallel_loop3A_88 = vector.broadcast %parallel_loop3A_87 : i32 to vector<16xi32>
        %parallel_loop3A_89 = arith.addi %mul3A_7, %parallel_loop3A_88 : vector<16xi32>
        %parallel_loop3A_90 = tpu.vector_load_idx %arg9[%parallel_loop3A_89] : memref<25600xi32, #tpu.memory_space<vmem>>[vector<16xi32>], vector<16xi32>,
        %parallel_loop3A_91 = arith.constant 33 : i32
        %parallel_loop3A_92 = vector.broadcast %parallel_loop3A_91 : i32 to vector<16xi32>
        %parallel_loop3A_93 = arith.muli %parallel_loop3A_90, %parallel_loop3A_92 : vector<16xi32>
        %parallel_loop3A_94 = tpu.vector_load_idx %arg10[%parallel_loop3A_89] : memref<25600xf32, #tpu.memory_space<vmem>>[vector<16xi32>], vector<16xf32>,
        %parallel_loop3A_95 = arith.constant 2.550000e+02 : f32
        %parallel_loop3A_96 = vector.broadcast %parallel_loop3A_95 : f32 to vector<16xf32>
        %parallel_loop3A_97 = arith.mulf %parallel_loop3A_94, %parallel_loop3A_96 : vector<16xf32>
        %parallel_loop3A_98 = arith.fptosi %parallel_loop3A_97 : vector<16xf32> to vector<16xi32>
        %parallel_loop3A_99 = arith.constant 33 : i32
        %parallel_loop3A_100 = vector.broadcast %parallel_loop3A_99 : i32 to vector<16xi32>
        %parallel_loop3A_101 = arith.muli %parallel_loop3A_98, %parallel_loop3A_100 : vector<16xi32>
        %parallel_loop3A_102 = arith.constant 0 : i32
        %parallel_loop3A_103 = vector.broadcast %parallel_loop3A_102 : i32 to vector<16xi32>
        %parallel_loop3A_104 = arith.addi %parallel_loop3A_93, %parallel_loop3A_103 : vector<16xi32>
        %parallel_loop3A_105 = tpu.vector_load_idx %arg7[%parallel_loop3A_104] : memref<33000xf32, #tpu.memory_space<vmem>>[vector<16xi32>], vector<16xf32>,
        %parallel_loop3A_106 = arith.constant 16 : i32
        %parallel_loop3A_107 = arith.muli %parallel_loop3A_84, %parallel_loop3A_106 : i32
        %parallel_loop3A_108 = arith.constant 0 : i32
        %parallel_loop3A_109 = arith.index_cast %parallel_loop3A_108 : i32 to index
        %parallel_loop3A_110 = arith.index_cast %parallel_loop3A_107 : i32 to index
        %parallel_loop3A_111 = tpu.vector_load %arg11[%parallel_loop3A_109, %parallel_loop3A_110] {strides = array<i32>} : memref<64x128xf32, #tpu.memory_space<vmem>>, vector<16xf32>,
        tpu.vector_store %arg11[%parallel_loop3A_109, %parallel_loop3A_110], %parallel_loop3A_105 {strides = array<i32>} : memref<64x128xf32, #tpu.memory_space<vmem>>, vector<16xf32>,
        %parallel_loop3A_112 = arith.constant 0 : i32
        %parallel_loop3A_113 = vector.broadcast %parallel_loop3A_112 : i32 to vector<16xi32>
        %parallel_loop3A_114 = arith.addi %parallel_loop3A_101, %parallel_loop3A_113 : vector<16xi32>
        %parallel_loop3A_115 = tpu.vector_load_idx %arg8[%parallel_loop3A_114] : memref<8448xf32, #tpu.memory_space<vmem>>[vector<16xi32>], vector<16xf32>,
        %parallel_loop3A_116 = arith.constant 16 : i32
        %parallel_loop3A_117 = arith.muli %parallel_loop3A_84, %parallel_loop3A_116 : i32
        %parallel_loop3A_118 = arith.constant 32 : i32
        %parallel_loop3A_119 = arith.index_cast %parallel_loop3A_118 : i32 to index
        %parallel_loop3A_120 = arith.index_cast %parallel_loop3A_117 : i32 to index
        %parallel_loop3A_121 = tpu.vector_load %arg11[%parallel_loop3A_119, %parallel_loop3A_120] {strides = array<i32>} : memref<64x128xf32, #tpu.memory_space<vmem>>, vector<16xf32>,
        tpu.vector_store %arg11[%parallel_loop3A_119, %parallel_loop3A_120], %parallel_loop3A_115 {strides = array<i32>} : memref<64x128xf32, #tpu.memory_space<vmem>>, vector<16xf32>,
        %parallel_loop3A_122 = arith.constant 1 : i32
        %parallel_loop3A_123 = vector.broadcast %parallel_loop3A_122 : i32 to vector<16xi32>
        %parallel_loop3A_124 = arith.addi %parallel_loop3A_93, %parallel_loop3A_123 : vector<16xi32>
        %parallel_loop3A_125 = tpu.vector_load_idx %arg7[%parallel_loop3A_124] : memref<33000xf32, #tpu.memory_space<vmem>>[vector<16xi32>], vector<16xf32>,
        %parallel_loop3A_126 = arith.constant 16 : i32
        %parallel_loop3A_127 = arith.muli %parallel_loop3A_84, %parallel_loop3A_126 : i32
        %parallel_loop3A_128 = arith.constant 1 : i32
        %parallel_loop3A_129 = arith.index_cast %parallel_loop3A_128 : i32 to index
        %parallel_loop3A_130 = arith.index_cast %parallel_loop3A_127 : i32 to index
        %parallel_loop3A_131 = tpu.vector_load %arg11[%parallel_loop3A_129, %parallel_loop3A_130] {strides = array<i32>} : memref<64x128xf32, #tpu.memory_space<vmem>>, vector<16xf32>,
        tpu.vector_store %arg11[%parallel_loop3A_129, %parallel_loop3A_130], %parallel_loop3A_125 {strides = array<i32>} : memref<64x128xf32, #tpu.memory_space<vmem>>, vector<16xf32>,
        %parallel_loop3A_132 = arith.constant 1 : i32
        %parallel_loop3A_133 = vector.broadcast %parallel_loop3A_132 : i32 to vector<16xi32>
        %parallel_loop3A_134 = arith.addi %parallel_loop3A_101, %parallel_loop3A_133 : vector<16xi32>
        %parallel_loop3A_135 = tpu.vector_load_idx %arg8[%parallel_loop3A_134] : memref<8448xf32, #tpu.memory_space<vmem>>[vector<16xi32>], vector<16xf32>,
        %parallel_loop3A_136 = arith.constant 16 : i32
        %parallel_loop3A_137 = arith.muli %parallel_loop3A_84, %parallel_loop3A_136 : i32
        %parallel_loop3A_138 = arith.constant 33 : i32
        %parallel_loop3A_139 = arith.index_cast %parallel_loop3A_138 : i32 to index
        %parallel_loop3A_140 = arith.index_cast %parallel_loop3A_137 : i32 to index
        %parallel_loop3A_141 = tpu.vector_load %arg11[%parallel_loop3A_139, %parallel_loop3A_140] {strides = array<i32>} : memref<64x128xf32, #tpu.memory_space<vmem>>, vector<16xf32>,
        tpu.vector_store %arg11[%parallel_loop3A_139, %parallel_loop3A_140], %parallel_loop3A_135 {strides = array<i32>} : memref<64x128xf32, #tpu.memory_space<vmem>>, vector<16xf32>,
        %parallel_loop3A_142 = arith.constant 2 : i32
        %parallel_loop3A_143 = vector.broadcast %parallel_loop3A_142 : i32 to vector<16xi32>
        %parallel_loop3A_144 = arith.addi %parallel_loop3A_93, %parallel_loop3A_143 : vector<16xi32>
        %parallel_loop3A_145 = tpu.vector_load_idx %arg7[%parallel_loop3A_144] : memref<33000xf32, #tpu.memory_space<vmem>>[vector<16xi32>], vector<16xf32>,
        %parallel_loop3A_146 = arith.constant 16 : i32
        %parallel_loop3A_147 = arith.muli %parallel_loop3A_84, %parallel_loop3A_146 : i32
        %parallel_loop3A_148 = arith.constant 2 : i32
        %parallel_loop3A_149 = arith.index_cast %parallel_loop3A_148 : i32 to index
        %parallel_loop3A_150 = arith.index_cast %parallel_loop3A_147 : i32 to index
        %parallel_loop3A_151 = tpu.vector_load %arg11[%parallel_loop3A_149, %parallel_loop3A_150] {strides = array<i32>} : memref<64x128xf32, #tpu.memory_space<vmem>>, vector<16xf32>,
        tpu.vector_store %arg11[%parallel_loop3A_149, %parallel_loop3A_150], %parallel_loop3A_145 {strides = array<i32>} : memref<64x128xf32, #tpu.memory_space<vmem>>, vector<16xf32>,
        %parallel_loop3A_152 = arith.constant 2 : i32
        %parallel_loop3A_153 = vector.broadcast %parallel_loop3A_152 : i32 to vector<16xi32>
        %parallel_loop3A_154 = arith.addi %parallel_loop3A_101, %parallel_loop3A_153 : vector<16xi32>
        %parallel_loop3A_155 = tpu.vector_load_idx %arg8[%parallel_loop3A_154] : memref<8448xf32, #tpu.memory_space<vmem>>[vector<16xi32>], vector<16xf32>,
        %parallel_loop3A_156 = arith.constant 16 : i32
        %parallel_loop3A_157 = arith.muli %parallel_loop3A_84, %parallel_loop3A_156 : i32
        %parallel_loop3A_158 = arith.constant 34 : i32
        %parallel_loop3A_159 = arith.index_cast %parallel_loop3A_158 : i32 to index
        %parallel_loop3A_160 = arith.index_cast %parallel_loop3A_157 : i32 to index
        %parallel_loop3A_161 = tpu.vector_load %arg11[%parallel_loop3A_159, %parallel_loop3A_160] {strides = array<i32>} : memref<64x128xf32, #tpu.memory_space<vmem>>, vector<16xf32>,
        tpu.vector_store %arg11[%parallel_loop3A_159, %parallel_loop3A_160], %parallel_loop3A_155 {strides = array<i32>} : memref<64x128xf32, #tpu.memory_space<vmem>>, vector<16xf32>,
        %parallel_loop3A_162 = arith.constant 3 : i32
        %parallel_loop3A_163 = vector.broadcast %parallel_loop3A_162 : i32 to vector<16xi32>
        %parallel_loop3A_164 = arith.addi %parallel_loop3A_93, %parallel_loop3A_163 : vector<16xi32>
        %parallel_loop3A_165 = tpu.vector_load_idx %arg7[%parallel_loop3A_164] : memref<33000xf32, #tpu.memory_space<vmem>>[vector<16xi32>], vector<16xf32>,
        %parallel_loop3A_166 = arith.constant 16 : i32
        %parallel_loop3A_167 = arith.muli %parallel_loop3A_84, %parallel_loop3A_166 : i32
        %parallel_loop3A_168 = arith.constant 3 : i32
        %parallel_loop3A_169 = arith.index_cast %parallel_loop3A_168 : i32 to index
        %parallel_loop3A_170 = arith.index_cast %parallel_loop3A_167 : i32 to index
        %parallel_loop3A_171 = tpu.vector_load %arg11[%parallel_loop3A_169, %parallel_loop3A_170] {strides = array<i32>} : memref<64x128xf32, #tpu.memory_space<vmem>>, vector<16xf32>,
        tpu.vector_store %arg11[%parallel_loop3A_169, %parallel_loop3A_170], %parallel_loop3A_165 {strides = array<i32>} : memref<64x128xf32, #tpu.memory_space<vmem>>, vector<16xf32>,
        %parallel_loop3A_172 = arith.constant 3 : i32
        %parallel_loop3A_173 = vector.broadcast %parallel_loop3A_172 : i32 to vector<16xi32>
        %parallel_loop3A_174 = arith.addi %parallel_loop3A_101, %parallel_loop3A_173 : vector<16xi32>
        %parallel_loop3A_175 = tpu.vector_load_idx %arg8[%parallel_loop3A_174] : memref<8448xf32, #tpu.memory_space<vmem>>[vector<16xi32>], vector<16xf32>,
        %parallel_loop3A_176 = arith.constant 16 : i32
        %parallel_loop3A_177 = arith.muli %parallel_loop3A_84, %parallel_loop3A_176 : i32
        %parallel_loop3A_178 = arith.constant 35 : i32
        %parallel_loop3A_179 = arith.index_cast %parallel_loop3A_178 : i32 to index
        %parallel_loop3A_180 = arith.index_cast %parallel_loop3A_177 : i32 to index
        %parallel_loop3A_181 = tpu.vector_load %arg11[%parallel_loop3A_179, %parallel_loop3A_180] {strides = array<i32>} : memref<64x128xf32, #tpu.memory_space<vmem>>, vector<16xf32>,
        tpu.vector_store %arg11[%parallel_loop3A_179, %parallel_loop3A_180], %parallel_loop3A_175 {strides = array<i32>} : memref<64x128xf32, #tpu.memory_space<vmem>>, vector<16xf32>,
        %parallel_loop3A_182 = arith.constant 4 : i32
        %parallel_loop3A_183 = vector.broadcast %parallel_loop3A_182 : i32 to vector<16xi32>
        %parallel_loop3A_184 = arith.addi %parallel_loop3A_93, %parallel_loop3A_183 : vector<16xi32>
        %parallel_loop3A_185 = tpu.vector_load_idx %arg7[%parallel_loop3A_184] : memref<33000xf32, #tpu.memory_space<vmem>>[vector<16xi32>], vector<16xf32>,
        %parallel_loop3A_186 = arith.constant 16 : i32
        %parallel_loop3A_187 = arith.muli %parallel_loop3A_84, %parallel_loop3A_186 : i32
        %parallel_loop3A_188 = arith.constant 4 : i32
        %parallel_loop3A_189 = arith.index_cast %parallel_loop3A_188 : i32 to index
        %parallel_loop3A_190 = arith.index_cast %parallel_loop3A_187 : i32 to index
        %parallel_loop3A_191 = tpu.vector_load %arg11[%parallel_loop3A_189, %parallel_loop3A_190] {strides = array<i32>} : memref<64x128xf32, #tpu.memory_space<vmem>>, vector<16xf32>,
        tpu.vector_store %arg11[%parallel_loop3A_189, %parallel_loop3A_190], %parallel_loop3A_185 {strides = array<i32>} : memref<64x128xf32, #tpu.memory_space<vmem>>, vector<16xf32>,
        %parallel_loop3A_192 = arith.constant 4 : i32
        %parallel_loop3A_193 = vector.broadcast %parallel_loop3A_192 : i32 to vector<16xi32>
        %parallel_loop3A_194 = arith.addi %parallel_loop3A_101, %parallel_loop3A_193 : vector<16xi32>
        %parallel_loop3A_195 = tpu.vector_load_idx %arg8[%parallel_loop3A_194] : memref<8448xf32, #tpu.memory_space<vmem>>[vector<16xi32>], vector<16xf32>,
        %parallel_loop3A_196 = arith.constant 16 : i32
        %parallel_loop3A_197 = arith.muli %parallel_loop3A_84, %parallel_loop3A_196 : i32
        %parallel_loop3A_198 = arith.constant 36 : i32
        %parallel_loop3A_199 = arith.index_cast %parallel_loop3A_198 : i32 to index
        %parallel_loop3A_200 = arith.index_cast %parallel_loop3A_197 : i32 to index
        %parallel_loop3A_201 = tpu.vector_load %arg11[%parallel_loop3A_199, %parallel_loop3A_200] {strides = array<i32>} : memref<64x128xf32, #tpu.memory_space<vmem>>, vector<16xf32>,
        tpu.vector_store %arg11[%parallel_loop3A_199, %parallel_loop3A_200], %parallel_loop3A_195 {strides = array<i32>} : memref<64x128xf32, #tpu.memory_space<vmem>>, vector<16xf32>,
        %parallel_loop3A_202 = arith.constant 5 : i32
        %parallel_loop3A_203 = vector.broadcast %parallel_loop3A_202 : i32 to vector<16xi32>
        %parallel_loop3A_204 = arith.addi %parallel_loop3A_93, %parallel_loop3A_203 : vector<16xi32>
        %parallel_loop3A_205 = tpu.vector_load_idx %arg7[%parallel_loop3A_204] : memref<33000xf32, #tpu.memory_space<vmem>>[vector<16xi32>], vector<16xf32>,
        %parallel_loop3A_206 = arith.constant 16 : i32
        %parallel_loop3A_207 = arith.muli %parallel_loop3A_84, %parallel_loop3A_206 : i32
        %parallel_loop3A_208 = arith.constant 5 : i32
        %parallel_loop3A_209 = arith.index_cast %parallel_loop3A_208 : i32 to index
        %parallel_loop3A_210 = arith.index_cast %parallel_loop3A_207 : i32 to index
        %parallel_loop3A_211 = tpu.vector_load %arg11[%parallel_loop3A_209, %parallel_loop3A_210] {strides = array<i32>} : memref<64x128xf32, #tpu.memory_space<vmem>>, vector<16xf32>,
        tpu.vector_store %arg11[%parallel_loop3A_209, %parallel_loop3A_210], %parallel_loop3A_205 {strides = array<i32>} : memref<64x128xf32, #tpu.memory_space<vmem>>, vector<16xf32>,
        %parallel_loop3A_212 = arith.constant 5 : i32
        %parallel_loop3A_213 = vector.broadcast %parallel_loop3A_212 : i32 to vector<16xi32>
        %parallel_loop3A_214 = arith.addi %parallel_loop3A_101, %parallel_loop3A_213 : vector<16xi32>
        %parallel_loop3A_215 = tpu.vector_load_idx %arg8[%parallel_loop3A_214] : memref<8448xf32, #tpu.memory_space<vmem>>[vector<16xi32>], vector<16xf32>,
        %parallel_loop3A_216 = arith.constant 16 : i32
        %parallel_loop3A_217 = arith.muli %parallel_loop3A_84, %parallel_loop3A_216 : i32
        %parallel_loop3A_218 = arith.constant 37 : i32
        %parallel_loop3A_219 = arith.index_cast %parallel_loop3A_218 : i32 to index
        %parallel_loop3A_220 = arith.index_cast %parallel_loop3A_217 : i32 to index
        %parallel_loop3A_221 = tpu.vector_load %arg11[%parallel_loop3A_219, %parallel_loop3A_220] {strides = array<i32>} : memref<64x128xf32, #tpu.memory_space<vmem>>, vector<16xf32>,
        tpu.vector_store %arg11[%parallel_loop3A_219, %parallel_loop3A_220], %parallel_loop3A_215 {strides = array<i32>} : memref<64x128xf32, #tpu.memory_space<vmem>>, vector<16xf32>,
        %parallel_loop3A_222 = arith.constant 6 : i32
        %parallel_loop3A_223 = vector.broadcast %parallel_loop3A_222 : i32 to vector<16xi32>
        %parallel_loop3A_224 = arith.addi %parallel_loop3A_93, %parallel_loop3A_223 : vector<16xi32>
        %parallel_loop3A_225 = tpu.vector_load_idx %arg7[%parallel_loop3A_224] : memref<33000xf32, #tpu.memory_space<vmem>>[vector<16xi32>], vector<16xf32>,
        %parallel_loop3A_226 = arith.constant 16 : i32
        %parallel_loop3A_227 = arith.muli %parallel_loop3A_84, %parallel_loop3A_226 : i32
        %parallel_loop3A_228 = arith.constant 6 : i32
        %parallel_loop3A_229 = arith.index_cast %parallel_loop3A_228 : i32 to index
        %parallel_loop3A_230 = arith.index_cast %parallel_loop3A_227 : i32 to index
        %parallel_loop3A_231 = tpu.vector_load %arg11[%parallel_loop3A_229, %parallel_loop3A_230] {strides = array<i32>} : memref<64x128xf32, #tpu.memory_space<vmem>>, vector<16xf32>,
        tpu.vector_store %arg11[%parallel_loop3A_229, %parallel_loop3A_230], %parallel_loop3A_225 {strides = array<i32>} : memref<64x128xf32, #tpu.memory_space<vmem>>, vector<16xf32>,
        %parallel_loop3A_232 = arith.constant 6 : i32
        %parallel_loop3A_233 = vector.broadcast %parallel_loop3A_232 : i32 to vector<16xi32>
        %parallel_loop3A_234 = arith.addi %parallel_loop3A_101, %parallel_loop3A_233 : vector<16xi32>
        %parallel_loop3A_235 = tpu.vector_load_idx %arg8[%parallel_loop3A_234] : memref<8448xf32, #tpu.memory_space<vmem>>[vector<16xi32>], vector<16xf32>,
        %parallel_loop3A_236 = arith.constant 16 : i32
        %parallel_loop3A_237 = arith.muli %parallel_loop3A_84, %parallel_loop3A_236 : i32
        %parallel_loop3A_238 = arith.constant 38 : i32
        %parallel_loop3A_239 = arith.index_cast %parallel_loop3A_238 : i32 to index
        %parallel_loop3A_240 = arith.index_cast %parallel_loop3A_237 : i32 to index
        %parallel_loop3A_241 = tpu.vector_load %arg11[%parallel_loop3A_239, %parallel_loop3A_240] {strides = array<i32>} : memref<64x128xf32, #tpu.memory_space<vmem>>, vector<16xf32>,
        tpu.vector_store %arg11[%parallel_loop3A_239, %parallel_loop3A_240], %parallel_loop3A_235 {strides = array<i32>} : memref<64x128xf32, #tpu.memory_space<vmem>>, vector<16xf32>,
        %parallel_loop3A_242 = arith.constant 7 : i32
        %parallel_loop3A_243 = vector.broadcast %parallel_loop3A_242 : i32 to vector<16xi32>
        %parallel_loop3A_244 = arith.addi %parallel_loop3A_93, %parallel_loop3A_243 : vector<16xi32>
        %parallel_loop3A_245 = tpu.vector_load_idx %arg7[%parallel_loop3A_244] : memref<33000xf32, #tpu.memory_space<vmem>>[vector<16xi32>], vector<16xf32>,
        %parallel_loop3A_246 = arith.constant 16 : i32
        %parallel_loop3A_247 = arith.muli %parallel_loop3A_84, %parallel_loop3A_246 : i32
        %parallel_loop3A_248 = arith.constant 7 : i32
        %parallel_loop3A_249 = arith.index_cast %parallel_loop3A_248 : i32 to index
        %parallel_loop3A_250 = arith.index_cast %parallel_loop3A_247 : i32 to index
        %parallel_loop3A_251 = tpu.vector_load %arg11[%parallel_loop3A_249, %parallel_loop3A_250] {strides = array<i32>} : memref<64x128xf32, #tpu.memory_space<vmem>>, vector<16xf32>,
        tpu.vector_store %arg11[%parallel_loop3A_249, %parallel_loop3A_250], %parallel_loop3A_245 {strides = array<i32>} : memref<64x128xf32, #tpu.memory_space<vmem>>, vector<16xf32>,
        %parallel_loop3A_252 = arith.constant 7 : i32
        %parallel_loop3A_253 = vector.broadcast %parallel_loop3A_252 : i32 to vector<16xi32>
        %parallel_loop3A_254 = arith.addi %parallel_loop3A_101, %parallel_loop3A_253 : vector<16xi32>
        %parallel_loop3A_255 = tpu.vector_load_idx %arg8[%parallel_loop3A_254] : memref<8448xf32, #tpu.memory_space<vmem>>[vector<16xi32>], vector<16xf32>,
        %parallel_loop3A_256 = arith.constant 16 : i32
        %parallel_loop3A_257 = arith.muli %parallel_loop3A_84, %parallel_loop3A_256 : i32
        %parallel_loop3A_258 = arith.constant 39 : i32
        %parallel_loop3A_259 = arith.index_cast %parallel_loop3A_258 : i32 to index
        %parallel_loop3A_260 = arith.index_cast %parallel_loop3A_257 : i32 to index
        %parallel_loop3A_261 = tpu.vector_load %arg11[%parallel_loop3A_259, %parallel_loop3A_260] {strides = array<i32>} : memref<64x128xf32, #tpu.memory_space<vmem>>, vector<16xf32>,
        tpu.vector_store %arg11[%parallel_loop3A_259, %parallel_loop3A_260], %parallel_loop3A_255 {strides = array<i32>} : memref<64x128xf32, #tpu.memory_space<vmem>>, vector<16xf32>,
        %parallel_loop3A_262 = arith.constant 8 : i32
        %parallel_loop3A_263 = vector.broadcast %parallel_loop3A_262 : i32 to vector<16xi32>
        %parallel_loop3A_264 = arith.addi %parallel_loop3A_93, %parallel_loop3A_263 : vector<16xi32>
        %parallel_loop3A_265 = tpu.vector_load_idx %arg7[%parallel_loop3A_264] : memref<33000xf32, #tpu.memory_space<vmem>>[vector<16xi32>], vector<16xf32>,
        %parallel_loop3A_266 = arith.constant 16 : i32
        %parallel_loop3A_267 = arith.muli %parallel_loop3A_84, %parallel_loop3A_266 : i32
        %parallel_loop3A_268 = arith.constant 8 : i32
        %parallel_loop3A_269 = arith.index_cast %parallel_loop3A_268 : i32 to index
        %parallel_loop3A_270 = arith.index_cast %parallel_loop3A_267 : i32 to index
        %parallel_loop3A_271 = tpu.vector_load %arg11[%parallel_loop3A_269, %parallel_loop3A_270] {strides = array<i32>} : memref<64x128xf32, #tpu.memory_space<vmem>>, vector<16xf32>,
        tpu.vector_store %arg11[%parallel_loop3A_269, %parallel_loop3A_270], %parallel_loop3A_265 {strides = array<i32>} : memref<64x128xf32, #tpu.memory_space<vmem>>, vector<16xf32>,
        %parallel_loop3A_272 = arith.constant 8 : i32
        %parallel_loop3A_273 = vector.broadcast %parallel_loop3A_272 : i32 to vector<16xi32>
        %parallel_loop3A_274 = arith.addi %parallel_loop3A_101, %parallel_loop3A_273 : vector<16xi32>
        %parallel_loop3A_275 = tpu.vector_load_idx %arg8[%parallel_loop3A_274] : memref<8448xf32, #tpu.memory_space<vmem>>[vector<16xi32>], vector<16xf32>,
        %parallel_loop3A_276 = arith.constant 16 : i32
        %parallel_loop3A_277 = arith.muli %parallel_loop3A_84, %parallel_loop3A_276 : i32
        %parallel_loop3A_278 = arith.constant 40 : i32
        %parallel_loop3A_279 = arith.index_cast %parallel_loop3A_278 : i32 to index
        %parallel_loop3A_280 = arith.index_cast %parallel_loop3A_277 : i32 to index
        %parallel_loop3A_281 = tpu.vector_load %arg11[%parallel_loop3A_279, %parallel_loop3A_280] {strides = array<i32>} : memref<64x128xf32, #tpu.memory_space<vmem>>, vector<16xf32>,
        tpu.vector_store %arg11[%parallel_loop3A_279, %parallel_loop3A_280], %parallel_loop3A_275 {strides = array<i32>} : memref<64x128xf32, #tpu.memory_space<vmem>>, vector<16xf32>,
        %parallel_loop3A_282 = arith.constant 9 : i32
        %parallel_loop3A_283 = vector.broadcast %parallel_loop3A_282 : i32 to vector<16xi32>
        %parallel_loop3A_284 = arith.addi %parallel_loop3A_93, %parallel_loop3A_283 : vector<16xi32>
        %parallel_loop3A_285 = tpu.vector_load_idx %arg7[%parallel_loop3A_284] : memref<33000xf32, #tpu.memory_space<vmem>>[vector<16xi32>], vector<16xf32>,
        %parallel_loop3A_286 = arith.constant 16 : i32
        %parallel_loop3A_287 = arith.muli %parallel_loop3A_84, %parallel_loop3A_286 : i32
        %parallel_loop3A_288 = arith.constant 9 : i32
        %parallel_loop3A_289 = arith.index_cast %parallel_loop3A_288 : i32 to index
        %parallel_loop3A_290 = arith.index_cast %parallel_loop3A_287 : i32 to index
        %parallel_loop3A_291 = tpu.vector_load %arg11[%parallel_loop3A_289, %parallel_loop3A_290] {strides = array<i32>} : memref<64x128xf32, #tpu.memory_space<vmem>>, vector<16xf32>,
        tpu.vector_store %arg11[%parallel_loop3A_289, %parallel_loop3A_290], %parallel_loop3A_285 {strides = array<i32>} : memref<64x128xf32, #tpu.memory_space<vmem>>, vector<16xf32>,
        %parallel_loop3A_292 = arith.constant 9 : i32
        %parallel_loop3A_293 = vector.broadcast %parallel_loop3A_292 : i32 to vector<16xi32>
        %parallel_loop3A_294 = arith.addi %parallel_loop3A_101, %parallel_loop3A_293 : vector<16xi32>
        %parallel_loop3A_295 = tpu.vector_load_idx %arg8[%parallel_loop3A_294] : memref<8448xf32, #tpu.memory_space<vmem>>[vector<16xi32>], vector<16xf32>,
        %parallel_loop3A_296 = arith.constant 16 : i32
        %parallel_loop3A_297 = arith.muli %parallel_loop3A_84, %parallel_loop3A_296 : i32
        %parallel_loop3A_298 = arith.constant 41 : i32
        %parallel_loop3A_299 = arith.index_cast %parallel_loop3A_298 : i32 to index
        %parallel_loop3A_300 = arith.index_cast %parallel_loop3A_297 : i32 to index
        %parallel_loop3A_301 = tpu.vector_load %arg11[%parallel_loop3A_299, %parallel_loop3A_300] {strides = array<i32>} : memref<64x128xf32, #tpu.memory_space<vmem>>, vector<16xf32>,
        tpu.vector_store %arg11[%parallel_loop3A_299, %parallel_loop3A_300], %parallel_loop3A_295 {strides = array<i32>} : memref<64x128xf32, #tpu.memory_space<vmem>>, vector<16xf32>,
        %parallel_loop3A_302 = arith.constant 10 : i32
        %parallel_loop3A_303 = vector.broadcast %parallel_loop3A_302 : i32 to vector<16xi32>
        %parallel_loop3A_304 = arith.addi %parallel_loop3A_93, %parallel_loop3A_303 : vector<16xi32>
        %parallel_loop3A_305 = tpu.vector_load_idx %arg7[%parallel_loop3A_304] : memref<33000xf32, #tpu.memory_space<vmem>>[vector<16xi32>], vector<16xf32>,
        %parallel_loop3A_306 = arith.constant 16 : i32
        %parallel_loop3A_307 = arith.muli %parallel_loop3A_84, %parallel_loop3A_306 : i32
        %parallel_loop3A_308 = arith.constant 10 : i32
        %parallel_loop3A_309 = arith.index_cast %parallel_loop3A_308 : i32 to index
        %parallel_loop3A_310 = arith.index_cast %parallel_loop3A_307 : i32 to index
        %parallel_loop3A_311 = tpu.vector_load %arg11[%parallel_loop3A_309, %parallel_loop3A_310] {strides = array<i32>} : memref<64x128xf32, #tpu.memory_space<vmem>>, vector<16xf32>,
        tpu.vector_store %arg11[%parallel_loop3A_309, %parallel_loop3A_310], %parallel_loop3A_305 {strides = array<i32>} : memref<64x128xf32, #tpu.memory_space<vmem>>, vector<16xf32>,
        %parallel_loop3A_312 = arith.constant 10 : i32
        %parallel_loop3A_313 = vector.broadcast %parallel_loop3A_312 : i32 to vector<16xi32>
        %parallel_loop3A_314 = arith.addi %parallel_loop3A_101, %parallel_loop3A_313 : vector<16xi32>
        %parallel_loop3A_315 = tpu.vector_load_idx %arg8[%parallel_loop3A_314] : memref<8448xf32, #tpu.memory_space<vmem>>[vector<16xi32>], vector<16xf32>,
        %parallel_loop3A_316 = arith.constant 16 : i32
        %parallel_loop3A_317 = arith.muli %parallel_loop3A_84, %parallel_loop3A_316 : i32
        %parallel_loop3A_318 = arith.constant 42 : i32
        %parallel_loop3A_319 = arith.index_cast %parallel_loop3A_318 : i32 to index
        %parallel_loop3A_320 = arith.index_cast %parallel_loop3A_317 : i32 to index
        %parallel_loop3A_321 = tpu.vector_load %arg11[%parallel_loop3A_319, %parallel_loop3A_320] {strides = array<i32>} : memref<64x128xf32, #tpu.memory_space<vmem>>, vector<16xf32>,
        tpu.vector_store %arg11[%parallel_loop3A_319, %parallel_loop3A_320], %parallel_loop3A_315 {strides = array<i32>} : memref<64x128xf32, #tpu.memory_space<vmem>>, vector<16xf32>,
        %parallel_loop3A_322 = arith.constant 11 : i32
        %parallel_loop3A_323 = vector.broadcast %parallel_loop3A_322 : i32 to vector<16xi32>
        %parallel_loop3A_324 = arith.addi %parallel_loop3A_93, %parallel_loop3A_323 : vector<16xi32>
        %parallel_loop3A_325 = tpu.vector_load_idx %arg7[%parallel_loop3A_324] : memref<33000xf32, #tpu.memory_space<vmem>>[vector<16xi32>], vector<16xf32>,
        %parallel_loop3A_326 = arith.constant 16 : i32
        %parallel_loop3A_327 = arith.muli %parallel_loop3A_84, %parallel_loop3A_326 : i32
        %parallel_loop3A_328 = arith.constant 11 : i32
        %parallel_loop3A_329 = arith.index_cast %parallel_loop3A_328 : i32 to index
        %parallel_loop3A_330 = arith.index_cast %parallel_loop3A_327 : i32 to index
        %parallel_loop3A_331 = tpu.vector_load %arg11[%parallel_loop3A_329, %parallel_loop3A_330] {strides = array<i32>} : memref<64x128xf32, #tpu.memory_space<vmem>>, vector<16xf32>,
        tpu.vector_store %arg11[%parallel_loop3A_329, %parallel_loop3A_330], %parallel_loop3A_325 {strides = array<i32>} : memref<64x128xf32, #tpu.memory_space<vmem>>, vector<16xf32>,
        %parallel_loop3A_332 = arith.constant 11 : i32
        %parallel_loop3A_333 = vector.broadcast %parallel_loop3A_332 : i32 to vector<16xi32>
        %parallel_loop3A_334 = arith.addi %parallel_loop3A_101, %parallel_loop3A_333 : vector<16xi32>
        %parallel_loop3A_335 = tpu.vector_load_idx %arg8[%parallel_loop3A_334] : memref<8448xf32, #tpu.memory_space<vmem>>[vector<16xi32>], vector<16xf32>,
        %parallel_loop3A_336 = arith.constant 16 : i32
        %parallel_loop3A_337 = arith.muli %parallel_loop3A_84, %parallel_loop3A_336 : i32
        %parallel_loop3A_338 = arith.constant 43 : i32
        %parallel_loop3A_339 = arith.index_cast %parallel_loop3A_338 : i32 to index
        %parallel_loop3A_340 = arith.index_cast %parallel_loop3A_337 : i32 to index
        %parallel_loop3A_341 = tpu.vector_load %arg11[%parallel_loop3A_339, %parallel_loop3A_340] {strides = array<i32>} : memref<64x128xf32, #tpu.memory_space<vmem>>, vector<16xf32>,
        tpu.vector_store %arg11[%parallel_loop3A_339, %parallel_loop3A_340], %parallel_loop3A_335 {strides = array<i32>} : memref<64x128xf32, #tpu.memory_space<vmem>>, vector<16xf32>,
        %parallel_loop3A_342 = arith.constant 12 : i32
        %parallel_loop3A_343 = vector.broadcast %parallel_loop3A_342 : i32 to vector<16xi32>
        %parallel_loop3A_344 = arith.addi %parallel_loop3A_93, %parallel_loop3A_343 : vector<16xi32>
        %parallel_loop3A_345 = tpu.vector_load_idx %arg7[%parallel_loop3A_344] : memref<33000xf32, #tpu.memory_space<vmem>>[vector<16xi32>], vector<16xf32>,
        %parallel_loop3A_346 = arith.constant 16 : i32
        %parallel_loop3A_347 = arith.muli %parallel_loop3A_84, %parallel_loop3A_346 : i32
        %parallel_loop3A_348 = arith.constant 12 : i32
        %parallel_loop3A_349 = arith.index_cast %parallel_loop3A_348 : i32 to index
        %parallel_loop3A_350 = arith.index_cast %parallel_loop3A_347 : i32 to index
        %parallel_loop3A_351 = tpu.vector_load %arg11[%parallel_loop3A_349, %parallel_loop3A_350] {strides = array<i32>} : memref<64x128xf32, #tpu.memory_space<vmem>>, vector<16xf32>,
        tpu.vector_store %arg11[%parallel_loop3A_349, %parallel_loop3A_350], %parallel_loop3A_345 {strides = array<i32>} : memref<64x128xf32, #tpu.memory_space<vmem>>, vector<16xf32>,
        %parallel_loop3A_352 = arith.constant 12 : i32
        %parallel_loop3A_353 = vector.broadcast %parallel_loop3A_352 : i32 to vector<16xi32>
        %parallel_loop3A_354 = arith.addi %parallel_loop3A_101, %parallel_loop3A_353 : vector<16xi32>
        %parallel_loop3A_355 = tpu.vector_load_idx %arg8[%parallel_loop3A_354] : memref<8448xf32, #tpu.memory_space<vmem>>[vector<16xi32>], vector<16xf32>,
        %parallel_loop3A_356 = arith.constant 16 : i32
        %parallel_loop3A_357 = arith.muli %parallel_loop3A_84, %parallel_loop3A_356 : i32
        %parallel_loop3A_358 = arith.constant 44 : i32
        %parallel_loop3A_359 = arith.index_cast %parallel_loop3A_358 : i32 to index
        %parallel_loop3A_360 = arith.index_cast %parallel_loop3A_357 : i32 to index
        %parallel_loop3A_361 = tpu.vector_load %arg11[%parallel_loop3A_359, %parallel_loop3A_360] {strides = array<i32>} : memref<64x128xf32, #tpu.memory_space<vmem>>, vector<16xf32>,
        tpu.vector_store %arg11[%parallel_loop3A_359, %parallel_loop3A_360], %parallel_loop3A_355 {strides = array<i32>} : memref<64x128xf32, #tpu.memory_space<vmem>>, vector<16xf32>,
        %parallel_loop3A_362 = arith.constant 13 : i32
        %parallel_loop3A_363 = vector.broadcast %parallel_loop3A_362 : i32 to vector<16xi32>
        %parallel_loop3A_364 = arith.addi %parallel_loop3A_93, %parallel_loop3A_363 : vector<16xi32>
        %parallel_loop3A_365 = tpu.vector_load_idx %arg7[%parallel_loop3A_364] : memref<33000xf32, #tpu.memory_space<vmem>>[vector<16xi32>], vector<16xf32>,
        %parallel_loop3A_366 = arith.constant 16 : i32
        %parallel_loop3A_367 = arith.muli %parallel_loop3A_84, %parallel_loop3A_366 : i32
        %parallel_loop3A_368 = arith.constant 13 : i32
        %parallel_loop3A_369 = arith.index_cast %parallel_loop3A_368 : i32 to index
        %parallel_loop3A_370 = arith.index_cast %parallel_loop3A_367 : i32 to index
        %parallel_loop3A_371 = tpu.vector_load %arg11[%parallel_loop3A_369, %parallel_loop3A_370] {strides = array<i32>} : memref<64x128xf32, #tpu.memory_space<vmem>>, vector<16xf32>,
        tpu.vector_store %arg11[%parallel_loop3A_369, %parallel_loop3A_370], %parallel_loop3A_365 {strides = array<i32>} : memref<64x128xf32, #tpu.memory_space<vmem>>, vector<16xf32>,
        %parallel_loop3A_372 = arith.constant 13 : i32
        %parallel_loop3A_373 = vector.broadcast %parallel_loop3A_372 : i32 to vector<16xi32>
        %parallel_loop3A_374 = arith.addi %parallel_loop3A_101, %parallel_loop3A_373 : vector<16xi32>
        %parallel_loop3A_375 = tpu.vector_load_idx %arg8[%parallel_loop3A_374] : memref<8448xf32, #tpu.memory_space<vmem>>[vector<16xi32>], vector<16xf32>,
        %parallel_loop3A_376 = arith.constant 16 : i32
        %parallel_loop3A_377 = arith.muli %parallel_loop3A_84, %parallel_loop3A_376 : i32
        %parallel_loop3A_378 = arith.constant 45 : i32
        %parallel_loop3A_379 = arith.index_cast %parallel_loop3A_378 : i32 to index
        %parallel_loop3A_380 = arith.index_cast %parallel_loop3A_377 : i32 to index
        %parallel_loop3A_381 = tpu.vector_load %arg11[%parallel_loop3A_379, %parallel_loop3A_380] {strides = array<i32>} : memref<64x128xf32, #tpu.memory_space<vmem>>, vector<16xf32>,
        tpu.vector_store %arg11[%parallel_loop3A_379, %parallel_loop3A_380], %parallel_loop3A_375 {strides = array<i32>} : memref<64x128xf32, #tpu.memory_space<vmem>>, vector<16xf32>,
        %parallel_loop3A_382 = arith.constant 14 : i32
        %parallel_loop3A_383 = vector.broadcast %parallel_loop3A_382 : i32 to vector<16xi32>
        %parallel_loop3A_384 = arith.addi %parallel_loop3A_93, %parallel_loop3A_383 : vector<16xi32>
        %parallel_loop3A_385 = tpu.vector_load_idx %arg7[%parallel_loop3A_384] : memref<33000xf32, #tpu.memory_space<vmem>>[vector<16xi32>], vector<16xf32>,
        %parallel_loop3A_386 = arith.constant 16 : i32
        %parallel_loop3A_387 = arith.muli %parallel_loop3A_84, %parallel_loop3A_386 : i32
        %parallel_loop3A_388 = arith.constant 14 : i32
        %parallel_loop3A_389 = arith.index_cast %parallel_loop3A_388 : i32 to index
        %parallel_loop3A_390 = arith.index_cast %parallel_loop3A_387 : i32 to index
        %parallel_loop3A_391 = tpu.vector_load %arg11[%parallel_loop3A_389, %parallel_loop3A_390] {strides = array<i32>} : memref<64x128xf32, #tpu.memory_space<vmem>>, vector<16xf32>,
        tpu.vector_store %arg11[%parallel_loop3A_389, %parallel_loop3A_390], %parallel_loop3A_385 {strides = array<i32>} : memref<64x128xf32, #tpu.memory_space<vmem>>, vector<16xf32>,
        %parallel_loop3A_392 = arith.constant 14 : i32
        %parallel_loop3A_393 = vector.broadcast %parallel_loop3A_392 : i32 to vector<16xi32>
        %parallel_loop3A_394 = arith.addi %parallel_loop3A_101, %parallel_loop3A_393 : vector<16xi32>
        %parallel_loop3A_395 = tpu.vector_load_idx %arg8[%parallel_loop3A_394] : memref<8448xf32, #tpu.memory_space<vmem>>[vector<16xi32>], vector<16xf32>,
        %parallel_loop3A_396 = arith.constant 16 : i32
        %parallel_loop3A_397 = arith.muli %parallel_loop3A_84, %parallel_loop3A_396 : i32
        %parallel_loop3A_398 = arith.constant 46 : i32
        %parallel_loop3A_399 = arith.index_cast %parallel_loop3A_398 : i32 to index
        %parallel_loop3A_400 = arith.index_cast %parallel_loop3A_397 : i32 to index
        %parallel_loop3A_401 = tpu.vector_load %arg11[%parallel_loop3A_399, %parallel_loop3A_400] {strides = array<i32>} : memref<64x128xf32, #tpu.memory_space<vmem>>, vector<16xf32>,
        tpu.vector_store %arg11[%parallel_loop3A_399, %parallel_loop3A_400], %parallel_loop3A_395 {strides = array<i32>} : memref<64x128xf32, #tpu.memory_space<vmem>>, vector<16xf32>,
        %parallel_loop3A_402 = arith.constant 15 : i32
        %parallel_loop3A_403 = vector.broadcast %parallel_loop3A_402 : i32 to vector<16xi32>
        %parallel_loop3A_404 = arith.addi %parallel_loop3A_93, %parallel_loop3A_403 : vector<16xi32>
        %parallel_loop3A_405 = tpu.vector_load_idx %arg7[%parallel_loop3A_404] : memref<33000xf32, #tpu.memory_space<vmem>>[vector<16xi32>], vector<16xf32>,
        %parallel_loop3A_406 = arith.constant 16 : i32
        %parallel_loop3A_407 = arith.muli %parallel_loop3A_84, %parallel_loop3A_406 : i32
        %parallel_loop3A_408 = arith.constant 15 : i32
        %parallel_loop3A_409 = arith.index_cast %parallel_loop3A_408 : i32 to index
        %parallel_loop3A_410 = arith.index_cast %parallel_loop3A_407 : i32 to index
        %parallel_loop3A_411 = tpu.vector_load %arg11[%parallel_loop3A_409, %parallel_loop3A_410] {strides = array<i32>} : memref<64x128xf32, #tpu.memory_space<vmem>>, vector<16xf32>,
        tpu.vector_store %arg11[%parallel_loop3A_409, %parallel_loop3A_410], %parallel_loop3A_405 {strides = array<i32>} : memref<64x128xf32, #tpu.memory_space<vmem>>, vector<16xf32>,
        %parallel_loop3A_412 = arith.constant 15 : i32
        %parallel_loop3A_413 = vector.broadcast %parallel_loop3A_412 : i32 to vector<16xi32>
        %parallel_loop3A_414 = arith.addi %parallel_loop3A_101, %parallel_loop3A_413 : vector<16xi32>
        %parallel_loop3A_415 = tpu.vector_load_idx %arg8[%parallel_loop3A_414] : memref<8448xf32, #tpu.memory_space<vmem>>[vector<16xi32>], vector<16xf32>,
        %parallel_loop3A_416 = arith.constant 16 : i32
        %parallel_loop3A_417 = arith.muli %parallel_loop3A_84, %parallel_loop3A_416 : i32
        %parallel_loop3A_418 = arith.constant 47 : i32
        %parallel_loop3A_419 = arith.index_cast %parallel_loop3A_418 : i32 to index
        %parallel_loop3A_420 = arith.index_cast %parallel_loop3A_417 : i32 to index
        %parallel_loop3A_421 = tpu.vector_load %arg11[%parallel_loop3A_419, %parallel_loop3A_420] {strides = array<i32>} : memref<64x128xf32, #tpu.memory_space<vmem>>, vector<16xf32>,
        tpu.vector_store %arg11[%parallel_loop3A_419, %parallel_loop3A_420], %parallel_loop3A_415 {strides = array<i32>} : memref<64x128xf32, #tpu.memory_space<vmem>>, vector<16xf32>,
        %parallel_loop3A_422 = arith.constant 16 : i32
        %parallel_loop3A_423 = vector.broadcast %parallel_loop3A_422 : i32 to vector<16xi32>
        %parallel_loop3A_424 = arith.addi %parallel_loop3A_93, %parallel_loop3A_423 : vector<16xi32>
        %parallel_loop3A_425 = tpu.vector_load_idx %arg7[%parallel_loop3A_424] : memref<33000xf32, #tpu.memory_space<vmem>>[vector<16xi32>], vector<16xf32>,
        %parallel_loop3A_426 = arith.constant 16 : i32
        %parallel_loop3A_427 = arith.muli %parallel_loop3A_84, %parallel_loop3A_426 : i32
        %parallel_loop3A_428 = arith.constant 16 : i32
        %parallel_loop3A_429 = arith.index_cast %parallel_loop3A_428 : i32 to index
        %parallel_loop3A_430 = arith.index_cast %parallel_loop3A_427 : i32 to index
        %parallel_loop3A_431 = tpu.vector_load %arg11[%parallel_loop3A_429, %parallel_loop3A_430] {strides = array<i32>} : memref<64x128xf32, #tpu.memory_space<vmem>>, vector<16xf32>,
        tpu.vector_store %arg11[%parallel_loop3A_429, %parallel_loop3A_430], %parallel_loop3A_425 {strides = array<i32>} : memref<64x128xf32, #tpu.memory_space<vmem>>, vector<16xf32>,
        %parallel_loop3A_432 = arith.constant 16 : i32
        %parallel_loop3A_433 = vector.broadcast %parallel_loop3A_432 : i32 to vector<16xi32>
        %parallel_loop3A_434 = arith.addi %parallel_loop3A_101, %parallel_loop3A_433 : vector<16xi32>
        %parallel_loop3A_435 = tpu.vector_load_idx %arg8[%parallel_loop3A_434] : memref<8448xf32, #tpu.memory_space<vmem>>[vector<16xi32>], vector<16xf32>,
        %parallel_loop3A_436 = arith.constant 16 : i32
        %parallel_loop3A_437 = arith.muli %parallel_loop3A_84, %parallel_loop3A_436 : i32
        %parallel_loop3A_438 = arith.constant 48 : i32
        %parallel_loop3A_439 = arith.index_cast %parallel_loop3A_438 : i32 to index
        %parallel_loop3A_440 = arith.index_cast %parallel_loop3A_437 : i32 to index
        %parallel_loop3A_441 = tpu.vector_load %arg11[%parallel_loop3A_439, %parallel_loop3A_440] {strides = array<i32>} : memref<64x128xf32, #tpu.memory_space<vmem>>, vector<16xf32>,
        tpu.vector_store %arg11[%parallel_loop3A_439, %parallel_loop3A_440], %parallel_loop3A_435 {strides = array<i32>} : memref<64x128xf32, #tpu.memory_space<vmem>>, vector<16xf32>,
        %parallel_loop3A_442 = arith.constant 17 : i32
        %parallel_loop3A_443 = vector.broadcast %parallel_loop3A_442 : i32 to vector<16xi32>
        %parallel_loop3A_444 = arith.addi %parallel_loop3A_93, %parallel_loop3A_443 : vector<16xi32>
        %parallel_loop3A_445 = tpu.vector_load_idx %arg7[%parallel_loop3A_444] : memref<33000xf32, #tpu.memory_space<vmem>>[vector<16xi32>], vector<16xf32>,
        %parallel_loop3A_446 = arith.constant 16 : i32
        %parallel_loop3A_447 = arith.muli %parallel_loop3A_84, %parallel_loop3A_446 : i32
        %parallel_loop3A_448 = arith.constant 17 : i32
        %parallel_loop3A_449 = arith.index_cast %parallel_loop3A_448 : i32 to index
        %parallel_loop3A_450 = arith.index_cast %parallel_loop3A_447 : i32 to index
        %parallel_loop3A_451 = tpu.vector_load %arg11[%parallel_loop3A_449, %parallel_loop3A_450] {strides = array<i32>} : memref<64x128xf32, #tpu.memory_space<vmem>>, vector<16xf32>,
        tpu.vector_store %arg11[%parallel_loop3A_449, %parallel_loop3A_450], %parallel_loop3A_445 {strides = array<i32>} : memref<64x128xf32, #tpu.memory_space<vmem>>, vector<16xf32>,
        %parallel_loop3A_452 = arith.constant 17 : i32
        %parallel_loop3A_453 = vector.broadcast %parallel_loop3A_452 : i32 to vector<16xi32>
        %parallel_loop3A_454 = arith.addi %parallel_loop3A_101, %parallel_loop3A_453 : vector<16xi32>
        %parallel_loop3A_455 = tpu.vector_load_idx %arg8[%parallel_loop3A_454] : memref<8448xf32, #tpu.memory_space<vmem>>[vector<16xi32>], vector<16xf32>,
        %parallel_loop3A_456 = arith.constant 16 : i32
        %parallel_loop3A_457 = arith.muli %parallel_loop3A_84, %parallel_loop3A_456 : i32
        %parallel_loop3A_458 = arith.constant 49 : i32
        %parallel_loop3A_459 = arith.index_cast %parallel_loop3A_458 : i32 to index
        %parallel_loop3A_460 = arith.index_cast %parallel_loop3A_457 : i32 to index
        %parallel_loop3A_461 = tpu.vector_load %arg11[%parallel_loop3A_459, %parallel_loop3A_460] {strides = array<i32>} : memref<64x128xf32, #tpu.memory_space<vmem>>, vector<16xf32>,
        tpu.vector_store %arg11[%parallel_loop3A_459, %parallel_loop3A_460], %parallel_loop3A_455 {strides = array<i32>} : memref<64x128xf32, #tpu.memory_space<vmem>>, vector<16xf32>,
        %parallel_loop3A_462 = arith.constant 18 : i32
        %parallel_loop3A_463 = vector.broadcast %parallel_loop3A_462 : i32 to vector<16xi32>
        %parallel_loop3A_464 = arith.addi %parallel_loop3A_93, %parallel_loop3A_463 : vector<16xi32>
        %parallel_loop3A_465 = tpu.vector_load_idx %arg7[%parallel_loop3A_464] : memref<33000xf32, #tpu.memory_space<vmem>>[vector<16xi32>], vector<16xf32>,
        %parallel_loop3A_466 = arith.constant 16 : i32
        %parallel_loop3A_467 = arith.muli %parallel_loop3A_84, %parallel_loop3A_466 : i32
        %parallel_loop3A_468 = arith.constant 18 : i32
        %parallel_loop3A_469 = arith.index_cast %parallel_loop3A_468 : i32 to index
        %parallel_loop3A_470 = arith.index_cast %parallel_loop3A_467 : i32 to index
        %parallel_loop3A_471 = tpu.vector_load %arg11[%parallel_loop3A_469, %parallel_loop3A_470] {strides = array<i32>} : memref<64x128xf32, #tpu.memory_space<vmem>>, vector<16xf32>,
        tpu.vector_store %arg11[%parallel_loop3A_469, %parallel_loop3A_470], %parallel_loop3A_465 {strides = array<i32>} : memref<64x128xf32, #tpu.memory_space<vmem>>, vector<16xf32>,
        %parallel_loop3A_472 = arith.constant 18 : i32
        %parallel_loop3A_473 = vector.broadcast %parallel_loop3A_472 : i32 to vector<16xi32>
        %parallel_loop3A_474 = arith.addi %parallel_loop3A_101, %parallel_loop3A_473 : vector<16xi32>
        %parallel_loop3A_475 = tpu.vector_load_idx %arg8[%parallel_loop3A_474] : memref<8448xf32, #tpu.memory_space<vmem>>[vector<16xi32>], vector<16xf32>,
        %parallel_loop3A_476 = arith.constant 16 : i32
        %parallel_loop3A_477 = arith.muli %parallel_loop3A_84, %parallel_loop3A_476 : i32
        %parallel_loop3A_478 = arith.constant 50 : i32
        %parallel_loop3A_479 = arith.index_cast %parallel_loop3A_478 : i32 to index
        %parallel_loop3A_480 = arith.index_cast %parallel_loop3A_477 : i32 to index
        %parallel_loop3A_481 = tpu.vector_load %arg11[%parallel_loop3A_479, %parallel_loop3A_480] {strides = array<i32>} : memref<64x128xf32, #tpu.memory_space<vmem>>, vector<16xf32>,
        tpu.vector_store %arg11[%parallel_loop3A_479, %parallel_loop3A_480], %parallel_loop3A_475 {strides = array<i32>} : memref<64x128xf32, #tpu.memory_space<vmem>>, vector<16xf32>,
        %parallel_loop3A_482 = arith.constant 19 : i32
        %parallel_loop3A_483 = vector.broadcast %parallel_loop3A_482 : i32 to vector<16xi32>
        %parallel_loop3A_484 = arith.addi %parallel_loop3A_93, %parallel_loop3A_483 : vector<16xi32>
        %parallel_loop3A_485 = tpu.vector_load_idx %arg7[%parallel_loop3A_484] : memref<33000xf32, #tpu.memory_space<vmem>>[vector<16xi32>], vector<16xf32>,
        %parallel_loop3A_486 = arith.constant 16 : i32
        %parallel_loop3A_487 = arith.muli %parallel_loop3A_84, %parallel_loop3A_486 : i32
        %parallel_loop3A_488 = arith.constant 19 : i32
        %parallel_loop3A_489 = arith.index_cast %parallel_loop3A_488 : i32 to index
        %parallel_loop3A_490 = arith.index_cast %parallel_loop3A_487 : i32 to index
        %parallel_loop3A_491 = tpu.vector_load %arg11[%parallel_loop3A_489, %parallel_loop3A_490] {strides = array<i32>} : memref<64x128xf32, #tpu.memory_space<vmem>>, vector<16xf32>,
        tpu.vector_store %arg11[%parallel_loop3A_489, %parallel_loop3A_490], %parallel_loop3A_485 {strides = array<i32>} : memref<64x128xf32, #tpu.memory_space<vmem>>, vector<16xf32>,
        %parallel_loop3A_492 = arith.constant 19 : i32
        %parallel_loop3A_493 = vector.broadcast %parallel_loop3A_492 : i32 to vector<16xi32>
        %parallel_loop3A_494 = arith.addi %parallel_loop3A_101, %parallel_loop3A_493 : vector<16xi32>
        %parallel_loop3A_495 = tpu.vector_load_idx %arg8[%parallel_loop3A_494] : memref<8448xf32, #tpu.memory_space<vmem>>[vector<16xi32>], vector<16xf32>,
        %parallel_loop3A_496 = arith.constant 16 : i32
        %parallel_loop3A_497 = arith.muli %parallel_loop3A_84, %parallel_loop3A_496 : i32
        %parallel_loop3A_498 = arith.constant 51 : i32
        %parallel_loop3A_499 = arith.index_cast %parallel_loop3A_498 : i32 to index
        %parallel_loop3A_500 = arith.index_cast %parallel_loop3A_497 : i32 to index
        %parallel_loop3A_501 = tpu.vector_load %arg11[%parallel_loop3A_499, %parallel_loop3A_500] {strides = array<i32>} : memref<64x128xf32, #tpu.memory_space<vmem>>, vector<16xf32>,
        tpu.vector_store %arg11[%parallel_loop3A_499, %parallel_loop3A_500], %parallel_loop3A_495 {strides = array<i32>} : memref<64x128xf32, #tpu.memory_space<vmem>>, vector<16xf32>,
        %parallel_loop3A_502 = arith.constant 20 : i32
        %parallel_loop3A_503 = vector.broadcast %parallel_loop3A_502 : i32 to vector<16xi32>
        %parallel_loop3A_504 = arith.addi %parallel_loop3A_93, %parallel_loop3A_503 : vector<16xi32>
        %parallel_loop3A_505 = tpu.vector_load_idx %arg7[%parallel_loop3A_504] : memref<33000xf32, #tpu.memory_space<vmem>>[vector<16xi32>], vector<16xf32>,
        %parallel_loop3A_506 = arith.constant 16 : i32
        %parallel_loop3A_507 = arith.muli %parallel_loop3A_84, %parallel_loop3A_506 : i32
        %parallel_loop3A_508 = arith.constant 20 : i32
        %parallel_loop3A_509 = arith.index_cast %parallel_loop3A_508 : i32 to index
        %parallel_loop3A_510 = arith.index_cast %parallel_loop3A_507 : i32 to index
        %parallel_loop3A_511 = tpu.vector_load %arg11[%parallel_loop3A_509, %parallel_loop3A_510] {strides = array<i32>} : memref<64x128xf32, #tpu.memory_space<vmem>>, vector<16xf32>,
        tpu.vector_store %arg11[%parallel_loop3A_509, %parallel_loop3A_510], %parallel_loop3A_505 {strides = array<i32>} : memref<64x128xf32, #tpu.memory_space<vmem>>, vector<16xf32>,
        %parallel_loop3A_512 = arith.constant 20 : i32
        %parallel_loop3A_513 = vector.broadcast %parallel_loop3A_512 : i32 to vector<16xi32>
        %parallel_loop3A_514 = arith.addi %parallel_loop3A_101, %parallel_loop3A_513 : vector<16xi32>
        %parallel_loop3A_515 = tpu.vector_load_idx %arg8[%parallel_loop3A_514] : memref<8448xf32, #tpu.memory_space<vmem>>[vector<16xi32>], vector<16xf32>,
        %parallel_loop3A_516 = arith.constant 16 : i32
        %parallel_loop3A_517 = arith.muli %parallel_loop3A_84, %parallel_loop3A_516 : i32
        %parallel_loop3A_518 = arith.constant 52 : i32
        %parallel_loop3A_519 = arith.index_cast %parallel_loop3A_518 : i32 to index
        %parallel_loop3A_520 = arith.index_cast %parallel_loop3A_517 : i32 to index
        %parallel_loop3A_521 = tpu.vector_load %arg11[%parallel_loop3A_519, %parallel_loop3A_520] {strides = array<i32>} : memref<64x128xf32, #tpu.memory_space<vmem>>, vector<16xf32>,
        tpu.vector_store %arg11[%parallel_loop3A_519, %parallel_loop3A_520], %parallel_loop3A_515 {strides = array<i32>} : memref<64x128xf32, #tpu.memory_space<vmem>>, vector<16xf32>,
        %parallel_loop3A_522 = arith.constant 21 : i32
        %parallel_loop3A_523 = vector.broadcast %parallel_loop3A_522 : i32 to vector<16xi32>
        %parallel_loop3A_524 = arith.addi %parallel_loop3A_93, %parallel_loop3A_523 : vector<16xi32>
        %parallel_loop3A_525 = tpu.vector_load_idx %arg7[%parallel_loop3A_524] : memref<33000xf32, #tpu.memory_space<vmem>>[vector<16xi32>], vector<16xf32>,
        %parallel_loop3A_526 = arith.constant 16 : i32
        %parallel_loop3A_527 = arith.muli %parallel_loop3A_84, %parallel_loop3A_526 : i32
        %parallel_loop3A_528 = arith.constant 21 : i32
        %parallel_loop3A_529 = arith.index_cast %parallel_loop3A_528 : i32 to index
        %parallel_loop3A_530 = arith.index_cast %parallel_loop3A_527 : i32 to index
        %parallel_loop3A_531 = tpu.vector_load %arg11[%parallel_loop3A_529, %parallel_loop3A_530] {strides = array<i32>} : memref<64x128xf32, #tpu.memory_space<vmem>>, vector<16xf32>,
        tpu.vector_store %arg11[%parallel_loop3A_529, %parallel_loop3A_530], %parallel_loop3A_525 {strides = array<i32>} : memref<64x128xf32, #tpu.memory_space<vmem>>, vector<16xf32>,
        %parallel_loop3A_532 = arith.constant 21 : i32
        %parallel_loop3A_533 = vector.broadcast %parallel_loop3A_532 : i32 to vector<16xi32>
        %parallel_loop3A_534 = arith.addi %parallel_loop3A_101, %parallel_loop3A_533 : vector<16xi32>
        %parallel_loop3A_535 = tpu.vector_load_idx %arg8[%parallel_loop3A_534] : memref<8448xf32, #tpu.memory_space<vmem>>[vector<16xi32>], vector<16xf32>,
        %parallel_loop3A_536 = arith.constant 16 : i32
        %parallel_loop3A_537 = arith.muli %parallel_loop3A_84, %parallel_loop3A_536 : i32
        %parallel_loop3A_538 = arith.constant 53 : i32
        %parallel_loop3A_539 = arith.index_cast %parallel_loop3A_538 : i32 to index
        %parallel_loop3A_540 = arith.index_cast %parallel_loop3A_537 : i32 to index
        %parallel_loop3A_541 = tpu.vector_load %arg11[%parallel_loop3A_539, %parallel_loop3A_540] {strides = array<i32>} : memref<64x128xf32, #tpu.memory_space<vmem>>, vector<16xf32>,
        tpu.vector_store %arg11[%parallel_loop3A_539, %parallel_loop3A_540], %parallel_loop3A_535 {strides = array<i32>} : memref<64x128xf32, #tpu.memory_space<vmem>>, vector<16xf32>,
        %parallel_loop3A_542 = arith.constant 22 : i32
        %parallel_loop3A_543 = vector.broadcast %parallel_loop3A_542 : i32 to vector<16xi32>
        %parallel_loop3A_544 = arith.addi %parallel_loop3A_93, %parallel_loop3A_543 : vector<16xi32>
        %parallel_loop3A_545 = tpu.vector_load_idx %arg7[%parallel_loop3A_544] : memref<33000xf32, #tpu.memory_space<vmem>>[vector<16xi32>], vector<16xf32>,
        %parallel_loop3A_546 = arith.constant 16 : i32
        %parallel_loop3A_547 = arith.muli %parallel_loop3A_84, %parallel_loop3A_546 : i32
        %parallel_loop3A_548 = arith.constant 22 : i32
        %parallel_loop3A_549 = arith.index_cast %parallel_loop3A_548 : i32 to index
        %parallel_loop3A_550 = arith.index_cast %parallel_loop3A_547 : i32 to index
        %parallel_loop3A_551 = tpu.vector_load %arg11[%parallel_loop3A_549, %parallel_loop3A_550] {strides = array<i32>} : memref<64x128xf32, #tpu.memory_space<vmem>>, vector<16xf32>,
        tpu.vector_store %arg11[%parallel_loop3A_549, %parallel_loop3A_550], %parallel_loop3A_545 {strides = array<i32>} : memref<64x128xf32, #tpu.memory_space<vmem>>, vector<16xf32>,
        %parallel_loop3A_552 = arith.constant 22 : i32
        %parallel_loop3A_553 = vector.broadcast %parallel_loop3A_552 : i32 to vector<16xi32>
        %parallel_loop3A_554 = arith.addi %parallel_loop3A_101, %parallel_loop3A_553 : vector<16xi32>
        %parallel_loop3A_555 = tpu.vector_load_idx %arg8[%parallel_loop3A_554] : memref<8448xf32, #tpu.memory_space<vmem>>[vector<16xi32>], vector<16xf32>,
        %parallel_loop3A_556 = arith.constant 16 : i32
        %parallel_loop3A_557 = arith.muli %parallel_loop3A_84, %parallel_loop3A_556 : i32
        %parallel_loop3A_558 = arith.constant 54 : i32
        %parallel_loop3A_559 = arith.index_cast %parallel_loop3A_558 : i32 to index
        %parallel_loop3A_560 = arith.index_cast %parallel_loop3A_557 : i32 to index
        %parallel_loop3A_561 = tpu.vector_load %arg11[%parallel_loop3A_559, %parallel_loop3A_560] {strides = array<i32>} : memref<64x128xf32, #tpu.memory_space<vmem>>, vector<16xf32>,
        tpu.vector_store %arg11[%parallel_loop3A_559, %parallel_loop3A_560], %parallel_loop3A_555 {strides = array<i32>} : memref<64x128xf32, #tpu.memory_space<vmem>>, vector<16xf32>,
        %parallel_loop3A_562 = arith.constant 23 : i32
        %parallel_loop3A_563 = vector.broadcast %parallel_loop3A_562 : i32 to vector<16xi32>
        %parallel_loop3A_564 = arith.addi %parallel_loop3A_93, %parallel_loop3A_563 : vector<16xi32>
        %parallel_loop3A_565 = tpu.vector_load_idx %arg7[%parallel_loop3A_564] : memref<33000xf32, #tpu.memory_space<vmem>>[vector<16xi32>], vector<16xf32>,
        %parallel_loop3A_566 = arith.constant 16 : i32
        %parallel_loop3A_567 = arith.muli %parallel_loop3A_84, %parallel_loop3A_566 : i32
        %parallel_loop3A_568 = arith.constant 23 : i32
        %parallel_loop3A_569 = arith.index_cast %parallel_loop3A_568 : i32 to index
        %parallel_loop3A_570 = arith.index_cast %parallel_loop3A_567 : i32 to index
        %parallel_loop3A_571 = tpu.vector_load %arg11[%parallel_loop3A_569, %parallel_loop3A_570] {strides = array<i32>} : memref<64x128xf32, #tpu.memory_space<vmem>>, vector<16xf32>,
        tpu.vector_store %arg11[%parallel_loop3A_569, %parallel_loop3A_570], %parallel_loop3A_565 {strides = array<i32>} : memref<64x128xf32, #tpu.memory_space<vmem>>, vector<16xf32>,
        %parallel_loop3A_572 = arith.constant 23 : i32
        %parallel_loop3A_573 = vector.broadcast %parallel_loop3A_572 : i32 to vector<16xi32>
        %parallel_loop3A_574 = arith.addi %parallel_loop3A_101, %parallel_loop3A_573 : vector<16xi32>
        %parallel_loop3A_575 = tpu.vector_load_idx %arg8[%parallel_loop3A_574] : memref<8448xf32, #tpu.memory_space<vmem>>[vector<16xi32>], vector<16xf32>,
        %parallel_loop3A_576 = arith.constant 16 : i32
        %parallel_loop3A_577 = arith.muli %parallel_loop3A_84, %parallel_loop3A_576 : i32
        %parallel_loop3A_578 = arith.constant 55 : i32
        %parallel_loop3A_579 = arith.index_cast %parallel_loop3A_578 : i32 to index
        %parallel_loop3A_580 = arith.index_cast %parallel_loop3A_577 : i32 to index
        %parallel_loop3A_581 = tpu.vector_load %arg11[%parallel_loop3A_579, %parallel_loop3A_580] {strides = array<i32>} : memref<64x128xf32, #tpu.memory_space<vmem>>, vector<16xf32>,
        tpu.vector_store %arg11[%parallel_loop3A_579, %parallel_loop3A_580], %parallel_loop3A_575 {strides = array<i32>} : memref<64x128xf32, #tpu.memory_space<vmem>>, vector<16xf32>,
        %parallel_loop3A_582 = arith.constant 24 : i32
        %parallel_loop3A_583 = vector.broadcast %parallel_loop3A_582 : i32 to vector<16xi32>
        %parallel_loop3A_584 = arith.addi %parallel_loop3A_93, %parallel_loop3A_583 : vector<16xi32>
        %parallel_loop3A_585 = tpu.vector_load_idx %arg7[%parallel_loop3A_584] : memref<33000xf32, #tpu.memory_space<vmem>>[vector<16xi32>], vector<16xf32>,
        %parallel_loop3A_586 = arith.constant 16 : i32
        %parallel_loop3A_587 = arith.muli %parallel_loop3A_84, %parallel_loop3A_586 : i32
        %parallel_loop3A_588 = arith.constant 24 : i32
        %parallel_loop3A_589 = arith.index_cast %parallel_loop3A_588 : i32 to index
        %parallel_loop3A_590 = arith.index_cast %parallel_loop3A_587 : i32 to index
        %parallel_loop3A_591 = tpu.vector_load %arg11[%parallel_loop3A_589, %parallel_loop3A_590] {strides = array<i32>} : memref<64x128xf32, #tpu.memory_space<vmem>>, vector<16xf32>,
        tpu.vector_store %arg11[%parallel_loop3A_589, %parallel_loop3A_590], %parallel_loop3A_585 {strides = array<i32>} : memref<64x128xf32, #tpu.memory_space<vmem>>, vector<16xf32>,
        %parallel_loop3A_592 = arith.constant 24 : i32
        %parallel_loop3A_593 = vector.broadcast %parallel_loop3A_592 : i32 to vector<16xi32>
        %parallel_loop3A_594 = arith.addi %parallel_loop3A_101, %parallel_loop3A_593 : vector<16xi32>
        %parallel_loop3A_595 = tpu.vector_load_idx %arg8[%parallel_loop3A_594] : memref<8448xf32, #tpu.memory_space<vmem>>[vector<16xi32>], vector<16xf32>,
        %parallel_loop3A_596 = arith.constant 16 : i32
        %parallel_loop3A_597 = arith.muli %parallel_loop3A_84, %parallel_loop3A_596 : i32
        %parallel_loop3A_598 = arith.constant 56 : i32
        %parallel_loop3A_599 = arith.index_cast %parallel_loop3A_598 : i32 to index
        %parallel_loop3A_600 = arith.index_cast %parallel_loop3A_597 : i32 to index
        %parallel_loop3A_601 = tpu.vector_load %arg11[%parallel_loop3A_599, %parallel_loop3A_600] {strides = array<i32>} : memref<64x128xf32, #tpu.memory_space<vmem>>, vector<16xf32>,
        tpu.vector_store %arg11[%parallel_loop3A_599, %parallel_loop3A_600], %parallel_loop3A_595 {strides = array<i32>} : memref<64x128xf32, #tpu.memory_space<vmem>>, vector<16xf32>,
        %parallel_loop3A_602 = arith.constant 25 : i32
        %parallel_loop3A_603 = vector.broadcast %parallel_loop3A_602 : i32 to vector<16xi32>
        %parallel_loop3A_604 = arith.addi %parallel_loop3A_93, %parallel_loop3A_603 : vector<16xi32>
        %parallel_loop3A_605 = tpu.vector_load_idx %arg7[%parallel_loop3A_604] : memref<33000xf32, #tpu.memory_space<vmem>>[vector<16xi32>], vector<16xf32>,
        %parallel_loop3A_606 = arith.constant 16 : i32
        %parallel_loop3A_607 = arith.muli %parallel_loop3A_84, %parallel_loop3A_606 : i32
        %parallel_loop3A_608 = arith.constant 25 : i32
        %parallel_loop3A_609 = arith.index_cast %parallel_loop3A_608 : i32 to index
        %parallel_loop3A_610 = arith.index_cast %parallel_loop3A_607 : i32 to index
        %parallel_loop3A_611 = tpu.vector_load %arg11[%parallel_loop3A_609, %parallel_loop3A_610] {strides = array<i32>} : memref<64x128xf32, #tpu.memory_space<vmem>>, vector<16xf32>,
        tpu.vector_store %arg11[%parallel_loop3A_609, %parallel_loop3A_610], %parallel_loop3A_605 {strides = array<i32>} : memref<64x128xf32, #tpu.memory_space<vmem>>, vector<16xf32>,
        %parallel_loop3A_612 = arith.constant 25 : i32
        %parallel_loop3A_613 = vector.broadcast %parallel_loop3A_612 : i32 to vector<16xi32>
        %parallel_loop3A_614 = arith.addi %parallel_loop3A_101, %parallel_loop3A_613 : vector<16xi32>
        %parallel_loop3A_615 = tpu.vector_load_idx %arg8[%parallel_loop3A_614] : memref<8448xf32, #tpu.memory_space<vmem>>[vector<16xi32>], vector<16xf32>,
        %parallel_loop3A_616 = arith.constant 16 : i32
        %parallel_loop3A_617 = arith.muli %parallel_loop3A_84, %parallel_loop3A_616 : i32
        %parallel_loop3A_618 = arith.constant 57 : i32
        %parallel_loop3A_619 = arith.index_cast %parallel_loop3A_618 : i32 to index
        %parallel_loop3A_620 = arith.index_cast %parallel_loop3A_617 : i32 to index
        %parallel_loop3A_621 = tpu.vector_load %arg11[%parallel_loop3A_619, %parallel_loop3A_620] {strides = array<i32>} : memref<64x128xf32, #tpu.memory_space<vmem>>, vector<16xf32>,
        tpu.vector_store %arg11[%parallel_loop3A_619, %parallel_loop3A_620], %parallel_loop3A_615 {strides = array<i32>} : memref<64x128xf32, #tpu.memory_space<vmem>>, vector<16xf32>,
        %parallel_loop3A_622 = arith.constant 26 : i32
        %parallel_loop3A_623 = vector.broadcast %parallel_loop3A_622 : i32 to vector<16xi32>
        %parallel_loop3A_624 = arith.addi %parallel_loop3A_93, %parallel_loop3A_623 : vector<16xi32>
        %parallel_loop3A_625 = tpu.vector_load_idx %arg7[%parallel_loop3A_624] : memref<33000xf32, #tpu.memory_space<vmem>>[vector<16xi32>], vector<16xf32>,
        %parallel_loop3A_626 = arith.constant 16 : i32
        %parallel_loop3A_627 = arith.muli %parallel_loop3A_84, %parallel_loop3A_626 : i32
        %parallel_loop3A_628 = arith.constant 26 : i32
        %parallel_loop3A_629 = arith.index_cast %parallel_loop3A_628 : i32 to index
        %parallel_loop3A_630 = arith.index_cast %parallel_loop3A_627 : i32 to index
        %parallel_loop3A_631 = tpu.vector_load %arg11[%parallel_loop3A_629, %parallel_loop3A_630] {strides = array<i32>} : memref<64x128xf32, #tpu.memory_space<vmem>>, vector<16xf32>,
        tpu.vector_store %arg11[%parallel_loop3A_629, %parallel_loop3A_630], %parallel_loop3A_625 {strides = array<i32>} : memref<64x128xf32, #tpu.memory_space<vmem>>, vector<16xf32>,
        %parallel_loop3A_632 = arith.constant 26 : i32
        %parallel_loop3A_633 = vector.broadcast %parallel_loop3A_632 : i32 to vector<16xi32>
        %parallel_loop3A_634 = arith.addi %parallel_loop3A_101, %parallel_loop3A_633 : vector<16xi32>
        %parallel_loop3A_635 = tpu.vector_load_idx %arg8[%parallel_loop3A_634] : memref<8448xf32, #tpu.memory_space<vmem>>[vector<16xi32>], vector<16xf32>,
        %parallel_loop3A_636 = arith.constant 16 : i32
        %parallel_loop3A_637 = arith.muli %parallel_loop3A_84, %parallel_loop3A_636 : i32
        %parallel_loop3A_638 = arith.constant 58 : i32
        %parallel_loop3A_639 = arith.index_cast %parallel_loop3A_638 : i32 to index
        %parallel_loop3A_640 = arith.index_cast %parallel_loop3A_637 : i32 to index
        %parallel_loop3A_641 = tpu.vector_load %arg11[%parallel_loop3A_639, %parallel_loop3A_640] {strides = array<i32>} : memref<64x128xf32, #tpu.memory_space<vmem>>, vector<16xf32>,
        tpu.vector_store %arg11[%parallel_loop3A_639, %parallel_loop3A_640], %parallel_loop3A_635 {strides = array<i32>} : memref<64x128xf32, #tpu.memory_space<vmem>>, vector<16xf32>,
        %parallel_loop3A_642 = arith.constant 27 : i32
        %parallel_loop3A_643 = vector.broadcast %parallel_loop3A_642 : i32 to vector<16xi32>
        %parallel_loop3A_644 = arith.addi %parallel_loop3A_93, %parallel_loop3A_643 : vector<16xi32>
        %parallel_loop3A_645 = tpu.vector_load_idx %arg7[%parallel_loop3A_644] : memref<33000xf32, #tpu.memory_space<vmem>>[vector<16xi32>], vector<16xf32>,
        %parallel_loop3A_646 = arith.constant 16 : i32
        %parallel_loop3A_647 = arith.muli %parallel_loop3A_84, %parallel_loop3A_646 : i32
        %parallel_loop3A_648 = arith.constant 27 : i32
        %parallel_loop3A_649 = arith.index_cast %parallel_loop3A_648 : i32 to index
        %parallel_loop3A_650 = arith.index_cast %parallel_loop3A_647 : i32 to index
        %parallel_loop3A_651 = tpu.vector_load %arg11[%parallel_loop3A_649, %parallel_loop3A_650] {strides = array<i32>} : memref<64x128xf32, #tpu.memory_space<vmem>>, vector<16xf32>,
        tpu.vector_store %arg11[%parallel_loop3A_649, %parallel_loop3A_650], %parallel_loop3A_645 {strides = array<i32>} : memref<64x128xf32, #tpu.memory_space<vmem>>, vector<16xf32>,
        %parallel_loop3A_652 = arith.constant 27 : i32
        %parallel_loop3A_653 = vector.broadcast %parallel_loop3A_652 : i32 to vector<16xi32>
        %parallel_loop3A_654 = arith.addi %parallel_loop3A_101, %parallel_loop3A_653 : vector<16xi32>
        %parallel_loop3A_655 = tpu.vector_load_idx %arg8[%parallel_loop3A_654] : memref<8448xf32, #tpu.memory_space<vmem>>[vector<16xi32>], vector<16xf32>,
        %parallel_loop3A_656 = arith.constant 16 : i32
        %parallel_loop3A_657 = arith.muli %parallel_loop3A_84, %parallel_loop3A_656 : i32
        %parallel_loop3A_658 = arith.constant 59 : i32
        %parallel_loop3A_659 = arith.index_cast %parallel_loop3A_658 : i32 to index
        %parallel_loop3A_660 = arith.index_cast %parallel_loop3A_657 : i32 to index
        %parallel_loop3A_661 = tpu.vector_load %arg11[%parallel_loop3A_659, %parallel_loop3A_660] {strides = array<i32>} : memref<64x128xf32, #tpu.memory_space<vmem>>, vector<16xf32>,
        tpu.vector_store %arg11[%parallel_loop3A_659, %parallel_loop3A_660], %parallel_loop3A_655 {strides = array<i32>} : memref<64x128xf32, #tpu.memory_space<vmem>>, vector<16xf32>,
        %parallel_loop3A_662 = arith.constant 28 : i32
        %parallel_loop3A_663 = vector.broadcast %parallel_loop3A_662 : i32 to vector<16xi32>
        %parallel_loop3A_664 = arith.addi %parallel_loop3A_93, %parallel_loop3A_663 : vector<16xi32>
        %parallel_loop3A_665 = tpu.vector_load_idx %arg7[%parallel_loop3A_664] : memref<33000xf32, #tpu.memory_space<vmem>>[vector<16xi32>], vector<16xf32>,
        %parallel_loop3A_666 = arith.constant 16 : i32
        %parallel_loop3A_667 = arith.muli %parallel_loop3A_84, %parallel_loop3A_666 : i32
        %parallel_loop3A_668 = arith.constant 28 : i32
        %parallel_loop3A_669 = arith.index_cast %parallel_loop3A_668 : i32 to index
        %parallel_loop3A_670 = arith.index_cast %parallel_loop3A_667 : i32 to index
        %parallel_loop3A_671 = tpu.vector_load %arg11[%parallel_loop3A_669, %parallel_loop3A_670] {strides = array<i32>} : memref<64x128xf32, #tpu.memory_space<vmem>>, vector<16xf32>,
        tpu.vector_store %arg11[%parallel_loop3A_669, %parallel_loop3A_670], %parallel_loop3A_665 {strides = array<i32>} : memref<64x128xf32, #tpu.memory_space<vmem>>, vector<16xf32>,
        %parallel_loop3A_672 = arith.constant 28 : i32
        %parallel_loop3A_673 = vector.broadcast %parallel_loop3A_672 : i32 to vector<16xi32>
        %parallel_loop3A_674 = arith.addi %parallel_loop3A_101, %parallel_loop3A_673 : vector<16xi32>
        %parallel_loop3A_675 = tpu.vector_load_idx %arg8[%parallel_loop3A_674] : memref<8448xf32, #tpu.memory_space<vmem>>[vector<16xi32>], vector<16xf32>,
        %parallel_loop3A_676 = arith.constant 16 : i32
        %parallel_loop3A_677 = arith.muli %parallel_loop3A_84, %parallel_loop3A_676 : i32
        %parallel_loop3A_678 = arith.constant 60 : i32
        %parallel_loop3A_679 = arith.index_cast %parallel_loop3A_678 : i32 to index
        %parallel_loop3A_680 = arith.index_cast %parallel_loop3A_677 : i32 to index
        %parallel_loop3A_681 = tpu.vector_load %arg11[%parallel_loop3A_679, %parallel_loop3A_680] {strides = array<i32>} : memref<64x128xf32, #tpu.memory_space<vmem>>, vector<16xf32>,
        tpu.vector_store %arg11[%parallel_loop3A_679, %parallel_loop3A_680], %parallel_loop3A_675 {strides = array<i32>} : memref<64x128xf32, #tpu.memory_space<vmem>>, vector<16xf32>,
        %parallel_loop3A_682 = arith.constant 29 : i32
        %parallel_loop3A_683 = vector.broadcast %parallel_loop3A_682 : i32 to vector<16xi32>
        %parallel_loop3A_684 = arith.addi %parallel_loop3A_93, %parallel_loop3A_683 : vector<16xi32>
        %parallel_loop3A_685 = tpu.vector_load_idx %arg7[%parallel_loop3A_684] : memref<33000xf32, #tpu.memory_space<vmem>>[vector<16xi32>], vector<16xf32>,
        %parallel_loop3A_686 = arith.constant 16 : i32
        %parallel_loop3A_687 = arith.muli %parallel_loop3A_84, %parallel_loop3A_686 : i32
        %parallel_loop3A_688 = arith.constant 29 : i32
        %parallel_loop3A_689 = arith.index_cast %parallel_loop3A_688 : i32 to index
        %parallel_loop3A_690 = arith.index_cast %parallel_loop3A_687 : i32 to index
        %parallel_loop3A_691 = tpu.vector_load %arg11[%parallel_loop3A_689, %parallel_loop3A_690] {strides = array<i32>} : memref<64x128xf32, #tpu.memory_space<vmem>>, vector<16xf32>,
        tpu.vector_store %arg11[%parallel_loop3A_689, %parallel_loop3A_690], %parallel_loop3A_685 {strides = array<i32>} : memref<64x128xf32, #tpu.memory_space<vmem>>, vector<16xf32>,
        %parallel_loop3A_692 = arith.constant 29 : i32
        %parallel_loop3A_693 = vector.broadcast %parallel_loop3A_692 : i32 to vector<16xi32>
        %parallel_loop3A_694 = arith.addi %parallel_loop3A_101, %parallel_loop3A_693 : vector<16xi32>
        %parallel_loop3A_695 = tpu.vector_load_idx %arg8[%parallel_loop3A_694] : memref<8448xf32, #tpu.memory_space<vmem>>[vector<16xi32>], vector<16xf32>,
        %parallel_loop3A_696 = arith.constant 16 : i32
        %parallel_loop3A_697 = arith.muli %parallel_loop3A_84, %parallel_loop3A_696 : i32
        %parallel_loop3A_698 = arith.constant 61 : i32
        %parallel_loop3A_699 = arith.index_cast %parallel_loop3A_698 : i32 to index
        %parallel_loop3A_700 = arith.index_cast %parallel_loop3A_697 : i32 to index
        %parallel_loop3A_701 = tpu.vector_load %arg11[%parallel_loop3A_699, %parallel_loop3A_700] {strides = array<i32>} : memref<64x128xf32, #tpu.memory_space<vmem>>, vector<16xf32>,
        tpu.vector_store %arg11[%parallel_loop3A_699, %parallel_loop3A_700], %parallel_loop3A_695 {strides = array<i32>} : memref<64x128xf32, #tpu.memory_space<vmem>>, vector<16xf32>,
        %parallel_loop3A_702 = arith.constant 30 : i32
        %parallel_loop3A_703 = vector.broadcast %parallel_loop3A_702 : i32 to vector<16xi32>
        %parallel_loop3A_704 = arith.addi %parallel_loop3A_93, %parallel_loop3A_703 : vector<16xi32>
        %parallel_loop3A_705 = tpu.vector_load_idx %arg7[%parallel_loop3A_704] : memref<33000xf32, #tpu.memory_space<vmem>>[vector<16xi32>], vector<16xf32>,
        %parallel_loop3A_706 = arith.constant 16 : i32
        %parallel_loop3A_707 = arith.muli %parallel_loop3A_84, %parallel_loop3A_706 : i32
        %parallel_loop3A_708 = arith.constant 30 : i32
        %parallel_loop3A_709 = arith.index_cast %parallel_loop3A_708 : i32 to index
        %parallel_loop3A_710 = arith.index_cast %parallel_loop3A_707 : i32 to index
        %parallel_loop3A_711 = tpu.vector_load %arg11[%parallel_loop3A_709, %parallel_loop3A_710] {strides = array<i32>} : memref<64x128xf32, #tpu.memory_space<vmem>>, vector<16xf32>,
        tpu.vector_store %arg11[%parallel_loop3A_709, %parallel_loop3A_710], %parallel_loop3A_705 {strides = array<i32>} : memref<64x128xf32, #tpu.memory_space<vmem>>, vector<16xf32>,
        %parallel_loop3A_712 = arith.constant 30 : i32
        %parallel_loop3A_713 = vector.broadcast %parallel_loop3A_712 : i32 to vector<16xi32>
        %parallel_loop3A_714 = arith.addi %parallel_loop3A_101, %parallel_loop3A_713 : vector<16xi32>
        %parallel_loop3A_715 = tpu.vector_load_idx %arg8[%parallel_loop3A_714] : memref<8448xf32, #tpu.memory_space<vmem>>[vector<16xi32>], vector<16xf32>,
        %parallel_loop3A_716 = arith.constant 16 : i32
        %parallel_loop3A_717 = arith.muli %parallel_loop3A_84, %parallel_loop3A_716 : i32
        %parallel_loop3A_718 = arith.constant 62 : i32
        %parallel_loop3A_719 = arith.index_cast %parallel_loop3A_718 : i32 to index
        %parallel_loop3A_720 = arith.index_cast %parallel_loop3A_717 : i32 to index
        %parallel_loop3A_721 = tpu.vector_load %arg11[%parallel_loop3A_719, %parallel_loop3A_720] {strides = array<i32>} : memref<64x128xf32, #tpu.memory_space<vmem>>, vector<16xf32>,
        tpu.vector_store %arg11[%parallel_loop3A_719, %parallel_loop3A_720], %parallel_loop3A_715 {strides = array<i32>} : memref<64x128xf32, #tpu.memory_space<vmem>>, vector<16xf32>,
        %parallel_loop3A_722 = arith.constant 31 : i32
        %parallel_loop3A_723 = vector.broadcast %parallel_loop3A_722 : i32 to vector<16xi32>
        %parallel_loop3A_724 = arith.addi %parallel_loop3A_93, %parallel_loop3A_723 : vector<16xi32>
        %parallel_loop3A_725 = tpu.vector_load_idx %arg7[%parallel_loop3A_724] : memref<33000xf32, #tpu.memory_space<vmem>>[vector<16xi32>], vector<16xf32>,
        %parallel_loop3A_726 = arith.constant 16 : i32
        %parallel_loop3A_727 = arith.muli %parallel_loop3A_84, %parallel_loop3A_726 : i32
        %parallel_loop3A_728 = arith.constant 31 : i32
        %parallel_loop3A_729 = arith.index_cast %parallel_loop3A_728 : i32 to index
        %parallel_loop3A_730 = arith.index_cast %parallel_loop3A_727 : i32 to index
        %parallel_loop3A_731 = tpu.vector_load %arg11[%parallel_loop3A_729, %parallel_loop3A_730] {strides = array<i32>} : memref<64x128xf32, #tpu.memory_space<vmem>>, vector<16xf32>,
        tpu.vector_store %arg11[%parallel_loop3A_729, %parallel_loop3A_730], %parallel_loop3A_725 {strides = array<i32>} : memref<64x128xf32, #tpu.memory_space<vmem>>, vector<16xf32>,
        %parallel_loop3A_732 = arith.constant 31 : i32
        %parallel_loop3A_733 = vector.broadcast %parallel_loop3A_732 : i32 to vector<16xi32>
        %parallel_loop3A_734 = arith.addi %parallel_loop3A_101, %parallel_loop3A_733 : vector<16xi32>
        %parallel_loop3A_735 = tpu.vector_load_idx %arg8[%parallel_loop3A_734] : memref<8448xf32, #tpu.memory_space<vmem>>[vector<16xi32>], vector<16xf32>,
        %parallel_loop3A_736 = arith.constant 16 : i32
        %parallel_loop3A_737 = arith.muli %parallel_loop3A_84, %parallel_loop3A_736 : i32
        %parallel_loop3A_738 = arith.constant 63 : i32
        %parallel_loop3A_739 = arith.index_cast %parallel_loop3A_738 : i32 to index
        %parallel_loop3A_740 = arith.index_cast %parallel_loop3A_737 : i32 to index
        %parallel_loop3A_741 = tpu.vector_load %arg11[%parallel_loop3A_739, %parallel_loop3A_740] {strides = array<i32>} : memref<64x128xf32, #tpu.memory_space<vmem>>, vector<16xf32>,
        tpu.vector_store %arg11[%parallel_loop3A_739, %parallel_loop3A_740], %parallel_loop3A_735 {strides = array<i32>} : memref<64x128xf32, #tpu.memory_space<vmem>>, vector<16xf32>,
      } {sc.loop_unroll_factor = 4 : i64, sc.parallel_access}
      %dma_start3A_59 = arith.constant 0 : i32
      %dma_start3A_60 = tpu.memref_slice %arg6[%add3A_49, %dma_start3A_59, %mul3A_4] : memref<200x64x4096xf32, #tpu.memory_space<hbm>> -> memref<1x64x128xf32, #tpu.memory_space<hbm>>
      %dma_start3A_61 = tpu.memref_squeeze %dma_start3A_60 : memref<1x64x128xf32, #tpu.memory_space<hbm>> -> memref<64x128xf32, #tpu.memory_space<hbm>>
      %dma_start3A_62 = arith.constant 0 : i32
      %dma_start3A_63 = tpu.memref_slice %arg6[%add3A_49, %dma_start3A_62, %mul3A_4] : memref<200x64x4096xf32, #tpu.memory_space<hbm>> -> memref<1x64x128xf32, #tpu.memory_space<hbm>>
      %dma_start3A_64 = tpu.memref_squeeze %dma_start3A_63 : memref<1x64x128xf32, #tpu.memory_space<hbm>> -> memref<64x128xf32, #tpu.memory_space<hbm>>
      tpu.enqueue_dma source(%arg11 : memref<64x128xf32, #tpu.memory_space<vmem>>) target(%dma_start3A_64 : memref<64x128xf32, #tpu.memory_space<hbm>>) target_semaphore(%arg13 : memref<!tpu.dma_semaphore, #tpu.memory_space<semaphore_mem>>)
      %dma_wait3A_65 = arith.constant 0 : i32
      %dma_wait3A_66 = tpu.memref_slice %arg6[%scan3A_26, %dma_wait3A_65, %mul3A_4] : memref<200x64x4096xf32, #tpu.memory_space<hbm>> -> memref<1x64x128xf32, #tpu.memory_space<hbm>>
      %dma_wait3A_67 = tpu.memref_squeeze %dma_wait3A_66 : memref<1x64x128xf32, #tpu.memory_space<hbm>> -> memref<64x128xf32, #tpu.memory_space<hbm>>
      %dma_wait3A_68 = arith.constant 0 : i32
      %dma_wait3A_69 = tpu.memref_slice %arg6[%scan3A_26, %dma_wait3A_68, %mul3A_4] : memref<200x64x4096xf32, #tpu.memory_space<hbm>> -> memref<1x64x128xf32, #tpu.memory_space<hbm>>
      %dma_wait3A_70 = tpu.memref_squeeze %dma_wait3A_69 : memref<1x64x128xf32, #tpu.memory_space<hbm>> -> memref<64x128xf32, #tpu.memory_space<hbm>>
      tpu.wait_dma2 semaphore(%arg14 : memref<!tpu.dma_semaphore, #tpu.memory_space<semaphore_mem>>) src(%arg12 : memref<64x128xf32, #tpu.memory_space<vmem>>) dst(%dma_wait3A_70 : memref<64x128xf32, #tpu.memory_space<hbm>>)
      %add3A_71 = arith.constant 1 : i32
      %add3A_72 = arith.addi %add3A_49, %add3A_71 : i32
      %parallel_loop3A_73 = arith.constant 0 : i32
      %parallel_loop3A_74 = arith.constant 8 : i32
      %parallel_loop3A_75 = arith.constant 1 : i32
      scf.for %parallel_loop3A_84 = %parallel_loop3A_73 to %parallel_loop3A_74 step %parallel_loop3A_75  : i32 {
        %parallel_loop3A_85 = arith.constant 3200 : i32
        %parallel_loop3A_86 = arith.muli %parallel_loop3A_84, %parallel_loop3A_85 : i32
        %parallel_loop3A_87 = arith.addi %parallel_loop3A_86, %add3A_72 : i32
        %parallel_loop3A_88 = vector.broadcast %parallel_loop3A_87 : i32 to vector<16xi32>
        %parallel_loop3A_89 = arith.addi %mul3A_7, %parallel_loop3A_88 : vector<16xi32>
        %parallel_loop3A_90 = tpu.vector_load_idx %arg9[%parallel_loop3A_89] : memref<25600xi32, #tpu.memory_space<vmem>>[vector<16xi32>], vector<16xi32>,
        %parallel_loop3A_91 = arith.constant 33 : i32
        %parallel_loop3A_92 = vector.broadcast %parallel_loop3A_91 : i32 to vector<16xi32>
        %parallel_loop3A_93 = arith.muli %parallel_loop3A_90, %parallel_loop3A_92 : vector<16xi32>
        %parallel_loop3A_94 = tpu.vector_load_idx %arg10[%parallel_loop3A_89] : memref<25600xf32, #tpu.memory_space<vmem>>[vector<16xi32>], vector<16xf32>,
        %parallel_loop3A_95 = arith.constant 2.550000e+02 : f32
        %parallel_loop3A_96 = vector.broadcast %parallel_loop3A_95 : f32 to vector<16xf32>
        %parallel_loop3A_97 = arith.mulf %parallel_loop3A_94, %parallel_loop3A_96 : vector<16xf32>
        %parallel_loop3A_98 = arith.fptosi %parallel_loop3A_97 : vector<16xf32> to vector<16xi32>
        %parallel_loop3A_99 = arith.constant 33 : i32
        %parallel_loop3A_100 = vector.broadcast %parallel_loop3A_99 : i32 to vector<16xi32>
        %parallel_loop3A_101 = arith.muli %parallel_loop3A_98, %parallel_loop3A_100 : vector<16xi32>
        %parallel_loop3A_102 = arith.constant 0 : i32
        %parallel_loop3A_103 = vector.broadcast %parallel_loop3A_102 : i32 to vector<16xi32>
        %parallel_loop3A_104 = arith.addi %parallel_loop3A_93, %parallel_loop3A_103 : vector<16xi32>
        %parallel_loop3A_105 = tpu.vector_load_idx %arg7[%parallel_loop3A_104] : memref<33000xf32, #tpu.memory_space<vmem>>[vector<16xi32>], vector<16xf32>,
        %parallel_loop3A_106 = arith.constant 16 : i32
        %parallel_loop3A_107 = arith.muli %parallel_loop3A_84, %parallel_loop3A_106 : i32
        %parallel_loop3A_108 = arith.constant 0 : i32
        %parallel_loop3A_109 = arith.index_cast %parallel_loop3A_108 : i32 to index
        %parallel_loop3A_110 = arith.index_cast %parallel_loop3A_107 : i32 to index
        %parallel_loop3A_111 = tpu.vector_load %arg12[%parallel_loop3A_109, %parallel_loop3A_110] {strides = array<i32>} : memref<64x128xf32, #tpu.memory_space<vmem>>, vector<16xf32>,
        tpu.vector_store %arg12[%parallel_loop3A_109, %parallel_loop3A_110], %parallel_loop3A_105 {strides = array<i32>} : memref<64x128xf32, #tpu.memory_space<vmem>>, vector<16xf32>,
        %parallel_loop3A_112 = arith.constant 0 : i32
        %parallel_loop3A_113 = vector.broadcast %parallel_loop3A_112 : i32 to vector<16xi32>
        %parallel_loop3A_114 = arith.addi %parallel_loop3A_101, %parallel_loop3A_113 : vector<16xi32>
        %parallel_loop3A_115 = tpu.vector_load_idx %arg8[%parallel_loop3A_114] : memref<8448xf32, #tpu.memory_space<vmem>>[vector<16xi32>], vector<16xf32>,
        %parallel_loop3A_116 = arith.constant 16 : i32
        %parallel_loop3A_117 = arith.muli %parallel_loop3A_84, %parallel_loop3A_116 : i32
        %parallel_loop3A_118 = arith.constant 32 : i32
        %parallel_loop3A_119 = arith.index_cast %parallel_loop3A_118 : i32 to index
        %parallel_loop3A_120 = arith.index_cast %parallel_loop3A_117 : i32 to index
        %parallel_loop3A_121 = tpu.vector_load %arg12[%parallel_loop3A_119, %parallel_loop3A_120] {strides = array<i32>} : memref<64x128xf32, #tpu.memory_space<vmem>>, vector<16xf32>,
        tpu.vector_store %arg12[%parallel_loop3A_119, %parallel_loop3A_120], %parallel_loop3A_115 {strides = array<i32>} : memref<64x128xf32, #tpu.memory_space<vmem>>, vector<16xf32>,
        %parallel_loop3A_122 = arith.constant 1 : i32
        %parallel_loop3A_123 = vector.broadcast %parallel_loop3A_122 : i32 to vector<16xi32>
        %parallel_loop3A_124 = arith.addi %parallel_loop3A_93, %parallel_loop3A_123 : vector<16xi32>
        %parallel_loop3A_125 = tpu.vector_load_idx %arg7[%parallel_loop3A_124] : memref<33000xf32, #tpu.memory_space<vmem>>[vector<16xi32>], vector<16xf32>,
        %parallel_loop3A_126 = arith.constant 16 : i32
        %parallel_loop3A_127 = arith.muli %parallel_loop3A_84, %parallel_loop3A_126 : i32
        %parallel_loop3A_128 = arith.constant 1 : i32
        %parallel_loop3A_129 = arith.index_cast %parallel_loop3A_128 : i32 to index
        %parallel_loop3A_130 = arith.index_cast %parallel_loop3A_127 : i32 to index
        %parallel_loop3A_131 = tpu.vector_load %arg12[%parallel_loop3A_129, %parallel_loop3A_130] {strides = array<i32>} : memref<64x128xf32, #tpu.memory_space<vmem>>, vector<16xf32>,
        tpu.vector_store %arg12[%parallel_loop3A_129, %parallel_loop3A_130], %parallel_loop3A_125 {strides = array<i32>} : memref<64x128xf32, #tpu.memory_space<vmem>>, vector<16xf32>,
        %parallel_loop3A_132 = arith.constant 1 : i32
        %parallel_loop3A_133 = vector.broadcast %parallel_loop3A_132 : i32 to vector<16xi32>
        %parallel_loop3A_134 = arith.addi %parallel_loop3A_101, %parallel_loop3A_133 : vector<16xi32>
        %parallel_loop3A_135 = tpu.vector_load_idx %arg8[%parallel_loop3A_134] : memref<8448xf32, #tpu.memory_space<vmem>>[vector<16xi32>], vector<16xf32>,
        %parallel_loop3A_136 = arith.constant 16 : i32
        %parallel_loop3A_137 = arith.muli %parallel_loop3A_84, %parallel_loop3A_136 : i32
        %parallel_loop3A_138 = arith.constant 33 : i32
        %parallel_loop3A_139 = arith.index_cast %parallel_loop3A_138 : i32 to index
        %parallel_loop3A_140 = arith.index_cast %parallel_loop3A_137 : i32 to index
        %parallel_loop3A_141 = tpu.vector_load %arg12[%parallel_loop3A_139, %parallel_loop3A_140] {strides = array<i32>} : memref<64x128xf32, #tpu.memory_space<vmem>>, vector<16xf32>,
        tpu.vector_store %arg12[%parallel_loop3A_139, %parallel_loop3A_140], %parallel_loop3A_135 {strides = array<i32>} : memref<64x128xf32, #tpu.memory_space<vmem>>, vector<16xf32>,
        %parallel_loop3A_142 = arith.constant 2 : i32
        %parallel_loop3A_143 = vector.broadcast %parallel_loop3A_142 : i32 to vector<16xi32>
        %parallel_loop3A_144 = arith.addi %parallel_loop3A_93, %parallel_loop3A_143 : vector<16xi32>
        %parallel_loop3A_145 = tpu.vector_load_idx %arg7[%parallel_loop3A_144] : memref<33000xf32, #tpu.memory_space<vmem>>[vector<16xi32>], vector<16xf32>,
        %parallel_loop3A_146 = arith.constant 16 : i32
        %parallel_loop3A_147 = arith.muli %parallel_loop3A_84, %parallel_loop3A_146 : i32
        %parallel_loop3A_148 = arith.constant 2 : i32
        %parallel_loop3A_149 = arith.index_cast %parallel_loop3A_148 : i32 to index
        %parallel_loop3A_150 = arith.index_cast %parallel_loop3A_147 : i32 to index
        %parallel_loop3A_151 = tpu.vector_load %arg12[%parallel_loop3A_149, %parallel_loop3A_150] {strides = array<i32>} : memref<64x128xf32, #tpu.memory_space<vmem>>, vector<16xf32>,
        tpu.vector_store %arg12[%parallel_loop3A_149, %parallel_loop3A_150], %parallel_loop3A_145 {strides = array<i32>} : memref<64x128xf32, #tpu.memory_space<vmem>>, vector<16xf32>,
        %parallel_loop3A_152 = arith.constant 2 : i32
        %parallel_loop3A_153 = vector.broadcast %parallel_loop3A_152 : i32 to vector<16xi32>
        %parallel_loop3A_154 = arith.addi %parallel_loop3A_101, %parallel_loop3A_153 : vector<16xi32>
        %parallel_loop3A_155 = tpu.vector_load_idx %arg8[%parallel_loop3A_154] : memref<8448xf32, #tpu.memory_space<vmem>>[vector<16xi32>], vector<16xf32>,
        %parallel_loop3A_156 = arith.constant 16 : i32
        %parallel_loop3A_157 = arith.muli %parallel_loop3A_84, %parallel_loop3A_156 : i32
        %parallel_loop3A_158 = arith.constant 34 : i32
        %parallel_loop3A_159 = arith.index_cast %parallel_loop3A_158 : i32 to index
        %parallel_loop3A_160 = arith.index_cast %parallel_loop3A_157 : i32 to index
        %parallel_loop3A_161 = tpu.vector_load %arg12[%parallel_loop3A_159, %parallel_loop3A_160] {strides = array<i32>} : memref<64x128xf32, #tpu.memory_space<vmem>>, vector<16xf32>,
        tpu.vector_store %arg12[%parallel_loop3A_159, %parallel_loop3A_160], %parallel_loop3A_155 {strides = array<i32>} : memref<64x128xf32, #tpu.memory_space<vmem>>, vector<16xf32>,
        %parallel_loop3A_162 = arith.constant 3 : i32
        %parallel_loop3A_163 = vector.broadcast %parallel_loop3A_162 : i32 to vector<16xi32>
        %parallel_loop3A_164 = arith.addi %parallel_loop3A_93, %parallel_loop3A_163 : vector<16xi32>
        %parallel_loop3A_165 = tpu.vector_load_idx %arg7[%parallel_loop3A_164] : memref<33000xf32, #tpu.memory_space<vmem>>[vector<16xi32>], vector<16xf32>,
        %parallel_loop3A_166 = arith.constant 16 : i32
        %parallel_loop3A_167 = arith.muli %parallel_loop3A_84, %parallel_loop3A_166 : i32
        %parallel_loop3A_168 = arith.constant 3 : i32
        %parallel_loop3A_169 = arith.index_cast %parallel_loop3A_168 : i32 to index
        %parallel_loop3A_170 = arith.index_cast %parallel_loop3A_167 : i32 to index
        %parallel_loop3A_171 = tpu.vector_load %arg12[%parallel_loop3A_169, %parallel_loop3A_170] {strides = array<i32>} : memref<64x128xf32, #tpu.memory_space<vmem>>, vector<16xf32>,
        tpu.vector_store %arg12[%parallel_loop3A_169, %parallel_loop3A_170], %parallel_loop3A_165 {strides = array<i32>} : memref<64x128xf32, #tpu.memory_space<vmem>>, vector<16xf32>,
        %parallel_loop3A_172 = arith.constant 3 : i32
        %parallel_loop3A_173 = vector.broadcast %parallel_loop3A_172 : i32 to vector<16xi32>
        %parallel_loop3A_174 = arith.addi %parallel_loop3A_101, %parallel_loop3A_173 : vector<16xi32>
        %parallel_loop3A_175 = tpu.vector_load_idx %arg8[%parallel_loop3A_174] : memref<8448xf32, #tpu.memory_space<vmem>>[vector<16xi32>], vector<16xf32>,
        %parallel_loop3A_176 = arith.constant 16 : i32
        %parallel_loop3A_177 = arith.muli %parallel_loop3A_84, %parallel_loop3A_176 : i32
        %parallel_loop3A_178 = arith.constant 35 : i32
        %parallel_loop3A_179 = arith.index_cast %parallel_loop3A_178 : i32 to index
        %parallel_loop3A_180 = arith.index_cast %parallel_loop3A_177 : i32 to index
        %parallel_loop3A_181 = tpu.vector_load %arg12[%parallel_loop3A_179, %parallel_loop3A_180] {strides = array<i32>} : memref<64x128xf32, #tpu.memory_space<vmem>>, vector<16xf32>,
        tpu.vector_store %arg12[%parallel_loop3A_179, %parallel_loop3A_180], %parallel_loop3A_175 {strides = array<i32>} : memref<64x128xf32, #tpu.memory_space<vmem>>, vector<16xf32>,
        %parallel_loop3A_182 = arith.constant 4 : i32
        %parallel_loop3A_183 = vector.broadcast %parallel_loop3A_182 : i32 to vector<16xi32>
        %parallel_loop3A_184 = arith.addi %parallel_loop3A_93, %parallel_loop3A_183 : vector<16xi32>
        %parallel_loop3A_185 = tpu.vector_load_idx %arg7[%parallel_loop3A_184] : memref<33000xf32, #tpu.memory_space<vmem>>[vector<16xi32>], vector<16xf32>,
        %parallel_loop3A_186 = arith.constant 16 : i32
        %parallel_loop3A_187 = arith.muli %parallel_loop3A_84, %parallel_loop3A_186 : i32
        %parallel_loop3A_188 = arith.constant 4 : i32
        %parallel_loop3A_189 = arith.index_cast %parallel_loop3A_188 : i32 to index
        %parallel_loop3A_190 = arith.index_cast %parallel_loop3A_187 : i32 to index
        %parallel_loop3A_191 = tpu.vector_load %arg12[%parallel_loop3A_189, %parallel_loop3A_190] {strides = array<i32>} : memref<64x128xf32, #tpu.memory_space<vmem>>, vector<16xf32>,
        tpu.vector_store %arg12[%parallel_loop3A_189, %parallel_loop3A_190], %parallel_loop3A_185 {strides = array<i32>} : memref<64x128xf32, #tpu.memory_space<vmem>>, vector<16xf32>,
        %parallel_loop3A_192 = arith.constant 4 : i32
        %parallel_loop3A_193 = vector.broadcast %parallel_loop3A_192 : i32 to vector<16xi32>
        %parallel_loop3A_194 = arith.addi %parallel_loop3A_101, %parallel_loop3A_193 : vector<16xi32>
        %parallel_loop3A_195 = tpu.vector_load_idx %arg8[%parallel_loop3A_194] : memref<8448xf32, #tpu.memory_space<vmem>>[vector<16xi32>], vector<16xf32>,
        %parallel_loop3A_196 = arith.constant 16 : i32
        %parallel_loop3A_197 = arith.muli %parallel_loop3A_84, %parallel_loop3A_196 : i32
        %parallel_loop3A_198 = arith.constant 36 : i32
        %parallel_loop3A_199 = arith.index_cast %parallel_loop3A_198 : i32 to index
        %parallel_loop3A_200 = arith.index_cast %parallel_loop3A_197 : i32 to index
        %parallel_loop3A_201 = tpu.vector_load %arg12[%parallel_loop3A_199, %parallel_loop3A_200] {strides = array<i32>} : memref<64x128xf32, #tpu.memory_space<vmem>>, vector<16xf32>,
        tpu.vector_store %arg12[%parallel_loop3A_199, %parallel_loop3A_200], %parallel_loop3A_195 {strides = array<i32>} : memref<64x128xf32, #tpu.memory_space<vmem>>, vector<16xf32>,
        %parallel_loop3A_202 = arith.constant 5 : i32
        %parallel_loop3A_203 = vector.broadcast %parallel_loop3A_202 : i32 to vector<16xi32>
        %parallel_loop3A_204 = arith.addi %parallel_loop3A_93, %parallel_loop3A_203 : vector<16xi32>
        %parallel_loop3A_205 = tpu.vector_load_idx %arg7[%parallel_loop3A_204] : memref<33000xf32, #tpu.memory_space<vmem>>[vector<16xi32>], vector<16xf32>,
        %parallel_loop3A_206 = arith.constant 16 : i32
        %parallel_loop3A_207 = arith.muli %parallel_loop3A_84, %parallel_loop3A_206 : i32
        %parallel_loop3A_208 = arith.constant 5 : i32
        %parallel_loop3A_209 = arith.index_cast %parallel_loop3A_208 : i32 to index
        %parallel_loop3A_210 = arith.index_cast %parallel_loop3A_207 : i32 to index
        %parallel_loop3A_211 = tpu.vector_load %arg12[%parallel_loop3A_209, %parallel_loop3A_210] {strides = array<i32>} : memref<64x128xf32, #tpu.memory_space<vmem>>, vector<16xf32>,
        tpu.vector_store %arg12[%parallel_loop3A_209, %parallel_loop3A_210], %parallel_loop3A_205 {strides = array<i32>} : memref<64x128xf32, #tpu.memory_space<vmem>>, vector<16xf32>,
        %parallel_loop3A_212 = arith.constant 5 : i32
        %parallel_loop3A_213 = vector.broadcast %parallel_loop3A_212 : i32 to vector<16xi32>
        %parallel_loop3A_214 = arith.addi %parallel_loop3A_101, %parallel_loop3A_213 : vector<16xi32>
        %parallel_loop3A_215 = tpu.vector_load_idx %arg8[%parallel_loop3A_214] : memref<8448xf32, #tpu.memory_space<vmem>>[vector<16xi32>], vector<16xf32>,
        %parallel_loop3A_216 = arith.constant 16 : i32
        %parallel_loop3A_217 = arith.muli %parallel_loop3A_84, %parallel_loop3A_216 : i32
        %parallel_loop3A_218 = arith.constant 37 : i32
        %parallel_loop3A_219 = arith.index_cast %parallel_loop3A_218 : i32 to index
        %parallel_loop3A_220 = arith.index_cast %parallel_loop3A_217 : i32 to index
        %parallel_loop3A_221 = tpu.vector_load %arg12[%parallel_loop3A_219, %parallel_loop3A_220] {strides = array<i32>} : memref<64x128xf32, #tpu.memory_space<vmem>>, vector<16xf32>,
        tpu.vector_store %arg12[%parallel_loop3A_219, %parallel_loop3A_220], %parallel_loop3A_215 {strides = array<i32>} : memref<64x128xf32, #tpu.memory_space<vmem>>, vector<16xf32>,
        %parallel_loop3A_222 = arith.constant 6 : i32
        %parallel_loop3A_223 = vector.broadcast %parallel_loop3A_222 : i32 to vector<16xi32>
        %parallel_loop3A_224 = arith.addi %parallel_loop3A_93, %parallel_loop3A_223 : vector<16xi32>
        %parallel_loop3A_225 = tpu.vector_load_idx %arg7[%parallel_loop3A_224] : memref<33000xf32, #tpu.memory_space<vmem>>[vector<16xi32>], vector<16xf32>,
        %parallel_loop3A_226 = arith.constant 16 : i32
        %parallel_loop3A_227 = arith.muli %parallel_loop3A_84, %parallel_loop3A_226 : i32
        %parallel_loop3A_228 = arith.constant 6 : i32
        %parallel_loop3A_229 = arith.index_cast %parallel_loop3A_228 : i32 to index
        %parallel_loop3A_230 = arith.index_cast %parallel_loop3A_227 : i32 to index
        %parallel_loop3A_231 = tpu.vector_load %arg12[%parallel_loop3A_229, %parallel_loop3A_230] {strides = array<i32>} : memref<64x128xf32, #tpu.memory_space<vmem>>, vector<16xf32>,
        tpu.vector_store %arg12[%parallel_loop3A_229, %parallel_loop3A_230], %parallel_loop3A_225 {strides = array<i32>} : memref<64x128xf32, #tpu.memory_space<vmem>>, vector<16xf32>,
        %parallel_loop3A_232 = arith.constant 6 : i32
        %parallel_loop3A_233 = vector.broadcast %parallel_loop3A_232 : i32 to vector<16xi32>
        %parallel_loop3A_234 = arith.addi %parallel_loop3A_101, %parallel_loop3A_233 : vector<16xi32>
        %parallel_loop3A_235 = tpu.vector_load_idx %arg8[%parallel_loop3A_234] : memref<8448xf32, #tpu.memory_space<vmem>>[vector<16xi32>], vector<16xf32>,
        %parallel_loop3A_236 = arith.constant 16 : i32
        %parallel_loop3A_237 = arith.muli %parallel_loop3A_84, %parallel_loop3A_236 : i32
        %parallel_loop3A_238 = arith.constant 38 : i32
        %parallel_loop3A_239 = arith.index_cast %parallel_loop3A_238 : i32 to index
        %parallel_loop3A_240 = arith.index_cast %parallel_loop3A_237 : i32 to index
        %parallel_loop3A_241 = tpu.vector_load %arg12[%parallel_loop3A_239, %parallel_loop3A_240] {strides = array<i32>} : memref<64x128xf32, #tpu.memory_space<vmem>>, vector<16xf32>,
        tpu.vector_store %arg12[%parallel_loop3A_239, %parallel_loop3A_240], %parallel_loop3A_235 {strides = array<i32>} : memref<64x128xf32, #tpu.memory_space<vmem>>, vector<16xf32>,
        %parallel_loop3A_242 = arith.constant 7 : i32
        %parallel_loop3A_243 = vector.broadcast %parallel_loop3A_242 : i32 to vector<16xi32>
        %parallel_loop3A_244 = arith.addi %parallel_loop3A_93, %parallel_loop3A_243 : vector<16xi32>
        %parallel_loop3A_245 = tpu.vector_load_idx %arg7[%parallel_loop3A_244] : memref<33000xf32, #tpu.memory_space<vmem>>[vector<16xi32>], vector<16xf32>,
        %parallel_loop3A_246 = arith.constant 16 : i32
        %parallel_loop3A_247 = arith.muli %parallel_loop3A_84, %parallel_loop3A_246 : i32
        %parallel_loop3A_248 = arith.constant 7 : i32
        %parallel_loop3A_249 = arith.index_cast %parallel_loop3A_248 : i32 to index
        %parallel_loop3A_250 = arith.index_cast %parallel_loop3A_247 : i32 to index
        %parallel_loop3A_251 = tpu.vector_load %arg12[%parallel_loop3A_249, %parallel_loop3A_250] {strides = array<i32>} : memref<64x128xf32, #tpu.memory_space<vmem>>, vector<16xf32>,
        tpu.vector_store %arg12[%parallel_loop3A_249, %parallel_loop3A_250], %parallel_loop3A_245 {strides = array<i32>} : memref<64x128xf32, #tpu.memory_space<vmem>>, vector<16xf32>,
        %parallel_loop3A_252 = arith.constant 7 : i32
        %parallel_loop3A_253 = vector.broadcast %parallel_loop3A_252 : i32 to vector<16xi32>
        %parallel_loop3A_254 = arith.addi %parallel_loop3A_101, %parallel_loop3A_253 : vector<16xi32>
        %parallel_loop3A_255 = tpu.vector_load_idx %arg8[%parallel_loop3A_254] : memref<8448xf32, #tpu.memory_space<vmem>>[vector<16xi32>], vector<16xf32>,
        %parallel_loop3A_256 = arith.constant 16 : i32
        %parallel_loop3A_257 = arith.muli %parallel_loop3A_84, %parallel_loop3A_256 : i32
        %parallel_loop3A_258 = arith.constant 39 : i32
        %parallel_loop3A_259 = arith.index_cast %parallel_loop3A_258 : i32 to index
        %parallel_loop3A_260 = arith.index_cast %parallel_loop3A_257 : i32 to index
        %parallel_loop3A_261 = tpu.vector_load %arg12[%parallel_loop3A_259, %parallel_loop3A_260] {strides = array<i32>} : memref<64x128xf32, #tpu.memory_space<vmem>>, vector<16xf32>,
        tpu.vector_store %arg12[%parallel_loop3A_259, %parallel_loop3A_260], %parallel_loop3A_255 {strides = array<i32>} : memref<64x128xf32, #tpu.memory_space<vmem>>, vector<16xf32>,
        %parallel_loop3A_262 = arith.constant 8 : i32
        %parallel_loop3A_263 = vector.broadcast %parallel_loop3A_262 : i32 to vector<16xi32>
        %parallel_loop3A_264 = arith.addi %parallel_loop3A_93, %parallel_loop3A_263 : vector<16xi32>
        %parallel_loop3A_265 = tpu.vector_load_idx %arg7[%parallel_loop3A_264] : memref<33000xf32, #tpu.memory_space<vmem>>[vector<16xi32>], vector<16xf32>,
        %parallel_loop3A_266 = arith.constant 16 : i32
        %parallel_loop3A_267 = arith.muli %parallel_loop3A_84, %parallel_loop3A_266 : i32
        %parallel_loop3A_268 = arith.constant 8 : i32
        %parallel_loop3A_269 = arith.index_cast %parallel_loop3A_268 : i32 to index
        %parallel_loop3A_270 = arith.index_cast %parallel_loop3A_267 : i32 to index
        %parallel_loop3A_271 = tpu.vector_load %arg12[%parallel_loop3A_269, %parallel_loop3A_270] {strides = array<i32>} : memref<64x128xf32, #tpu.memory_space<vmem>>, vector<16xf32>,
        tpu.vector_store %arg12[%parallel_loop3A_269, %parallel_loop3A_270], %parallel_loop3A_265 {strides = array<i32>} : memref<64x128xf32, #tpu.memory_space<vmem>>, vector<16xf32>,
        %parallel_loop3A_272 = arith.constant 8 : i32
        %parallel_loop3A_273 = vector.broadcast %parallel_loop3A_272 : i32 to vector<16xi32>
        %parallel_loop3A_274 = arith.addi %parallel_loop3A_101, %parallel_loop3A_273 : vector<16xi32>
        %parallel_loop3A_275 = tpu.vector_load_idx %arg8[%parallel_loop3A_274] : memref<8448xf32, #tpu.memory_space<vmem>>[vector<16xi32>], vector<16xf32>,
        %parallel_loop3A_276 = arith.constant 16 : i32
        %parallel_loop3A_277 = arith.muli %parallel_loop3A_84, %parallel_loop3A_276 : i32
        %parallel_loop3A_278 = arith.constant 40 : i32
        %parallel_loop3A_279 = arith.index_cast %parallel_loop3A_278 : i32 to index
        %parallel_loop3A_280 = arith.index_cast %parallel_loop3A_277 : i32 to index
        %parallel_loop3A_281 = tpu.vector_load %arg12[%parallel_loop3A_279, %parallel_loop3A_280] {strides = array<i32>} : memref<64x128xf32, #tpu.memory_space<vmem>>, vector<16xf32>,
        tpu.vector_store %arg12[%parallel_loop3A_279, %parallel_loop3A_280], %parallel_loop3A_275 {strides = array<i32>} : memref<64x128xf32, #tpu.memory_space<vmem>>, vector<16xf32>,
        %parallel_loop3A_282 = arith.constant 9 : i32
        %parallel_loop3A_283 = vector.broadcast %parallel_loop3A_282 : i32 to vector<16xi32>
        %parallel_loop3A_284 = arith.addi %parallel_loop3A_93, %parallel_loop3A_283 : vector<16xi32>
        %parallel_loop3A_285 = tpu.vector_load_idx %arg7[%parallel_loop3A_284] : memref<33000xf32, #tpu.memory_space<vmem>>[vector<16xi32>], vector<16xf32>,
        %parallel_loop3A_286 = arith.constant 16 : i32
        %parallel_loop3A_287 = arith.muli %parallel_loop3A_84, %parallel_loop3A_286 : i32
        %parallel_loop3A_288 = arith.constant 9 : i32
        %parallel_loop3A_289 = arith.index_cast %parallel_loop3A_288 : i32 to index
        %parallel_loop3A_290 = arith.index_cast %parallel_loop3A_287 : i32 to index
        %parallel_loop3A_291 = tpu.vector_load %arg12[%parallel_loop3A_289, %parallel_loop3A_290] {strides = array<i32>} : memref<64x128xf32, #tpu.memory_space<vmem>>, vector<16xf32>,
        tpu.vector_store %arg12[%parallel_loop3A_289, %parallel_loop3A_290], %parallel_loop3A_285 {strides = array<i32>} : memref<64x128xf32, #tpu.memory_space<vmem>>, vector<16xf32>,
        %parallel_loop3A_292 = arith.constant 9 : i32
        %parallel_loop3A_293 = vector.broadcast %parallel_loop3A_292 : i32 to vector<16xi32>
        %parallel_loop3A_294 = arith.addi %parallel_loop3A_101, %parallel_loop3A_293 : vector<16xi32>
        %parallel_loop3A_295 = tpu.vector_load_idx %arg8[%parallel_loop3A_294] : memref<8448xf32, #tpu.memory_space<vmem>>[vector<16xi32>], vector<16xf32>,
        %parallel_loop3A_296 = arith.constant 16 : i32
        %parallel_loop3A_297 = arith.muli %parallel_loop3A_84, %parallel_loop3A_296 : i32
        %parallel_loop3A_298 = arith.constant 41 : i32
        %parallel_loop3A_299 = arith.index_cast %parallel_loop3A_298 : i32 to index
        %parallel_loop3A_300 = arith.index_cast %parallel_loop3A_297 : i32 to index
        %parallel_loop3A_301 = tpu.vector_load %arg12[%parallel_loop3A_299, %parallel_loop3A_300] {strides = array<i32>} : memref<64x128xf32, #tpu.memory_space<vmem>>, vector<16xf32>,
        tpu.vector_store %arg12[%parallel_loop3A_299, %parallel_loop3A_300], %parallel_loop3A_295 {strides = array<i32>} : memref<64x128xf32, #tpu.memory_space<vmem>>, vector<16xf32>,
        %parallel_loop3A_302 = arith.constant 10 : i32
        %parallel_loop3A_303 = vector.broadcast %parallel_loop3A_302 : i32 to vector<16xi32>
        %parallel_loop3A_304 = arith.addi %parallel_loop3A_93, %parallel_loop3A_303 : vector<16xi32>
        %parallel_loop3A_305 = tpu.vector_load_idx %arg7[%parallel_loop3A_304] : memref<33000xf32, #tpu.memory_space<vmem>>[vector<16xi32>], vector<16xf32>,
        %parallel_loop3A_306 = arith.constant 16 : i32
        %parallel_loop3A_307 = arith.muli %parallel_loop3A_84, %parallel_loop3A_306 : i32
        %parallel_loop3A_308 = arith.constant 10 : i32
        %parallel_loop3A_309 = arith.index_cast %parallel_loop3A_308 : i32 to index
        %parallel_loop3A_310 = arith.index_cast %parallel_loop3A_307 : i32 to index
        %parallel_loop3A_311 = tpu.vector_load %arg12[%parallel_loop3A_309, %parallel_loop3A_310] {strides = array<i32>} : memref<64x128xf32, #tpu.memory_space<vmem>>, vector<16xf32>,
        tpu.vector_store %arg12[%parallel_loop3A_309, %parallel_loop3A_310], %parallel_loop3A_305 {strides = array<i32>} : memref<64x128xf32, #tpu.memory_space<vmem>>, vector<16xf32>,
        %parallel_loop3A_312 = arith.constant 10 : i32
        %parallel_loop3A_313 = vector.broadcast %parallel_loop3A_312 : i32 to vector<16xi32>
        %parallel_loop3A_314 = arith.addi %parallel_loop3A_101, %parallel_loop3A_313 : vector<16xi32>
        %parallel_loop3A_315 = tpu.vector_load_idx %arg8[%parallel_loop3A_314] : memref<8448xf32, #tpu.memory_space<vmem>>[vector<16xi32>], vector<16xf32>,
        %parallel_loop3A_316 = arith.constant 16 : i32
        %parallel_loop3A_317 = arith.muli %parallel_loop3A_84, %parallel_loop3A_316 : i32
        %parallel_loop3A_318 = arith.constant 42 : i32
        %parallel_loop3A_319 = arith.index_cast %parallel_loop3A_318 : i32 to index
        %parallel_loop3A_320 = arith.index_cast %parallel_loop3A_317 : i32 to index
        %parallel_loop3A_321 = tpu.vector_load %arg12[%parallel_loop3A_319, %parallel_loop3A_320] {strides = array<i32>} : memref<64x128xf32, #tpu.memory_space<vmem>>, vector<16xf32>,
        tpu.vector_store %arg12[%parallel_loop3A_319, %parallel_loop3A_320], %parallel_loop3A_315 {strides = array<i32>} : memref<64x128xf32, #tpu.memory_space<vmem>>, vector<16xf32>,
        %parallel_loop3A_322 = arith.constant 11 : i32
        %parallel_loop3A_323 = vector.broadcast %parallel_loop3A_322 : i32 to vector<16xi32>
        %parallel_loop3A_324 = arith.addi %parallel_loop3A_93, %parallel_loop3A_323 : vector<16xi32>
        %parallel_loop3A_325 = tpu.vector_load_idx %arg7[%parallel_loop3A_324] : memref<33000xf32, #tpu.memory_space<vmem>>[vector<16xi32>], vector<16xf32>,
        %parallel_loop3A_326 = arith.constant 16 : i32
        %parallel_loop3A_327 = arith.muli %parallel_loop3A_84, %parallel_loop3A_326 : i32
        %parallel_loop3A_328 = arith.constant 11 : i32
        %parallel_loop3A_329 = arith.index_cast %parallel_loop3A_328 : i32 to index
        %parallel_loop3A_330 = arith.index_cast %parallel_loop3A_327 : i32 to index
        %parallel_loop3A_331 = tpu.vector_load %arg12[%parallel_loop3A_329, %parallel_loop3A_330] {strides = array<i32>} : memref<64x128xf32, #tpu.memory_space<vmem>>, vector<16xf32>,
        tpu.vector_store %arg12[%parallel_loop3A_329, %parallel_loop3A_330], %parallel_loop3A_325 {strides = array<i32>} : memref<64x128xf32, #tpu.memory_space<vmem>>, vector<16xf32>,
        %parallel_loop3A_332 = arith.constant 11 : i32
        %parallel_loop3A_333 = vector.broadcast %parallel_loop3A_332 : i32 to vector<16xi32>
        %parallel_loop3A_334 = arith.addi %parallel_loop3A_101, %parallel_loop3A_333 : vector<16xi32>
        %parallel_loop3A_335 = tpu.vector_load_idx %arg8[%parallel_loop3A_334] : memref<8448xf32, #tpu.memory_space<vmem>>[vector<16xi32>], vector<16xf32>,
        %parallel_loop3A_336 = arith.constant 16 : i32
        %parallel_loop3A_337 = arith.muli %parallel_loop3A_84, %parallel_loop3A_336 : i32
        %parallel_loop3A_338 = arith.constant 43 : i32
        %parallel_loop3A_339 = arith.index_cast %parallel_loop3A_338 : i32 to index
        %parallel_loop3A_340 = arith.index_cast %parallel_loop3A_337 : i32 to index
        %parallel_loop3A_341 = tpu.vector_load %arg12[%parallel_loop3A_339, %parallel_loop3A_340] {strides = array<i32>} : memref<64x128xf32, #tpu.memory_space<vmem>>, vector<16xf32>,
        tpu.vector_store %arg12[%parallel_loop3A_339, %parallel_loop3A_340], %parallel_loop3A_335 {strides = array<i32>} : memref<64x128xf32, #tpu.memory_space<vmem>>, vector<16xf32>,
        %parallel_loop3A_342 = arith.constant 12 : i32
        %parallel_loop3A_343 = vector.broadcast %parallel_loop3A_342 : i32 to vector<16xi32>
        %parallel_loop3A_344 = arith.addi %parallel_loop3A_93, %parallel_loop3A_343 : vector<16xi32>
        %parallel_loop3A_345 = tpu.vector_load_idx %arg7[%parallel_loop3A_344] : memref<33000xf32, #tpu.memory_space<vmem>>[vector<16xi32>], vector<16xf32>,
        %parallel_loop3A_346 = arith.constant 16 : i32
        %parallel_loop3A_347 = arith.muli %parallel_loop3A_84, %parallel_loop3A_346 : i32
        %parallel_loop3A_348 = arith.constant 12 : i32
        %parallel_loop3A_349 = arith.index_cast %parallel_loop3A_348 : i32 to index
        %parallel_loop3A_350 = arith.index_cast %parallel_loop3A_347 : i32 to index
        %parallel_loop3A_351 = tpu.vector_load %arg12[%parallel_loop3A_349, %parallel_loop3A_350] {strides = array<i32>} : memref<64x128xf32, #tpu.memory_space<vmem>>, vector<16xf32>,
        tpu.vector_store %arg12[%parallel_loop3A_349, %parallel_loop3A_350], %parallel_loop3A_345 {strides = array<i32>} : memref<64x128xf32, #tpu.memory_space<vmem>>, vector<16xf32>,
        %parallel_loop3A_352 = arith.constant 12 : i32
        %parallel_loop3A_353 = vector.broadcast %parallel_loop3A_352 : i32 to vector<16xi32>
        %parallel_loop3A_354 = arith.addi %parallel_loop3A_101, %parallel_loop3A_353 : vector<16xi32>
        %parallel_loop3A_355 = tpu.vector_load_idx %arg8[%parallel_loop3A_354] : memref<8448xf32, #tpu.memory_space<vmem>>[vector<16xi32>], vector<16xf32>,
        %parallel_loop3A_356 = arith.constant 16 : i32
        %parallel_loop3A_357 = arith.muli %parallel_loop3A_84, %parallel_loop3A_356 : i32
        %parallel_loop3A_358 = arith.constant 44 : i32
        %parallel_loop3A_359 = arith.index_cast %parallel_loop3A_358 : i32 to index
        %parallel_loop3A_360 = arith.index_cast %parallel_loop3A_357 : i32 to index
        %parallel_loop3A_361 = tpu.vector_load %arg12[%parallel_loop3A_359, %parallel_loop3A_360] {strides = array<i32>} : memref<64x128xf32, #tpu.memory_space<vmem>>, vector<16xf32>,
        tpu.vector_store %arg12[%parallel_loop3A_359, %parallel_loop3A_360], %parallel_loop3A_355 {strides = array<i32>} : memref<64x128xf32, #tpu.memory_space<vmem>>, vector<16xf32>,
        %parallel_loop3A_362 = arith.constant 13 : i32
        %parallel_loop3A_363 = vector.broadcast %parallel_loop3A_362 : i32 to vector<16xi32>
        %parallel_loop3A_364 = arith.addi %parallel_loop3A_93, %parallel_loop3A_363 : vector<16xi32>
        %parallel_loop3A_365 = tpu.vector_load_idx %arg7[%parallel_loop3A_364] : memref<33000xf32, #tpu.memory_space<vmem>>[vector<16xi32>], vector<16xf32>,
        %parallel_loop3A_366 = arith.constant 16 : i32
        %parallel_loop3A_367 = arith.muli %parallel_loop3A_84, %parallel_loop3A_366 : i32
        %parallel_loop3A_368 = arith.constant 13 : i32
        %parallel_loop3A_369 = arith.index_cast %parallel_loop3A_368 : i32 to index
        %parallel_loop3A_370 = arith.index_cast %parallel_loop3A_367 : i32 to index
        %parallel_loop3A_371 = tpu.vector_load %arg12[%parallel_loop3A_369, %parallel_loop3A_370] {strides = array<i32>} : memref<64x128xf32, #tpu.memory_space<vmem>>, vector<16xf32>,
        tpu.vector_store %arg12[%parallel_loop3A_369, %parallel_loop3A_370], %parallel_loop3A_365 {strides = array<i32>} : memref<64x128xf32, #tpu.memory_space<vmem>>, vector<16xf32>,
        %parallel_loop3A_372 = arith.constant 13 : i32
        %parallel_loop3A_373 = vector.broadcast %parallel_loop3A_372 : i32 to vector<16xi32>
        %parallel_loop3A_374 = arith.addi %parallel_loop3A_101, %parallel_loop3A_373 : vector<16xi32>
        %parallel_loop3A_375 = tpu.vector_load_idx %arg8[%parallel_loop3A_374] : memref<8448xf32, #tpu.memory_space<vmem>>[vector<16xi32>], vector<16xf32>,
        %parallel_loop3A_376 = arith.constant 16 : i32
        %parallel_loop3A_377 = arith.muli %parallel_loop3A_84, %parallel_loop3A_376 : i32
        %parallel_loop3A_378 = arith.constant 45 : i32
        %parallel_loop3A_379 = arith.index_cast %parallel_loop3A_378 : i32 to index
        %parallel_loop3A_380 = arith.index_cast %parallel_loop3A_377 : i32 to index
        %parallel_loop3A_381 = tpu.vector_load %arg12[%parallel_loop3A_379, %parallel_loop3A_380] {strides = array<i32>} : memref<64x128xf32, #tpu.memory_space<vmem>>, vector<16xf32>,
        tpu.vector_store %arg12[%parallel_loop3A_379, %parallel_loop3A_380], %parallel_loop3A_375 {strides = array<i32>} : memref<64x128xf32, #tpu.memory_space<vmem>>, vector<16xf32>,
        %parallel_loop3A_382 = arith.constant 14 : i32
        %parallel_loop3A_383 = vector.broadcast %parallel_loop3A_382 : i32 to vector<16xi32>
        %parallel_loop3A_384 = arith.addi %parallel_loop3A_93, %parallel_loop3A_383 : vector<16xi32>
        %parallel_loop3A_385 = tpu.vector_load_idx %arg7[%parallel_loop3A_384] : memref<33000xf32, #tpu.memory_space<vmem>>[vector<16xi32>], vector<16xf32>,
        %parallel_loop3A_386 = arith.constant 16 : i32
        %parallel_loop3A_387 = arith.muli %parallel_loop3A_84, %parallel_loop3A_386 : i32
        %parallel_loop3A_388 = arith.constant 14 : i32
        %parallel_loop3A_389 = arith.index_cast %parallel_loop3A_388 : i32 to index
        %parallel_loop3A_390 = arith.index_cast %parallel_loop3A_387 : i32 to index
        %parallel_loop3A_391 = tpu.vector_load %arg12[%parallel_loop3A_389, %parallel_loop3A_390] {strides = array<i32>} : memref<64x128xf32, #tpu.memory_space<vmem>>, vector<16xf32>,
        tpu.vector_store %arg12[%parallel_loop3A_389, %parallel_loop3A_390], %parallel_loop3A_385 {strides = array<i32>} : memref<64x128xf32, #tpu.memory_space<vmem>>, vector<16xf32>,
        %parallel_loop3A_392 = arith.constant 14 : i32
        %parallel_loop3A_393 = vector.broadcast %parallel_loop3A_392 : i32 to vector<16xi32>
        %parallel_loop3A_394 = arith.addi %parallel_loop3A_101, %parallel_loop3A_393 : vector<16xi32>
        %parallel_loop3A_395 = tpu.vector_load_idx %arg8[%parallel_loop3A_394] : memref<8448xf32, #tpu.memory_space<vmem>>[vector<16xi32>], vector<16xf32>,
        %parallel_loop3A_396 = arith.constant 16 : i32
        %parallel_loop3A_397 = arith.muli %parallel_loop3A_84, %parallel_loop3A_396 : i32
        %parallel_loop3A_398 = arith.constant 46 : i32
        %parallel_loop3A_399 = arith.index_cast %parallel_loop3A_398 : i32 to index
        %parallel_loop3A_400 = arith.index_cast %parallel_loop3A_397 : i32 to index
        %parallel_loop3A_401 = tpu.vector_load %arg12[%parallel_loop3A_399, %parallel_loop3A_400] {strides = array<i32>} : memref<64x128xf32, #tpu.memory_space<vmem>>, vector<16xf32>,
        tpu.vector_store %arg12[%parallel_loop3A_399, %parallel_loop3A_400], %parallel_loop3A_395 {strides = array<i32>} : memref<64x128xf32, #tpu.memory_space<vmem>>, vector<16xf32>,
        %parallel_loop3A_402 = arith.constant 15 : i32
        %parallel_loop3A_403 = vector.broadcast %parallel_loop3A_402 : i32 to vector<16xi32>
        %parallel_loop3A_404 = arith.addi %parallel_loop3A_93, %parallel_loop3A_403 : vector<16xi32>
        %parallel_loop3A_405 = tpu.vector_load_idx %arg7[%parallel_loop3A_404] : memref<33000xf32, #tpu.memory_space<vmem>>[vector<16xi32>], vector<16xf32>,
        %parallel_loop3A_406 = arith.constant 16 : i32
        %parallel_loop3A_407 = arith.muli %parallel_loop3A_84, %parallel_loop3A_406 : i32
        %parallel_loop3A_408 = arith.constant 15 : i32
        %parallel_loop3A_409 = arith.index_cast %parallel_loop3A_408 : i32 to index
        %parallel_loop3A_410 = arith.index_cast %parallel_loop3A_407 : i32 to index
        %parallel_loop3A_411 = tpu.vector_load %arg12[%parallel_loop3A_409, %parallel_loop3A_410] {strides = array<i32>} : memref<64x128xf32, #tpu.memory_space<vmem>>, vector<16xf32>,
        tpu.vector_store %arg12[%parallel_loop3A_409, %parallel_loop3A_410], %parallel_loop3A_405 {strides = array<i32>} : memref<64x128xf32, #tpu.memory_space<vmem>>, vector<16xf32>,
        %parallel_loop3A_412 = arith.constant 15 : i32
        %parallel_loop3A_413 = vector.broadcast %parallel_loop3A_412 : i32 to vector<16xi32>
        %parallel_loop3A_414 = arith.addi %parallel_loop3A_101, %parallel_loop3A_413 : vector<16xi32>
        %parallel_loop3A_415 = tpu.vector_load_idx %arg8[%parallel_loop3A_414] : memref<8448xf32, #tpu.memory_space<vmem>>[vector<16xi32>], vector<16xf32>,
        %parallel_loop3A_416 = arith.constant 16 : i32
        %parallel_loop3A_417 = arith.muli %parallel_loop3A_84, %parallel_loop3A_416 : i32
        %parallel_loop3A_418 = arith.constant 47 : i32
        %parallel_loop3A_419 = arith.index_cast %parallel_loop3A_418 : i32 to index
        %parallel_loop3A_420 = arith.index_cast %parallel_loop3A_417 : i32 to index
        %parallel_loop3A_421 = tpu.vector_load %arg12[%parallel_loop3A_419, %parallel_loop3A_420] {strides = array<i32>} : memref<64x128xf32, #tpu.memory_space<vmem>>, vector<16xf32>,
        tpu.vector_store %arg12[%parallel_loop3A_419, %parallel_loop3A_420], %parallel_loop3A_415 {strides = array<i32>} : memref<64x128xf32, #tpu.memory_space<vmem>>, vector<16xf32>,
        %parallel_loop3A_422 = arith.constant 16 : i32
        %parallel_loop3A_423 = vector.broadcast %parallel_loop3A_422 : i32 to vector<16xi32>
        %parallel_loop3A_424 = arith.addi %parallel_loop3A_93, %parallel_loop3A_423 : vector<16xi32>
        %parallel_loop3A_425 = tpu.vector_load_idx %arg7[%parallel_loop3A_424] : memref<33000xf32, #tpu.memory_space<vmem>>[vector<16xi32>], vector<16xf32>,
        %parallel_loop3A_426 = arith.constant 16 : i32
        %parallel_loop3A_427 = arith.muli %parallel_loop3A_84, %parallel_loop3A_426 : i32
        %parallel_loop3A_428 = arith.constant 16 : i32
        %parallel_loop3A_429 = arith.index_cast %parallel_loop3A_428 : i32 to index
        %parallel_loop3A_430 = arith.index_cast %parallel_loop3A_427 : i32 to index
        %parallel_loop3A_431 = tpu.vector_load %arg12[%parallel_loop3A_429, %parallel_loop3A_430] {strides = array<i32>} : memref<64x128xf32, #tpu.memory_space<vmem>>, vector<16xf32>,
        tpu.vector_store %arg12[%parallel_loop3A_429, %parallel_loop3A_430], %parallel_loop3A_425 {strides = array<i32>} : memref<64x128xf32, #tpu.memory_space<vmem>>, vector<16xf32>,
        %parallel_loop3A_432 = arith.constant 16 : i32
        %parallel_loop3A_433 = vector.broadcast %parallel_loop3A_432 : i32 to vector<16xi32>
        %parallel_loop3A_434 = arith.addi %parallel_loop3A_101, %parallel_loop3A_433 : vector<16xi32>
        %parallel_loop3A_435 = tpu.vector_load_idx %arg8[%parallel_loop3A_434] : memref<8448xf32, #tpu.memory_space<vmem>>[vector<16xi32>], vector<16xf32>,
        %parallel_loop3A_436 = arith.constant 16 : i32
        %parallel_loop3A_437 = arith.muli %parallel_loop3A_84, %parallel_loop3A_436 : i32
        %parallel_loop3A_438 = arith.constant 48 : i32
        %parallel_loop3A_439 = arith.index_cast %parallel_loop3A_438 : i32 to index
        %parallel_loop3A_440 = arith.index_cast %parallel_loop3A_437 : i32 to index
        %parallel_loop3A_441 = tpu.vector_load %arg12[%parallel_loop3A_439, %parallel_loop3A_440] {strides = array<i32>} : memref<64x128xf32, #tpu.memory_space<vmem>>, vector<16xf32>,
        tpu.vector_store %arg12[%parallel_loop3A_439, %parallel_loop3A_440], %parallel_loop3A_435 {strides = array<i32>} : memref<64x128xf32, #tpu.memory_space<vmem>>, vector<16xf32>,
        %parallel_loop3A_442 = arith.constant 17 : i32
        %parallel_loop3A_443 = vector.broadcast %parallel_loop3A_442 : i32 to vector<16xi32>
        %parallel_loop3A_444 = arith.addi %parallel_loop3A_93, %parallel_loop3A_443 : vector<16xi32>
        %parallel_loop3A_445 = tpu.vector_load_idx %arg7[%parallel_loop3A_444] : memref<33000xf32, #tpu.memory_space<vmem>>[vector<16xi32>], vector<16xf32>,
        %parallel_loop3A_446 = arith.constant 16 : i32
        %parallel_loop3A_447 = arith.muli %parallel_loop3A_84, %parallel_loop3A_446 : i32
        %parallel_loop3A_448 = arith.constant 17 : i32
        %parallel_loop3A_449 = arith.index_cast %parallel_loop3A_448 : i32 to index
        %parallel_loop3A_450 = arith.index_cast %parallel_loop3A_447 : i32 to index
        %parallel_loop3A_451 = tpu.vector_load %arg12[%parallel_loop3A_449, %parallel_loop3A_450] {strides = array<i32>} : memref<64x128xf32, #tpu.memory_space<vmem>>, vector<16xf32>,
        tpu.vector_store %arg12[%parallel_loop3A_449, %parallel_loop3A_450], %parallel_loop3A_445 {strides = array<i32>} : memref<64x128xf32, #tpu.memory_space<vmem>>, vector<16xf32>,
        %parallel_loop3A_452 = arith.constant 17 : i32
        %parallel_loop3A_453 = vector.broadcast %parallel_loop3A_452 : i32 to vector<16xi32>
        %parallel_loop3A_454 = arith.addi %parallel_loop3A_101, %parallel_loop3A_453 : vector<16xi32>
        %parallel_loop3A_455 = tpu.vector_load_idx %arg8[%parallel_loop3A_454] : memref<8448xf32, #tpu.memory_space<vmem>>[vector<16xi32>], vector<16xf32>,
        %parallel_loop3A_456 = arith.constant 16 : i32
        %parallel_loop3A_457 = arith.muli %parallel_loop3A_84, %parallel_loop3A_456 : i32
        %parallel_loop3A_458 = arith.constant 49 : i32
        %parallel_loop3A_459 = arith.index_cast %parallel_loop3A_458 : i32 to index
        %parallel_loop3A_460 = arith.index_cast %parallel_loop3A_457 : i32 to index
        %parallel_loop3A_461 = tpu.vector_load %arg12[%parallel_loop3A_459, %parallel_loop3A_460] {strides = array<i32>} : memref<64x128xf32, #tpu.memory_space<vmem>>, vector<16xf32>,
        tpu.vector_store %arg12[%parallel_loop3A_459, %parallel_loop3A_460], %parallel_loop3A_455 {strides = array<i32>} : memref<64x128xf32, #tpu.memory_space<vmem>>, vector<16xf32>,
        %parallel_loop3A_462 = arith.constant 18 : i32
        %parallel_loop3A_463 = vector.broadcast %parallel_loop3A_462 : i32 to vector<16xi32>
        %parallel_loop3A_464 = arith.addi %parallel_loop3A_93, %parallel_loop3A_463 : vector<16xi32>
        %parallel_loop3A_465 = tpu.vector_load_idx %arg7[%parallel_loop3A_464] : memref<33000xf32, #tpu.memory_space<vmem>>[vector<16xi32>], vector<16xf32>,
        %parallel_loop3A_466 = arith.constant 16 : i32
        %parallel_loop3A_467 = arith.muli %parallel_loop3A_84, %parallel_loop3A_466 : i32
        %parallel_loop3A_468 = arith.constant 18 : i32
        %parallel_loop3A_469 = arith.index_cast %parallel_loop3A_468 : i32 to index
        %parallel_loop3A_470 = arith.index_cast %parallel_loop3A_467 : i32 to index
        %parallel_loop3A_471 = tpu.vector_load %arg12[%parallel_loop3A_469, %parallel_loop3A_470] {strides = array<i32>} : memref<64x128xf32, #tpu.memory_space<vmem>>, vector<16xf32>,
        tpu.vector_store %arg12[%parallel_loop3A_469, %parallel_loop3A_470], %parallel_loop3A_465 {strides = array<i32>} : memref<64x128xf32, #tpu.memory_space<vmem>>, vector<16xf32>,
        %parallel_loop3A_472 = arith.constant 18 : i32
        %parallel_loop3A_473 = vector.broadcast %parallel_loop3A_472 : i32 to vector<16xi32>
        %parallel_loop3A_474 = arith.addi %parallel_loop3A_101, %parallel_loop3A_473 : vector<16xi32>
        %parallel_loop3A_475 = tpu.vector_load_idx %arg8[%parallel_loop3A_474] : memref<8448xf32, #tpu.memory_space<vmem>>[vector<16xi32>], vector<16xf32>,
        %parallel_loop3A_476 = arith.constant 16 : i32
        %parallel_loop3A_477 = arith.muli %parallel_loop3A_84, %parallel_loop3A_476 : i32
        %parallel_loop3A_478 = arith.constant 50 : i32
        %parallel_loop3A_479 = arith.index_cast %parallel_loop3A_478 : i32 to index
        %parallel_loop3A_480 = arith.index_cast %parallel_loop3A_477 : i32 to index
        %parallel_loop3A_481 = tpu.vector_load %arg12[%parallel_loop3A_479, %parallel_loop3A_480] {strides = array<i32>} : memref<64x128xf32, #tpu.memory_space<vmem>>, vector<16xf32>,
        tpu.vector_store %arg12[%parallel_loop3A_479, %parallel_loop3A_480], %parallel_loop3A_475 {strides = array<i32>} : memref<64x128xf32, #tpu.memory_space<vmem>>, vector<16xf32>,
        %parallel_loop3A_482 = arith.constant 19 : i32
        %parallel_loop3A_483 = vector.broadcast %parallel_loop3A_482 : i32 to vector<16xi32>
        %parallel_loop3A_484 = arith.addi %parallel_loop3A_93, %parallel_loop3A_483 : vector<16xi32>
        %parallel_loop3A_485 = tpu.vector_load_idx %arg7[%parallel_loop3A_484] : memref<33000xf32, #tpu.memory_space<vmem>>[vector<16xi32>], vector<16xf32>,
        %parallel_loop3A_486 = arith.constant 16 : i32
        %parallel_loop3A_487 = arith.muli %parallel_loop3A_84, %parallel_loop3A_486 : i32
        %parallel_loop3A_488 = arith.constant 19 : i32
        %parallel_loop3A_489 = arith.index_cast %parallel_loop3A_488 : i32 to index
        %parallel_loop3A_490 = arith.index_cast %parallel_loop3A_487 : i32 to index
        %parallel_loop3A_491 = tpu.vector_load %arg12[%parallel_loop3A_489, %parallel_loop3A_490] {strides = array<i32>} : memref<64x128xf32, #tpu.memory_space<vmem>>, vector<16xf32>,
        tpu.vector_store %arg12[%parallel_loop3A_489, %parallel_loop3A_490], %parallel_loop3A_485 {strides = array<i32>} : memref<64x128xf32, #tpu.memory_space<vmem>>, vector<16xf32>,
        %parallel_loop3A_492 = arith.constant 19 : i32
        %parallel_loop3A_493 = vector.broadcast %parallel_loop3A_492 : i32 to vector<16xi32>
        %parallel_loop3A_494 = arith.addi %parallel_loop3A_101, %parallel_loop3A_493 : vector<16xi32>
        %parallel_loop3A_495 = tpu.vector_load_idx %arg8[%parallel_loop3A_494] : memref<8448xf32, #tpu.memory_space<vmem>>[vector<16xi32>], vector<16xf32>,
        %parallel_loop3A_496 = arith.constant 16 : i32
        %parallel_loop3A_497 = arith.muli %parallel_loop3A_84, %parallel_loop3A_496 : i32
        %parallel_loop3A_498 = arith.constant 51 : i32
        %parallel_loop3A_499 = arith.index_cast %parallel_loop3A_498 : i32 to index
        %parallel_loop3A_500 = arith.index_cast %parallel_loop3A_497 : i32 to index
        %parallel_loop3A_501 = tpu.vector_load %arg12[%parallel_loop3A_499, %parallel_loop3A_500] {strides = array<i32>} : memref<64x128xf32, #tpu.memory_space<vmem>>, vector<16xf32>,
        tpu.vector_store %arg12[%parallel_loop3A_499, %parallel_loop3A_500], %parallel_loop3A_495 {strides = array<i32>} : memref<64x128xf32, #tpu.memory_space<vmem>>, vector<16xf32>,
        %parallel_loop3A_502 = arith.constant 20 : i32
        %parallel_loop3A_503 = vector.broadcast %parallel_loop3A_502 : i32 to vector<16xi32>
        %parallel_loop3A_504 = arith.addi %parallel_loop3A_93, %parallel_loop3A_503 : vector<16xi32>
        %parallel_loop3A_505 = tpu.vector_load_idx %arg7[%parallel_loop3A_504] : memref<33000xf32, #tpu.memory_space<vmem>>[vector<16xi32>], vector<16xf32>,
        %parallel_loop3A_506 = arith.constant 16 : i32
        %parallel_loop3A_507 = arith.muli %parallel_loop3A_84, %parallel_loop3A_506 : i32
        %parallel_loop3A_508 = arith.constant 20 : i32
        %parallel_loop3A_509 = arith.index_cast %parallel_loop3A_508 : i32 to index
        %parallel_loop3A_510 = arith.index_cast %parallel_loop3A_507 : i32 to index
        %parallel_loop3A_511 = tpu.vector_load %arg12[%parallel_loop3A_509, %parallel_loop3A_510] {strides = array<i32>} : memref<64x128xf32, #tpu.memory_space<vmem>>, vector<16xf32>,
        tpu.vector_store %arg12[%parallel_loop3A_509, %parallel_loop3A_510], %parallel_loop3A_505 {strides = array<i32>} : memref<64x128xf32, #tpu.memory_space<vmem>>, vector<16xf32>,
        %parallel_loop3A_512 = arith.constant 20 : i32
        %parallel_loop3A_513 = vector.broadcast %parallel_loop3A_512 : i32 to vector<16xi32>
        %parallel_loop3A_514 = arith.addi %parallel_loop3A_101, %parallel_loop3A_513 : vector<16xi32>
        %parallel_loop3A_515 = tpu.vector_load_idx %arg8[%parallel_loop3A_514] : memref<8448xf32, #tpu.memory_space<vmem>>[vector<16xi32>], vector<16xf32>,
        %parallel_loop3A_516 = arith.constant 16 : i32
        %parallel_loop3A_517 = arith.muli %parallel_loop3A_84, %parallel_loop3A_516 : i32
        %parallel_loop3A_518 = arith.constant 52 : i32
        %parallel_loop3A_519 = arith.index_cast %parallel_loop3A_518 : i32 to index
        %parallel_loop3A_520 = arith.index_cast %parallel_loop3A_517 : i32 to index
        %parallel_loop3A_521 = tpu.vector_load %arg12[%parallel_loop3A_519, %parallel_loop3A_520] {strides = array<i32>} : memref<64x128xf32, #tpu.memory_space<vmem>>, vector<16xf32>,
        tpu.vector_store %arg12[%parallel_loop3A_519, %parallel_loop3A_520], %parallel_loop3A_515 {strides = array<i32>} : memref<64x128xf32, #tpu.memory_space<vmem>>, vector<16xf32>,
        %parallel_loop3A_522 = arith.constant 21 : i32
        %parallel_loop3A_523 = vector.broadcast %parallel_loop3A_522 : i32 to vector<16xi32>
        %parallel_loop3A_524 = arith.addi %parallel_loop3A_93, %parallel_loop3A_523 : vector<16xi32>
        %parallel_loop3A_525 = tpu.vector_load_idx %arg7[%parallel_loop3A_524] : memref<33000xf32, #tpu.memory_space<vmem>>[vector<16xi32>], vector<16xf32>,
        %parallel_loop3A_526 = arith.constant 16 : i32
        %parallel_loop3A_527 = arith.muli %parallel_loop3A_84, %parallel_loop3A_526 : i32
        %parallel_loop3A_528 = arith.constant 21 : i32
        %parallel_loop3A_529 = arith.index_cast %parallel_loop3A_528 : i32 to index
        %parallel_loop3A_530 = arith.index_cast %parallel_loop3A_527 : i32 to index
        %parallel_loop3A_531 = tpu.vector_load %arg12[%parallel_loop3A_529, %parallel_loop3A_530] {strides = array<i32>} : memref<64x128xf32, #tpu.memory_space<vmem>>, vector<16xf32>,
        tpu.vector_store %arg12[%parallel_loop3A_529, %parallel_loop3A_530], %parallel_loop3A_525 {strides = array<i32>} : memref<64x128xf32, #tpu.memory_space<vmem>>, vector<16xf32>,
        %parallel_loop3A_532 = arith.constant 21 : i32
        %parallel_loop3A_533 = vector.broadcast %parallel_loop3A_532 : i32 to vector<16xi32>
        %parallel_loop3A_534 = arith.addi %parallel_loop3A_101, %parallel_loop3A_533 : vector<16xi32>
        %parallel_loop3A_535 = tpu.vector_load_idx %arg8[%parallel_loop3A_534] : memref<8448xf32, #tpu.memory_space<vmem>>[vector<16xi32>], vector<16xf32>,
        %parallel_loop3A_536 = arith.constant 16 : i32
        %parallel_loop3A_537 = arith.muli %parallel_loop3A_84, %parallel_loop3A_536 : i32
        %parallel_loop3A_538 = arith.constant 53 : i32
        %parallel_loop3A_539 = arith.index_cast %parallel_loop3A_538 : i32 to index
        %parallel_loop3A_540 = arith.index_cast %parallel_loop3A_537 : i32 to index
        %parallel_loop3A_541 = tpu.vector_load %arg12[%parallel_loop3A_539, %parallel_loop3A_540] {strides = array<i32>} : memref<64x128xf32, #tpu.memory_space<vmem>>, vector<16xf32>,
        tpu.vector_store %arg12[%parallel_loop3A_539, %parallel_loop3A_540], %parallel_loop3A_535 {strides = array<i32>} : memref<64x128xf32, #tpu.memory_space<vmem>>, vector<16xf32>,
        %parallel_loop3A_542 = arith.constant 22 : i32
        %parallel_loop3A_543 = vector.broadcast %parallel_loop3A_542 : i32 to vector<16xi32>
        %parallel_loop3A_544 = arith.addi %parallel_loop3A_93, %parallel_loop3A_543 : vector<16xi32>
        %parallel_loop3A_545 = tpu.vector_load_idx %arg7[%parallel_loop3A_544] : memref<33000xf32, #tpu.memory_space<vmem>>[vector<16xi32>], vector<16xf32>,
        %parallel_loop3A_546 = arith.constant 16 : i32
        %parallel_loop3A_547 = arith.muli %parallel_loop3A_84, %parallel_loop3A_546 : i32
        %parallel_loop3A_548 = arith.constant 22 : i32
        %parallel_loop3A_549 = arith.index_cast %parallel_loop3A_548 : i32 to index
        %parallel_loop3A_550 = arith.index_cast %parallel_loop3A_547 : i32 to index
        %parallel_loop3A_551 = tpu.vector_load %arg12[%parallel_loop3A_549, %parallel_loop3A_550] {strides = array<i32>} : memref<64x128xf32, #tpu.memory_space<vmem>>, vector<16xf32>,
        tpu.vector_store %arg12[%parallel_loop3A_549, %parallel_loop3A_550], %parallel_loop3A_545 {strides = array<i32>} : memref<64x128xf32, #tpu.memory_space<vmem>>, vector<16xf32>,
        %parallel_loop3A_552 = arith.constant 22 : i32
        %parallel_loop3A_553 = vector.broadcast %parallel_loop3A_552 : i32 to vector<16xi32>
        %parallel_loop3A_554 = arith.addi %parallel_loop3A_101, %parallel_loop3A_553 : vector<16xi32>
        %parallel_loop3A_555 = tpu.vector_load_idx %arg8[%parallel_loop3A_554] : memref<8448xf32, #tpu.memory_space<vmem>>[vector<16xi32>], vector<16xf32>,
        %parallel_loop3A_556 = arith.constant 16 : i32
        %parallel_loop3A_557 = arith.muli %parallel_loop3A_84, %parallel_loop3A_556 : i32
        %parallel_loop3A_558 = arith.constant 54 : i32
        %parallel_loop3A_559 = arith.index_cast %parallel_loop3A_558 : i32 to index
        %parallel_loop3A_560 = arith.index_cast %parallel_loop3A_557 : i32 to index
        %parallel_loop3A_561 = tpu.vector_load %arg12[%parallel_loop3A_559, %parallel_loop3A_560] {strides = array<i32>} : memref<64x128xf32, #tpu.memory_space<vmem>>, vector<16xf32>,
        tpu.vector_store %arg12[%parallel_loop3A_559, %parallel_loop3A_560], %parallel_loop3A_555 {strides = array<i32>} : memref<64x128xf32, #tpu.memory_space<vmem>>, vector<16xf32>,
        %parallel_loop3A_562 = arith.constant 23 : i32
        %parallel_loop3A_563 = vector.broadcast %parallel_loop3A_562 : i32 to vector<16xi32>
        %parallel_loop3A_564 = arith.addi %parallel_loop3A_93, %parallel_loop3A_563 : vector<16xi32>
        %parallel_loop3A_565 = tpu.vector_load_idx %arg7[%parallel_loop3A_564] : memref<33000xf32, #tpu.memory_space<vmem>>[vector<16xi32>], vector<16xf32>,
        %parallel_loop3A_566 = arith.constant 16 : i32
        %parallel_loop3A_567 = arith.muli %parallel_loop3A_84, %parallel_loop3A_566 : i32
        %parallel_loop3A_568 = arith.constant 23 : i32
        %parallel_loop3A_569 = arith.index_cast %parallel_loop3A_568 : i32 to index
        %parallel_loop3A_570 = arith.index_cast %parallel_loop3A_567 : i32 to index
        %parallel_loop3A_571 = tpu.vector_load %arg12[%parallel_loop3A_569, %parallel_loop3A_570] {strides = array<i32>} : memref<64x128xf32, #tpu.memory_space<vmem>>, vector<16xf32>,
        tpu.vector_store %arg12[%parallel_loop3A_569, %parallel_loop3A_570], %parallel_loop3A_565 {strides = array<i32>} : memref<64x128xf32, #tpu.memory_space<vmem>>, vector<16xf32>,
        %parallel_loop3A_572 = arith.constant 23 : i32
        %parallel_loop3A_573 = vector.broadcast %parallel_loop3A_572 : i32 to vector<16xi32>
        %parallel_loop3A_574 = arith.addi %parallel_loop3A_101, %parallel_loop3A_573 : vector<16xi32>
        %parallel_loop3A_575 = tpu.vector_load_idx %arg8[%parallel_loop3A_574] : memref<8448xf32, #tpu.memory_space<vmem>>[vector<16xi32>], vector<16xf32>,
        %parallel_loop3A_576 = arith.constant 16 : i32
        %parallel_loop3A_577 = arith.muli %parallel_loop3A_84, %parallel_loop3A_576 : i32
        %parallel_loop3A_578 = arith.constant 55 : i32
        %parallel_loop3A_579 = arith.index_cast %parallel_loop3A_578 : i32 to index
        %parallel_loop3A_580 = arith.index_cast %parallel_loop3A_577 : i32 to index
        %parallel_loop3A_581 = tpu.vector_load %arg12[%parallel_loop3A_579, %parallel_loop3A_580] {strides = array<i32>} : memref<64x128xf32, #tpu.memory_space<vmem>>, vector<16xf32>,
        tpu.vector_store %arg12[%parallel_loop3A_579, %parallel_loop3A_580], %parallel_loop3A_575 {strides = array<i32>} : memref<64x128xf32, #tpu.memory_space<vmem>>, vector<16xf32>,
        %parallel_loop3A_582 = arith.constant 24 : i32
        %parallel_loop3A_583 = vector.broadcast %parallel_loop3A_582 : i32 to vector<16xi32>
        %parallel_loop3A_584 = arith.addi %parallel_loop3A_93, %parallel_loop3A_583 : vector<16xi32>
        %parallel_loop3A_585 = tpu.vector_load_idx %arg7[%parallel_loop3A_584] : memref<33000xf32, #tpu.memory_space<vmem>>[vector<16xi32>], vector<16xf32>,
        %parallel_loop3A_586 = arith.constant 16 : i32
        %parallel_loop3A_587 = arith.muli %parallel_loop3A_84, %parallel_loop3A_586 : i32
        %parallel_loop3A_588 = arith.constant 24 : i32
        %parallel_loop3A_589 = arith.index_cast %parallel_loop3A_588 : i32 to index
        %parallel_loop3A_590 = arith.index_cast %parallel_loop3A_587 : i32 to index
        %parallel_loop3A_591 = tpu.vector_load %arg12[%parallel_loop3A_589, %parallel_loop3A_590] {strides = array<i32>} : memref<64x128xf32, #tpu.memory_space<vmem>>, vector<16xf32>,
        tpu.vector_store %arg12[%parallel_loop3A_589, %parallel_loop3A_590], %parallel_loop3A_585 {strides = array<i32>} : memref<64x128xf32, #tpu.memory_space<vmem>>, vector<16xf32>,
        %parallel_loop3A_592 = arith.constant 24 : i32
        %parallel_loop3A_593 = vector.broadcast %parallel_loop3A_592 : i32 to vector<16xi32>
        %parallel_loop3A_594 = arith.addi %parallel_loop3A_101, %parallel_loop3A_593 : vector<16xi32>
        %parallel_loop3A_595 = tpu.vector_load_idx %arg8[%parallel_loop3A_594] : memref<8448xf32, #tpu.memory_space<vmem>>[vector<16xi32>], vector<16xf32>,
        %parallel_loop3A_596 = arith.constant 16 : i32
        %parallel_loop3A_597 = arith.muli %parallel_loop3A_84, %parallel_loop3A_596 : i32
        %parallel_loop3A_598 = arith.constant 56 : i32
        %parallel_loop3A_599 = arith.index_cast %parallel_loop3A_598 : i32 to index
        %parallel_loop3A_600 = arith.index_cast %parallel_loop3A_597 : i32 to index
        %parallel_loop3A_601 = tpu.vector_load %arg12[%parallel_loop3A_599, %parallel_loop3A_600] {strides = array<i32>} : memref<64x128xf32, #tpu.memory_space<vmem>>, vector<16xf32>,
        tpu.vector_store %arg12[%parallel_loop3A_599, %parallel_loop3A_600], %parallel_loop3A_595 {strides = array<i32>} : memref<64x128xf32, #tpu.memory_space<vmem>>, vector<16xf32>,
        %parallel_loop3A_602 = arith.constant 25 : i32
        %parallel_loop3A_603 = vector.broadcast %parallel_loop3A_602 : i32 to vector<16xi32>
        %parallel_loop3A_604 = arith.addi %parallel_loop3A_93, %parallel_loop3A_603 : vector<16xi32>
        %parallel_loop3A_605 = tpu.vector_load_idx %arg7[%parallel_loop3A_604] : memref<33000xf32, #tpu.memory_space<vmem>>[vector<16xi32>], vector<16xf32>,
        %parallel_loop3A_606 = arith.constant 16 : i32
        %parallel_loop3A_607 = arith.muli %parallel_loop3A_84, %parallel_loop3A_606 : i32
        %parallel_loop3A_608 = arith.constant 25 : i32
        %parallel_loop3A_609 = arith.index_cast %parallel_loop3A_608 : i32 to index
        %parallel_loop3A_610 = arith.index_cast %parallel_loop3A_607 : i32 to index
        %parallel_loop3A_611 = tpu.vector_load %arg12[%parallel_loop3A_609, %parallel_loop3A_610] {strides = array<i32>} : memref<64x128xf32, #tpu.memory_space<vmem>>, vector<16xf32>,
        tpu.vector_store %arg12[%parallel_loop3A_609, %parallel_loop3A_610], %parallel_loop3A_605 {strides = array<i32>} : memref<64x128xf32, #tpu.memory_space<vmem>>, vector<16xf32>,
        %parallel_loop3A_612 = arith.constant 25 : i32
        %parallel_loop3A_613 = vector.broadcast %parallel_loop3A_612 : i32 to vector<16xi32>
        %parallel_loop3A_614 = arith.addi %parallel_loop3A_101, %parallel_loop3A_613 : vector<16xi32>
        %parallel_loop3A_615 = tpu.vector_load_idx %arg8[%parallel_loop3A_614] : memref<8448xf32, #tpu.memory_space<vmem>>[vector<16xi32>], vector<16xf32>,
        %parallel_loop3A_616 = arith.constant 16 : i32
        %parallel_loop3A_617 = arith.muli %parallel_loop3A_84, %parallel_loop3A_616 : i32
        %parallel_loop3A_618 = arith.constant 57 : i32
        %parallel_loop3A_619 = arith.index_cast %parallel_loop3A_618 : i32 to index
        %parallel_loop3A_620 = arith.index_cast %parallel_loop3A_617 : i32 to index
        %parallel_loop3A_621 = tpu.vector_load %arg12[%parallel_loop3A_619, %parallel_loop3A_620] {strides = array<i32>} : memref<64x128xf32, #tpu.memory_space<vmem>>, vector<16xf32>,
        tpu.vector_store %arg12[%parallel_loop3A_619, %parallel_loop3A_620], %parallel_loop3A_615 {strides = array<i32>} : memref<64x128xf32, #tpu.memory_space<vmem>>, vector<16xf32>,
        %parallel_loop3A_622 = arith.constant 26 : i32
        %parallel_loop3A_623 = vector.broadcast %parallel_loop3A_622 : i32 to vector<16xi32>
        %parallel_loop3A_624 = arith.addi %parallel_loop3A_93, %parallel_loop3A_623 : vector<16xi32>
        %parallel_loop3A_625 = tpu.vector_load_idx %arg7[%parallel_loop3A_624] : memref<33000xf32, #tpu.memory_space<vmem>>[vector<16xi32>], vector<16xf32>,
        %parallel_loop3A_626 = arith.constant 16 : i32
        %parallel_loop3A_627 = arith.muli %parallel_loop3A_84, %parallel_loop3A_626 : i32
        %parallel_loop3A_628 = arith.constant 26 : i32
        %parallel_loop3A_629 = arith.index_cast %parallel_loop3A_628 : i32 to index
        %parallel_loop3A_630 = arith.index_cast %parallel_loop3A_627 : i32 to index
        %parallel_loop3A_631 = tpu.vector_load %arg12[%parallel_loop3A_629, %parallel_loop3A_630] {strides = array<i32>} : memref<64x128xf32, #tpu.memory_space<vmem>>, vector<16xf32>,
        tpu.vector_store %arg12[%parallel_loop3A_629, %parallel_loop3A_630], %parallel_loop3A_625 {strides = array<i32>} : memref<64x128xf32, #tpu.memory_space<vmem>>, vector<16xf32>,
        %parallel_loop3A_632 = arith.constant 26 : i32
        %parallel_loop3A_633 = vector.broadcast %parallel_loop3A_632 : i32 to vector<16xi32>
        %parallel_loop3A_634 = arith.addi %parallel_loop3A_101, %parallel_loop3A_633 : vector<16xi32>
        %parallel_loop3A_635 = tpu.vector_load_idx %arg8[%parallel_loop3A_634] : memref<8448xf32, #tpu.memory_space<vmem>>[vector<16xi32>], vector<16xf32>,
        %parallel_loop3A_636 = arith.constant 16 : i32
        %parallel_loop3A_637 = arith.muli %parallel_loop3A_84, %parallel_loop3A_636 : i32
        %parallel_loop3A_638 = arith.constant 58 : i32
        %parallel_loop3A_639 = arith.index_cast %parallel_loop3A_638 : i32 to index
        %parallel_loop3A_640 = arith.index_cast %parallel_loop3A_637 : i32 to index
        %parallel_loop3A_641 = tpu.vector_load %arg12[%parallel_loop3A_639, %parallel_loop3A_640] {strides = array<i32>} : memref<64x128xf32, #tpu.memory_space<vmem>>, vector<16xf32>,
        tpu.vector_store %arg12[%parallel_loop3A_639, %parallel_loop3A_640], %parallel_loop3A_635 {strides = array<i32>} : memref<64x128xf32, #tpu.memory_space<vmem>>, vector<16xf32>,
        %parallel_loop3A_642 = arith.constant 27 : i32
        %parallel_loop3A_643 = vector.broadcast %parallel_loop3A_642 : i32 to vector<16xi32>
        %parallel_loop3A_644 = arith.addi %parallel_loop3A_93, %parallel_loop3A_643 : vector<16xi32>
        %parallel_loop3A_645 = tpu.vector_load_idx %arg7[%parallel_loop3A_644] : memref<33000xf32, #tpu.memory_space<vmem>>[vector<16xi32>], vector<16xf32>,
        %parallel_loop3A_646 = arith.constant 16 : i32
        %parallel_loop3A_647 = arith.muli %parallel_loop3A_84, %parallel_loop3A_646 : i32
        %parallel_loop3A_648 = arith.constant 27 : i32
        %parallel_loop3A_649 = arith.index_cast %parallel_loop3A_648 : i32 to index
        %parallel_loop3A_650 = arith.index_cast %parallel_loop3A_647 : i32 to index
        %parallel_loop3A_651 = tpu.vector_load %arg12[%parallel_loop3A_649, %parallel_loop3A_650] {strides = array<i32>} : memref<64x128xf32, #tpu.memory_space<vmem>>, vector<16xf32>,
        tpu.vector_store %arg12[%parallel_loop3A_649, %parallel_loop3A_650], %parallel_loop3A_645 {strides = array<i32>} : memref<64x128xf32, #tpu.memory_space<vmem>>, vector<16xf32>,
        %parallel_loop3A_652 = arith.constant 27 : i32
        %parallel_loop3A_653 = vector.broadcast %parallel_loop3A_652 : i32 to vector<16xi32>
        %parallel_loop3A_654 = arith.addi %parallel_loop3A_101, %parallel_loop3A_653 : vector<16xi32>
        %parallel_loop3A_655 = tpu.vector_load_idx %arg8[%parallel_loop3A_654] : memref<8448xf32, #tpu.memory_space<vmem>>[vector<16xi32>], vector<16xf32>,
        %parallel_loop3A_656 = arith.constant 16 : i32
        %parallel_loop3A_657 = arith.muli %parallel_loop3A_84, %parallel_loop3A_656 : i32
        %parallel_loop3A_658 = arith.constant 59 : i32
        %parallel_loop3A_659 = arith.index_cast %parallel_loop3A_658 : i32 to index
        %parallel_loop3A_660 = arith.index_cast %parallel_loop3A_657 : i32 to index
        %parallel_loop3A_661 = tpu.vector_load %arg12[%parallel_loop3A_659, %parallel_loop3A_660] {strides = array<i32>} : memref<64x128xf32, #tpu.memory_space<vmem>>, vector<16xf32>,
        tpu.vector_store %arg12[%parallel_loop3A_659, %parallel_loop3A_660], %parallel_loop3A_655 {strides = array<i32>} : memref<64x128xf32, #tpu.memory_space<vmem>>, vector<16xf32>,
        %parallel_loop3A_662 = arith.constant 28 : i32
        %parallel_loop3A_663 = vector.broadcast %parallel_loop3A_662 : i32 to vector<16xi32>
        %parallel_loop3A_664 = arith.addi %parallel_loop3A_93, %parallel_loop3A_663 : vector<16xi32>
        %parallel_loop3A_665 = tpu.vector_load_idx %arg7[%parallel_loop3A_664] : memref<33000xf32, #tpu.memory_space<vmem>>[vector<16xi32>], vector<16xf32>,
        %parallel_loop3A_666 = arith.constant 16 : i32
        %parallel_loop3A_667 = arith.muli %parallel_loop3A_84, %parallel_loop3A_666 : i32
        %parallel_loop3A_668 = arith.constant 28 : i32
        %parallel_loop3A_669 = arith.index_cast %parallel_loop3A_668 : i32 to index
        %parallel_loop3A_670 = arith.index_cast %parallel_loop3A_667 : i32 to index
        %parallel_loop3A_671 = tpu.vector_load %arg12[%parallel_loop3A_669, %parallel_loop3A_670] {strides = array<i32>} : memref<64x128xf32, #tpu.memory_space<vmem>>, vector<16xf32>,
        tpu.vector_store %arg12[%parallel_loop3A_669, %parallel_loop3A_670], %parallel_loop3A_665 {strides = array<i32>} : memref<64x128xf32, #tpu.memory_space<vmem>>, vector<16xf32>,
        %parallel_loop3A_672 = arith.constant 28 : i32
        %parallel_loop3A_673 = vector.broadcast %parallel_loop3A_672 : i32 to vector<16xi32>
        %parallel_loop3A_674 = arith.addi %parallel_loop3A_101, %parallel_loop3A_673 : vector<16xi32>
        %parallel_loop3A_675 = tpu.vector_load_idx %arg8[%parallel_loop3A_674] : memref<8448xf32, #tpu.memory_space<vmem>>[vector<16xi32>], vector<16xf32>,
        %parallel_loop3A_676 = arith.constant 16 : i32
        %parallel_loop3A_677 = arith.muli %parallel_loop3A_84, %parallel_loop3A_676 : i32
        %parallel_loop3A_678 = arith.constant 60 : i32
        %parallel_loop3A_679 = arith.index_cast %parallel_loop3A_678 : i32 to index
        %parallel_loop3A_680 = arith.index_cast %parallel_loop3A_677 : i32 to index
        %parallel_loop3A_681 = tpu.vector_load %arg12[%parallel_loop3A_679, %parallel_loop3A_680] {strides = array<i32>} : memref<64x128xf32, #tpu.memory_space<vmem>>, vector<16xf32>,
        tpu.vector_store %arg12[%parallel_loop3A_679, %parallel_loop3A_680], %parallel_loop3A_675 {strides = array<i32>} : memref<64x128xf32, #tpu.memory_space<vmem>>, vector<16xf32>,
        %parallel_loop3A_682 = arith.constant 29 : i32
        %parallel_loop3A_683 = vector.broadcast %parallel_loop3A_682 : i32 to vector<16xi32>
        %parallel_loop3A_684 = arith.addi %parallel_loop3A_93, %parallel_loop3A_683 : vector<16xi32>
        %parallel_loop3A_685 = tpu.vector_load_idx %arg7[%parallel_loop3A_684] : memref<33000xf32, #tpu.memory_space<vmem>>[vector<16xi32>], vector<16xf32>,
        %parallel_loop3A_686 = arith.constant 16 : i32
        %parallel_loop3A_687 = arith.muli %parallel_loop3A_84, %parallel_loop3A_686 : i32
        %parallel_loop3A_688 = arith.constant 29 : i32
        %parallel_loop3A_689 = arith.index_cast %parallel_loop3A_688 : i32 to index
        %parallel_loop3A_690 = arith.index_cast %parallel_loop3A_687 : i32 to index
        %parallel_loop3A_691 = tpu.vector_load %arg12[%parallel_loop3A_689, %parallel_loop3A_690] {strides = array<i32>} : memref<64x128xf32, #tpu.memory_space<vmem>>, vector<16xf32>,
        tpu.vector_store %arg12[%parallel_loop3A_689, %parallel_loop3A_690], %parallel_loop3A_685 {strides = array<i32>} : memref<64x128xf32, #tpu.memory_space<vmem>>, vector<16xf32>,
        %parallel_loop3A_692 = arith.constant 29 : i32
        %parallel_loop3A_693 = vector.broadcast %parallel_loop3A_692 : i32 to vector<16xi32>
        %parallel_loop3A_694 = arith.addi %parallel_loop3A_101, %parallel_loop3A_693 : vector<16xi32>
        %parallel_loop3A_695 = tpu.vector_load_idx %arg8[%parallel_loop3A_694] : memref<8448xf32, #tpu.memory_space<vmem>>[vector<16xi32>], vector<16xf32>,
        %parallel_loop3A_696 = arith.constant 16 : i32
        %parallel_loop3A_697 = arith.muli %parallel_loop3A_84, %parallel_loop3A_696 : i32
        %parallel_loop3A_698 = arith.constant 61 : i32
        %parallel_loop3A_699 = arith.index_cast %parallel_loop3A_698 : i32 to index
        %parallel_loop3A_700 = arith.index_cast %parallel_loop3A_697 : i32 to index
        %parallel_loop3A_701 = tpu.vector_load %arg12[%parallel_loop3A_699, %parallel_loop3A_700] {strides = array<i32>} : memref<64x128xf32, #tpu.memory_space<vmem>>, vector<16xf32>,
        tpu.vector_store %arg12[%parallel_loop3A_699, %parallel_loop3A_700], %parallel_loop3A_695 {strides = array<i32>} : memref<64x128xf32, #tpu.memory_space<vmem>>, vector<16xf32>,
        %parallel_loop3A_702 = arith.constant 30 : i32
        %parallel_loop3A_703 = vector.broadcast %parallel_loop3A_702 : i32 to vector<16xi32>
        %parallel_loop3A_704 = arith.addi %parallel_loop3A_93, %parallel_loop3A_703 : vector<16xi32>
        %parallel_loop3A_705 = tpu.vector_load_idx %arg7[%parallel_loop3A_704] : memref<33000xf32, #tpu.memory_space<vmem>>[vector<16xi32>], vector<16xf32>,
        %parallel_loop3A_706 = arith.constant 16 : i32
        %parallel_loop3A_707 = arith.muli %parallel_loop3A_84, %parallel_loop3A_706 : i32
        %parallel_loop3A_708 = arith.constant 30 : i32
        %parallel_loop3A_709 = arith.index_cast %parallel_loop3A_708 : i32 to index
        %parallel_loop3A_710 = arith.index_cast %parallel_loop3A_707 : i32 to index
        %parallel_loop3A_711 = tpu.vector_load %arg12[%parallel_loop3A_709, %parallel_loop3A_710] {strides = array<i32>} : memref<64x128xf32, #tpu.memory_space<vmem>>, vector<16xf32>,
        tpu.vector_store %arg12[%parallel_loop3A_709, %parallel_loop3A_710], %parallel_loop3A_705 {strides = array<i32>} : memref<64x128xf32, #tpu.memory_space<vmem>>, vector<16xf32>,
        %parallel_loop3A_712 = arith.constant 30 : i32
        %parallel_loop3A_713 = vector.broadcast %parallel_loop3A_712 : i32 to vector<16xi32>
        %parallel_loop3A_714 = arith.addi %parallel_loop3A_101, %parallel_loop3A_713 : vector<16xi32>
        %parallel_loop3A_715 = tpu.vector_load_idx %arg8[%parallel_loop3A_714] : memref<8448xf32, #tpu.memory_space<vmem>>[vector<16xi32>], vector<16xf32>,
        %parallel_loop3A_716 = arith.constant 16 : i32
        %parallel_loop3A_717 = arith.muli %parallel_loop3A_84, %parallel_loop3A_716 : i32
        %parallel_loop3A_718 = arith.constant 62 : i32
        %parallel_loop3A_719 = arith.index_cast %parallel_loop3A_718 : i32 to index
        %parallel_loop3A_720 = arith.index_cast %parallel_loop3A_717 : i32 to index
        %parallel_loop3A_721 = tpu.vector_load %arg12[%parallel_loop3A_719, %parallel_loop3A_720] {strides = array<i32>} : memref<64x128xf32, #tpu.memory_space<vmem>>, vector<16xf32>,
        tpu.vector_store %arg12[%parallel_loop3A_719, %parallel_loop3A_720], %parallel_loop3A_715 {strides = array<i32>} : memref<64x128xf32, #tpu.memory_space<vmem>>, vector<16xf32>,
        %parallel_loop3A_722 = arith.constant 31 : i32
        %parallel_loop3A_723 = vector.broadcast %parallel_loop3A_722 : i32 to vector<16xi32>
        %parallel_loop3A_724 = arith.addi %parallel_loop3A_93, %parallel_loop3A_723 : vector<16xi32>
        %parallel_loop3A_725 = tpu.vector_load_idx %arg7[%parallel_loop3A_724] : memref<33000xf32, #tpu.memory_space<vmem>>[vector<16xi32>], vector<16xf32>,
        %parallel_loop3A_726 = arith.constant 16 : i32
        %parallel_loop3A_727 = arith.muli %parallel_loop3A_84, %parallel_loop3A_726 : i32
        %parallel_loop3A_728 = arith.constant 31 : i32
        %parallel_loop3A_729 = arith.index_cast %parallel_loop3A_728 : i32 to index
        %parallel_loop3A_730 = arith.index_cast %parallel_loop3A_727 : i32 to index
        %parallel_loop3A_731 = tpu.vector_load %arg12[%parallel_loop3A_729, %parallel_loop3A_730] {strides = array<i32>} : memref<64x128xf32, #tpu.memory_space<vmem>>, vector<16xf32>,
        tpu.vector_store %arg12[%parallel_loop3A_729, %parallel_loop3A_730], %parallel_loop3A_725 {strides = array<i32>} : memref<64x128xf32, #tpu.memory_space<vmem>>, vector<16xf32>,
        %parallel_loop3A_732 = arith.constant 31 : i32
        %parallel_loop3A_733 = vector.broadcast %parallel_loop3A_732 : i32 to vector<16xi32>
        %parallel_loop3A_734 = arith.addi %parallel_loop3A_101, %parallel_loop3A_733 : vector<16xi32>
        %parallel_loop3A_735 = tpu.vector_load_idx %arg8[%parallel_loop3A_734] : memref<8448xf32, #tpu.memory_space<vmem>>[vector<16xi32>], vector<16xf32>,
        %parallel_loop3A_736 = arith.constant 16 : i32
        %parallel_loop3A_737 = arith.muli %parallel_loop3A_84, %parallel_loop3A_736 : i32
        %parallel_loop3A_738 = arith.constant 63 : i32
        %parallel_loop3A_739 = arith.index_cast %parallel_loop3A_738 : i32 to index
        %parallel_loop3A_740 = arith.index_cast %parallel_loop3A_737 : i32 to index
        %parallel_loop3A_741 = tpu.vector_load %arg12[%parallel_loop3A_739, %parallel_loop3A_740] {strides = array<i32>} : memref<64x128xf32, #tpu.memory_space<vmem>>, vector<16xf32>,
        tpu.vector_store %arg12[%parallel_loop3A_739, %parallel_loop3A_740], %parallel_loop3A_735 {strides = array<i32>} : memref<64x128xf32, #tpu.memory_space<vmem>>, vector<16xf32>,
      } {sc.loop_unroll_factor = 4 : i64, sc.parallel_access}
      %add3A_76 = arith.constant 1 : i32
      %add3A_77 = arith.addi %add3A_49, %add3A_76 : i32
      %dma_start3A_78 = arith.constant 0 : i32
      %dma_start3A_79 = tpu.memref_slice %arg6[%add3A_77, %dma_start3A_78, %mul3A_4] : memref<200x64x4096xf32, #tpu.memory_space<hbm>> -> memref<1x64x128xf32, #tpu.memory_space<hbm>>
      %dma_start3A_80 = tpu.memref_squeeze %dma_start3A_79 : memref<1x64x128xf32, #tpu.memory_space<hbm>> -> memref<64x128xf32, #tpu.memory_space<hbm>>
      %dma_start3A_81 = arith.constant 0 : i32
      %dma_start3A_82 = tpu.memref_slice %arg6[%add3A_77, %dma_start3A_81, %mul3A_4] : memref<200x64x4096xf32, #tpu.memory_space<hbm>> -> memref<1x64x128xf32, #tpu.memory_space<hbm>>
      %dma_start3A_83 = tpu.memref_squeeze %dma_start3A_82 : memref<1x64x128xf32, #tpu.memory_space<hbm>> -> memref<64x128xf32, #tpu.memory_space<hbm>>
      tpu.enqueue_dma source(%arg12 : memref<64x128xf32, #tpu.memory_space<vmem>>) target(%dma_start3A_83 : memref<64x128xf32, #tpu.memory_space<hbm>>) target_semaphore(%arg14 : memref<!tpu.dma_semaphore, #tpu.memory_space<semaphore_mem>>)
    }
    %scan3A_31 = arith.constant 99 : i32
    %dma_wait3A = arith.constant 0 : i32
    %dma_wait3A_32 = arith.constant 0 : i32
    %dma_wait3A_33 = tpu.memref_slice %arg6[%dma_wait3A, %dma_wait3A_32, %mul3A_4] : memref<200x64x4096xf32, #tpu.memory_space<hbm>> -> memref<1x64x128xf32, #tpu.memory_space<hbm>>
    %dma_wait3A_34 = tpu.memref_squeeze %dma_wait3A_33 : memref<1x64x128xf32, #tpu.memory_space<hbm>> -> memref<64x128xf32, #tpu.memory_space<hbm>>
    %dma_wait3A_35 = arith.constant 0 : i32
    %dma_wait3A_36 = tpu.memref_slice %arg6[%dma_wait3A, %dma_wait3A_35, %mul3A_4] : memref<200x64x4096xf32, #tpu.memory_space<hbm>> -> memref<1x64x128xf32, #tpu.memory_space<hbm>>
    %dma_wait3A_37 = tpu.memref_squeeze %dma_wait3A_36 : memref<1x64x128xf32, #tpu.memory_space<hbm>> -> memref<64x128xf32, #tpu.memory_space<hbm>>
    tpu.wait_dma2 semaphore(%arg13 : memref<!tpu.dma_semaphore, #tpu.memory_space<semaphore_mem>>) src(%arg11 : memref<64x128xf32, #tpu.memory_space<vmem>>) dst(%dma_wait3A_37 : memref<64x128xf32, #tpu.memory_space<hbm>>)
    %dma_wait3A_38 = arith.constant 1 : i32
    %dma_wait3A_39 = arith.constant 0 : i32
    %dma_wait3A_40 = tpu.memref_slice %arg6[%dma_wait3A_38, %dma_wait3A_39, %mul3A_4] : memref<200x64x4096xf32, #tpu.memory_space<hbm>> -> memref<1x64x128xf32, #tpu.memory_space<hbm>>
    %dma_wait3A_41 = tpu.memref_squeeze %dma_wait3A_40 : memref<1x64x128xf32, #tpu.memory_space<hbm>> -> memref<64x128xf32, #tpu.memory_space<hbm>>
    %dma_wait3A_42 = arith.constant 0 : i32
    %dma_wait3A_43 = tpu.memref_slice %arg6[%dma_wait3A_38, %dma_wait3A_42, %mul3A_4] : memref<200x64x4096xf32, #tpu.memory_space<hbm>> -> memref<1x64x128xf32, #tpu.memory_space<hbm>>
    %dma_wait3A_44 = tpu.memref_squeeze %dma_wait3A_43 : memref<1x64x128xf32, #tpu.memory_space<hbm>> -> memref<64x128xf32, #tpu.memory_space<hbm>>
    tpu.wait_dma2 semaphore(%arg14 : memref<!tpu.dma_semaphore, #tpu.memory_space<semaphore_mem>>) src(%arg12 : memref<64x128xf32, #tpu.memory_space<vmem>>) dst(%dma_wait3A_44 : memref<64x128xf32, #tpu.memory_space<hbm>>)
    return
  }
}

</mosaic_0001>

<sc_bundles>
// kernel: kernel.3.cloned.1.call-start
scs
__scs_entry_jumppad:
0x0: {  	(pc) =	sbr.rel $0x88, $3  }
0x1: {  	(tag) =	ssettag $0x0;
	lr =	simm.s32 $0x1  }
0x2: {  	[smem:$0x3F9D] =	sst lr;
	_ =	strace $0xD0000000  }
0x3: {  	_ = 	snop  }
0x4: {  	_ = 	snop  }
0x5: {  	_ = 	snop  }
0x6: {  	_ = 	snop  }
0x7: {  	_ = 	snop  }
__scs_overlays_trampoline_lowered:
0x8: {  	[smem:$0x3FAC] =	sst s0  }
0x9: {  	[smem:$0x3FAD] =	sst s1  }
0xa: {  	[smem:$0x3FAE] =	sst s2  }
0xb: {  	[smem:$0x3FAF] =	sst s3  }
0xc: {  	[smem:$0x3FB0] =	sst s4  }
0xd: {  	[smem:$0x3FB1] =	sst s5  }
0xe: {  	[smem:$0x3FB2] =	sst s6  }
0xf: {  	[smem:$0x3FB3] =	sst s7  }
0x10: {  	[smem:$0x3FB4] =	sst s8  }
0x11: {  	[smem:$0x3FB5] =	sst s9;
	s0 =	simm.s32 @!p0 $0x0  }
0x12: {  	s1 =	sld [smem:$0x3F9B];
	s0 =	simm.s32 @p0 $0x1  }
0x13: {  	[smem:$0x3FB6] =	sst s0;
	s0 =	simm.s32 @!p1 $0x0  }
0x14: {  	s2 =	sld [smem:$0x3F9A];
	s0 =	simm.s32 @p1 $0x1  }
0x15: {  	[smem:$0x3FB7] =	sst s0;
	s0 =	simm.s32 @!p2 $0x0  }
0x16: {  	s3 =	sld [smem:$0x3FDB];
	s0 =	simm.s32 @p2 $0x1  }
0x17: {  	s4 =	simm.s32 $0x1BF5;
	[smem:$0x3FB9] =	sst s0  }
0x18: {  	s0 =	sld [smem:$0x3F9C];
	_ =	swait.ge [sflag:s4], $0x0  }
0x19: {  	s7 =	sld [smem:$0x3F9D]  }
0x1a: {  	s8 =	sadd.s32 $0xFFFFE003, lr  }
0x1b: {  	s9 =	sadd.s32 $0xFFFFFEF7, lr;
	s5 =	simm.s32 $0xFFFFFFFF;
	p2 =	slt.u32 s8, $0xFFFFF086  }
0x1c: {  	p1 =	slt.u32 s9, $0xF7A;
	s5 =	simm.s32 @!p2 $0x0  }
0x1d: {  	s5 =	simm.s32 @p1 $0x1;
	p0 =	seq.s32 s7, s2  }
0x1e: {  	s7 =	smul.u32 @!p0 $0xF7A, s2;
	p2 =	seq.s32 @!p0 s5, $0x0  }
0x1f: {  	s9 =	smul.u32 $0xF7A, s1;
	s8 =	simm.s32 @!p0 $0x1BF5;
	p2 =	por !p2, p0  }
0x20: {  	[sflag:s8] =	ssyncset.s32 @!p0 $0xFFFFF086;
	s6 =	sadd.s32 @!p0 s3, s7;
	s7 =	simm.s32 @!p0 $0x108  }
0x21: {  	s3 =	sadd.s32 s3, s9;
	s6 =	sadd.s32 @!p0 $0x88, s6;
	s7 =	simm.s32 @p2 $0x1082  }
0x22: {  	[simem:s7], [sflag:s8] =	dma.local @!p0 [hbm:s6], $0xF7A  }
0x23: {  	s9 =	sor.u32 $0xD0000000, s2;
	s6 =	simm.s32 $0x108;
	_ =	swait.ge @!p0 [sflag:s8], $0x0  }
0x24: {  	s3 =	sadd.s32 $0x88, s3;
	s6 =	simm.s32 @!p1 $0x1082;
	[sflag:s4] =	ssyncset.s32 $0xFFFFF086  }
0x25: {  	[simem:s6], [sflag:s4] =	dma.local [hbm:s3], $0xF7A  }
0x26: {  	[smem:$0x3F9D] =	sst s1;
	(tag) =	ssettag s2;
	_ =	strace s9  }
0x27: {  	s1 =	sld [smem:$0x3FAD]  }
0x28: {  	s2 =	sld [smem:$0x3FAE]  }
0x29: {  	s4 =	sld [smem:$0x3FB0]  }
0x2a: {  	p0 =	seq.s32 s5, $0x0;
	s5 =	sld [smem:$0x3FB1]  }
0x2b: {  	s6 =	sld [smem:$0x3FB2]  }
0x2c: {  	s7 =	sld [smem:$0x3FB3]  }
0x2d: {  	s3 =	simm.s32 $0x108;
	s8 =	sld [smem:$0x3FB4]  }
0x2e: {  	s3 =	simm.s32 @!p0 $0x1082;
	s9 =	sld [smem:$0x3FB5]  }
0x2f: {  	lr =	sadd.s32 s0, s3;
	s0 =	sld [smem:$0x3FAC]  }
0x30: {  	s3 =	sld [smem:$0x3FAF]  }
0x31: {  	[smem:$0x3FB8] =	sst s10  }
0x32: {  	s10 =	sld [smem:$0x3FB6];
	_ =	sdelay $0x3  }
0x33: {  	p0 =	seq.s32 s10, $0x1;
	s10 =	sld [smem:$0x3FB8];
	_ =	sdelay $0x3  }
0x34: {  	[smem:$0x3FB8] =	sst s10  }
0x35: {  	s10 =	sld [smem:$0x3FB7];
	_ =	sdelay $0x3  }
0x36: {  	p1 =	seq.s32 s10, $0x1;
	s10 =	sld [smem:$0x3FB8];
	_ =	sdelay $0x3  }
0x37: {  	[smem:$0x3FB8] =	sst s10  }
0x38: {  	s10 =	sld [smem:$0x3FB9]  }
0x39: {  	_ = 	snop;
	(pc) =	sbr.ind lr, $3  }
0x3a: {  	_ = 	snop  }
0x3b: {  	_ = 	snop  }
0x3c: {  	p2 =	seq.s32 s10, $0x1;
	s10 =	sld [smem:$0x3FB8]  }
0x3d: {  	_ =	shalt  }
0x3e: {  	_ =	shalt  }
0x3f: {  	_ =	shalt  }
0x40: {  	_ =	shalt  }
0x41: {  	_ =	shalt  }
0x42: {  	_ =	shalt  }
0x43: {  	_ =	shalt  }
0x44: {  	_ =	shalt  }
0x45: {  	_ =	shalt  }
0x46: {  	_ =	shalt  }
0x47: {  	_ =	shalt  }
0x48: {  	_ =	shalt  }
0x49: {  	_ =	shalt  }
0x4a: {  	_ =	shalt  }
0x4b: {  	_ =	shalt  }
0x4c: {  	_ =	shalt  }
0x4d: {  	_ =	shalt  }
0x4e: {  	_ =	shalt  }
0x4f: {  	_ =	shalt  }
0x50: {  	_ =	shalt  }
0x51: {  	_ =	shalt  }
0x52: {  	_ =	shalt  }
0x53: {  	_ =	shalt  }
0x54: {  	_ =	shalt  }
0x55: {  	_ =	shalt  }
0x56: {  	_ =	shalt  }
0x57: {  	_ =	shalt  }
0x58: {  	_ =	shalt  }
0x59: {  	_ =	shalt  }
0x5a: {  	_ =	shalt  }
0x5b: {  	_ =	shalt  }
0x5c: {  	_ =	shalt  }
0x5d: {  	_ =	shalt  }
0x5e: {  	_ =	shalt  }
0x5f: {  	_ =	shalt  }
0x60: {  	_ =	shalt  }
0x61: {  	_ =	shalt  }
0x62: {  	_ =	shalt  }
0x63: {  	_ =	shalt  }
0x64: {  	_ =	shalt  }
0x65: {  	_ =	shalt  }
0x66: {  	_ =	shalt  }
0x67: {  	_ =	shalt  }
0x68: {  	_ =	shalt  }
0x69: {  	_ =	shalt  }
0x6a: {  	_ =	shalt  }
0x6b: {  	_ =	shalt  }
0x6c: {  	_ =	shalt  }
0x6d: {  	_ =	shalt  }
0x6e: {  	_ =	shalt  }
0x6f: {  	_ =	shalt  }
0x70: {  	_ =	shalt  }
0x71: {  	_ =	shalt  }
0x72: {  	_ =	shalt  }
0x73: {  	_ =	shalt  }
0x74: {  	_ =	shalt  }
0x75: {  	_ =	shalt  }
0x76: {  	_ =	shalt  }
0x77: {  	_ =	shalt  }
0x78: {  	_ =	shalt  }
0x79: {  	_ =	shalt  }
0x7a: {  	_ =	shalt  }
0x7b: {  	_ =	shalt  }
0x7c: {  	_ =	shalt  }
0x7d: {  	_ =	shalt  }
0x7e: {  	_ =	shalt  }
0x7f: {  	_ =	shalt  }
0x80: {  	_ =	shalt  }
0x81: {  	_ =	shalt  }
0x82: {  	_ =	shalt  }
0x83: {  	_ =	shalt  }
0x84: {  	_ =	shalt  }
0x85: {  	_ =	shalt  }
0x86: {  	_ =	shalt  }
0x87: {  	_ =	shalt  }
.Lfunc_end0:
.L_simem_size_0:
called_computation_lowered:
.L_overlay_start_0:
0x88: {  	s2 =	sld [smem:$0x3FD9]  }
0x89: {  	s3 =	sld [smem:$0x3FFE];
	_ =	sdelay $0x1  }
0x8a: {  	s1 =	srdreg.scid  }
0x8b: {  	s0 =	sand.u32 $0x1, s1  }
0x8c: {  	s17 =	sshll.u32 s0, $0xA;
	s2 =	sadd.s32 s3, s2  }
0x8d: {  	s2 =	sadd.s32 s2, s17  }
0x8e: {  	[smem:$0x3FC4] =	sst s2  }
0x8f: {  	_ = 	snop  }
0x90: {  	s2 =	sld [smem:$0x3FD0];
	(tm) =	ssettm $0x1  }
0x91: {  	s18 =	sld [smem:$0x3FFB];
	_ =	sdelay $0x3  }
0x92: {  	_ =	strace s18  }
0x93: {  	s3 =	sld [smem:$0x3FFC];
	_ =	sdelay $0x3  }
0x94: {  	_ =	strace s3  }
0x95: {  	s3 =	sld [smem:$0x3FFD];
	_ =	sdelay $0x3  }
0x96: {  	_ =	strace s3  }
0x97: {  	_ =	strace $0x8FFFFFFF  }
0x98: {  	s19 =	sld [smem:$0x3FDB];
	_ =	sdelay $0x1  }
0x99: {  	s4 =	simm.s32 $_scs_section_size  }
0x9a: {  	s5 =	simm.s32 $_size__tile_overlayer_lowered;
	s6 =	simm.s32 $_tile_overlayer_lowered  }
0x9b: {  	s22 =	simm.s32 $0x1BFF;
	s21 =	sshll.u32 s6, $0x1;
	s3 =	sadd.s32 s4, s19  }
0x9c: {  	s7 =	simm.s32 $0x0;
	s20 =	sshll.u32 s5, $0x1;
	s5 =	sadd.s32 s21, s3  }
0x9d: {  	[timem:s7], [sflag:s22] =	dma.local [hbm:s5], s20  }
0x9e: {  	_ =	swait.ge [sflag:s22], s20  }
0x9f: {  	s4 =	ssub.s32 $0x0, s20;
	[sflag:s22] =	ssyncset.done $0x0  }
0xa0: {  	[sflag:s22] =	ssyncadd.s32 s4;
	_ =	sdelay $0x1  }
0xa1: {  	s23 =	simm.s32 $0x1B8B  }
0xa2: {  	_ =	swait.ge [sflag:s23], $0x1  }
0xa3: {  	[sflag:s23] =	ssyncset.done $0x0  }
0xa4: {  	s25 =	simm.s32 $0x1B8E;
	s24 =	sld [smem:$0x3FFE];
	[sflag:s23] =	ssyncadd.s32 $0xFFFFFFFF  }
0xa5: {  	s26 =	simm.s32 $execute0_lowered;
	[smem:$0x3FD2] =	sst s25  }
0xa6: {  	s5 =	sshll.u32 s26, $0x1;
	_ =	strace $0x80000046;
	[dreg:$0x1] =	wrdreg $0xFFFFFFFF  }
0xa7: {  	s28 =	simm.s32 $_size_execute0_lowered;
	s3 =	sadd.s32 s3, s5;
	[dreg:$0x0] =	wrdreg $0x0  }
0xa8: {  	s5 =	sshll.u32 s28, $0x1;
	[dreg:$0x2] =	wrdreg s3  }
0xa9: {  	[dreg:$0x3] =	wrdreg s5  }
0xaa: {  	[dreg:$0x4] =	wrdreg $0xC0  }
0xab: {  	_ =	task [dreg:s7], $0x5FFFF  }
0xac: {  	[dreg:$0x1] =	wrdreg $0xFFFFFFFF  }
0xad: {  	[dreg:$0x0] =	wrdreg $0x60  }
0xae: {  	[dreg:$0x2] =	wrdreg s24  }
0xaf: {  	[dreg:$0x3] =	wrdreg s2  }
0xb0: {  	[dreg:$0x4] =	wrdreg $0x9  }
0xb1: {  	_ =	task.clear_ibuf [dreg:s7], $0x5FFFF;
	_ =	strace $0x90000046  }
0xb2: {  	s29 =	simm.s32 $0x9;
	_ =	strace $0x80000048  }
0xb3: {  	_ =	swait.ge [sflag:s29], $0x1  }
0xb4: {  	[sflag:s29] =	ssyncadd.s32 $0xFFFFFFFF  }
0xb5: {  	_ =	strace $0x90000048  }
0xb6: {  	_ =	sfence  }
0xb7: {  	s30 =	sld [smem:$0x0];
	_ =	sdelay $0x2  }
0xb8: {  	s31 =	sshll.u32 s1, $0xD;
	s1 =	sshrl.u32 s1, $0x2  }
0xb9: {  	s3 =	sand.u32 $0x4000, s31;
	s1 =	sadd.s32 s1, s30  }
0xba: {  	s0 =	sor.u32 s3, s0;
	s1 =	sshll.u32 s1, $0x11  }
0xbb: {  	s0 =	sor.u32 s1, s0  }
0xbc: {  	s0 =	sadd.s32 $0x8F2B, s0  }
0xbd: {  	[sflag:s0] =	ssyncadd.remote.s32 $0x1  }
0xbe: {  	_ =	sfence.sel $0xFFFF  }
0xbf: {  	[dreg:$0x0] =	wrdreg $0xFFFFFFFF;
	(pc) =	sbr.abs _section_cstart, $3  }
0xc0: {  	[dreg:$0x1] =	wrdreg $0xFFFFFFFF  }
0xc1: {  	_ =	task.clear_ibuf [dreg:s7], $0x2FFFF;
	_ =	strace $0x9FFFFFFF  }
0xc2: {  	(tm) =	ssettm $0x7FFFFFFF  }
0xc3: {  	_ =	shalt  }
tec
execute0_lowered:
.L_overlay_start_1:
0x0: {  	(tag) =	ssettag $0x1  }
0x1: {  	s1 =	srdreg.scid;
	s5 =	rddreg [dreg:$0x0]  }
0x2: {  	s0 =	stileid.u32;
	s2 =	rddreg [dreg:$0x1];
	s3 =	simm.s32 $0x0  }
0x3: {  	s13 =	simm.s32 $0x8100;
	s14 =	simm.s32 $0xA200;
	s15 =	simm.s32 $0x10600  }
0x4: {  	s16 =	simm.s32 $0x400;
	s17 =	simm.s32 $0x8000;
	s18 =	simm.s32 $0x16A00  }
0x5: {  	s19 =	simm.s32 $0x18A00;
	s20 =	simm.s32 $0x1;
	s21 =	simm.s32 $0x2  }
0x6: {  	s6 =	sand.u32 $0x1, s1;
	s31 =	sshll.u32 s0, $0x1;
	[smem:$0x7FF] =	sst s3  }
0x7: {  	v0 =	vimm.s32 $0x18500840;
	v1 =	vimm.s32 $0x38702860;
	s22 =	simm.s32 $0x0;
	s9 =	sor.u32 s6, s31;
	_ =	strace $0x80000047  }
0x8: {  	v2 =	vimm.s32 $0x58104800;
	v3 =	vimm.s32 $0x78306820;
	v0 =	vunpack.c.0.s8.s32 v0;
	s11 =	ssub.s32 $0x2, s6;
	s4 =	smul.u32 $0xC80, s9;
	s7 =	sshll.u32 s9, $0x7  }
0x9: {  	v1 =	vunpack.c.0.s8.s32 v1;
	v2 =	vunpack.c.0.s8.s32 v2;
	v3 =	vunpack.c.0.s8.s32 v3;
	s12 =	sshrl.u32 s11, $0x1;
	s9 =	sshll.u32 s9, $0xA;
	s7 =	sadd.s32 s2, s7  }
0xa: {  	vm0 =	vcmask $0x1F10;
	s11 =	ssub.s32 s11, s12;
	s12 =	simm.s32 $0x3;
	s8 =	sadd.s32 s4, s5  }
0xb: {  	v1 =	vsel vm0, v1, v0;
	v0 =	vlaneseq.u32;
	v2 =	vsel vm0, v3, v2;
	s4 =	sadd.s32 $0xC00, s5;
	s5 =	sadd.s32 $0x600, s5;
	s10 =	sadd.s32 $0x8000, s7  }
0xc: {  	v0 =	vmul.u32 $0xC8, v0;
	v1 =	vcombine.low v2, v1;
	s11 =	smax.u32 s11, $0x1;
	s6 =	sadd.s32 $0x1E00, s8;
	s8 =	sadd.s32 $0x1AE00, s8  }
.LBB2_1:
0xd: {  	[tilespmem:s3], [sflag:$0x3] =	stream.linear.gather [hbm4b:s4+s3], $0x8100, $0x38;
	[tilespmem:$0x1AA00] =	vst v63  }
0xe: {  	_ =	swait.ge [sflag:s12], $0x8100  }
0xf: {  	[sflag:s12] =	ssyncset.done $0x0  }
0x10: {  	[sflag:s12] =	ssyncadd.s32 $0xFFFF7F00  }
0x11: {  	[tilespmem:s13], [sflag:$0x3] =	stream.linear.gather [hbm4b:s5+s3], $0x2100, $0x38;
	[tilespmem:$0x1AA00] =	vst v63  }
0x12: {  	_ =	swait.ge [sflag:s12], $0x2100  }
0x13: {  	[sflag:s12] =	ssyncset.done $0x0  }
0x14: {  	[sflag:s12] =	ssyncadd.s32 $0xFFFFDF00  }
0x15: {  	[tilespmem:s14], [sflag:$0x3] =	stream.linear.gather [hbm4b:s6+s3], $0x6400, $0x38;
	[tilespmem:$0x1AA00] =	vst v63  }
0x16: {  	_ =	swait.ge [sflag:s12], $0x6400  }
0x17: {  	[sflag:s12] =	ssyncset.done $0x0  }
0x18: {  	[sflag:s12] =	ssyncadd.s32 $0xFFFF9C00  }
0x19: {  	[tilespmem:s15], [sflag:$0x3] =	stream.linear.gather [hbm4b:s8+s3], $0x6400, $0x38;
	[tilespmem:$0x1AA00] =	vst v63  }
0x1a: {  	_ =	swait.ge [sflag:s12], $0x6400  }
0x1b: {  	[sflag:s12] =	ssyncset.done $0x0  }
0x1c: {  	p0 =	por $0x1, $0x1;
	s24 =	simm.s32 $0x0;
	[sflag:s12] =	ssyncadd.s32 $0xFFFF9C00  }
.LBB2_2:
0x1d: {  	s23 =	smul.u32 $0xC80, s24;
	_ =	sdelay $0x1  }
0x1e: {  	v2 =	vadd.s32 s23, v0  }
0x1f: {  	v2 =	vand.u32 $0x7F80, v2  }
0x20: {  	v2 =	vor.u32 v1, v2;
	_ =	sdelay $0x4  }
0x21: {  	v3 =	vld.idx.msk [tilespmem:v2+s14+$0x0], $0xffff  }
0x22: {  	v2 =	vld.idx.msk [tilespmem:v2+s15+$0x0], $0xffff;
	_ =	sdelay $0x3  }
0x23: {  	v3 =	vmul.u32 $0x21, v3  }
0x24: {  	v2 =	vmul.f32 $2.550000000e+02, v2;
	_ =	sdelay $0x1  }
0x25: {  	v2 =	vtrunc.f32 v2  }
0x26: {  	v2 =	vcvt.f32.s32 v2;
	_ =	sdelay $0x1  }
0x27: {  	v2 =	vmul.u32 $0x21, v2;
	v4 =	vld.idx.msk [tilespmem:v3+s3+$0x0], $0xffff;
	_ =	sdelay $0x3  }
0x28: {  	s23 =	sshll.u32 s24, $0x4  }
0x29: {  	[tilespmem:s23+$0x16A00] =	vst v4  }
0x2a: {  	v4 =	vld.idx.msk [tilespmem:v2+s13+$0x0], $0xffff  }
0x2b: {  	v5 =	vadd.s32 $0x1, v3;
	_ =	sdelay $0x3  }
0x2c: {  	[tilespmem:s23+$0x17A00] =	vst v4  }
0x2d: {  	v4 =	vld.idx.msk [tilespmem:v5+s3+$0x0], $0xffff  }
0x2e: {  	v35 =	vadd.s32 $0x1, v2;
	_ =	sdelay $0x3  }
0x2f: {  	[tilespmem:s23+$0x16A80] =	vst v4  }
0x30: {  	v4 =	vld.idx.msk [tilespmem:v35+s13+$0x0], $0xffff  }
0x31: {  	v36 =	vadd.s32 $0x2, v3;
	_ =	sdelay $0x3  }
0x32: {  	[tilespmem:s23+$0x17A80] =	vst v4  }
0x33: {  	v4 =	vld.idx.msk [tilespmem:v36+s3+$0x0], $0xffff  }
0x34: {  	v37 =	vadd.s32 $0x2, v2;
	_ =	sdelay $0x3  }
0x35: {  	[tilespmem:s23+$0x16B00] =	vst v4  }
0x36: {  	v4 =	vld.idx.msk [tilespmem:v37+s13+$0x0], $0xffff  }
0x37: {  	v38 =	vadd.s32 $0x3, v3;
	_ =	sdelay $0x3  }
0x38: {  	[tilespmem:s23+$0x17B00] =	vst v4  }
0x39: {  	v4 =	vld.idx.msk [tilespmem:v38+s3+$0x0], $0xffff  }
0x3a: {  	v39 =	vadd.s32 $0x3, v2;
	_ =	sdelay $0x3  }
0x3b: {  	[tilespmem:s23+$0x16B80] =	vst v4  }
0x3c: {  	v4 =	vld.idx.msk [tilespmem:v39+s13+$0x0], $0xffff  }
0x3d: {  	v40 =	vadd.s32 $0x4, v3;
	_ =	sdelay $0x1  }
0x3e: {  	s25 =	sor.u32 $0x1, s24  }
0x3f: {  	s26 =	smul.u32 $0xC80, s25  }
0x40: {  	s28 =	sor.u32 $0x2, s24;
	[tilespmem:s23+$0x17B80] =	vst v4  }
0x41: {  	s1 =	smul.u32 $0xC80, s28;
	v41 =	vadd.s32 s26, v0;
	v4 =	vld.idx.msk [tilespmem:v40+s3+$0x0], $0xffff  }
0x42: {  	s29 =	sor.u32 $0x3, s24;
	v6 =	vadd.s32 $0x4, v2;
	v5 =	vand.u32 $0x7F80, v41  }
0x43: {  	s24 =	smul.u32 $0xC80, s29;
	v7 =	vadd.s32 s1, v0;
	v5 =	vor.u32 v1, v5  }
0x44: {  	v7 =	vand.u32 $0xFF80, v7  }
0x45: {  	v8 =	vadd.s32 s24, v0;
	v7 =	vor.u32 v1, v7  }
0x46: {  	v42 =	vand.u32 $0xFF80, v8;
	[tilespmem:s23+$0x16C00] =	vst v4  }
0x47: {  	v4 =	vor.u32 v1, v42;
	v10 =	vld.idx.msk [tilespmem:v6+s13+$0x0], $0xffff  }
0x48: {  	v6 =	vld.idx.msk [tilespmem:v5+s14+$0x0], $0xffff  }
0x49: {  	v43 =	vld.idx.msk [tilespmem:v5+s15+$0x0], $0xffff  }
0x4a: {  	v9 =	vld.idx.msk [tilespmem:v7+s14+$0x0], $0xffff  }
0x4b: {  	v7 =	vld.idx.msk [tilespmem:v7+s15+$0x0], $0xffff  }
0x4c: {  	v11 =	vld.idx.msk [tilespmem:v4+s14+$0x0], $0xffff  }
0x4d: {  	v4 =	vld.idx.msk [tilespmem:v4+s15+$0x0], $0xffff;
	_ =	sdelay $0x1  }
0x4e: {  	v5 =	vmul.u32 $0x21, v6  }
0x4f: {  	v12 =	vmul.f32 $2.550000000e+02, v43;
	v6 =	vmul.u32 $0x21, v9  }
0x50: {  	v7 =	vmul.f32 $2.550000000e+02, v7;
	v8 =	vmul.u32 $0x21, v11  }
0x51: {  	v44 =	vtrunc.f32 v12;
	v4 =	vmul.f32 $2.550000000e+02, v4  }
0x52: {  	v7 =	vtrunc.f32 v7;
	v9 =	vcvt.f32.s32 v44  }
0x53: {  	v7 =	vcvt.f32.s32 v7;
	v45 =	vtrunc.f32 v4  }
0x54: {  	v4 =	vmul.u32 $0x21, v9;
	v46 =	vld.idx.msk [tilespmem:v5+s3+$0x0], $0xffff;
	v47 =	vcvt.f32.s32 v45  }
0x55: {  	v7 =	vmul.u32 $0x21, v7;
	v48 =	vld.idx.msk [tilespmem:v6+s3+$0x0], $0xffff  }
0x56: {  	v9 =	vmul.u32 $0x21, v47;
	v13 =	vld.idx.msk [tilespmem:v8+s3+$0x0], $0xffff;
	_ =	sdelay $0x1  }
0x57: {  	s26 =	sshll.u32 s25, $0x4  }
0x58: {  	s30 =	sshll.u32 s28, $0x4;
	[tilespmem:s26+$0x16A00] =	vst v46  }
0x59: {  	s31 =	sshll.u32 s29, $0x4;
	[tilespmem:s30+$0x16A00] =	vst v48;
	v12 =	vld.idx.msk [tilespmem:v4+s13+$0x0], $0xffff  }
0x5a: {  	v49 =	vadd.s32 $0x1, v5;
	v14 =	vld.idx.msk [tilespmem:v7+s13+$0x0], $0xffff;
	[tilespmem:s31+$0x16A00] =	vst v13  }
0x5b: {  	v50 =	vadd.s32 $0x1, v6;
	v15 =	vld.idx.msk [tilespmem:v9+s13+$0x0], $0xffff  }
0x5c: {  	v16 =	vadd.s32 $0x1, v8;
	_ =	sdelay $0x1  }
0x5d: {  	[tilespmem:s26+$0x17A00] =	vst v12  }
0x5e: {  	[tilespmem:s30+$0x17A00] =	vst v14;
	v11 =	vld.idx.msk [tilespmem:v49+s3+$0x0], $0xffff  }
0x5f: {  	v51 =	vadd.s32 $0x1, v4;
	v13 =	vld.idx.msk [tilespmem:v50+s3+$0x0], $0xffff;
	[tilespmem:s31+$0x17A00] =	vst v15  }
0x60: {  	v52 =	vadd.s32 $0x1, v7;
	v15 =	vld.idx.msk [tilespmem:v16+s3+$0x0], $0xffff  }
0x61: {  	v53 =	vadd.s32 $0x1, v9;
	_ =	sdelay $0x1  }
0x62: {  	[tilespmem:s26+$0x16A80] =	vst v11  }
0x63: {  	[tilespmem:s30+$0x16A80] =	vst v13;
	v11 =	vld.idx.msk [tilespmem:v51+s13+$0x0], $0xffff  }
0x64: {  	v54 =	vadd.s32 $0x2, v5;
	v13 =	vld.idx.msk [tilespmem:v52+s13+$0x0], $0xffff;
	[tilespmem:s31+$0x16A80] =	vst v15  }
0x65: {  	v55 =	vadd.s32 $0x2, v6;
	v15 =	vld.idx.msk [tilespmem:v53+s13+$0x0], $0xffff  }
0x66: {  	v56 =	vadd.s32 $0x2, v8;
	_ =	sdelay $0x1  }
0x67: {  	[tilespmem:s26+$0x17A80] =	vst v11  }
0x68: {  	[tilespmem:s30+$0x17A80] =	vst v13;
	v11 =	vld.idx.msk [tilespmem:v54+s3+$0x0], $0xffff  }
0x69: {  	v57 =	vadd.s32 $0x2, v4;
	v13 =	vld.idx.msk [tilespmem:v55+s3+$0x0], $0xffff;
	[tilespmem:s31+$0x17A80] =	vst v15  }
0x6a: {  	v58 =	vadd.s32 $0x2, v7;
	v15 =	vld.idx.msk [tilespmem:v56+s3+$0x0], $0xffff  }
0x6b: {  	v59 =	vadd.s32 $0x2, v9;
	_ =	sdelay $0x1  }
0x6c: {  	[tilespmem:s26+$0x16B00] =	vst v11  }
0x6d: {  	[tilespmem:s30+$0x16B00] =	vst v13;
	v11 =	vld.idx.msk [tilespmem:v57+s13+$0x0], $0xffff  }
0x6e: {  	v60 =	vadd.s32 $0x3, v5;
	v13 =	vld.idx.msk [tilespmem:v58+s13+$0x0], $0xffff;
	[tilespmem:s31+$0x16B00] =	vst v15  }
0x6f: {  	v61 =	vadd.s32 $0x3, v6;
	v15 =	vld.idx.msk [tilespmem:v59+s13+$0x0], $0xffff  }
0x70: {  	v62 =	vadd.s32 $0x3, v8;
	_ =	sdelay $0x1  }
0x71: {  	[tilespmem:s26+$0x17B00] =	vst v11  }
0x72: {  	[tilespmem:s30+$0x17B00] =	vst v13;
	v11 =	vld.idx.msk [tilespmem:v60+s3+$0x0], $0xffff  }
0x73: {  	v63 =	vadd.s32 $0x3, v4;
	v13 =	vld.idx.msk [tilespmem:v61+s3+$0x0], $0xffff;
	[tilespmem:s31+$0x17B00] =	vst v15  }
0x74: {  	v20 =	vadd.s32 $0x3, v7;
	v15 =	vld.idx.msk [tilespmem:v62+s3+$0x0], $0xffff  }
0x75: {  	v21 =	vadd.s32 $0x3, v9;
	_ =	sdelay $0x1  }
0x76: {  	[tilespmem:s26+$0x16B80] =	vst v11  }
0x77: {  	[tilespmem:s30+$0x16B80] =	vst v13;
	v11 =	vld.idx.msk [tilespmem:v63+s13+$0x0], $0xffff  }
0x78: {  	v22 =	vadd.s32 $0x4, v5;
	v13 =	vld.idx.msk [tilespmem:v20+s13+$0x0], $0xffff;
	[tilespmem:s31+$0x16B80] =	vst v15  }
0x79: {  	v23 =	vadd.s32 $0x4, v6;
	v15 =	vld.idx.msk [tilespmem:v21+s13+$0x0], $0xffff  }
0x7a: {  	v24 =	vadd.s32 $0x4, v8;
	_ =	sdelay $0x1  }
0x7b: {  	[tilespmem:s26+$0x17B80] =	vst v11  }
0x7c: {  	[tilespmem:s30+$0x17B80] =	vst v13;
	v11 =	vld.idx.msk [tilespmem:v22+s3+$0x0], $0xffff  }
0x7d: {  	v25 =	vadd.s32 $0x4, v4;
	v13 =	vld.idx.msk [tilespmem:v23+s3+$0x0], $0xffff;
	[tilespmem:s31+$0x17B80] =	vst v15  }
0x7e: {  	v26 =	vadd.s32 $0x4, v7;
	v15 =	vld.idx.msk [tilespmem:v24+s3+$0x0], $0xffff  }
0x7f: {  	v27 =	vadd.s32 $0x4, v9;
	_ =	sdelay $0x1  }
0x80: {  	[tilespmem:s26+$0x16C00] =	vst v11  }
0x81: {  	v28 =	vadd.s32 $0x5, v3;
	[tilespmem:s30+$0x16C00] =	vst v13;
	v12 =	vld.idx.msk [tilespmem:v25+s13+$0x0], $0xffff  }
0x82: {  	v29 =	vadd.s32 $0x5, v5;
	v14 =	vld.idx.msk [tilespmem:v26+s13+$0x0], $0xffff;
	[tilespmem:s31+$0x16C00] =	vst v15  }
0x83: {  	v30 =	vadd.s32 $0x5, v6;
	v16 =	vld.idx.msk [tilespmem:v27+s13+$0x0], $0xffff  }
0x84: {  	v17 =	vadd.s32 $0x5, v8  }
0x85: {  	[tilespmem:s23+$0x17C00] =	vst v10  }
0x86: {  	v10 =	vld.idx.msk [tilespmem:v28+s3+$0x0], $0xffff;
	[tilespmem:s26+$0x17C00] =	vst v12  }
0x87: {  	v31 =	vadd.s32 $0x5, v2;
	[tilespmem:s30+$0x17C00] =	vst v14;
	v12 =	vld.idx.msk [tilespmem:v29+s3+$0x0], $0xffff  }
0x88: {  	v32 =	vadd.s32 $0x5, v4;
	v14 =	vld.idx.msk [tilespmem:v30+s3+$0x0], $0xffff;
	[tilespmem:s31+$0x17C00] =	vst v16  }
0x89: {  	v33 =	vadd.s32 $0x5, v7;
	v16 =	vld.idx.msk [tilespmem:v17+s3+$0x0], $0xffff  }
0x8a: {  	v34 =	vadd.s32 $0x5, v9  }
0x8b: {  	[tilespmem:s23+$0x16C80] =	vst v10  }
0x8c: {  	v10 =	vld.idx.msk [tilespmem:v31+s13+$0x0], $0xffff;
	[tilespmem:s26+$0x16C80] =	vst v12  }
0x8d: {  	v35 =	vadd.s32 $0x6, v3;
	[tilespmem:s30+$0x16C80] =	vst v14;
	v12 =	vld.idx.msk [tilespmem:v32+s13+$0x0], $0xffff  }
0x8e: {  	v36 =	vadd.s32 $0x6, v5;
	v14 =	vld.idx.msk [tilespmem:v33+s13+$0x0], $0xffff;
	[tilespmem:s31+$0x16C80] =	vst v16  }
0x8f: {  	v37 =	vadd.s32 $0x6, v6;
	v16 =	vld.idx.msk [tilespmem:v34+s13+$0x0], $0xffff  }
0x90: {  	v38 =	vadd.s32 $0x6, v8  }
0x91: {  	[tilespmem:s23+$0x17C80] =	vst v10  }
0x92: {  	v10 =	vld.idx.msk [tilespmem:v35+s3+$0x0], $0xffff;
	[tilespmem:s26+$0x17C80] =	vst v12  }
0x93: {  	v39 =	vadd.s32 $0x6, v2;
	[tilespmem:s30+$0x17C80] =	vst v14;
	v12 =	vld.idx.msk [tilespmem:v36+s3+$0x0], $0xffff  }
0x94: {  	v40 =	vadd.s32 $0x6, v4;
	v14 =	vld.idx.msk [tilespmem:v37+s3+$0x0], $0xffff;
	[tilespmem:s31+$0x17C80] =	vst v16  }
0x95: {  	v41 =	vadd.s32 $0x6, v7;
	v16 =	vld.idx.msk [tilespmem:v38+s3+$0x0], $0xffff  }
0x96: {  	v42 =	vadd.s32 $0x6, v9  }
0x97: {  	[tilespmem:s23+$0x16D00] =	vst v10  }
0x98: {  	v10 =	vld.idx.msk [tilespmem:v39+s13+$0x0], $0xffff;
	[tilespmem:s26+$0x16D00] =	vst v12  }
0x99: {  	v43 =	vadd.s32 $0x7, v3;
	[tilespmem:s30+$0x16D00] =	vst v14;
	v12 =	vld.idx.msk [tilespmem:v40+s13+$0x0], $0xffff  }
0x9a: {  	v44 =	vadd.s32 $0x7, v5;
	v14 =	vld.idx.msk [tilespmem:v41+s13+$0x0], $0xffff;
	[tilespmem:s31+$0x16D00] =	vst v16  }
0x9b: {  	v45 =	vadd.s32 $0x7, v6;
	v16 =	vld.idx.msk [tilespmem:v42+s13+$0x0], $0xffff  }
0x9c: {  	v46 =	vadd.s32 $0x7, v8  }
0x9d: {  	[tilespmem:s23+$0x17D00] =	vst v10  }
0x9e: {  	v10 =	vld.idx.msk [tilespmem:v43+s3+$0x0], $0xffff;
	[tilespmem:s26+$0x17D00] =	vst v12  }
0x9f: {  	v47 =	vadd.s32 $0x7, v2;
	[tilespmem:s30+$0x17D00] =	vst v14;
	v12 =	vld.idx.msk [tilespmem:v44+s3+$0x0], $0xffff  }
0xa0: {  	v48 =	vadd.s32 $0x7, v4;
	v14 =	vld.idx.msk [tilespmem:v45+s3+$0x0], $0xffff;
	[tilespmem:s31+$0x17D00] =	vst v16  }
0xa1: {  	v49 =	vadd.s32 $0x7, v7;
	v16 =	vld.idx.msk [tilespmem:v46+s3+$0x0], $0xffff  }
0xa2: {  	v50 =	vadd.s32 $0x7, v9  }
0xa3: {  	[tilespmem:s23+$0x16D80] =	vst v10  }
0xa4: {  	v10 =	vld.idx.msk [tilespmem:v47+s13+$0x0], $0xffff;
	[tilespmem:s26+$0x16D80] =	vst v12  }
0xa5: {  	v51 =	vadd.s32 $0x8, v3;
	[tilespmem:s30+$0x16D80] =	vst v14;
	v12 =	vld.idx.msk [tilespmem:v48+s13+$0x0], $0xffff  }
0xa6: {  	v52 =	vadd.s32 $0x8, v5;
	v14 =	vld.idx.msk [tilespmem:v49+s13+$0x0], $0xffff;
	[tilespmem:s31+$0x16D80] =	vst v16  }
0xa7: {  	v53 =	vadd.s32 $0x8, v6;
	v16 =	vld.idx.msk [tilespmem:v50+s13+$0x0], $0xffff  }
0xa8: {  	v54 =	vadd.s32 $0x8, v8  }
0xa9: {  	[tilespmem:s23+$0x17D80] =	vst v10  }
0xaa: {  	v10 =	vld.idx.msk [tilespmem:v51+s3+$0x0], $0xffff;
	[tilespmem:s26+$0x17D80] =	vst v12  }
0xab: {  	v55 =	vadd.s32 $0x8, v2;
	[tilespmem:s30+$0x17D80] =	vst v14;
	v12 =	vld.idx.msk [tilespmem:v52+s3+$0x0], $0xffff  }
0xac: {  	v56 =	vadd.s32 $0x8, v4;
	v14 =	vld.idx.msk [tilespmem:v53+s3+$0x0], $0xffff;
	[tilespmem:s31+$0x17D80] =	vst v16  }
0xad: {  	v57 =	vadd.s32 $0x8, v7;
	v16 =	vld.idx.msk [tilespmem:v54+s3+$0x0], $0xffff  }
0xae: {  	v58 =	vadd.s32 $0x8, v9  }
0xaf: {  	[tilespmem:s23+$0x16E00] =	vst v10  }
0xb0: {  	v10 =	vld.idx.msk [tilespmem:v55+s13+$0x0], $0xffff;
	[tilespmem:s26+$0x16E00] =	vst v12  }
0xb1: {  	v59 =	vadd.s32 $0x9, v3;
	[tilespmem:s30+$0x16E00] =	vst v14;
	v12 =	vld.idx.msk [tilespmem:v56+s13+$0x0], $0xffff  }
0xb2: {  	v60 =	vadd.s32 $0x9, v5;
	v14 =	vld.idx.msk [tilespmem:v57+s13+$0x0], $0xffff;
	[tilespmem:s31+$0x16E00] =	vst v16  }
0xb3: {  	v61 =	vadd.s32 $0x9, v6;
	v16 =	vld.idx.msk [tilespmem:v58+s13+$0x0], $0xffff  }
0xb4: {  	v62 =	vadd.s32 $0x9, v8  }
0xb5: {  	[tilespmem:s23+$0x17E00] =	vst v10  }
0xb6: {  	v10 =	vld.idx.msk [tilespmem:v59+s3+$0x0], $0xffff;
	[tilespmem:s26+$0x17E00] =	vst v12  }
0xb7: {  	v63 =	vadd.s32 $0x9, v2;
	[tilespmem:s30+$0x17E00] =	vst v14;
	v12 =	vld.idx.msk [tilespmem:v60+s3+$0x0], $0xffff  }
0xb8: {  	v20 =	vadd.s32 $0x9, v4;
	v14 =	vld.idx.msk [tilespmem:v61+s3+$0x0], $0xffff;
	[tilespmem:s31+$0x17E00] =	vst v16  }
0xb9: {  	v21 =	vadd.s32 $0x9, v7;
	v16 =	vld.idx.msk [tilespmem:v62+s3+$0x0], $0xffff  }
0xba: {  	v22 =	vadd.s32 $0x9, v9  }
0xbb: {  	[tilespmem:s23+$0x16E80] =	vst v10  }
0xbc: {  	v10 =	vld.idx.msk [tilespmem:v63+s13+$0x0], $0xffff;
	[tilespmem:s26+$0x16E80] =	vst v12  }
0xbd: {  	v23 =	vadd.s32 $0xA, v3;
	[tilespmem:s30+$0x16E80] =	vst v14;
	v12 =	vld.idx.msk [tilespmem:v20+s13+$0x0], $0xffff  }
0xbe: {  	v24 =	vadd.s32 $0xA, v5;
	v14 =	vld.idx.msk [tilespmem:v21+s13+$0x0], $0xffff;
	[tilespmem:s31+$0x16E80] =	vst v16  }
0xbf: {  	v25 =	vadd.s32 $0xA, v6;
	v16 =	vld.idx.msk [tilespmem:v22+s13+$0x0], $0xffff  }
0xc0: {  	v26 =	vadd.s32 $0xA, v8  }
0xc1: {  	[tilespmem:s23+$0x17E80] =	vst v10  }
0xc2: {  	v10 =	vld.idx.msk [tilespmem:v23+s3+$0x0], $0xffff;
	[tilespmem:s26+$0x17E80] =	vst v12  }
0xc3: {  	v27 =	vadd.s32 $0xA, v2;
	[tilespmem:s30+$0x17E80] =	vst v14;
	v12 =	vld.idx.msk [tilespmem:v24+s3+$0x0], $0xffff  }
0xc4: {  	v28 =	vadd.s32 $0xA, v4;
	v14 =	vld.idx.msk [tilespmem:v25+s3+$0x0], $0xffff;
	[tilespmem:s31+$0x17E80] =	vst v16  }
0xc5: {  	v29 =	vadd.s32 $0xA, v7;
	v16 =	vld.idx.msk [tilespmem:v26+s3+$0x0], $0xffff  }
0xc6: {  	v30 =	vadd.s32 $0xA, v9  }
0xc7: {  	[tilespmem:s23+$0x16F00] =	vst v10  }
0xc8: {  	v10 =	vld.idx.msk [tilespmem:v27+s13+$0x0], $0xffff;
	[tilespmem:s26+$0x16F00] =	vst v12  }
0xc9: {  	v31 =	vadd.s32 $0xB, v3;
	[tilespmem:s30+$0x16F00] =	vst v14;
	v12 =	vld.idx.msk [tilespmem:v28+s13+$0x0], $0xffff  }
0xca: {  	v32 =	vadd.s32 $0xB, v5;
	v14 =	vld.idx.msk [tilespmem:v29+s13+$0x0], $0xffff;
	[tilespmem:s31+$0x16F00] =	vst v16  }
0xcb: {  	v33 =	vadd.s32 $0xB, v6;
	v16 =	vld.idx.msk [tilespmem:v30+s13+$0x0], $0xffff  }
0xcc: {  	v34 =	vadd.s32 $0xB, v8  }
0xcd: {  	[tilespmem:s23+$0x17F00] =	vst v10  }
0xce: {  	v10 =	vld.idx.msk [tilespmem:v31+s3+$0x0], $0xffff;
	[tilespmem:s26+$0x17F00] =	vst v12  }
0xcf: {  	v35 =	vadd.s32 $0xB, v2;
	[tilespmem:s30+$0x17F00] =	vst v14;
	v12 =	vld.idx.msk [tilespmem:v32+s3+$0x0], $0xffff  }
0xd0: {  	v36 =	vadd.s32 $0xB, v4;
	v14 =	vld.idx.msk [tilespmem:v33+s3+$0x0], $0xffff;
	[tilespmem:s31+$0x17F00] =	vst v16  }
0xd1: {  	v37 =	vadd.s32 $0xB, v7;
	v16 =	vld.idx.msk [tilespmem:v34+s3+$0x0], $0xffff  }
0xd2: {  	v38 =	vadd.s32 $0xB, v9  }
0xd3: {  	[tilespmem:s23+$0x16F80] =	vst v10  }
0xd4: {  	v10 =	vld.idx.msk [tilespmem:v35+s13+$0x0], $0xffff;
	[tilespmem:s26+$0x16F80] =	vst v12  }
0xd5: {  	v39 =	vadd.s32 $0xC, v3;
	[tilespmem:s30+$0x16F80] =	vst v14;
	v12 =	vld.idx.msk [tilespmem:v36+s13+$0x0], $0xffff  }
0xd6: {  	v40 =	vadd.s32 $0xC, v5;
	v14 =	vld.idx.msk [tilespmem:v37+s13+$0x0], $0xffff;
	[tilespmem:s31+$0x16F80] =	vst v16  }
0xd7: {  	v41 =	vadd.s32 $0xC, v6;
	v16 =	vld.idx.msk [tilespmem:v38+s13+$0x0], $0xffff  }
0xd8: {  	v42 =	vadd.s32 $0xC, v8  }
0xd9: {  	[tilespmem:s23+$0x17F80] =	vst v10  }
0xda: {  	v10 =	vld.idx.msk [tilespmem:v39+s3+$0x0], $0xffff;
	[tilespmem:s26+$0x17F80] =	vst v12  }
0xdb: {  	v43 =	vadd.s32 $0xC, v2;
	[tilespmem:s30+$0x17F80] =	vst v14;
	v12 =	vld.idx.msk [tilespmem:v40+s3+$0x0], $0xffff  }
0xdc: {  	v44 =	vadd.s32 $0xC, v4;
	v14 =	vld.idx.msk [tilespmem:v41+s3+$0x0], $0xffff;
	[tilespmem:s31+$0x17F80] =	vst v16  }
0xdd: {  	v45 =	vadd.s32 $0xC, v7;
	v16 =	vld.idx.msk [tilespmem:v42+s3+$0x0], $0xffff  }
0xde: {  	v46 =	vadd.s32 $0xC, v9  }
0xdf: {  	[tilespmem:s23+$0x17000] =	vst v10  }
0xe0: {  	v10 =	vld.idx.msk [tilespmem:v43+s13+$0x0], $0xffff;
	[tilespmem:s26+$0x17000] =	vst v12  }
0xe1: {  	v47 =	vadd.s32 $0xD, v3;
	[tilespmem:s30+$0x17000] =	vst v14;
	v12 =	vld.idx.msk [tilespmem:v44+s13+$0x0], $0xffff  }
0xe2: {  	v48 =	vadd.s32 $0xD, v5;
	v14 =	vld.idx.msk [tilespmem:v45+s13+$0x0], $0xffff;
	[tilespmem:s31+$0x17000] =	vst v16  }
0xe3: {  	v49 =	vadd.s32 $0xD, v6;
	v16 =	vld.idx.msk [tilespmem:v46+s13+$0x0], $0xffff  }
0xe4: {  	v50 =	vadd.s32 $0xD, v8  }
0xe5: {  	[tilespmem:s23+$0x18000] =	vst v10  }
0xe6: {  	v10 =	vld.idx.msk [tilespmem:v47+s3+$0x0], $0xffff;
	[tilespmem:s26+$0x18000] =	vst v12  }
0xe7: {  	v51 =	vadd.s32 $0xD, v2;
	[tilespmem:s30+$0x18000] =	vst v14;
	v12 =	vld.idx.msk [tilespmem:v48+s3+$0x0], $0xffff  }
0xe8: {  	v52 =	vadd.s32 $0xD, v4;
	v14 =	vld.idx.msk [tilespmem:v49+s3+$0x0], $0xffff;
	[tilespmem:s31+$0x18000] =	vst v16  }
0xe9: {  	v53 =	vadd.s32 $0xD, v7;
	v16 =	vld.idx.msk [tilespmem:v50+s3+$0x0], $0xffff  }
0xea: {  	v54 =	vadd.s32 $0xD, v9  }
0xeb: {  	[tilespmem:s23+$0x17080] =	vst v10  }
0xec: {  	v10 =	vld.idx.msk [tilespmem:v51+s13+$0x0], $0xffff;
	[tilespmem:s26+$0x17080] =	vst v12  }
0xed: {  	v55 =	vadd.s32 $0xE, v3;
	[tilespmem:s30+$0x17080] =	vst v14;
	v12 =	vld.idx.msk [tilespmem:v52+s13+$0x0], $0xffff  }
0xee: {  	v56 =	vadd.s32 $0xE, v5;
	v14 =	vld.idx.msk [tilespmem:v53+s13+$0x0], $0xffff;
	[tilespmem:s31+$0x17080] =	vst v16  }
0xef: {  	v57 =	vadd.s32 $0xE, v6;
	v16 =	vld.idx.msk [tilespmem:v54+s13+$0x0], $0xffff  }
0xf0: {  	v58 =	vadd.s32 $0xE, v8  }
0xf1: {  	[tilespmem:s23+$0x18080] =	vst v10  }
0xf2: {  	v10 =	vld.idx.msk [tilespmem:v55+s3+$0x0], $0xffff;
	[tilespmem:s26+$0x18080] =	vst v12  }
0xf3: {  	v59 =	vadd.s32 $0xE, v2;
	[tilespmem:s30+$0x18080] =	vst v14;
	v12 =	vld.idx.msk [tilespmem:v56+s3+$0x0], $0xffff  }
0xf4: {  	v60 =	vadd.s32 $0xE, v4;
	v14 =	vld.idx.msk [tilespmem:v57+s3+$0x0], $0xffff;
	[tilespmem:s31+$0x18080] =	vst v16  }
0xf5: {  	v61 =	vadd.s32 $0xE, v7;
	v16 =	vld.idx.msk [tilespmem:v58+s3+$0x0], $0xffff  }
0xf6: {  	v62 =	vadd.s32 $0xE, v9  }
0xf7: {  	[tilespmem:s23+$0x17100] =	vst v10  }
0xf8: {  	v10 =	vld.idx.msk [tilespmem:v59+s13+$0x0], $0xffff;
	[tilespmem:s26+$0x17100] =	vst v12  }
0xf9: {  	v63 =	vadd.s32 $0xF, v3;
	[tilespmem:s30+$0x17100] =	vst v14;
	v12 =	vld.idx.msk [tilespmem:v60+s13+$0x0], $0xffff  }
0xfa: {  	v20 =	vadd.s32 $0xF, v5;
	v14 =	vld.idx.msk [tilespmem:v61+s13+$0x0], $0xffff;
	[tilespmem:s31+$0x17100] =	vst v16  }
0xfb: {  	v21 =	vadd.s32 $0xF, v6;
	v16 =	vld.idx.msk [tilespmem:v62+s13+$0x0], $0xffff  }
0xfc: {  	v22 =	vadd.s32 $0xF, v8  }
0xfd: {  	[tilespmem:s23+$0x18100] =	vst v10  }
0xfe: {  	v10 =	vld.idx.msk [tilespmem:v63+s3+$0x0], $0xffff;
	[tilespmem:s26+$0x18100] =	vst v12  }
0xff: {  	v23 =	vadd.s32 $0xF, v2;
	[tilespmem:s30+$0x18100] =	vst v14;
	v12 =	vld.idx.msk [tilespmem:v20+s3+$0x0], $0xffff  }
0x100: {  	v24 =	vadd.s32 $0xF, v4;
	v14 =	vld.idx.msk [tilespmem:v21+s3+$0x0], $0xffff;
	[tilespmem:s31+$0x18100] =	vst v16  }
0x101: {  	v25 =	vadd.s32 $0xF, v7;
	v16 =	vld.idx.msk [tilespmem:v22+s3+$0x0], $0xffff  }
0x102: {  	v26 =	vadd.s32 $0xF, v9  }
0x103: {  	[tilespmem:s23+$0x17180] =	vst v10  }
0x104: {  	v10 =	vld.idx.msk [tilespmem:v23+s13+$0x0], $0xffff;
	[tilespmem:s26+$0x17180] =	vst v12  }
0x105: {  	v27 =	vadd.s32 $0x10, v3;
	[tilespmem:s30+$0x17180] =	vst v14;
	v12 =	vld.idx.msk [tilespmem:v24+s13+$0x0], $0xffff  }
0x106: {  	v28 =	vadd.s32 $0x10, v5;
	v14 =	vld.idx.msk [tilespmem:v25+s13+$0x0], $0xffff;
	[tilespmem:s31+$0x17180] =	vst v16  }
0x107: {  	v29 =	vadd.s32 $0x10, v6;
	v16 =	vld.idx.msk [tilespmem:v26+s13+$0x0], $0xffff  }
0x108: {  	v30 =	vadd.s32 $0x10, v8  }
0x109: {  	[tilespmem:s23+$0x18180] =	vst v10  }
0x10a: {  	v10 =	vld.idx.msk [tilespmem:v27+s3+$0x0], $0xffff;
	[tilespmem:s26+$0x18180] =	vst v12  }
0x10b: {  	v31 =	vadd.s32 $0x10, v2;
	[tilespmem:s30+$0x18180] =	vst v14;
	v12 =	vld.idx.msk [tilespmem:v28+s3+$0x0], $0xffff  }
0x10c: {  	v32 =	vadd.s32 $0x10, v4;
	v14 =	vld.idx.msk [tilespmem:v29+s3+$0x0], $0xffff;
	[tilespmem:s31+$0x18180] =	vst v16  }
0x10d: {  	v33 =	vadd.s32 $0x10, v7;
	v16 =	vld.idx.msk [tilespmem:v30+s3+$0x0], $0xffff  }
0x10e: {  	v34 =	vadd.s32 $0x10, v9  }
0x10f: {  	[tilespmem:s23+$0x17200] =	vst v10  }
0x110: {  	v10 =	vld.idx.msk [tilespmem:v31+s13+$0x0], $0xffff;
	[tilespmem:s26+$0x17200] =	vst v12  }
0x111: {  	v35 =	vadd.s32 $0x11, v3;
	[tilespmem:s30+$0x17200] =	vst v14;
	v12 =	vld.idx.msk [tilespmem:v32+s13+$0x0], $0xffff  }
0x112: {  	v36 =	vadd.s32 $0x11, v5;
	v14 =	vld.idx.msk [tilespmem:v33+s13+$0x0], $0xffff;
	[tilespmem:s31+$0x17200] =	vst v16  }
0x113: {  	v37 =	vadd.s32 $0x11, v6;
	v16 =	vld.idx.msk [tilespmem:v34+s13+$0x0], $0xffff  }
0x114: {  	v38 =	vadd.s32 $0x11, v8  }
0x115: {  	[tilespmem:s23+$0x18200] =	vst v10  }
0x116: {  	v10 =	vld.idx.msk [tilespmem:v35+s3+$0x0], $0xffff;
	[tilespmem:s26+$0x18200] =	vst v12  }
0x117: {  	v39 =	vadd.s32 $0x11, v2;
	[tilespmem:s30+$0x18200] =	vst v14;
	v12 =	vld.idx.msk [tilespmem:v36+s3+$0x0], $0xffff  }
0x118: {  	v40 =	vadd.s32 $0x11, v4;
	v14 =	vld.idx.msk [tilespmem:v37+s3+$0x0], $0xffff;
	[tilespmem:s31+$0x18200] =	vst v16  }
0x119: {  	v41 =	vadd.s32 $0x11, v7;
	v16 =	vld.idx.msk [tilespmem:v38+s3+$0x0], $0xffff  }
0x11a: {  	v42 =	vadd.s32 $0x11, v9  }
0x11b: {  	[tilespmem:s23+$0x17280] =	vst v10  }
0x11c: {  	v10 =	vld.idx.msk [tilespmem:v39+s13+$0x0], $0xffff;
	[tilespmem:s26+$0x17280] =	vst v12  }
0x11d: {  	v43 =	vadd.s32 $0x12, v3;
	[tilespmem:s30+$0x17280] =	vst v14;
	v12 =	vld.idx.msk [tilespmem:v40+s13+$0x0], $0xffff  }
0x11e: {  	v44 =	vadd.s32 $0x12, v5;
	v14 =	vld.idx.msk [tilespmem:v41+s13+$0x0], $0xffff;
	[tilespmem:s31+$0x17280] =	vst v16  }
0x11f: {  	v45 =	vadd.s32 $0x12, v6;
	v16 =	vld.idx.msk [tilespmem:v42+s13+$0x0], $0xffff  }
0x120: {  	v46 =	vadd.s32 $0x12, v8  }
0x121: {  	[tilespmem:s23+$0x18280] =	vst v10  }
0x122: {  	v10 =	vld.idx.msk [tilespmem:v43+s3+$0x0], $0xffff;
	[tilespmem:s26+$0x18280] =	vst v12  }
0x123: {  	v47 =	vadd.s32 $0x12, v2;
	[tilespmem:s30+$0x18280] =	vst v14;
	v12 =	vld.idx.msk [tilespmem:v44+s3+$0x0], $0xffff  }
0x124: {  	v48 =	vadd.s32 $0x12, v4;
	v14 =	vld.idx.msk [tilespmem:v45+s3+$0x0], $0xffff;
	[tilespmem:s31+$0x18280] =	vst v16  }
0x125: {  	v49 =	vadd.s32 $0x12, v7;
	v16 =	vld.idx.msk [tilespmem:v46+s3+$0x0], $0xffff  }
0x126: {  	v50 =	vadd.s32 $0x12, v9  }
0x127: {  	[tilespmem:s23+$0x17300] =	vst v10  }
0x128: {  	v10 =	vld.idx.msk [tilespmem:v47+s13+$0x0], $0xffff;
	[tilespmem:s26+$0x17300] =	vst v12  }
0x129: {  	v51 =	vadd.s32 $0x13, v3;
	[tilespmem:s30+$0x17300] =	vst v14;
	v12 =	vld.idx.msk [tilespmem:v48+s13+$0x0], $0xffff  }
0x12a: {  	v52 =	vadd.s32 $0x13, v5;
	v14 =	vld.idx.msk [tilespmem:v49+s13+$0x0], $0xffff;
	[tilespmem:s31+$0x17300] =	vst v16  }
0x12b: {  	v53 =	vadd.s32 $0x13, v6;
	v16 =	vld.idx.msk [tilespmem:v50+s13+$0x0], $0xffff  }
0x12c: {  	v54 =	vadd.s32 $0x13, v8  }
0x12d: {  	[tilespmem:s23+$0x18300] =	vst v10  }
0x12e: {  	v10 =	vld.idx.msk [tilespmem:v51+s3+$0x0], $0xffff;
	[tilespmem:s26+$0x18300] =	vst v12  }
0x12f: {  	v55 =	vadd.s32 $0x13, v2;
	[tilespmem:s30+$0x18300] =	vst v14;
	v12 =	vld.idx.msk [tilespmem:v52+s3+$0x0], $0xffff  }
0x130: {  	v56 =	vadd.s32 $0x13, v4;
	v14 =	vld.idx.msk [tilespmem:v53+s3+$0x0], $0xffff;
	[tilespmem:s31+$0x18300] =	vst v16  }
0x131: {  	v57 =	vadd.s32 $0x13, v7;
	v16 =	vld.idx.msk [tilespmem:v54+s3+$0x0], $0xffff  }
0x132: {  	v58 =	vadd.s32 $0x13, v9  }
0x133: {  	[tilespmem:s23+$0x17380] =	vst v10  }
0x134: {  	v10 =	vld.idx.msk [tilespmem:v55+s13+$0x0], $0xffff;
	[tilespmem:s26+$0x17380] =	vst v12  }
0x135: {  	v59 =	vadd.s32 $0x14, v3;
	[tilespmem:s30+$0x17380] =	vst v14;
	v12 =	vld.idx.msk [tilespmem:v56+s13+$0x0], $0xffff  }
0x136: {  	v60 =	vadd.s32 $0x14, v5;
	v14 =	vld.idx.msk [tilespmem:v57+s13+$0x0], $0xffff;
	[tilespmem:s31+$0x17380] =	vst v16  }
0x137: {  	v61 =	vadd.s32 $0x14, v6;
	v16 =	vld.idx.msk [tilespmem:v58+s13+$0x0], $0xffff  }
0x138: {  	v62 =	vadd.s32 $0x14, v8  }
0x139: {  	[tilespmem:s23+$0x18380] =	vst v10  }
0x13a: {  	v10 =	vld.idx.msk [tilespmem:v59+s3+$0x0], $0xffff;
	[tilespmem:s26+$0x18380] =	vst v12  }
0x13b: {  	v63 =	vadd.s32 $0x14, v2;
	[tilespmem:s30+$0x18380] =	vst v14;
	v12 =	vld.idx.msk [tilespmem:v60+s3+$0x0], $0xffff  }
0x13c: {  	v20 =	vadd.s32 $0x14, v4;
	v14 =	vld.idx.msk [tilespmem:v61+s3+$0x0], $0xffff;
	[tilespmem:s31+$0x18380] =	vst v16  }
0x13d: {  	v21 =	vadd.s32 $0x14, v7;
	v16 =	vld.idx.msk [tilespmem:v62+s3+$0x0], $0xffff  }
0x13e: {  	v22 =	vadd.s32 $0x14, v9  }
0x13f: {  	[tilespmem:s23+$0x17400] =	vst v10  }
0x140: {  	v10 =	vld.idx.msk [tilespmem:v63+s13+$0x0], $0xffff;
	[tilespmem:s26+$0x17400] =	vst v12  }
0x141: {  	v23 =	vadd.s32 $0x15, v3;
	[tilespmem:s30+$0x17400] =	vst v14;
	v12 =	vld.idx.msk [tilespmem:v20+s13+$0x0], $0xffff  }
0x142: {  	v24 =	vadd.s32 $0x15, v5;
	v14 =	vld.idx.msk [tilespmem:v21+s13+$0x0], $0xffff;
	[tilespmem:s31+$0x17400] =	vst v16  }
0x143: {  	v25 =	vadd.s32 $0x15, v6;
	v16 =	vld.idx.msk [tilespmem:v22+s13+$0x0], $0xffff  }
0x144: {  	v26 =	vadd.s32 $0x15, v8  }
0x145: {  	[tilespmem:s23+$0x18400] =	vst v10  }
0x146: {  	v10 =	vld.idx.msk [tilespmem:v23+s3+$0x0], $0xffff;
	[tilespmem:s26+$0x18400] =	vst v12  }
0x147: {  	v27 =	vadd.s32 $0x15, v2;
	[tilespmem:s30+$0x18400] =	vst v14;
	v12 =	vld.idx.msk [tilespmem:v24+s3+$0x0], $0xffff  }
0x148: {  	v28 =	vadd.s32 $0x15, v4;
	v14 =	vld.idx.msk [tilespmem:v25+s3+$0x0], $0xffff;
	[tilespmem:s31+$0x18400] =	vst v16  }
0x149: {  	v29 =	vadd.s32 $0x15, v7;
	v16 =	vld.idx.msk [tilespmem:v26+s3+$0x0], $0xffff  }
0x14a: {  	v30 =	vadd.s32 $0x15, v9  }
0x14b: {  	[tilespmem:s23+$0x17480] =	vst v10  }
0x14c: {  	v10 =	vld.idx.msk [tilespmem:v27+s13+$0x0], $0xffff;
	[tilespmem:s26+$0x17480] =	vst v12  }
0x14d: {  	v31 =	vadd.s32 $0x16, v3;
	[tilespmem:s30+$0x17480] =	vst v14;
	v12 =	vld.idx.msk [tilespmem:v28+s13+$0x0], $0xffff  }
0x14e: {  	v32 =	vadd.s32 $0x16, v5;
	v14 =	vld.idx.msk [tilespmem:v29+s13+$0x0], $0xffff;
	[tilespmem:s31+$0x17480] =	vst v16  }
0x14f: {  	v33 =	vadd.s32 $0x16, v6;
	v16 =	vld.idx.msk [tilespmem:v30+s13+$0x0], $0xffff  }
0x150: {  	v34 =	vadd.s32 $0x16, v8  }
0x151: {  	[tilespmem:s23+$0x18480] =	vst v10  }
0x152: {  	v10 =	vld.idx.msk [tilespmem:v31+s3+$0x0], $0xffff;
	[tilespmem:s26+$0x18480] =	vst v12  }
0x153: {  	v35 =	vadd.s32 $0x16, v2;
	[tilespmem:s30+$0x18480] =	vst v14;
	v12 =	vld.idx.msk [tilespmem:v32+s3+$0x0], $0xffff  }
0x154: {  	v36 =	vadd.s32 $0x16, v4;
	v14 =	vld.idx.msk [tilespmem:v33+s3+$0x0], $0xffff;
	[tilespmem:s31+$0x18480] =	vst v16  }
0x155: {  	v37 =	vadd.s32 $0x16, v7;
	v16 =	vld.idx.msk [tilespmem:v34+s3+$0x0], $0xffff  }
0x156: {  	v38 =	vadd.s32 $0x16, v9  }
0x157: {  	[tilespmem:s23+$0x17500] =	vst v10  }
0x158: {  	v10 =	vld.idx.msk [tilespmem:v35+s13+$0x0], $0xffff;
	[tilespmem:s26+$0x17500] =	vst v12  }
0x159: {  	v39 =	vadd.s32 $0x17, v3;
	[tilespmem:s30+$0x17500] =	vst v14;
	v12 =	vld.idx.msk [tilespmem:v36+s13+$0x0], $0xffff  }
0x15a: {  	v40 =	vadd.s32 $0x17, v5;
	v14 =	vld.idx.msk [tilespmem:v37+s13+$0x0], $0xffff;
	[tilespmem:s31+$0x17500] =	vst v16  }
0x15b: {  	v41 =	vadd.s32 $0x17, v6;
	v16 =	vld.idx.msk [tilespmem:v38+s13+$0x0], $0xffff  }
0x15c: {  	v42 =	vadd.s32 $0x17, v8  }
0x15d: {  	[tilespmem:s23+$0x18500] =	vst v10  }
0x15e: {  	v10 =	vld.idx.msk [tilespmem:v39+s3+$0x0], $0xffff;
	[tilespmem:s26+$0x18500] =	vst v12  }
0x15f: {  	v43 =	vadd.s32 $0x17, v2;
	[tilespmem:s30+$0x18500] =	vst v14;
	v12 =	vld.idx.msk [tilespmem:v40+s3+$0x0], $0xffff  }
0x160: {  	v44 =	vadd.s32 $0x17, v4;
	v14 =	vld.idx.msk [tilespmem:v41+s3+$0x0], $0xffff;
	[tilespmem:s31+$0x18500] =	vst v16  }
0x161: {  	v45 =	vadd.s32 $0x17, v7;
	v16 =	vld.idx.msk [tilespmem:v42+s3+$0x0], $0xffff  }
0x162: {  	v46 =	vadd.s32 $0x17, v9  }
0x163: {  	[tilespmem:s23+$0x17580] =	vst v10  }
0x164: {  	v10 =	vld.idx.msk [tilespmem:v43+s13+$0x0], $0xffff;
	[tilespmem:s26+$0x17580] =	vst v12  }
0x165: {  	v47 =	vadd.s32 $0x18, v3;
	[tilespmem:s30+$0x17580] =	vst v14;
	v12 =	vld.idx.msk [tilespmem:v44+s13+$0x0], $0xffff  }
0x166: {  	v48 =	vadd.s32 $0x18, v5;
	v14 =	vld.idx.msk [tilespmem:v45+s13+$0x0], $0xffff;
	[tilespmem:s31+$0x17580] =	vst v16  }
0x167: {  	v49 =	vadd.s32 $0x18, v6;
	v16 =	vld.idx.msk [tilespmem:v46+s13+$0x0], $0xffff  }
0x168: {  	v50 =	vadd.s32 $0x18, v8  }
0x169: {  	[tilespmem:s23+$0x18580] =	vst v10  }
0x16a: {  	v10 =	vld.idx.msk [tilespmem:v47+s3+$0x0], $0xffff;
	[tilespmem:s26+$0x18580] =	vst v12  }
0x16b: {  	v51 =	vadd.s32 $0x18, v2;
	[tilespmem:s30+$0x18580] =	vst v14;
	v12 =	vld.idx.msk [tilespmem:v48+s3+$0x0], $0xffff  }
0x16c: {  	v52 =	vadd.s32 $0x18, v4;
	v14 =	vld.idx.msk [tilespmem:v49+s3+$0x0], $0xffff;
	[tilespmem:s31+$0x18580] =	vst v16  }
0x16d: {  	v53 =	vadd.s32 $0x18, v7;
	v16 =	vld.idx.msk [tilespmem:v50+s3+$0x0], $0xffff  }
0x16e: {  	v54 =	vadd.s32 $0x18, v9  }
0x16f: {  	[tilespmem:s23+$0x17600] =	vst v10  }
0x170: {  	v10 =	vld.idx.msk [tilespmem:v51+s13+$0x0], $0xffff;
	[tilespmem:s26+$0x17600] =	vst v12  }
0x171: {  	v55 =	vadd.s32 $0x19, v3;
	[tilespmem:s30+$0x17600] =	vst v14;
	v12 =	vld.idx.msk [tilespmem:v52+s13+$0x0], $0xffff  }
0x172: {  	v56 =	vadd.s32 $0x19, v5;
	v14 =	vld.idx.msk [tilespmem:v53+s13+$0x0], $0xffff;
	[tilespmem:s31+$0x17600] =	vst v16  }
0x173: {  	v57 =	vadd.s32 $0x19, v6;
	v16 =	vld.idx.msk [tilespmem:v54+s13+$0x0], $0xffff  }
0x174: {  	v58 =	vadd.s32 $0x19, v8  }
0x175: {  	[tilespmem:s23+$0x18600] =	vst v10  }
0x176: {  	v10 =	vld.idx.msk [tilespmem:v55+s3+$0x0], $0xffff;
	[tilespmem:s26+$0x18600] =	vst v12  }
0x177: {  	v59 =	vadd.s32 $0x19, v2;
	[tilespmem:s30+$0x18600] =	vst v14;
	v12 =	vld.idx.msk [tilespmem:v56+s3+$0x0], $0xffff  }
0x178: {  	v60 =	vadd.s32 $0x19, v4;
	v14 =	vld.idx.msk [tilespmem:v57+s3+$0x0], $0xffff;
	[tilespmem:s31+$0x18600] =	vst v16  }
0x179: {  	v61 =	vadd.s32 $0x19, v7;
	v16 =	vld.idx.msk [tilespmem:v58+s3+$0x0], $0xffff  }
0x17a: {  	v62 =	vadd.s32 $0x19, v9  }
0x17b: {  	[tilespmem:s23+$0x17680] =	vst v10  }
0x17c: {  	v10 =	vld.idx.msk [tilespmem:v59+s13+$0x0], $0xffff;
	[tilespmem:s26+$0x17680] =	vst v12  }
0x17d: {  	v63 =	vadd.s32 $0x1A, v3;
	[tilespmem:s30+$0x17680] =	vst v14;
	v12 =	vld.idx.msk [tilespmem:v60+s13+$0x0], $0xffff  }
0x17e: {  	v20 =	vadd.s32 $0x1A, v5;
	v14 =	vld.idx.msk [tilespmem:v61+s13+$0x0], $0xffff;
	[tilespmem:s31+$0x17680] =	vst v16  }
0x17f: {  	v21 =	vadd.s32 $0x1A, v6;
	v16 =	vld.idx.msk [tilespmem:v62+s13+$0x0], $0xffff  }
0x180: {  	v22 =	vadd.s32 $0x1A, v8  }
0x181: {  	[tilespmem:s23+$0x18680] =	vst v10  }
0x182: {  	v10 =	vld.idx.msk [tilespmem:v63+s3+$0x0], $0xffff;
	[tilespmem:s26+$0x18680] =	vst v12  }
0x183: {  	v23 =	vadd.s32 $0x1A, v2;
	[tilespmem:s30+$0x18680] =	vst v14;
	v12 =	vld.idx.msk [tilespmem:v20+s3+$0x0], $0xffff  }
0x184: {  	v24 =	vadd.s32 $0x1A, v4;
	v14 =	vld.idx.msk [tilespmem:v21+s3+$0x0], $0xffff;
	[tilespmem:s31+$0x18680] =	vst v16  }
0x185: {  	v25 =	vadd.s32 $0x1A, v7;
	v16 =	vld.idx.msk [tilespmem:v22+s3+$0x0], $0xffff  }
0x186: {  	v26 =	vadd.s32 $0x1A, v9  }
0x187: {  	[tilespmem:s23+$0x17700] =	vst v10  }
0x188: {  	v10 =	vld.idx.msk [tilespmem:v23+s13+$0x0], $0xffff;
	[tilespmem:s26+$0x17700] =	vst v12  }
0x189: {  	v27 =	vadd.s32 $0x1B, v3;
	[tilespmem:s30+$0x17700] =	vst v14;
	v12 =	vld.idx.msk [tilespmem:v24+s13+$0x0], $0xffff  }
0x18a: {  	v28 =	vadd.s32 $0x1B, v5;
	v14 =	vld.idx.msk [tilespmem:v25+s13+$0x0], $0xffff;
	[tilespmem:s31+$0x17700] =	vst v16  }
0x18b: {  	v29 =	vadd.s32 $0x1B, v6;
	v16 =	vld.idx.msk [tilespmem:v26+s13+$0x0], $0xffff  }
0x18c: {  	v30 =	vadd.s32 $0x1B, v8  }
0x18d: {  	[tilespmem:s23+$0x18700] =	vst v10  }
0x18e: {  	v10 =	vld.idx.msk [tilespmem:v27+s3+$0x0], $0xffff;
	[tilespmem:s26+$0x18700] =	vst v12  }
0x18f: {  	v31 =	vadd.s32 $0x1B, v2;
	[tilespmem:s30+$0x18700] =	vst v14;
	v12 =	vld.idx.msk [tilespmem:v28+s3+$0x0], $0xffff  }
0x190: {  	v32 =	vadd.s32 $0x1B, v4;
	v14 =	vld.idx.msk [tilespmem:v29+s3+$0x0], $0xffff;
	[tilespmem:s31+$0x18700] =	vst v16  }
0x191: {  	v33 =	vadd.s32 $0x1B, v7;
	v16 =	vld.idx.msk [tilespmem:v30+s3+$0x0], $0xffff  }
0x192: {  	v34 =	vadd.s32 $0x1B, v9  }
0x193: {  	[tilespmem:s23+$0x17780] =	vst v10  }
0x194: {  	v10 =	vld.idx.msk [tilespmem:v31+s13+$0x0], $0xffff;
	[tilespmem:s26+$0x17780] =	vst v12  }
0x195: {  	v35 =	vadd.s32 $0x1C, v3;
	[tilespmem:s30+$0x17780] =	vst v14;
	v12 =	vld.idx.msk [tilespmem:v32+s13+$0x0], $0xffff  }
0x196: {  	v36 =	vadd.s32 $0x1C, v5;
	v14 =	vld.idx.msk [tilespmem:v33+s13+$0x0], $0xffff;
	[tilespmem:s31+$0x17780] =	vst v16  }
0x197: {  	v37 =	vadd.s32 $0x1C, v6;
	v16 =	vld.idx.msk [tilespmem:v34+s13+$0x0], $0xffff  }
0x198: {  	v38 =	vadd.s32 $0x1C, v8  }
0x199: {  	[tilespmem:s23+$0x18780] =	vst v10  }
0x19a: {  	v10 =	vld.idx.msk [tilespmem:v35+s3+$0x0], $0xffff;
	[tilespmem:s26+$0x18780] =	vst v12  }
0x19b: {  	v39 =	vadd.s32 $0x1C, v2;
	[tilespmem:s30+$0x18780] =	vst v14;
	v12 =	vld.idx.msk [tilespmem:v36+s3+$0x0], $0xffff  }
0x19c: {  	v40 =	vadd.s32 $0x1C, v4;
	v14 =	vld.idx.msk [tilespmem:v37+s3+$0x0], $0xffff;
	[tilespmem:s31+$0x18780] =	vst v16  }
0x19d: {  	v41 =	vadd.s32 $0x1C, v7;
	v16 =	vld.idx.msk [tilespmem:v38+s3+$0x0], $0xffff  }
0x19e: {  	v42 =	vadd.s32 $0x1C, v9  }
0x19f: {  	[tilespmem:s23+$0x17800] =	vst v10  }
0x1a0: {  	v10 =	vld.idx.msk [tilespmem:v39+s13+$0x0], $0xffff;
	[tilespmem:s26+$0x17800] =	vst v12  }
0x1a1: {  	v43 =	vadd.s32 $0x1D, v3;
	[tilespmem:s30+$0x17800] =	vst v14;
	v12 =	vld.idx.msk [tilespmem:v40+s13+$0x0], $0xffff  }
0x1a2: {  	v44 =	vadd.s32 $0x1D, v5;
	v14 =	vld.idx.msk [tilespmem:v41+s13+$0x0], $0xffff;
	[tilespmem:s31+$0x17800] =	vst v16  }
0x1a3: {  	v45 =	vadd.s32 $0x1D, v6;
	v16 =	vld.idx.msk [tilespmem:v42+s13+$0x0], $0xffff  }
0x1a4: {  	v46 =	vadd.s32 $0x1D, v8  }
0x1a5: {  	[tilespmem:s23+$0x18800] =	vst v10  }
0x1a6: {  	v10 =	vld.idx.msk [tilespmem:v43+s3+$0x0], $0xffff;
	[tilespmem:s26+$0x18800] =	vst v12  }
0x1a7: {  	v47 =	vadd.s32 $0x1D, v2;
	[tilespmem:s30+$0x18800] =	vst v14;
	v12 =	vld.idx.msk [tilespmem:v44+s3+$0x0], $0xffff  }
0x1a8: {  	v48 =	vadd.s32 $0x1D, v4;
	v14 =	vld.idx.msk [tilespmem:v45+s3+$0x0], $0xffff;
	[tilespmem:s31+$0x18800] =	vst v16  }
0x1a9: {  	v49 =	vadd.s32 $0x1D, v7;
	v16 =	vld.idx.msk [tilespmem:v46+s3+$0x0], $0xffff  }
0x1aa: {  	v50 =	vadd.s32 $0x1D, v9  }
0x1ab: {  	[tilespmem:s23+$0x17880] =	vst v10  }
0x1ac: {  	v10 =	vld.idx.msk [tilespmem:v47+s13+$0x0], $0xffff;
	[tilespmem:s26+$0x17880] =	vst v12  }
0x1ad: {  	v51 =	vadd.s32 $0x1E, v3;
	[tilespmem:s30+$0x17880] =	vst v14;
	v12 =	vld.idx.msk [tilespmem:v48+s13+$0x0], $0xffff  }
0x1ae: {  	v52 =	vadd.s32 $0x1E, v5;
	v14 =	vld.idx.msk [tilespmem:v49+s13+$0x0], $0xffff;
	[tilespmem:s31+$0x17880] =	vst v16  }
0x1af: {  	v53 =	vadd.s32 $0x1E, v6;
	v16 =	vld.idx.msk [tilespmem:v50+s13+$0x0], $0xffff  }
0x1b0: {  	v54 =	vadd.s32 $0x1E, v8  }
0x1b1: {  	[tilespmem:s23+$0x18880] =	vst v10  }
0x1b2: {  	v10 =	vld.idx.msk [tilespmem:v51+s3+$0x0], $0xffff;
	[tilespmem:s26+$0x18880] =	vst v12  }
0x1b3: {  	v55 =	vadd.s32 $0x1E, v2;
	[tilespmem:s30+$0x18880] =	vst v14;
	v12 =	vld.idx.msk [tilespmem:v52+s3+$0x0], $0xffff  }
0x1b4: {  	v56 =	vadd.s32 $0x1E, v4;
	v14 =	vld.idx.msk [tilespmem:v53+s3+$0x0], $0xffff;
	[tilespmem:s31+$0x18880] =	vst v16  }
0x1b5: {  	v57 =	vadd.s32 $0x1E, v7;
	v16 =	vld.idx.msk [tilespmem:v54+s3+$0x0], $0xffff  }
0x1b6: {  	v58 =	vadd.s32 $0x1E, v9  }
0x1b7: {  	[tilespmem:s23+$0x17900] =	vst v10  }
0x1b8: {  	v10 =	vld.idx.msk [tilespmem:v55+s13+$0x0], $0xffff;
	[tilespmem:s26+$0x17900] =	vst v12  }
0x1b9: {  	v3 =	vadd.s32 $0x1F, v3;
	[tilespmem:s30+$0x17900] =	vst v14;
	v59 =	vld.idx.msk [tilespmem:v56+s13+$0x0], $0xffff  }
0x1ba: {  	v5 =	vadd.s32 $0x1F, v5;
	v60 =	vld.idx.msk [tilespmem:v57+s13+$0x0], $0xffff;
	[tilespmem:s31+$0x17900] =	vst v16  }
0x1bb: {  	v6 =	vadd.s32 $0x1F, v6;
	v61 =	vld.idx.msk [tilespmem:v58+s13+$0x0], $0xffff  }
0x1bc: {  	v8 =	vadd.s32 $0x1F, v8  }
0x1bd: {  	[tilespmem:s23+$0x18900] =	vst v10  }
0x1be: {  	v3 =	vld.idx.msk [tilespmem:v3+s3+$0x0], $0xffff;
	[tilespmem:s26+$0x18900] =	vst v59  }
0x1bf: {  	v2 =	vadd.s32 $0x1F, v2;
	[tilespmem:s30+$0x18900] =	vst v60;
	v5 =	vld.idx.msk [tilespmem:v5+s3+$0x0], $0xffff  }
0x1c0: {  	v4 =	vadd.s32 $0x1F, v4;
	v6 =	vld.idx.msk [tilespmem:v6+s3+$0x0], $0xffff;
	[tilespmem:s31+$0x18900] =	vst v61  }
0x1c1: {  	v7 =	vadd.s32 $0x1F, v7;
	v8 =	vld.idx.msk [tilespmem:v8+s3+$0x0], $0xffff  }
0x1c2: {  	v9 =	vadd.s32 $0x1F, v9  }
0x1c3: {  	[tilespmem:s23+$0x17980] =	vst v3  }
0x1c4: {  	v2 =	vld.idx.msk [tilespmem:v2+s13+$0x0], $0xffff;
	[tilespmem:s26+$0x17980] =	vst v5  }
0x1c5: {  	[tilespmem:s30+$0x17980] =	vst v6;
	v3 =	vld.idx.msk [tilespmem:v4+s13+$0x0], $0xffff  }
0x1c6: {  	v62 =	vld.idx.msk [tilespmem:v7+s13+$0x0], $0xffff;
	[tilespmem:s31+$0x17980] =	vst v8  }
0x1c7: {  	p1 =	por p0, p0;
	v63 =	vld.idx.msk [tilespmem:v9+s13+$0x0], $0xffff  }
.Ltmp0:
0x1c8: {  	_ = 	snop;
	(pc) =	sbr.rel @p1 .LBB2_2-.Ltmp0, $4  }
0x1c9: {  	[tilespmem:s23+$0x18980] =	vst v2  }
0x1ca: {  	[tilespmem:s26+$0x18980] =	vst v3  }
0x1cb: {  	[tilespmem:s30+$0x18980] =	vst v62  }
0x1cc: {  	p0 =	por $0x0, $0x0;
	s24 =	simm.s32 $0x4;
	[tilespmem:s31+$0x18980] =	vst v63  }
0x1cd: {  	[hbm4b:s7+s16] =	stream.strided.scatter [tilespmem:s18], [sflag:$0x1], $0x2000, s17, s16, $0x38;
	[tilespmem:$0x1AA00] =	vst v63  }
0x1ce: {  	s24 =	simm.s32 $0x0;
	p0 =	por $0x1, $0x1  }
.LBB2_4:
0x1cf: {  	s23 =	smul.u32 $0xC80, s24;
	_ =	sdelay $0x1  }
0x1d0: {  	s23 =	sor.u32 $0x1, s23  }
0x1d1: {  	v2 =	vadd.s32 s23, v0;
	_ =	sdelay $0x4  }
0x1d2: {  	v3 =	vld.idx.msk [tilespmem:v2+s14+$0x0], $0xffff  }
0x1d3: {  	v2 =	vld.idx.msk [tilespmem:v2+s15+$0x0], $0xffff;
	_ =	sdelay $0x3  }
0x1d4: {  	v3 =	vmul.u32 $0x21, v3  }
0x1d5: {  	v2 =	vmul.f32 $2.550000000e+02, v2;
	_ =	sdelay $0x1  }
0x1d6: {  	v2 =	vtrunc.f32 v2  }
0x1d7: {  	v2 =	vcvt.f32.s32 v2;
	_ =	sdelay $0x1  }
0x1d8: {  	v2 =	vmul.u32 $0x21, v2;
	v4 =	vld.idx.msk [tilespmem:v3+s3+$0x0], $0xffff;
	_ =	sdelay $0x3  }
0x1d9: {  	s23 =	sshll.u32 s24, $0x4  }
0x1da: {  	[tilespmem:s23+$0x18A00] =	vst v4  }
0x1db: {  	v4 =	vld.idx.msk [tilespmem:v2+s13+$0x0], $0xffff  }
0x1dc: {  	v5 =	vadd.s32 $0x1, v3;
	_ =	sdelay $0x3  }
0x1dd: {  	[tilespmem:s23+$0x19A00] =	vst v4  }
0x1de: {  	v4 =	vld.idx.msk [tilespmem:v5+s3+$0x0], $0xffff  }
0x1df: {  	v37 =	vadd.s32 $0x1, v2;
	_ =	sdelay $0x3  }
0x1e0: {  	[tilespmem:s23+$0x18A80] =	vst v4  }
0x1e1: {  	v4 =	vld.idx.msk [tilespmem:v37+s13+$0x0], $0xffff  }
0x1e2: {  	v38 =	vadd.s32 $0x2, v3;
	_ =	sdelay $0x3  }
0x1e3: {  	[tilespmem:s23+$0x19A80] =	vst v4  }
0x1e4: {  	v4 =	vld.idx.msk [tilespmem:v38+s3+$0x0], $0xffff  }
0x1e5: {  	v39 =	vadd.s32 $0x2, v2;
	_ =	sdelay $0x3  }
0x1e6: {  	[tilespmem:s23+$0x18B00] =	vst v4  }
0x1e7: {  	v4 =	vld.idx.msk [tilespmem:v39+s13+$0x0], $0xffff  }
0x1e8: {  	v40 =	vadd.s32 $0x3, v3;
	_ =	sdelay $0x3  }
0x1e9: {  	[tilespmem:s23+$0x19B00] =	vst v4  }
0x1ea: {  	v4 =	vld.idx.msk [tilespmem:v40+s3+$0x0], $0xffff  }
0x1eb: {  	v41 =	vadd.s32 $0x3, v2;
	_ =	sdelay $0x3  }
0x1ec: {  	[tilespmem:s23+$0x18B80] =	vst v4  }
0x1ed: {  	v4 =	vld.idx.msk [tilespmem:v41+s13+$0x0], $0xffff  }
0x1ee: {  	v42 =	vadd.s32 $0x4, v3;
	_ =	sdelay $0x2  }
0x1ef: {  	s25 =	sor.u32 $0x1, s24  }
0x1f0: {  	s26 =	smul.u32 $0xC80, s25;
	[tilespmem:s23+$0x19B80] =	vst v4  }
0x1f1: {  	s28 =	sor.u32 $0x2, s24;
	v4 =	vld.idx.msk [tilespmem:v42+s3+$0x0], $0xffff  }
0x1f2: {  	s29 =	smul.u32 $0xC80, s28;
	s26 =	sor.u32 $0x1, s26;
	v43 =	vadd.s32 $0x4, v2  }
0x1f3: {  	v6 =	vadd.s32 s26, v0;
	s26 =	sor.u32 $0x3, s24  }
0x1f4: {  	s31 =	sor.u32 $0x1, s29;
	s1 =	smul.u32 $0xC80, s26  }
0x1f5: {  	v7 =	vadd.s32 s31, v0  }
0x1f6: {  	s29 =	sor.u32 $0x1, s1;
	[tilespmem:s23+$0x18C00] =	vst v4  }
0x1f7: {  	v44 =	vadd.s32 s29, v0;
	v10 =	vld.idx.msk [tilespmem:v43+s13+$0x0], $0xffff  }
0x1f8: {  	v5 =	vld.idx.msk [tilespmem:v6+s14+$0x0], $0xffff  }
0x1f9: {  	v6 =	vld.idx.msk [tilespmem:v6+s15+$0x0], $0xffff  }
0x1fa: {  	v8 =	vld.idx.msk [tilespmem:v7+s14+$0x0], $0xffff  }
0x1fb: {  	v7 =	vld.idx.msk [tilespmem:v7+s15+$0x0], $0xffff  }
0x1fc: {  	v9 =	vld.idx.msk [tilespmem:v44+s14+$0x0], $0xffff  }
0x1fd: {  	v4 =	vld.idx.msk [tilespmem:v44+s15+$0x0], $0xffff;
	_ =	sdelay $0x1  }
0x1fe: {  	v5 =	vmul.u32 $0x21, v5  }
0x1ff: {  	v11 =	vmul.f32 $2.550000000e+02, v6;
	v6 =	vmul.u32 $0x21, v8  }
0x200: {  	v7 =	vmul.f32 $2.550000000e+02, v7;
	v8 =	vmul.u32 $0x21, v9  }
0x201: {  	v4 =	vmul.f32 $2.550000000e+02, v4;
	v45 =	vtrunc.f32 v11  }
0x202: {  	v7 =	vtrunc.f32 v7;
	v9 =	vcvt.f32.s32 v45  }
0x203: {  	v46 =	vtrunc.f32 v4;
	v7 =	vcvt.f32.s32 v7  }
0x204: {  	v47 =	vcvt.f32.s32 v46;
	v4 =	vmul.u32 $0x21, v9;
	v12 =	vld.idx.msk [tilespmem:v5+s3+$0x0], $0xffff  }
0x205: {  	v7 =	vmul.u32 $0x21, v7;
	v48 =	vld.idx.msk [tilespmem:v6+s3+$0x0], $0xffff  }
0x206: {  	v9 =	vmul.u32 $0x21, v47;
	v13 =	vld.idx.msk [tilespmem:v8+s3+$0x0], $0xffff;
	_ =	sdelay $0x1  }
0x207: {  	s30 =	sshll.u32 s25, $0x4  }
0x208: {  	s31 =	sshll.u32 s28, $0x4;
	[tilespmem:s30+$0x18A00] =	vst v12  }
0x209: {  	s26 =	sshll.u32 s26, $0x4;
	[tilespmem:s31+$0x18A00] =	vst v48;
	v12 =	vld.idx.msk [tilespmem:v4+s13+$0x0], $0xffff  }
0x20a: {  	v49 =	vadd.s32 $0x1, v5;
	[tilespmem:s26+$0x18A00] =	vst v13;
	v14 =	vld.idx.msk [tilespmem:v7+s13+$0x0], $0xffff  }
0x20b: {  	v50 =	vadd.s32 $0x1, v6;
	v15 =	vld.idx.msk [tilespmem:v9+s13+$0x0], $0xffff  }
0x20c: {  	v16 =	vadd.s32 $0x1, v8;
	_ =	sdelay $0x1  }
0x20d: {  	[tilespmem:s30+$0x19A00] =	vst v12  }
0x20e: {  	[tilespmem:s31+$0x19A00] =	vst v14;
	v11 =	vld.idx.msk [tilespmem:v49+s3+$0x0], $0xffff  }
0x20f: {  	v51 =	vadd.s32 $0x1, v4;
	[tilespmem:s26+$0x19A00] =	vst v15;
	v13 =	vld.idx.msk [tilespmem:v50+s3+$0x0], $0xffff  }
0x210: {  	v52 =	vadd.s32 $0x1, v7;
	v15 =	vld.idx.msk [tilespmem:v16+s3+$0x0], $0xffff  }
0x211: {  	v53 =	vadd.s32 $0x1, v9;
	_ =	sdelay $0x1  }
0x212: {  	[tilespmem:s30+$0x18A80] =	vst v11  }
0x213: {  	[tilespmem:s31+$0x18A80] =	vst v13;
	v11 =	vld.idx.msk [tilespmem:v51+s13+$0x0], $0xffff  }
0x214: {  	v54 =	vadd.s32 $0x2, v5;
	[tilespmem:s26+$0x18A80] =	vst v15;
	v13 =	vld.idx.msk [tilespmem:v52+s13+$0x0], $0xffff  }
0x215: {  	v55 =	vadd.s32 $0x2, v6;
	v15 =	vld.idx.msk [tilespmem:v53+s13+$0x0], $0xffff  }
0x216: {  	v56 =	vadd.s32 $0x2, v8;
	_ =	sdelay $0x1  }
0x217: {  	[tilespmem:s30+$0x19A80] =	vst v11  }
0x218: {  	[tilespmem:s31+$0x19A80] =	vst v13;
	v11 =	vld.idx.msk [tilespmem:v54+s3+$0x0], $0xffff  }
0x219: {  	v57 =	vadd.s32 $0x2, v4;
	[tilespmem:s26+$0x19A80] =	vst v15;
	v13 =	vld.idx.msk [tilespmem:v55+s3+$0x0], $0xffff  }
0x21a: {  	v58 =	vadd.s32 $0x2, v7;
	v15 =	vld.idx.msk [tilespmem:v56+s3+$0x0], $0xffff  }
0x21b: {  	v59 =	vadd.s32 $0x2, v9;
	_ =	sdelay $0x1  }
0x21c: {  	[tilespmem:s30+$0x18B00] =	vst v11  }
0x21d: {  	[tilespmem:s31+$0x18B00] =	vst v13;
	v11 =	vld.idx.msk [tilespmem:v57+s13+$0x0], $0xffff  }
0x21e: {  	v60 =	vadd.s32 $0x3, v5;
	[tilespmem:s26+$0x18B00] =	vst v15;
	v13 =	vld.idx.msk [tilespmem:v58+s13+$0x0], $0xffff  }
0x21f: {  	v61 =	vadd.s32 $0x3, v6;
	v15 =	vld.idx.msk [tilespmem:v59+s13+$0x0], $0xffff  }
0x220: {  	v62 =	vadd.s32 $0x3, v8;
	_ =	sdelay $0x1  }
0x221: {  	[tilespmem:s30+$0x19B00] =	vst v11  }
0x222: {  	[tilespmem:s31+$0x19B00] =	vst v13;
	v11 =	vld.idx.msk [tilespmem:v60+s3+$0x0], $0xffff  }
0x223: {  	v63 =	vadd.s32 $0x3, v4;
	[tilespmem:s26+$0x19B00] =	vst v15;
	v13 =	vld.idx.msk [tilespmem:v61+s3+$0x0], $0xffff  }
0x224: {  	v20 =	vadd.s32 $0x3, v7;
	v15 =	vld.idx.msk [tilespmem:v62+s3+$0x0], $0xffff  }
0x225: {  	v21 =	vadd.s32 $0x3, v9;
	_ =	sdelay $0x1  }
0x226: {  	[tilespmem:s30+$0x18B80] =	vst v11  }
0x227: {  	[tilespmem:s31+$0x18B80] =	vst v13;
	v11 =	vld.idx.msk [tilespmem:v63+s13+$0x0], $0xffff  }
0x228: {  	v22 =	vadd.s32 $0x4, v5;
	[tilespmem:s26+$0x18B80] =	vst v15;
	v13 =	vld.idx.msk [tilespmem:v20+s13+$0x0], $0xffff  }
0x229: {  	v23 =	vadd.s32 $0x4, v6;
	v15 =	vld.idx.msk [tilespmem:v21+s13+$0x0], $0xffff  }
0x22a: {  	v24 =	vadd.s32 $0x4, v8;
	_ =	sdelay $0x1  }
0x22b: {  	[tilespmem:s30+$0x19B80] =	vst v11  }
0x22c: {  	[tilespmem:s31+$0x19B80] =	vst v13;
	v11 =	vld.idx.msk [tilespmem:v22+s3+$0x0], $0xffff  }
0x22d: {  	v25 =	vadd.s32 $0x4, v4;
	[tilespmem:s26+$0x19B80] =	vst v15;
	v13 =	vld.idx.msk [tilespmem:v23+s3+$0x0], $0xffff  }
0x22e: {  	v26 =	vadd.s32 $0x4, v7;
	v15 =	vld.idx.msk [tilespmem:v24+s3+$0x0], $0xffff  }
0x22f: {  	v27 =	vadd.s32 $0x4, v9;
	_ =	sdelay $0x1  }
0x230: {  	[tilespmem:s30+$0x18C00] =	vst v11  }
0x231: {  	v28 =	vadd.s32 $0x5, v3;
	[tilespmem:s31+$0x18C00] =	vst v13;
	v12 =	vld.idx.msk [tilespmem:v25+s13+$0x0], $0xffff  }
0x232: {  	v29 =	vadd.s32 $0x5, v5;
	[tilespmem:s26+$0x18C00] =	vst v15;
	v14 =	vld.idx.msk [tilespmem:v26+s13+$0x0], $0xffff  }
0x233: {  	v30 =	vadd.s32 $0x5, v6;
	v16 =	vld.idx.msk [tilespmem:v27+s13+$0x0], $0xffff  }
0x234: {  	v17 =	vadd.s32 $0x5, v8  }
0x235: {  	[tilespmem:s23+$0x19C00] =	vst v10  }
0x236: {  	v10 =	vld.idx.msk [tilespmem:v28+s3+$0x0], $0xffff;
	[tilespmem:s30+$0x19C00] =	vst v12  }
0x237: {  	v31 =	vadd.s32 $0x5, v2;
	[tilespmem:s31+$0x19C00] =	vst v14;
	v12 =	vld.idx.msk [tilespmem:v29+s3+$0x0], $0xffff  }
0x238: {  	v32 =	vadd.s32 $0x5, v4;
	[tilespmem:s26+$0x19C00] =	vst v16;
	v14 =	vld.idx.msk [tilespmem:v30+s3+$0x0], $0xffff  }
0x239: {  	v33 =	vadd.s32 $0x5, v7;
	v16 =	vld.idx.msk [tilespmem:v17+s3+$0x0], $0xffff  }
0x23a: {  	v34 =	vadd.s32 $0x5, v9  }
0x23b: {  	[tilespmem:s23+$0x18C80] =	vst v10  }
0x23c: {  	v10 =	vld.idx.msk [tilespmem:v31+s13+$0x0], $0xffff;
	[tilespmem:s30+$0x18C80] =	vst v12  }
0x23d: {  	v35 =	vadd.s32 $0x6, v3;
	[tilespmem:s31+$0x18C80] =	vst v14;
	v12 =	vld.idx.msk [tilespmem:v32+s13+$0x0], $0xffff  }
0x23e: {  	v36 =	vadd.s32 $0x6, v5;
	[tilespmem:s26+$0x18C80] =	vst v16;
	v14 =	vld.idx.msk [tilespmem:v33+s13+$0x0], $0xffff  }
0x23f: {  	v37 =	vadd.s32 $0x6, v6;
	v16 =	vld.idx.msk [tilespmem:v34+s13+$0x0], $0xffff  }
0x240: {  	v38 =	vadd.s32 $0x6, v8  }
0x241: {  	[tilespmem:s23+$0x19C80] =	vst v10  }
0x242: {  	v10 =	vld.idx.msk [tilespmem:v35+s3+$0x0], $0xffff;
	[tilespmem:s30+$0x19C80] =	vst v12  }
0x243: {  	v39 =	vadd.s32 $0x6, v2;
	[tilespmem:s31+$0x19C80] =	vst v14;
	v12 =	vld.idx.msk [tilespmem:v36+s3+$0x0], $0xffff  }
0x244: {  	v40 =	vadd.s32 $0x6, v4;
	[tilespmem:s26+$0x19C80] =	vst v16;
	v14 =	vld.idx.msk [tilespmem:v37+s3+$0x0], $0xffff  }
0x245: {  	v41 =	vadd.s32 $0x6, v7;
	v16 =	vld.idx.msk [tilespmem:v38+s3+$0x0], $0xffff  }
0x246: {  	v42 =	vadd.s32 $0x6, v9  }
0x247: {  	[tilespmem:s23+$0x18D00] =	vst v10  }
0x248: {  	v10 =	vld.idx.msk [tilespmem:v39+s13+$0x0], $0xffff;
	[tilespmem:s30+$0x18D00] =	vst v12  }
0x249: {  	v43 =	vadd.s32 $0x7, v3;
	[tilespmem:s31+$0x18D00] =	vst v14;
	v12 =	vld.idx.msk [tilespmem:v40+s13+$0x0], $0xffff  }
0x24a: {  	v44 =	vadd.s32 $0x7, v5;
	[tilespmem:s26+$0x18D00] =	vst v16;
	v14 =	vld.idx.msk [tilespmem:v41+s13+$0x0], $0xffff  }
0x24b: {  	v45 =	vadd.s32 $0x7, v6;
	v16 =	vld.idx.msk [tilespmem:v42+s13+$0x0], $0xffff  }
0x24c: {  	v46 =	vadd.s32 $0x7, v8  }
0x24d: {  	[tilespmem:s23+$0x19D00] =	vst v10  }
0x24e: {  	v10 =	vld.idx.msk [tilespmem:v43+s3+$0x0], $0xffff;
	[tilespmem:s30+$0x19D00] =	vst v12  }
0x24f: {  	v47 =	vadd.s32 $0x7, v2;
	[tilespmem:s31+$0x19D00] =	vst v14;
	v12 =	vld.idx.msk [tilespmem:v44+s3+$0x0], $0xffff  }
0x250: {  	v48 =	vadd.s32 $0x7, v4;
	[tilespmem:s26+$0x19D00] =	vst v16;
	v14 =	vld.idx.msk [tilespmem:v45+s3+$0x0], $0xffff  }
0x251: {  	v49 =	vadd.s32 $0x7, v7;
	v16 =	vld.idx.msk [tilespmem:v46+s3+$0x0], $0xffff  }
0x252: {  	v50 =	vadd.s32 $0x7, v9  }
0x253: {  	[tilespmem:s23+$0x18D80] =	vst v10  }
0x254: {  	v10 =	vld.idx.msk [tilespmem:v47+s13+$0x0], $0xffff;
	[tilespmem:s30+$0x18D80] =	vst v12  }
0x255: {  	v51 =	vadd.s32 $0x8, v3;
	[tilespmem:s31+$0x18D80] =	vst v14;
	v12 =	vld.idx.msk [tilespmem:v48+s13+$0x0], $0xffff  }
0x256: {  	v52 =	vadd.s32 $0x8, v5;
	[tilespmem:s26+$0x18D80] =	vst v16;
	v14 =	vld.idx.msk [tilespmem:v49+s13+$0x0], $0xffff  }
0x257: {  	v53 =	vadd.s32 $0x8, v6;
	v16 =	vld.idx.msk [tilespmem:v50+s13+$0x0], $0xffff  }
0x258: {  	v54 =	vadd.s32 $0x8, v8  }
0x259: {  	[tilespmem:s23+$0x19D80] =	vst v10  }
0x25a: {  	v10 =	vld.idx.msk [tilespmem:v51+s3+$0x0], $0xffff;
	[tilespmem:s30+$0x19D80] =	vst v12  }
0x25b: {  	v55 =	vadd.s32 $0x8, v2;
	[tilespmem:s31+$0x19D80] =	vst v14;
	v12 =	vld.idx.msk [tilespmem:v52+s3+$0x0], $0xffff  }
0x25c: {  	v56 =	vadd.s32 $0x8, v4;
	[tilespmem:s26+$0x19D80] =	vst v16;
	v14 =	vld.idx.msk [tilespmem:v53+s3+$0x0], $0xffff  }
0x25d: {  	v57 =	vadd.s32 $0x8, v7;
	v16 =	vld.idx.msk [tilespmem:v54+s3+$0x0], $0xffff  }
0x25e: {  	v58 =	vadd.s32 $0x8, v9  }
0x25f: {  	[tilespmem:s23+$0x18E00] =	vst v10  }
0x260: {  	v10 =	vld.idx.msk [tilespmem:v55+s13+$0x0], $0xffff;
	[tilespmem:s30+$0x18E00] =	vst v12  }
0x261: {  	v59 =	vadd.s32 $0x9, v3;
	[tilespmem:s31+$0x18E00] =	vst v14;
	v12 =	vld.idx.msk [tilespmem:v56+s13+$0x0], $0xffff  }
0x262: {  	v60 =	vadd.s32 $0x9, v5;
	[tilespmem:s26+$0x18E00] =	vst v16;
	v14 =	vld.idx.msk [tilespmem:v57+s13+$0x0], $0xffff  }
0x263: {  	v61 =	vadd.s32 $0x9, v6;
	v16 =	vld.idx.msk [tilespmem:v58+s13+$0x0], $0xffff  }
0x264: {  	v62 =	vadd.s32 $0x9, v8  }
0x265: {  	[tilespmem:s23+$0x19E00] =	vst v10  }
0x266: {  	v10 =	vld.idx.msk [tilespmem:v59+s3+$0x0], $0xffff;
	[tilespmem:s30+$0x19E00] =	vst v12  }
0x267: {  	v63 =	vadd.s32 $0x9, v2;
	[tilespmem:s31+$0x19E00] =	vst v14;
	v12 =	vld.idx.msk [tilespmem:v60+s3+$0x0], $0xffff  }
0x268: {  	v20 =	vadd.s32 $0x9, v4;
	[tilespmem:s26+$0x19E00] =	vst v16;
	v14 =	vld.idx.msk [tilespmem:v61+s3+$0x0], $0xffff  }
0x269: {  	v21 =	vadd.s32 $0x9, v7;
	v16 =	vld.idx.msk [tilespmem:v62+s3+$0x0], $0xffff  }
0x26a: {  	v22 =	vadd.s32 $0x9, v9  }
0x26b: {  	[tilespmem:s23+$0x18E80] =	vst v10  }
0x26c: {  	v10 =	vld.idx.msk [tilespmem:v63+s13+$0x0], $0xffff;
	[tilespmem:s30+$0x18E80] =	vst v12  }
0x26d: {  	v23 =	vadd.s32 $0xA, v3;
	[tilespmem:s31+$0x18E80] =	vst v14;
	v12 =	vld.idx.msk [tilespmem:v20+s13+$0x0], $0xffff  }
0x26e: {  	v24 =	vadd.s32 $0xA, v5;
	[tilespmem:s26+$0x18E80] =	vst v16;
	v14 =	vld.idx.msk [tilespmem:v21+s13+$0x0], $0xffff  }
0x26f: {  	v25 =	vadd.s32 $0xA, v6;
	v16 =	vld.idx.msk [tilespmem:v22+s13+$0x0], $0xffff  }
0x270: {  	v26 =	vadd.s32 $0xA, v8  }
0x271: {  	[tilespmem:s23+$0x19E80] =	vst v10  }
0x272: {  	v10 =	vld.idx.msk [tilespmem:v23+s3+$0x0], $0xffff;
	[tilespmem:s30+$0x19E80] =	vst v12  }
0x273: {  	v27 =	vadd.s32 $0xA, v2;
	[tilespmem:s31+$0x19E80] =	vst v14;
	v12 =	vld.idx.msk [tilespmem:v24+s3+$0x0], $0xffff  }
0x274: {  	v28 =	vadd.s32 $0xA, v4;
	[tilespmem:s26+$0x19E80] =	vst v16;
	v14 =	vld.idx.msk [tilespmem:v25+s3+$0x0], $0xffff  }
0x275: {  	v29 =	vadd.s32 $0xA, v7;
	v16 =	vld.idx.msk [tilespmem:v26+s3+$0x0], $0xffff  }
0x276: {  	v30 =	vadd.s32 $0xA, v9  }
0x277: {  	[tilespmem:s23+$0x18F00] =	vst v10  }
0x278: {  	v10 =	vld.idx.msk [tilespmem:v27+s13+$0x0], $0xffff;
	[tilespmem:s30+$0x18F00] =	vst v12  }
0x279: {  	v31 =	vadd.s32 $0xB, v3;
	[tilespmem:s31+$0x18F00] =	vst v14;
	v12 =	vld.idx.msk [tilespmem:v28+s13+$0x0], $0xffff  }
0x27a: {  	v32 =	vadd.s32 $0xB, v5;
	[tilespmem:s26+$0x18F00] =	vst v16;
	v14 =	vld.idx.msk [tilespmem:v29+s13+$0x0], $0xffff  }
0x27b: {  	v33 =	vadd.s32 $0xB, v6;
	v16 =	vld.idx.msk [tilespmem:v30+s13+$0x0], $0xffff  }
0x27c: {  	v34 =	vadd.s32 $0xB, v8  }
0x27d: {  	[tilespmem:s23+$0x19F00] =	vst v10  }
0x27e: {  	v10 =	vld.idx.msk [tilespmem:v31+s3+$0x0], $0xffff;
	[tilespmem:s30+$0x19F00] =	vst v12  }
0x27f: {  	v35 =	vadd.s32 $0xB, v2;
	[tilespmem:s31+$0x19F00] =	vst v14;
	v12 =	vld.idx.msk [tilespmem:v32+s3+$0x0], $0xffff  }
0x280: {  	v36 =	vadd.s32 $0xB, v4;
	[tilespmem:s26+$0x19F00] =	vst v16;
	v14 =	vld.idx.msk [tilespmem:v33+s3+$0x0], $0xffff  }
0x281: {  	v37 =	vadd.s32 $0xB, v7;
	v16 =	vld.idx.msk [tilespmem:v34+s3+$0x0], $0xffff  }
0x282: {  	v38 =	vadd.s32 $0xB, v9  }
0x283: {  	[tilespmem:s23+$0x18F80] =	vst v10  }
0x284: {  	v10 =	vld.idx.msk [tilespmem:v35+s13+$0x0], $0xffff;
	[tilespmem:s30+$0x18F80] =	vst v12  }
0x285: {  	v39 =	vadd.s32 $0xC, v3;
	[tilespmem:s31+$0x18F80] =	vst v14;
	v12 =	vld.idx.msk [tilespmem:v36+s13+$0x0], $0xffff  }
0x286: {  	v40 =	vadd.s32 $0xC, v5;
	[tilespmem:s26+$0x18F80] =	vst v16;
	v14 =	vld.idx.msk [tilespmem:v37+s13+$0x0], $0xffff  }
0x287: {  	v41 =	vadd.s32 $0xC, v6;
	v16 =	vld.idx.msk [tilespmem:v38+s13+$0x0], $0xffff  }
0x288: {  	v42 =	vadd.s32 $0xC, v8  }
0x289: {  	[tilespmem:s23+$0x19F80] =	vst v10  }
0x28a: {  	v10 =	vld.idx.msk [tilespmem:v39+s3+$0x0], $0xffff;
	[tilespmem:s30+$0x19F80] =	vst v12  }
0x28b: {  	v43 =	vadd.s32 $0xC, v2;
	[tilespmem:s31+$0x19F80] =	vst v14;
	v12 =	vld.idx.msk [tilespmem:v40+s3+$0x0], $0xffff  }
0x28c: {  	v44 =	vadd.s32 $0xC, v4;
	[tilespmem:s26+$0x19F80] =	vst v16;
	v14 =	vld.idx.msk [tilespmem:v41+s3+$0x0], $0xffff  }
0x28d: {  	v45 =	vadd.s32 $0xC, v7;
	v16 =	vld.idx.msk [tilespmem:v42+s3+$0x0], $0xffff  }
0x28e: {  	v46 =	vadd.s32 $0xC, v9  }
0x28f: {  	[tilespmem:s23+$0x19000] =	vst v10  }
0x290: {  	v10 =	vld.idx.msk [tilespmem:v43+s13+$0x0], $0xffff;
	[tilespmem:s30+$0x19000] =	vst v12  }
0x291: {  	v47 =	vadd.s32 $0xD, v3;
	[tilespmem:s31+$0x19000] =	vst v14;
	v12 =	vld.idx.msk [tilespmem:v44+s13+$0x0], $0xffff  }
0x292: {  	v48 =	vadd.s32 $0xD, v5;
	[tilespmem:s26+$0x19000] =	vst v16;
	v14 =	vld.idx.msk [tilespmem:v45+s13+$0x0], $0xffff  }
0x293: {  	v49 =	vadd.s32 $0xD, v6;
	v16 =	vld.idx.msk [tilespmem:v46+s13+$0x0], $0xffff  }
0x294: {  	v50 =	vadd.s32 $0xD, v8  }
0x295: {  	[tilespmem:s23+$0x1A000] =	vst v10  }
0x296: {  	v10 =	vld.idx.msk [tilespmem:v47+s3+$0x0], $0xffff;
	[tilespmem:s30+$0x1A000] =	vst v12  }
0x297: {  	v51 =	vadd.s32 $0xD, v2;
	[tilespmem:s31+$0x1A000] =	vst v14;
	v12 =	vld.idx.msk [tilespmem:v48+s3+$0x0], $0xffff  }
0x298: {  	v52 =	vadd.s32 $0xD, v4;
	[tilespmem:s26+$0x1A000] =	vst v16;
	v14 =	vld.idx.msk [tilespmem:v49+s3+$0x0], $0xffff  }
0x299: {  	v53 =	vadd.s32 $0xD, v7;
	v16 =	vld.idx.msk [tilespmem:v50+s3+$0x0], $0xffff  }
0x29a: {  	v54 =	vadd.s32 $0xD, v9  }
0x29b: {  	[tilespmem:s23+$0x19080] =	vst v10  }
0x29c: {  	v10 =	vld.idx.msk [tilespmem:v51+s13+$0x0], $0xffff;
	[tilespmem:s30+$0x19080] =	vst v12  }
0x29d: {  	v55 =	vadd.s32 $0xE, v3;
	[tilespmem:s31+$0x19080] =	vst v14;
	v12 =	vld.idx.msk [tilespmem:v52+s13+$0x0], $0xffff  }
0x29e: {  	v56 =	vadd.s32 $0xE, v5;
	[tilespmem:s26+$0x19080] =	vst v16;
	v14 =	vld.idx.msk [tilespmem:v53+s13+$0x0], $0xffff  }
0x29f: {  	v57 =	vadd.s32 $0xE, v6;
	v16 =	vld.idx.msk [tilespmem:v54+s13+$0x0], $0xffff  }
0x2a0: {  	v58 =	vadd.s32 $0xE, v8  }
0x2a1: {  	[tilespmem:s23+$0x1A080] =	vst v10  }
0x2a2: {  	v10 =	vld.idx.msk [tilespmem:v55+s3+$0x0], $0xffff;
	[tilespmem:s30+$0x1A080] =	vst v12  }
0x2a3: {  	v59 =	vadd.s32 $0xE, v2;
	[tilespmem:s31+$0x1A080] =	vst v14;
	v12 =	vld.idx.msk [tilespmem:v56+s3+$0x0], $0xffff  }
0x2a4: {  	v60 =	vadd.s32 $0xE, v4;
	[tilespmem:s26+$0x1A080] =	vst v16;
	v14 =	vld.idx.msk [tilespmem:v57+s3+$0x0], $0xffff  }
0x2a5: {  	v61 =	vadd.s32 $0xE, v7;
	v16 =	vld.idx.msk [tilespmem:v58+s3+$0x0], $0xffff  }
0x2a6: {  	v62 =	vadd.s32 $0xE, v9  }
0x2a7: {  	[tilespmem:s23+$0x19100] =	vst v10  }
0x2a8: {  	v10 =	vld.idx.msk [tilespmem:v59+s13+$0x0], $0xffff;
	[tilespmem:s30+$0x19100] =	vst v12  }
0x2a9: {  	v63 =	vadd.s32 $0xF, v3;
	[tilespmem:s31+$0x19100] =	vst v14;
	v12 =	vld.idx.msk [tilespmem:v60+s13+$0x0], $0xffff  }
0x2aa: {  	v20 =	vadd.s32 $0xF, v5;
	[tilespmem:s26+$0x19100] =	vst v16;
	v14 =	vld.idx.msk [tilespmem:v61+s13+$0x0], $0xffff  }
0x2ab: {  	v21 =	vadd.s32 $0xF, v6;
	v16 =	vld.idx.msk [tilespmem:v62+s13+$0x0], $0xffff  }
0x2ac: {  	v22 =	vadd.s32 $0xF, v8  }
0x2ad: {  	[tilespmem:s23+$0x1A100] =	vst v10  }
0x2ae: {  	v10 =	vld.idx.msk [tilespmem:v63+s3+$0x0], $0xffff;
	[tilespmem:s30+$0x1A100] =	vst v12  }
0x2af: {  	v23 =	vadd.s32 $0xF, v2;
	[tilespmem:s31+$0x1A100] =	vst v14;
	v12 =	vld.idx.msk [tilespmem:v20+s3+$0x0], $0xffff  }
0x2b0: {  	v24 =	vadd.s32 $0xF, v4;
	[tilespmem:s26+$0x1A100] =	vst v16;
	v14 =	vld.idx.msk [tilespmem:v21+s3+$0x0], $0xffff  }
0x2b1: {  	v25 =	vadd.s32 $0xF, v7;
	v16 =	vld.idx.msk [tilespmem:v22+s3+$0x0], $0xffff  }
0x2b2: {  	v26 =	vadd.s32 $0xF, v9  }
0x2b3: {  	[tilespmem:s23+$0x19180] =	vst v10  }
0x2b4: {  	v10 =	vld.idx.msk [tilespmem:v23+s13+$0x0], $0xffff;
	[tilespmem:s30+$0x19180] =	vst v12  }
0x2b5: {  	v27 =	vadd.s32 $0x10, v3;
	[tilespmem:s31+$0x19180] =	vst v14;
	v12 =	vld.idx.msk [tilespmem:v24+s13+$0x0], $0xffff  }
0x2b6: {  	v28 =	vadd.s32 $0x10, v5;
	[tilespmem:s26+$0x19180] =	vst v16;
	v14 =	vld.idx.msk [tilespmem:v25+s13+$0x0], $0xffff  }
0x2b7: {  	v29 =	vadd.s32 $0x10, v6;
	v16 =	vld.idx.msk [tilespmem:v26+s13+$0x0], $0xffff  }
0x2b8: {  	v30 =	vadd.s32 $0x10, v8  }
0x2b9: {  	[tilespmem:s23+$0x1A180] =	vst v10  }
0x2ba: {  	v10 =	vld.idx.msk [tilespmem:v27+s3+$0x0], $0xffff;
	[tilespmem:s30+$0x1A180] =	vst v12  }
0x2bb: {  	v31 =	vadd.s32 $0x10, v2;
	[tilespmem:s31+$0x1A180] =	vst v14;
	v12 =	vld.idx.msk [tilespmem:v28+s3+$0x0], $0xffff  }
0x2bc: {  	v32 =	vadd.s32 $0x10, v4;
	[tilespmem:s26+$0x1A180] =	vst v16;
	v14 =	vld.idx.msk [tilespmem:v29+s3+$0x0], $0xffff  }
0x2bd: {  	v33 =	vadd.s32 $0x10, v7;
	v16 =	vld.idx.msk [tilespmem:v30+s3+$0x0], $0xffff  }
0x2be: {  	v34 =	vadd.s32 $0x10, v9  }
0x2bf: {  	[tilespmem:s23+$0x19200] =	vst v10  }
0x2c0: {  	v10 =	vld.idx.msk [tilespmem:v31+s13+$0x0], $0xffff;
	[tilespmem:s30+$0x19200] =	vst v12  }
0x2c1: {  	v35 =	vadd.s32 $0x11, v3;
	[tilespmem:s31+$0x19200] =	vst v14;
	v12 =	vld.idx.msk [tilespmem:v32+s13+$0x0], $0xffff  }
0x2c2: {  	v36 =	vadd.s32 $0x11, v5;
	[tilespmem:s26+$0x19200] =	vst v16;
	v14 =	vld.idx.msk [tilespmem:v33+s13+$0x0], $0xffff  }
0x2c3: {  	v37 =	vadd.s32 $0x11, v6;
	v16 =	vld.idx.msk [tilespmem:v34+s13+$0x0], $0xffff  }
0x2c4: {  	v38 =	vadd.s32 $0x11, v8  }
0x2c5: {  	[tilespmem:s23+$0x1A200] =	vst v10  }
0x2c6: {  	v10 =	vld.idx.msk [tilespmem:v35+s3+$0x0], $0xffff;
	[tilespmem:s30+$0x1A200] =	vst v12  }
0x2c7: {  	v39 =	vadd.s32 $0x11, v2;
	[tilespmem:s31+$0x1A200] =	vst v14;
	v12 =	vld.idx.msk [tilespmem:v36+s3+$0x0], $0xffff  }
0x2c8: {  	v40 =	vadd.s32 $0x11, v4;
	[tilespmem:s26+$0x1A200] =	vst v16;
	v14 =	vld.idx.msk [tilespmem:v37+s3+$0x0], $0xffff  }
0x2c9: {  	v41 =	vadd.s32 $0x11, v7;
	v16 =	vld.idx.msk [tilespmem:v38+s3+$0x0], $0xffff  }
0x2ca: {  	v42 =	vadd.s32 $0x11, v9  }
0x2cb: {  	[tilespmem:s23+$0x19280] =	vst v10  }
0x2cc: {  	v10 =	vld.idx.msk [tilespmem:v39+s13+$0x0], $0xffff;
	[tilespmem:s30+$0x19280] =	vst v12  }
0x2cd: {  	v43 =	vadd.s32 $0x12, v3;
	[tilespmem:s31+$0x19280] =	vst v14;
	v12 =	vld.idx.msk [tilespmem:v40+s13+$0x0], $0xffff  }
0x2ce: {  	v44 =	vadd.s32 $0x12, v5;
	[tilespmem:s26+$0x19280] =	vst v16;
	v14 =	vld.idx.msk [tilespmem:v41+s13+$0x0], $0xffff  }
0x2cf: {  	v45 =	vadd.s32 $0x12, v6;
	v16 =	vld.idx.msk [tilespmem:v42+s13+$0x0], $0xffff  }
0x2d0: {  	v46 =	vadd.s32 $0x12, v8  }
0x2d1: {  	[tilespmem:s23+$0x1A280] =	vst v10  }
0x2d2: {  	v10 =	vld.idx.msk [tilespmem:v43+s3+$0x0], $0xffff;
	[tilespmem:s30+$0x1A280] =	vst v12  }
0x2d3: {  	v47 =	vadd.s32 $0x12, v2;
	[tilespmem:s31+$0x1A280] =	vst v14;
	v12 =	vld.idx.msk [tilespmem:v44+s3+$0x0], $0xffff  }
0x2d4: {  	v48 =	vadd.s32 $0x12, v4;
	[tilespmem:s26+$0x1A280] =	vst v16;
	v14 =	vld.idx.msk [tilespmem:v45+s3+$0x0], $0xffff  }
0x2d5: {  	v49 =	vadd.s32 $0x12, v7;
	v16 =	vld.idx.msk [tilespmem:v46+s3+$0x0], $0xffff  }
0x2d6: {  	v50 =	vadd.s32 $0x12, v9  }
0x2d7: {  	[tilespmem:s23+$0x19300] =	vst v10  }
0x2d8: {  	v10 =	vld.idx.msk [tilespmem:v47+s13+$0x0], $0xffff;
	[tilespmem:s30+$0x19300] =	vst v12  }
0x2d9: {  	v51 =	vadd.s32 $0x13, v3;
	[tilespmem:s31+$0x19300] =	vst v14;
	v12 =	vld.idx.msk [tilespmem:v48+s13+$0x0], $0xffff  }
0x2da: {  	v52 =	vadd.s32 $0x13, v5;
	[tilespmem:s26+$0x19300] =	vst v16;
	v14 =	vld.idx.msk [tilespmem:v49+s13+$0x0], $0xffff  }
0x2db: {  	v53 =	vadd.s32 $0x13, v6;
	v16 =	vld.idx.msk [tilespmem:v50+s13+$0x0], $0xffff  }
0x2dc: {  	v54 =	vadd.s32 $0x13, v8  }
0x2dd: {  	[tilespmem:s23+$0x1A300] =	vst v10  }
0x2de: {  	v10 =	vld.idx.msk [tilespmem:v51+s3+$0x0], $0xffff;
	[tilespmem:s30+$0x1A300] =	vst v12  }
0x2df: {  	v55 =	vadd.s32 $0x13, v2;
	[tilespmem:s31+$0x1A300] =	vst v14;
	v12 =	vld.idx.msk [tilespmem:v52+s3+$0x0], $0xffff  }
0x2e0: {  	v56 =	vadd.s32 $0x13, v4;
	[tilespmem:s26+$0x1A300] =	vst v16;
	v14 =	vld.idx.msk [tilespmem:v53+s3+$0x0], $0xffff  }
0x2e1: {  	v57 =	vadd.s32 $0x13, v7;
	v16 =	vld.idx.msk [tilespmem:v54+s3+$0x0], $0xffff  }
0x2e2: {  	v58 =	vadd.s32 $0x13, v9  }
0x2e3: {  	[tilespmem:s23+$0x19380] =	vst v10  }
0x2e4: {  	v10 =	vld.idx.msk [tilespmem:v55+s13+$0x0], $0xffff;
	[tilespmem:s30+$0x19380] =	vst v12  }
0x2e5: {  	v59 =	vadd.s32 $0x14, v3;
	[tilespmem:s31+$0x19380] =	vst v14;
	v12 =	vld.idx.msk [tilespmem:v56+s13+$0x0], $0xffff  }
0x2e6: {  	v60 =	vadd.s32 $0x14, v5;
	[tilespmem:s26+$0x19380] =	vst v16;
	v14 =	vld.idx.msk [tilespmem:v57+s13+$0x0], $0xffff  }
0x2e7: {  	v61 =	vadd.s32 $0x14, v6;
	v16 =	vld.idx.msk [tilespmem:v58+s13+$0x0], $0xffff  }
0x2e8: {  	v62 =	vadd.s32 $0x14, v8  }
0x2e9: {  	[tilespmem:s23+$0x1A380] =	vst v10  }
0x2ea: {  	v10 =	vld.idx.msk [tilespmem:v59+s3+$0x0], $0xffff;
	[tilespmem:s30+$0x1A380] =	vst v12  }
0x2eb: {  	v63 =	vadd.s32 $0x14, v2;
	[tilespmem:s31+$0x1A380] =	vst v14;
	v12 =	vld.idx.msk [tilespmem:v60+s3+$0x0], $0xffff  }
0x2ec: {  	v20 =	vadd.s32 $0x14, v4;
	[tilespmem:s26+$0x1A380] =	vst v16;
	v14 =	vld.idx.msk [tilespmem:v61+s3+$0x0], $0xffff  }
0x2ed: {  	v21 =	vadd.s32 $0x14, v7;
	v16 =	vld.idx.msk [tilespmem:v62+s3+$0x0], $0xffff  }
0x2ee: {  	v22 =	vadd.s32 $0x14, v9  }
0x2ef: {  	[tilespmem:s23+$0x19400] =	vst v10  }
0x2f0: {  	v10 =	vld.idx.msk [tilespmem:v63+s13+$0x0], $0xffff;
	[tilespmem:s30+$0x19400] =	vst v12  }
0x2f1: {  	v23 =	vadd.s32 $0x15, v3;
	[tilespmem:s31+$0x19400] =	vst v14;
	v12 =	vld.idx.msk [tilespmem:v20+s13+$0x0], $0xffff  }
0x2f2: {  	v24 =	vadd.s32 $0x15, v5;
	[tilespmem:s26+$0x19400] =	vst v16;
	v14 =	vld.idx.msk [tilespmem:v21+s13+$0x0], $0xffff  }
0x2f3: {  	v25 =	vadd.s32 $0x15, v6;
	v16 =	vld.idx.msk [tilespmem:v22+s13+$0x0], $0xffff  }
0x2f4: {  	v26 =	vadd.s32 $0x15, v8  }
0x2f5: {  	[tilespmem:s23+$0x1A400] =	vst v10  }
0x2f6: {  	v10 =	vld.idx.msk [tilespmem:v23+s3+$0x0], $0xffff;
	[tilespmem:s30+$0x1A400] =	vst v12  }
0x2f7: {  	v27 =	vadd.s32 $0x15, v2;
	[tilespmem:s31+$0x1A400] =	vst v14;
	v12 =	vld.idx.msk [tilespmem:v24+s3+$0x0], $0xffff  }
0x2f8: {  	v28 =	vadd.s32 $0x15, v4;
	[tilespmem:s26+$0x1A400] =	vst v16;
	v14 =	vld.idx.msk [tilespmem:v25+s3+$0x0], $0xffff  }
0x2f9: {  	v29 =	vadd.s32 $0x15, v7;
	v16 =	vld.idx.msk [tilespmem:v26+s3+$0x0], $0xffff  }
0x2fa: {  	v30 =	vadd.s32 $0x15, v9  }
0x2fb: {  	[tilespmem:s23+$0x19480] =	vst v10  }
0x2fc: {  	v10 =	vld.idx.msk [tilespmem:v27+s13+$0x0], $0xffff;
	[tilespmem:s30+$0x19480] =	vst v12  }
0x2fd: {  	v31 =	vadd.s32 $0x16, v3;
	[tilespmem:s31+$0x19480] =	vst v14;
	v12 =	vld.idx.msk [tilespmem:v28+s13+$0x0], $0xffff  }
0x2fe: {  	v32 =	vadd.s32 $0x16, v5;
	[tilespmem:s26+$0x19480] =	vst v16;
	v14 =	vld.idx.msk [tilespmem:v29+s13+$0x0], $0xffff  }
0x2ff: {  	v33 =	vadd.s32 $0x16, v6;
	v16 =	vld.idx.msk [tilespmem:v30+s13+$0x0], $0xffff  }
0x300: {  	v34 =	vadd.s32 $0x16, v8  }
0x301: {  	[tilespmem:s23+$0x1A480] =	vst v10  }
0x302: {  	v10 =	vld.idx.msk [tilespmem:v31+s3+$0x0], $0xffff;
	[tilespmem:s30+$0x1A480] =	vst v12  }
0x303: {  	v35 =	vadd.s32 $0x16, v2;
	[tilespmem:s31+$0x1A480] =	vst v14;
	v12 =	vld.idx.msk [tilespmem:v32+s3+$0x0], $0xffff  }
0x304: {  	v36 =	vadd.s32 $0x16, v4;
	[tilespmem:s26+$0x1A480] =	vst v16;
	v14 =	vld.idx.msk [tilespmem:v33+s3+$0x0], $0xffff  }
0x305: {  	v37 =	vadd.s32 $0x16, v7;
	v16 =	vld.idx.msk [tilespmem:v34+s3+$0x0], $0xffff  }
0x306: {  	v38 =	vadd.s32 $0x16, v9  }
0x307: {  	[tilespmem:s23+$0x19500] =	vst v10  }
0x308: {  	v10 =	vld.idx.msk [tilespmem:v35+s13+$0x0], $0xffff;
	[tilespmem:s30+$0x19500] =	vst v12  }
0x309: {  	v39 =	vadd.s32 $0x17, v3;
	[tilespmem:s31+$0x19500] =	vst v14;
	v12 =	vld.idx.msk [tilespmem:v36+s13+$0x0], $0xffff  }
0x30a: {  	v40 =	vadd.s32 $0x17, v5;
	[tilespmem:s26+$0x19500] =	vst v16;
	v14 =	vld.idx.msk [tilespmem:v37+s13+$0x0], $0xffff  }
0x30b: {  	v41 =	vadd.s32 $0x17, v6;
	v16 =	vld.idx.msk [tilespmem:v38+s13+$0x0], $0xffff  }
0x30c: {  	v42 =	vadd.s32 $0x17, v8  }
0x30d: {  	[tilespmem:s23+$0x1A500] =	vst v10  }
0x30e: {  	v10 =	vld.idx.msk [tilespmem:v39+s3+$0x0], $0xffff;
	[tilespmem:s30+$0x1A500] =	vst v12  }
0x30f: {  	v43 =	vadd.s32 $0x17, v2;
	[tilespmem:s31+$0x1A500] =	vst v14;
	v12 =	vld.idx.msk [tilespmem:v40+s3+$0x0], $0xffff  }
0x310: {  	v44 =	vadd.s32 $0x17, v4;
	[tilespmem:s26+$0x1A500] =	vst v16;
	v14 =	vld.idx.msk [tilespmem:v41+s3+$0x0], $0xffff  }
0x311: {  	v45 =	vadd.s32 $0x17, v7;
	v16 =	vld.idx.msk [tilespmem:v42+s3+$0x0], $0xffff  }
0x312: {  	v46 =	vadd.s32 $0x17, v9  }
0x313: {  	[tilespmem:s23+$0x19580] =	vst v10  }
0x314: {  	v10 =	vld.idx.msk [tilespmem:v43+s13+$0x0], $0xffff;
	[tilespmem:s30+$0x19580] =	vst v12  }
0x315: {  	v47 =	vadd.s32 $0x18, v3;
	[tilespmem:s31+$0x19580] =	vst v14;
	v12 =	vld.idx.msk [tilespmem:v44+s13+$0x0], $0xffff  }
0x316: {  	v48 =	vadd.s32 $0x18, v5;
	[tilespmem:s26+$0x19580] =	vst v16;
	v14 =	vld.idx.msk [tilespmem:v45+s13+$0x0], $0xffff  }
0x317: {  	v49 =	vadd.s32 $0x18, v6;
	v16 =	vld.idx.msk [tilespmem:v46+s13+$0x0], $0xffff  }
0x318: {  	v50 =	vadd.s32 $0x18, v8  }
0x319: {  	[tilespmem:s23+$0x1A580] =	vst v10  }
0x31a: {  	v10 =	vld.idx.msk [tilespmem:v47+s3+$0x0], $0xffff;
	[tilespmem:s30+$0x1A580] =	vst v12  }
0x31b: {  	v51 =	vadd.s32 $0x18, v2;
	[tilespmem:s31+$0x1A580] =	vst v14;
	v12 =	vld.idx.msk [tilespmem:v48+s3+$0x0], $0xffff  }
0x31c: {  	v52 =	vadd.s32 $0x18, v4;
	[tilespmem:s26+$0x1A580] =	vst v16;
	v14 =	vld.idx.msk [tilespmem:v49+s3+$0x0], $0xffff  }
0x31d: {  	v53 =	vadd.s32 $0x18, v7;
	v16 =	vld.idx.msk [tilespmem:v50+s3+$0x0], $0xffff  }
0x31e: {  	v54 =	vadd.s32 $0x18, v9  }
0x31f: {  	[tilespmem:s23+$0x19600] =	vst v10  }
0x320: {  	v10 =	vld.idx.msk [tilespmem:v51+s13+$0x0], $0xffff;
	[tilespmem:s30+$0x19600] =	vst v12  }
0x321: {  	v55 =	vadd.s32 $0x19, v3;
	[tilespmem:s31+$0x19600] =	vst v14;
	v12 =	vld.idx.msk [tilespmem:v52+s13+$0x0], $0xffff  }
0x322: {  	v56 =	vadd.s32 $0x19, v5;
	[tilespmem:s26+$0x19600] =	vst v16;
	v14 =	vld.idx.msk [tilespmem:v53+s13+$0x0], $0xffff  }
0x323: {  	v57 =	vadd.s32 $0x19, v6;
	v16 =	vld.idx.msk [tilespmem:v54+s13+$0x0], $0xffff  }
0x324: {  	v58 =	vadd.s32 $0x19, v8  }
0x325: {  	[tilespmem:s23+$0x1A600] =	vst v10  }
0x326: {  	v10 =	vld.idx.msk [tilespmem:v55+s3+$0x0], $0xffff;
	[tilespmem:s30+$0x1A600] =	vst v12  }
0x327: {  	v59 =	vadd.s32 $0x19, v2;
	[tilespmem:s31+$0x1A600] =	vst v14;
	v12 =	vld.idx.msk [tilespmem:v56+s3+$0x0], $0xffff  }
0x328: {  	v60 =	vadd.s32 $0x19, v4;
	[tilespmem:s26+$0x1A600] =	vst v16;
	v14 =	vld.idx.msk [tilespmem:v57+s3+$0x0], $0xffff  }
0x329: {  	v61 =	vadd.s32 $0x19, v7;
	v16 =	vld.idx.msk [tilespmem:v58+s3+$0x0], $0xffff  }
0x32a: {  	v62 =	vadd.s32 $0x19, v9  }
0x32b: {  	[tilespmem:s23+$0x19680] =	vst v10  }
0x32c: {  	v10 =	vld.idx.msk [tilespmem:v59+s13+$0x0], $0xffff;
	[tilespmem:s30+$0x19680] =	vst v12  }
0x32d: {  	v63 =	vadd.s32 $0x1A, v3;
	[tilespmem:s31+$0x19680] =	vst v14;
	v12 =	vld.idx.msk [tilespmem:v60+s13+$0x0], $0xffff  }
0x32e: {  	v20 =	vadd.s32 $0x1A, v5;
	[tilespmem:s26+$0x19680] =	vst v16;
	v14 =	vld.idx.msk [tilespmem:v61+s13+$0x0], $0xffff  }
0x32f: {  	v21 =	vadd.s32 $0x1A, v6;
	v16 =	vld.idx.msk [tilespmem:v62+s13+$0x0], $0xffff  }
0x330: {  	v22 =	vadd.s32 $0x1A, v8  }
0x331: {  	[tilespmem:s23+$0x1A680] =	vst v10  }
0x332: {  	v10 =	vld.idx.msk [tilespmem:v63+s3+$0x0], $0xffff;
	[tilespmem:s30+$0x1A680] =	vst v12  }
0x333: {  	v23 =	vadd.s32 $0x1A, v2;
	[tilespmem:s31+$0x1A680] =	vst v14;
	v12 =	vld.idx.msk [tilespmem:v20+s3+$0x0], $0xffff  }
0x334: {  	v24 =	vadd.s32 $0x1A, v4;
	[tilespmem:s26+$0x1A680] =	vst v16;
	v14 =	vld.idx.msk [tilespmem:v21+s3+$0x0], $0xffff  }
0x335: {  	v25 =	vadd.s32 $0x1A, v7;
	v16 =	vld.idx.msk [tilespmem:v22+s3+$0x0], $0xffff  }
0x336: {  	v26 =	vadd.s32 $0x1A, v9  }
0x337: {  	[tilespmem:s23+$0x19700] =	vst v10  }
0x338: {  	v10 =	vld.idx.msk [tilespmem:v23+s13+$0x0], $0xffff;
	[tilespmem:s30+$0x19700] =	vst v12  }
0x339: {  	v27 =	vadd.s32 $0x1B, v3;
	[tilespmem:s31+$0x19700] =	vst v14;
	v12 =	vld.idx.msk [tilespmem:v24+s13+$0x0], $0xffff  }
0x33a: {  	v28 =	vadd.s32 $0x1B, v5;
	[tilespmem:s26+$0x19700] =	vst v16;
	v14 =	vld.idx.msk [tilespmem:v25+s13+$0x0], $0xffff  }
0x33b: {  	v29 =	vadd.s32 $0x1B, v6;
	v16 =	vld.idx.msk [tilespmem:v26+s13+$0x0], $0xffff  }
0x33c: {  	v30 =	vadd.s32 $0x1B, v8  }
0x33d: {  	[tilespmem:s23+$0x1A700] =	vst v10  }
0x33e: {  	v10 =	vld.idx.msk [tilespmem:v27+s3+$0x0], $0xffff;
	[tilespmem:s30+$0x1A700] =	vst v12  }
0x33f: {  	v31 =	vadd.s32 $0x1B, v2;
	[tilespmem:s31+$0x1A700] =	vst v14;
	v12 =	vld.idx.msk [tilespmem:v28+s3+$0x0], $0xffff  }
0x340: {  	v32 =	vadd.s32 $0x1B, v4;
	[tilespmem:s26+$0x1A700] =	vst v16;
	v14 =	vld.idx.msk [tilespmem:v29+s3+$0x0], $0xffff  }
0x341: {  	v33 =	vadd.s32 $0x1B, v7;
	v16 =	vld.idx.msk [tilespmem:v30+s3+$0x0], $0xffff  }
0x342: {  	v34 =	vadd.s32 $0x1B, v9  }
0x343: {  	[tilespmem:s23+$0x19780] =	vst v10  }
0x344: {  	v10 =	vld.idx.msk [tilespmem:v31+s13+$0x0], $0xffff;
	[tilespmem:s30+$0x19780] =	vst v12  }
0x345: {  	v35 =	vadd.s32 $0x1C, v3;
	[tilespmem:s31+$0x19780] =	vst v14;
	v12 =	vld.idx.msk [tilespmem:v32+s13+$0x0], $0xffff  }
0x346: {  	v36 =	vadd.s32 $0x1C, v5;
	[tilespmem:s26+$0x19780] =	vst v16;
	v14 =	vld.idx.msk [tilespmem:v33+s13+$0x0], $0xffff  }
0x347: {  	v37 =	vadd.s32 $0x1C, v6;
	v16 =	vld.idx.msk [tilespmem:v34+s13+$0x0], $0xffff  }
0x348: {  	v38 =	vadd.s32 $0x1C, v8  }
0x349: {  	[tilespmem:s23+$0x1A780] =	vst v10  }
0x34a: {  	v10 =	vld.idx.msk [tilespmem:v35+s3+$0x0], $0xffff;
	[tilespmem:s30+$0x1A780] =	vst v12  }
0x34b: {  	v39 =	vadd.s32 $0x1C, v2;
	[tilespmem:s31+$0x1A780] =	vst v14;
	v12 =	vld.idx.msk [tilespmem:v36+s3+$0x0], $0xffff  }
0x34c: {  	v40 =	vadd.s32 $0x1C, v4;
	[tilespmem:s26+$0x1A780] =	vst v16;
	v14 =	vld.idx.msk [tilespmem:v37+s3+$0x0], $0xffff  }
0x34d: {  	v41 =	vadd.s32 $0x1C, v7;
	v16 =	vld.idx.msk [tilespmem:v38+s3+$0x0], $0xffff  }
0x34e: {  	v42 =	vadd.s32 $0x1C, v9  }
0x34f: {  	[tilespmem:s23+$0x19800] =	vst v10  }
0x350: {  	v10 =	vld.idx.msk [tilespmem:v39+s13+$0x0], $0xffff;
	[tilespmem:s30+$0x19800] =	vst v12  }
0x351: {  	v43 =	vadd.s32 $0x1D, v3;
	[tilespmem:s31+$0x19800] =	vst v14;
	v12 =	vld.idx.msk [tilespmem:v40+s13+$0x0], $0xffff  }
0x352: {  	v44 =	vadd.s32 $0x1D, v5;
	[tilespmem:s26+$0x19800] =	vst v16;
	v14 =	vld.idx.msk [tilespmem:v41+s13+$0x0], $0xffff  }
0x353: {  	v45 =	vadd.s32 $0x1D, v6;
	v16 =	vld.idx.msk [tilespmem:v42+s13+$0x0], $0xffff  }
0x354: {  	v46 =	vadd.s32 $0x1D, v8  }
0x355: {  	[tilespmem:s23+$0x1A800] =	vst v10  }
0x356: {  	v10 =	vld.idx.msk [tilespmem:v43+s3+$0x0], $0xffff;
	[tilespmem:s30+$0x1A800] =	vst v12  }
0x357: {  	v47 =	vadd.s32 $0x1D, v2;
	[tilespmem:s31+$0x1A800] =	vst v14;
	v12 =	vld.idx.msk [tilespmem:v44+s3+$0x0], $0xffff  }
0x358: {  	v48 =	vadd.s32 $0x1D, v4;
	[tilespmem:s26+$0x1A800] =	vst v16;
	v14 =	vld.idx.msk [tilespmem:v45+s3+$0x0], $0xffff  }
0x359: {  	v49 =	vadd.s32 $0x1D, v7;
	v16 =	vld.idx.msk [tilespmem:v46+s3+$0x0], $0xffff  }
0x35a: {  	v50 =	vadd.s32 $0x1D, v9  }
0x35b: {  	[tilespmem:s23+$0x19880] =	vst v10  }
0x35c: {  	v10 =	vld.idx.msk [tilespmem:v47+s13+$0x0], $0xffff;
	[tilespmem:s30+$0x19880] =	vst v12  }
0x35d: {  	v51 =	vadd.s32 $0x1E, v3;
	[tilespmem:s31+$0x19880] =	vst v14;
	v12 =	vld.idx.msk [tilespmem:v48+s13+$0x0], $0xffff  }
0x35e: {  	v52 =	vadd.s32 $0x1E, v5;
	[tilespmem:s26+$0x19880] =	vst v16;
	v14 =	vld.idx.msk [tilespmem:v49+s13+$0x0], $0xffff  }
0x35f: {  	v53 =	vadd.s32 $0x1E, v6;
	v16 =	vld.idx.msk [tilespmem:v50+s13+$0x0], $0xffff  }
0x360: {  	v54 =	vadd.s32 $0x1E, v8  }
0x361: {  	[tilespmem:s23+$0x1A880] =	vst v10  }
0x362: {  	v10 =	vld.idx.msk [tilespmem:v51+s3+$0x0], $0xffff;
	[tilespmem:s30+$0x1A880] =	vst v12  }
0x363: {  	v55 =	vadd.s32 $0x1E, v2;
	[tilespmem:s31+$0x1A880] =	vst v14;
	v12 =	vld.idx.msk [tilespmem:v52+s3+$0x0], $0xffff  }
0x364: {  	v56 =	vadd.s32 $0x1E, v4;
	[tilespmem:s26+$0x1A880] =	vst v16;
	v14 =	vld.idx.msk [tilespmem:v53+s3+$0x0], $0xffff  }
0x365: {  	v57 =	vadd.s32 $0x1E, v7;
	v16 =	vld.idx.msk [tilespmem:v54+s3+$0x0], $0xffff  }
0x366: {  	v58 =	vadd.s32 $0x1E, v9  }
0x367: {  	[tilespmem:s23+$0x19900] =	vst v10  }
0x368: {  	v10 =	vld.idx.msk [tilespmem:v55+s13+$0x0], $0xffff;
	[tilespmem:s30+$0x19900] =	vst v12  }
0x369: {  	v3 =	vadd.s32 $0x1F, v3;
	[tilespmem:s31+$0x19900] =	vst v14;
	v59 =	vld.idx.msk [tilespmem:v56+s13+$0x0], $0xffff  }
0x36a: {  	v5 =	vadd.s32 $0x1F, v5;
	[tilespmem:s26+$0x19900] =	vst v16;
	v60 =	vld.idx.msk [tilespmem:v57+s13+$0x0], $0xffff  }
0x36b: {  	v6 =	vadd.s32 $0x1F, v6;
	v61 =	vld.idx.msk [tilespmem:v58+s13+$0x0], $0xffff  }
0x36c: {  	v8 =	vadd.s32 $0x1F, v8  }
0x36d: {  	[tilespmem:s23+$0x1A900] =	vst v10  }
0x36e: {  	v3 =	vld.idx.msk [tilespmem:v3+s3+$0x0], $0xffff;
	[tilespmem:s30+$0x1A900] =	vst v59  }
0x36f: {  	v2 =	vadd.s32 $0x1F, v2;
	[tilespmem:s31+$0x1A900] =	vst v60;
	v5 =	vld.idx.msk [tilespmem:v5+s3+$0x0], $0xffff  }
0x370: {  	v4 =	vadd.s32 $0x1F, v4;
	[tilespmem:s26+$0x1A900] =	vst v61;
	v6 =	vld.idx.msk [tilespmem:v6+s3+$0x0], $0xffff  }
0x371: {  	v7 =	vadd.s32 $0x1F, v7;
	v8 =	vld.idx.msk [tilespmem:v8+s3+$0x0], $0xffff  }
0x372: {  	v9 =	vadd.s32 $0x1F, v9  }
0x373: {  	[tilespmem:s23+$0x19980] =	vst v3  }
0x374: {  	v2 =	vld.idx.msk [tilespmem:v2+s13+$0x0], $0xffff;
	[tilespmem:s30+$0x19980] =	vst v5  }
0x375: {  	[tilespmem:s31+$0x19980] =	vst v6;
	v3 =	vld.idx.msk [tilespmem:v4+s13+$0x0], $0xffff  }
0x376: {  	[tilespmem:s26+$0x19980] =	vst v8;
	v62 =	vld.idx.msk [tilespmem:v7+s13+$0x0], $0xffff  }
0x377: {  	p1 =	por p0, p0;
	v63 =	vld.idx.msk [tilespmem:v9+s13+$0x0], $0xffff  }
.Ltmp1:
0x378: {  	_ = 	snop;
	(pc) =	sbr.rel @p1 .LBB2_4-.Ltmp1, $4  }
0x379: {  	[tilespmem:s23+$0x1A980] =	vst v2  }
0x37a: {  	[tilespmem:s30+$0x1A980] =	vst v3  }
0x37b: {  	[tilespmem:s31+$0x1A980] =	vst v62  }
0x37c: {  	p0 =	por $0x0, $0x0;
	s24 =	simm.s32 $0x4;
	[tilespmem:s26+$0x1A980] =	vst v63  }
0x37d: {  	[hbm4b:s10+s16] =	stream.strided.scatter [tilespmem:s19], [sflag:$0x2], $0x2000, s17, s16, $0x38;
	[tilespmem:$0x1AA00] =	vst v63  }
0x37e: {  	s23 =	simm.s32 $0x0  }
.LBB2_6:
0x37f: {  	_ =	swait.ge [sflag:s20], $0x2000  }
0x380: {  	s24 =	sshll.u32 s23, $0x1;
	p0 =	por $0x1, $0x1;
	[sflag:s20] =	ssyncset.done $0x0  }
0x381: {  	s28 =	simm.s32 $0x0;
	s25 =	sadd.s32 $0x2, s24;
	[sflag:s20] =	ssyncadd.s32 $0xFFFFE000  }
.LBB2_7:
0x382: {  	s26 =	smul.u32 $0xC80, s28;
	_ =	sdelay $0x1  }
0x383: {  	s26 =	sadd.s32 s25, s26  }
0x384: {  	v2 =	vadd.s32 s26, v0;
	_ =	sdelay $0x4  }
0x385: {  	v3 =	vld.idx.msk [tilespmem:v2+s14+$0x0], $0xffff  }
0x386: {  	v2 =	vld.idx.msk [tilespmem:v2+s15+$0x0], $0xffff;
	_ =	sdelay $0x3  }
0x387: {  	v3 =	vmul.u32 $0x21, v3  }
0x388: {  	v2 =	vmul.f32 $2.550000000e+02, v2;
	_ =	sdelay $0x1  }
0x389: {  	v2 =	vtrunc.f32 v2  }
0x38a: {  	v2 =	vcvt.f32.s32 v2;
	_ =	sdelay $0x1  }
0x38b: {  	v2 =	vmul.u32 $0x21, v2;
	v4 =	vld.idx.msk [tilespmem:v3+s3+$0x0], $0xffff;
	_ =	sdelay $0x3  }
0x38c: {  	s26 =	sshll.u32 s28, $0x4  }
0x38d: {  	[tilespmem:s26+$0x16A00] =	vst v4  }
0x38e: {  	v4 =	vld.idx.msk [tilespmem:v2+s13+$0x0], $0xffff  }
0x38f: {  	v5 =	vadd.s32 $0x1, v3;
	_ =	sdelay $0x3  }
0x390: {  	[tilespmem:s26+$0x17A00] =	vst v4  }
0x391: {  	v4 =	vld.idx.msk [tilespmem:v5+s3+$0x0], $0xffff  }
0x392: {  	v37 =	vadd.s32 $0x1, v2;
	_ =	sdelay $0x3  }
0x393: {  	[tilespmem:s26+$0x16A80] =	vst v4  }
0x394: {  	v4 =	vld.idx.msk [tilespmem:v37+s13+$0x0], $0xffff  }
0x395: {  	v38 =	vadd.s32 $0x2, v3;
	_ =	sdelay $0x3  }
0x396: {  	[tilespmem:s26+$0x17A80] =	vst v4  }
0x397: {  	v4 =	vld.idx.msk [tilespmem:v38+s3+$0x0], $0xffff  }
0x398: {  	v39 =	vadd.s32 $0x2, v2;
	_ =	sdelay $0x3  }
0x399: {  	[tilespmem:s26+$0x16B00] =	vst v4  }
0x39a: {  	v4 =	vld.idx.msk [tilespmem:v39+s13+$0x0], $0xffff  }
0x39b: {  	v40 =	vadd.s32 $0x3, v3;
	_ =	sdelay $0x3  }
0x39c: {  	[tilespmem:s26+$0x17B00] =	vst v4  }
0x39d: {  	v4 =	vld.idx.msk [tilespmem:v40+s3+$0x0], $0xffff  }
0x39e: {  	v41 =	vadd.s32 $0x3, v2;
	_ =	sdelay $0x3  }
0x39f: {  	[tilespmem:s26+$0x16B80] =	vst v4  }
0x3a0: {  	v4 =	vld.idx.msk [tilespmem:v41+s13+$0x0], $0xffff  }
0x3a1: {  	v42 =	vadd.s32 $0x4, v3;
	_ =	sdelay $0x2  }
0x3a2: {  	s29 =	sor.u32 $0x1, s28  }
0x3a3: {  	s30 =	smul.u32 $0xC80, s29;
	[tilespmem:s26+$0x17B80] =	vst v4  }
0x3a4: {  	s31 =	sor.u32 $0x2, s28;
	v4 =	vld.idx.msk [tilespmem:v42+s3+$0x0], $0xffff  }
0x3a5: {  	s1 =	smul.u32 $0xC80, s31;
	s30 =	sadd.s32 s25, s30;
	v43 =	vadd.s32 $0x4, v2  }
0x3a6: {  	v6 =	vadd.s32 s30, v0;
	s30 =	sor.u32 $0x3, s28  }
0x3a7: {  	s1 =	sadd.s32 s25, s1;
	s28 =	smul.u32 $0xC80, s30  }
0x3a8: {  	v7 =	vadd.s32 s1, v0  }
0x3a9: {  	s1 =	sadd.s32 s25, s28;
	[tilespmem:s26+$0x16C00] =	vst v4  }
0x3aa: {  	v44 =	vadd.s32 s1, v0;
	v10 =	vld.idx.msk [tilespmem:v43+s13+$0x0], $0xffff  }
0x3ab: {  	v5 =	vld.idx.msk [tilespmem:v6+s14+$0x0], $0xffff  }
0x3ac: {  	v6 =	vld.idx.msk [tilespmem:v6+s15+$0x0], $0xffff  }
0x3ad: {  	v8 =	vld.idx.msk [tilespmem:v7+s14+$0x0], $0xffff  }
0x3ae: {  	v7 =	vld.idx.msk [tilespmem:v7+s15+$0x0], $0xffff  }
0x3af: {  	v9 =	vld.idx.msk [tilespmem:v44+s14+$0x0], $0xffff  }
0x3b0: {  	v4 =	vld.idx.msk [tilespmem:v44+s15+$0x0], $0xffff;
	_ =	sdelay $0x1  }
0x3b1: {  	v5 =	vmul.u32 $0x21, v5  }
0x3b2: {  	v11 =	vmul.f32 $2.550000000e+02, v6;
	v6 =	vmul.u32 $0x21, v8  }
0x3b3: {  	v7 =	vmul.f32 $2.550000000e+02, v7;
	v8 =	vmul.u32 $0x21, v9  }
0x3b4: {  	v4 =	vmul.f32 $2.550000000e+02, v4;
	v45 =	vtrunc.f32 v11  }
0x3b5: {  	v7 =	vtrunc.f32 v7;
	v9 =	vcvt.f32.s32 v45  }
0x3b6: {  	v46 =	vtrunc.f32 v4;
	v7 =	vcvt.f32.s32 v7  }
0x3b7: {  	v47 =	vcvt.f32.s32 v46;
	v4 =	vmul.u32 $0x21, v9;
	v12 =	vld.idx.msk [tilespmem:v5+s3+$0x0], $0xffff  }
0x3b8: {  	v7 =	vmul.u32 $0x21, v7;
	v48 =	vld.idx.msk [tilespmem:v6+s3+$0x0], $0xffff  }
0x3b9: {  	v9 =	vmul.u32 $0x21, v47;
	v13 =	vld.idx.msk [tilespmem:v8+s3+$0x0], $0xffff;
	_ =	sdelay $0x1  }
0x3ba: {  	s28 =	sshll.u32 s29, $0x4  }
0x3bb: {  	s31 =	sshll.u32 s31, $0x4;
	[tilespmem:s28+$0x16A00] =	vst v12  }
0x3bc: {  	s30 =	sshll.u32 s30, $0x4;
	[tilespmem:s31+$0x16A00] =	vst v48;
	v12 =	vld.idx.msk [tilespmem:v4+s13+$0x0], $0xffff  }
0x3bd: {  	v49 =	vadd.s32 $0x1, v5;
	[tilespmem:s30+$0x16A00] =	vst v13;
	v14 =	vld.idx.msk [tilespmem:v7+s13+$0x0], $0xffff  }
0x3be: {  	v50 =	vadd.s32 $0x1, v6;
	v15 =	vld.idx.msk [tilespmem:v9+s13+$0x0], $0xffff  }
0x3bf: {  	v16 =	vadd.s32 $0x1, v8;
	_ =	sdelay $0x1  }
0x3c0: {  	[tilespmem:s28+$0x17A00] =	vst v12  }
0x3c1: {  	[tilespmem:s31+$0x17A00] =	vst v14;
	v11 =	vld.idx.msk [tilespmem:v49+s3+$0x0], $0xffff  }
0x3c2: {  	v51 =	vadd.s32 $0x1, v4;
	[tilespmem:s30+$0x17A00] =	vst v15;
	v13 =	vld.idx.msk [tilespmem:v50+s3+$0x0], $0xffff  }
0x3c3: {  	v52 =	vadd.s32 $0x1, v7;
	v15 =	vld.idx.msk [tilespmem:v16+s3+$0x0], $0xffff  }
0x3c4: {  	v53 =	vadd.s32 $0x1, v9;
	_ =	sdelay $0x1  }
0x3c5: {  	[tilespmem:s28+$0x16A80] =	vst v11  }
0x3c6: {  	[tilespmem:s31+$0x16A80] =	vst v13;
	v11 =	vld.idx.msk [tilespmem:v51+s13+$0x0], $0xffff  }
0x3c7: {  	v54 =	vadd.s32 $0x2, v5;
	[tilespmem:s30+$0x16A80] =	vst v15;
	v13 =	vld.idx.msk [tilespmem:v52+s13+$0x0], $0xffff  }
0x3c8: {  	v55 =	vadd.s32 $0x2, v6;
	v15 =	vld.idx.msk [tilespmem:v53+s13+$0x0], $0xffff  }
0x3c9: {  	v56 =	vadd.s32 $0x2, v8;
	_ =	sdelay $0x1  }
0x3ca: {  	[tilespmem:s28+$0x17A80] =	vst v11  }
0x3cb: {  	[tilespmem:s31+$0x17A80] =	vst v13;
	v11 =	vld.idx.msk [tilespmem:v54+s3+$0x0], $0xffff  }
0x3cc: {  	v57 =	vadd.s32 $0x2, v4;
	[tilespmem:s30+$0x17A80] =	vst v15;
	v13 =	vld.idx.msk [tilespmem:v55+s3+$0x0], $0xffff  }
0x3cd: {  	v58 =	vadd.s32 $0x2, v7;
	v15 =	vld.idx.msk [tilespmem:v56+s3+$0x0], $0xffff  }
0x3ce: {  	v59 =	vadd.s32 $0x2, v9;
	_ =	sdelay $0x1  }
0x3cf: {  	[tilespmem:s28+$0x16B00] =	vst v11  }
0x3d0: {  	[tilespmem:s31+$0x16B00] =	vst v13;
	v11 =	vld.idx.msk [tilespmem:v57+s13+$0x0], $0xffff  }
0x3d1: {  	v60 =	vadd.s32 $0x3, v5;
	[tilespmem:s30+$0x16B00] =	vst v15;
	v13 =	vld.idx.msk [tilespmem:v58+s13+$0x0], $0xffff  }
0x3d2: {  	v61 =	vadd.s32 $0x3, v6;
	v15 =	vld.idx.msk [tilespmem:v59+s13+$0x0], $0xffff  }
0x3d3: {  	v62 =	vadd.s32 $0x3, v8;
	_ =	sdelay $0x1  }
0x3d4: {  	[tilespmem:s28+$0x17B00] =	vst v11  }
0x3d5: {  	[tilespmem:s31+$0x17B00] =	vst v13;
	v11 =	vld.idx.msk [tilespmem:v60+s3+$0x0], $0xffff  }
0x3d6: {  	v63 =	vadd.s32 $0x3, v4;
	[tilespmem:s30+$0x17B00] =	vst v15;
	v13 =	vld.idx.msk [tilespmem:v61+s3+$0x0], $0xffff  }
0x3d7: {  	v20 =	vadd.s32 $0x3, v7;
	v15 =	vld.idx.msk [tilespmem:v62+s3+$0x0], $0xffff  }
0x3d8: {  	v21 =	vadd.s32 $0x3, v9;
	_ =	sdelay $0x1  }
0x3d9: {  	[tilespmem:s28+$0x16B80] =	vst v11  }
0x3da: {  	[tilespmem:s31+$0x16B80] =	vst v13;
	v11 =	vld.idx.msk [tilespmem:v63+s13+$0x0], $0xffff  }
0x3db: {  	v22 =	vadd.s32 $0x4, v5;
	[tilespmem:s30+$0x16B80] =	vst v15;
	v13 =	vld.idx.msk [tilespmem:v20+s13+$0x0], $0xffff  }
0x3dc: {  	v23 =	vadd.s32 $0x4, v6;
	v15 =	vld.idx.msk [tilespmem:v21+s13+$0x0], $0xffff  }
0x3dd: {  	v24 =	vadd.s32 $0x4, v8;
	_ =	sdelay $0x1  }
0x3de: {  	[tilespmem:s28+$0x17B80] =	vst v11  }
0x3df: {  	[tilespmem:s31+$0x17B80] =	vst v13;
	v11 =	vld.idx.msk [tilespmem:v22+s3+$0x0], $0xffff  }
0x3e0: {  	v25 =	vadd.s32 $0x4, v4;
	[tilespmem:s30+$0x17B80] =	vst v15;
	v13 =	vld.idx.msk [tilespmem:v23+s3+$0x0], $0xffff  }
0x3e1: {  	v26 =	vadd.s32 $0x4, v7;
	v15 =	vld.idx.msk [tilespmem:v24+s3+$0x0], $0xffff  }
0x3e2: {  	v27 =	vadd.s32 $0x4, v9;
	_ =	sdelay $0x1  }
0x3e3: {  	[tilespmem:s28+$0x16C00] =	vst v11  }
0x3e4: {  	v28 =	vadd.s32 $0x5, v3;
	[tilespmem:s31+$0x16C00] =	vst v13;
	v12 =	vld.idx.msk [tilespmem:v25+s13+$0x0], $0xffff  }
0x3e5: {  	v29 =	vadd.s32 $0x5, v5;
	[tilespmem:s30+$0x16C00] =	vst v15;
	v14 =	vld.idx.msk [tilespmem:v26+s13+$0x0], $0xffff  }
0x3e6: {  	v30 =	vadd.s32 $0x5, v6;
	v16 =	vld.idx.msk [tilespmem:v27+s13+$0x0], $0xffff  }
0x3e7: {  	v17 =	vadd.s32 $0x5, v8  }
0x3e8: {  	[tilespmem:s26+$0x17C00] =	vst v10  }
0x3e9: {  	v10 =	vld.idx.msk [tilespmem:v28+s3+$0x0], $0xffff;
	[tilespmem:s28+$0x17C00] =	vst v12  }
0x3ea: {  	v31 =	vadd.s32 $0x5, v2;
	[tilespmem:s31+$0x17C00] =	vst v14;
	v12 =	vld.idx.msk [tilespmem:v29+s3+$0x0], $0xffff  }
0x3eb: {  	v32 =	vadd.s32 $0x5, v4;
	[tilespmem:s30+$0x17C00] =	vst v16;
	v14 =	vld.idx.msk [tilespmem:v30+s3+$0x0], $0xffff  }
0x3ec: {  	v33 =	vadd.s32 $0x5, v7;
	v16 =	vld.idx.msk [tilespmem:v17+s3+$0x0], $0xffff  }
0x3ed: {  	v34 =	vadd.s32 $0x5, v9  }
0x3ee: {  	[tilespmem:s26+$0x16C80] =	vst v10  }
0x3ef: {  	v10 =	vld.idx.msk [tilespmem:v31+s13+$0x0], $0xffff;
	[tilespmem:s28+$0x16C80] =	vst v12  }
0x3f0: {  	v35 =	vadd.s32 $0x6, v3;
	[tilespmem:s31+$0x16C80] =	vst v14;
	v12 =	vld.idx.msk [tilespmem:v32+s13+$0x0], $0xffff  }
0x3f1: {  	v36 =	vadd.s32 $0x6, v5;
	[tilespmem:s30+$0x16C80] =	vst v16;
	v14 =	vld.idx.msk [tilespmem:v33+s13+$0x0], $0xffff  }
0x3f2: {  	v37 =	vadd.s32 $0x6, v6;
	v16 =	vld.idx.msk [tilespmem:v34+s13+$0x0], $0xffff  }
0x3f3: {  	v38 =	vadd.s32 $0x6, v8  }
0x3f4: {  	[tilespmem:s26+$0x17C80] =	vst v10  }
0x3f5: {  	v10 =	vld.idx.msk [tilespmem:v35+s3+$0x0], $0xffff;
	[tilespmem:s28+$0x17C80] =	vst v12  }
0x3f6: {  	v39 =	vadd.s32 $0x6, v2;
	[tilespmem:s31+$0x17C80] =	vst v14;
	v12 =	vld.idx.msk [tilespmem:v36+s3+$0x0], $0xffff  }
0x3f7: {  	v40 =	vadd.s32 $0x6, v4;
	[tilespmem:s30+$0x17C80] =	vst v16;
	v14 =	vld.idx.msk [tilespmem:v37+s3+$0x0], $0xffff  }
0x3f8: {  	v41 =	vadd.s32 $0x6, v7;
	v16 =	vld.idx.msk [tilespmem:v38+s3+$0x0], $0xffff  }
0x3f9: {  	v42 =	vadd.s32 $0x6, v9  }
0x3fa: {  	[tilespmem:s26+$0x16D00] =	vst v10  }
0x3fb: {  	v10 =	vld.idx.msk [tilespmem:v39+s13+$0x0], $0xffff;
	[tilespmem:s28+$0x16D00] =	vst v12  }
0x3fc: {  	v43 =	vadd.s32 $0x7, v3;
	[tilespmem:s31+$0x16D00] =	vst v14;
	v12 =	vld.idx.msk [tilespmem:v40+s13+$0x0], $0xffff  }
0x3fd: {  	v44 =	vadd.s32 $0x7, v5;
	[tilespmem:s30+$0x16D00] =	vst v16;
	v14 =	vld.idx.msk [tilespmem:v41+s13+$0x0], $0xffff  }
0x3fe: {  	v45 =	vadd.s32 $0x7, v6;
	v16 =	vld.idx.msk [tilespmem:v42+s13+$0x0], $0xffff  }
0x3ff: {  	v46 =	vadd.s32 $0x7, v8  }
0x400: {  	[tilespmem:s26+$0x17D00] =	vst v10  }
0x401: {  	v10 =	vld.idx.msk [tilespmem:v43+s3+$0x0], $0xffff;
	[tilespmem:s28+$0x17D00] =	vst v12  }
0x402: {  	v47 =	vadd.s32 $0x7, v2;
	[tilespmem:s31+$0x17D00] =	vst v14;
	v12 =	vld.idx.msk [tilespmem:v44+s3+$0x0], $0xffff  }
0x403: {  	v48 =	vadd.s32 $0x7, v4;
	[tilespmem:s30+$0x17D00] =	vst v16;
	v14 =	vld.idx.msk [tilespmem:v45+s3+$0x0], $0xffff  }
0x404: {  	v49 =	vadd.s32 $0x7, v7;
	v16 =	vld.idx.msk [tilespmem:v46+s3+$0x0], $0xffff  }
0x405: {  	v50 =	vadd.s32 $0x7, v9  }
0x406: {  	[tilespmem:s26+$0x16D80] =	vst v10  }
0x407: {  	v10 =	vld.idx.msk [tilespmem:v47+s13+$0x0], $0xffff;
	[tilespmem:s28+$0x16D80] =	vst v12  }
0x408: {  	v51 =	vadd.s32 $0x8, v3;
	[tilespmem:s31+$0x16D80] =	vst v14;
	v12 =	vld.idx.msk [tilespmem:v48+s13+$0x0], $0xffff  }
0x409: {  	v52 =	vadd.s32 $0x8, v5;
	[tilespmem:s30+$0x16D80] =	vst v16;
	v14 =	vld.idx.msk [tilespmem:v49+s13+$0x0], $0xffff  }
0x40a: {  	v53 =	vadd.s32 $0x8, v6;
	v16 =	vld.idx.msk [tilespmem:v50+s13+$0x0], $0xffff  }
0x40b: {  	v54 =	vadd.s32 $0x8, v8  }
0x40c: {  	[tilespmem:s26+$0x17D80] =	vst v10  }
0x40d: {  	v10 =	vld.idx.msk [tilespmem:v51+s3+$0x0], $0xffff;
	[tilespmem:s28+$0x17D80] =	vst v12  }
0x40e: {  	v55 =	vadd.s32 $0x8, v2;
	[tilespmem:s31+$0x17D80] =	vst v14;
	v12 =	vld.idx.msk [tilespmem:v52+s3+$0x0], $0xffff  }
0x40f: {  	v56 =	vadd.s32 $0x8, v4;
	[tilespmem:s30+$0x17D80] =	vst v16;
	v14 =	vld.idx.msk [tilespmem:v53+s3+$0x0], $0xffff  }
0x410: {  	v57 =	vadd.s32 $0x8, v7;
	v16 =	vld.idx.msk [tilespmem:v54+s3+$0x0], $0xffff  }
0x411: {  	v58 =	vadd.s32 $0x8, v9  }
0x412: {  	[tilespmem:s26+$0x16E00] =	vst v10  }
0x413: {  	v10 =	vld.idx.msk [tilespmem:v55+s13+$0x0], $0xffff;
	[tilespmem:s28+$0x16E00] =	vst v12  }
0x414: {  	v59 =	vadd.s32 $0x9, v3;
	[tilespmem:s31+$0x16E00] =	vst v14;
	v12 =	vld.idx.msk [tilespmem:v56+s13+$0x0], $0xffff  }
0x415: {  	v60 =	vadd.s32 $0x9, v5;
	[tilespmem:s30+$0x16E00] =	vst v16;
	v14 =	vld.idx.msk [tilespmem:v57+s13+$0x0], $0xffff  }
0x416: {  	v61 =	vadd.s32 $0x9, v6;
	v16 =	vld.idx.msk [tilespmem:v58+s13+$0x0], $0xffff  }
0x417: {  	v62 =	vadd.s32 $0x9, v8  }
0x418: {  	[tilespmem:s26+$0x17E00] =	vst v10  }
0x419: {  	v10 =	vld.idx.msk [tilespmem:v59+s3+$0x0], $0xffff;
	[tilespmem:s28+$0x17E00] =	vst v12  }
0x41a: {  	v63 =	vadd.s32 $0x9, v2;
	[tilespmem:s31+$0x17E00] =	vst v14;
	v12 =	vld.idx.msk [tilespmem:v60+s3+$0x0], $0xffff  }
0x41b: {  	v20 =	vadd.s32 $0x9, v4;
	[tilespmem:s30+$0x17E00] =	vst v16;
	v14 =	vld.idx.msk [tilespmem:v61+s3+$0x0], $0xffff  }
0x41c: {  	v21 =	vadd.s32 $0x9, v7;
	v16 =	vld.idx.msk [tilespmem:v62+s3+$0x0], $0xffff  }
0x41d: {  	v22 =	vadd.s32 $0x9, v9  }
0x41e: {  	[tilespmem:s26+$0x16E80] =	vst v10  }
0x41f: {  	v10 =	vld.idx.msk [tilespmem:v63+s13+$0x0], $0xffff;
	[tilespmem:s28+$0x16E80] =	vst v12  }
0x420: {  	v23 =	vadd.s32 $0xA, v3;
	[tilespmem:s31+$0x16E80] =	vst v14;
	v12 =	vld.idx.msk [tilespmem:v20+s13+$0x0], $0xffff  }
0x421: {  	v24 =	vadd.s32 $0xA, v5;
	[tilespmem:s30+$0x16E80] =	vst v16;
	v14 =	vld.idx.msk [tilespmem:v21+s13+$0x0], $0xffff  }
0x422: {  	v25 =	vadd.s32 $0xA, v6;
	v16 =	vld.idx.msk [tilespmem:v22+s13+$0x0], $0xffff  }
0x423: {  	v26 =	vadd.s32 $0xA, v8  }
0x424: {  	[tilespmem:s26+$0x17E80] =	vst v10  }
0x425: {  	v10 =	vld.idx.msk [tilespmem:v23+s3+$0x0], $0xffff;
	[tilespmem:s28+$0x17E80] =	vst v12  }
0x426: {  	v27 =	vadd.s32 $0xA, v2;
	[tilespmem:s31+$0x17E80] =	vst v14;
	v12 =	vld.idx.msk [tilespmem:v24+s3+$0x0], $0xffff  }
0x427: {  	v28 =	vadd.s32 $0xA, v4;
	[tilespmem:s30+$0x17E80] =	vst v16;
	v14 =	vld.idx.msk [tilespmem:v25+s3+$0x0], $0xffff  }
0x428: {  	v29 =	vadd.s32 $0xA, v7;
	v16 =	vld.idx.msk [tilespmem:v26+s3+$0x0], $0xffff  }
0x429: {  	v30 =	vadd.s32 $0xA, v9  }
0x42a: {  	[tilespmem:s26+$0x16F00] =	vst v10  }
0x42b: {  	v10 =	vld.idx.msk [tilespmem:v27+s13+$0x0], $0xffff;
	[tilespmem:s28+$0x16F00] =	vst v12  }
0x42c: {  	v31 =	vadd.s32 $0xB, v3;
	[tilespmem:s31+$0x16F00] =	vst v14;
	v12 =	vld.idx.msk [tilespmem:v28+s13+$0x0], $0xffff  }
0x42d: {  	v32 =	vadd.s32 $0xB, v5;
	[tilespmem:s30+$0x16F00] =	vst v16;
	v14 =	vld.idx.msk [tilespmem:v29+s13+$0x0], $0xffff  }
0x42e: {  	v33 =	vadd.s32 $0xB, v6;
	v16 =	vld.idx.msk [tilespmem:v30+s13+$0x0], $0xffff  }
0x42f: {  	v34 =	vadd.s32 $0xB, v8  }
0x430: {  	[tilespmem:s26+$0x17F00] =	vst v10  }
0x431: {  	v10 =	vld.idx.msk [tilespmem:v31+s3+$0x0], $0xffff;
	[tilespmem:s28+$0x17F00] =	vst v12  }
0x432: {  	v35 =	vadd.s32 $0xB, v2;
	[tilespmem:s31+$0x17F00] =	vst v14;
	v12 =	vld.idx.msk [tilespmem:v32+s3+$0x0], $0xffff  }
0x433: {  	v36 =	vadd.s32 $0xB, v4;
	[tilespmem:s30+$0x17F00] =	vst v16;
	v14 =	vld.idx.msk [tilespmem:v33+s3+$0x0], $0xffff  }
0x434: {  	v37 =	vadd.s32 $0xB, v7;
	v16 =	vld.idx.msk [tilespmem:v34+s3+$0x0], $0xffff  }
0x435: {  	v38 =	vadd.s32 $0xB, v9  }
0x436: {  	[tilespmem:s26+$0x16F80] =	vst v10  }
0x437: {  	v10 =	vld.idx.msk [tilespmem:v35+s13+$0x0], $0xffff;
	[tilespmem:s28+$0x16F80] =	vst v12  }
0x438: {  	v39 =	vadd.s32 $0xC, v3;
	[tilespmem:s31+$0x16F80] =	vst v14;
	v12 =	vld.idx.msk [tilespmem:v36+s13+$0x0], $0xffff  }
0x439: {  	v40 =	vadd.s32 $0xC, v5;
	[tilespmem:s30+$0x16F80] =	vst v16;
	v14 =	vld.idx.msk [tilespmem:v37+s13+$0x0], $0xffff  }
0x43a: {  	v41 =	vadd.s32 $0xC, v6;
	v16 =	vld.idx.msk [tilespmem:v38+s13+$0x0], $0xffff  }
0x43b: {  	v42 =	vadd.s32 $0xC, v8  }
0x43c: {  	[tilespmem:s26+$0x17F80] =	vst v10  }
0x43d: {  	v10 =	vld.idx.msk [tilespmem:v39+s3+$0x0], $0xffff;
	[tilespmem:s28+$0x17F80] =	vst v12  }
0x43e: {  	v43 =	vadd.s32 $0xC, v2;
	[tilespmem:s31+$0x17F80] =	vst v14;
	v12 =	vld.idx.msk [tilespmem:v40+s3+$0x0], $0xffff  }
0x43f: {  	v44 =	vadd.s32 $0xC, v4;
	[tilespmem:s30+$0x17F80] =	vst v16;
	v14 =	vld.idx.msk [tilespmem:v41+s3+$0x0], $0xffff  }
0x440: {  	v45 =	vadd.s32 $0xC, v7;
	v16 =	vld.idx.msk [tilespmem:v42+s3+$0x0], $0xffff  }
0x441: {  	v46 =	vadd.s32 $0xC, v9  }
0x442: {  	[tilespmem:s26+$0x17000] =	vst v10  }
0x443: {  	v10 =	vld.idx.msk [tilespmem:v43+s13+$0x0], $0xffff;
	[tilespmem:s28+$0x17000] =	vst v12  }
0x444: {  	v47 =	vadd.s32 $0xD, v3;
	[tilespmem:s31+$0x17000] =	vst v14;
	v12 =	vld.idx.msk [tilespmem:v44+s13+$0x0], $0xffff  }
0x445: {  	v48 =	vadd.s32 $0xD, v5;
	[tilespmem:s30+$0x17000] =	vst v16;
	v14 =	vld.idx.msk [tilespmem:v45+s13+$0x0], $0xffff  }
0x446: {  	v49 =	vadd.s32 $0xD, v6;
	v16 =	vld.idx.msk [tilespmem:v46+s13+$0x0], $0xffff  }
0x447: {  	v50 =	vadd.s32 $0xD, v8  }
0x448: {  	[tilespmem:s26+$0x18000] =	vst v10  }
0x449: {  	v10 =	vld.idx.msk [tilespmem:v47+s3+$0x0], $0xffff;
	[tilespmem:s28+$0x18000] =	vst v12  }
0x44a: {  	v51 =	vadd.s32 $0xD, v2;
	[tilespmem:s31+$0x18000] =	vst v14;
	v12 =	vld.idx.msk [tilespmem:v48+s3+$0x0], $0xffff  }
0x44b: {  	v52 =	vadd.s32 $0xD, v4;
	[tilespmem:s30+$0x18000] =	vst v16;
	v14 =	vld.idx.msk [tilespmem:v49+s3+$0x0], $0xffff  }
0x44c: {  	v53 =	vadd.s32 $0xD, v7;
	v16 =	vld.idx.msk [tilespmem:v50+s3+$0x0], $0xffff  }
0x44d: {  	v54 =	vadd.s32 $0xD, v9  }
0x44e: {  	[tilespmem:s26+$0x17080] =	vst v10  }
0x44f: {  	v10 =	vld.idx.msk [tilespmem:v51+s13+$0x0], $0xffff;
	[tilespmem:s28+$0x17080] =	vst v12  }
0x450: {  	v55 =	vadd.s32 $0xE, v3;
	[tilespmem:s31+$0x17080] =	vst v14;
	v12 =	vld.idx.msk [tilespmem:v52+s13+$0x0], $0xffff  }
0x451: {  	v56 =	vadd.s32 $0xE, v5;
	[tilespmem:s30+$0x17080] =	vst v16;
	v14 =	vld.idx.msk [tilespmem:v53+s13+$0x0], $0xffff  }
0x452: {  	v57 =	vadd.s32 $0xE, v6;
	v16 =	vld.idx.msk [tilespmem:v54+s13+$0x0], $0xffff  }
0x453: {  	v58 =	vadd.s32 $0xE, v8  }
0x454: {  	[tilespmem:s26+$0x18080] =	vst v10  }
0x455: {  	v10 =	vld.idx.msk [tilespmem:v55+s3+$0x0], $0xffff;
	[tilespmem:s28+$0x18080] =	vst v12  }
0x456: {  	v59 =	vadd.s32 $0xE, v2;
	[tilespmem:s31+$0x18080] =	vst v14;
	v12 =	vld.idx.msk [tilespmem:v56+s3+$0x0], $0xffff  }
0x457: {  	v60 =	vadd.s32 $0xE, v4;
	[tilespmem:s30+$0x18080] =	vst v16;
	v14 =	vld.idx.msk [tilespmem:v57+s3+$0x0], $0xffff  }
0x458: {  	v61 =	vadd.s32 $0xE, v7;
	v16 =	vld.idx.msk [tilespmem:v58+s3+$0x0], $0xffff  }
0x459: {  	v62 =	vadd.s32 $0xE, v9  }
0x45a: {  	[tilespmem:s26+$0x17100] =	vst v10  }
0x45b: {  	v10 =	vld.idx.msk [tilespmem:v59+s13+$0x0], $0xffff;
	[tilespmem:s28+$0x17100] =	vst v12  }
0x45c: {  	v63 =	vadd.s32 $0xF, v3;
	[tilespmem:s31+$0x17100] =	vst v14;
	v12 =	vld.idx.msk [tilespmem:v60+s13+$0x0], $0xffff  }
0x45d: {  	v20 =	vadd.s32 $0xF, v5;
	[tilespmem:s30+$0x17100] =	vst v16;
	v14 =	vld.idx.msk [tilespmem:v61+s13+$0x0], $0xffff  }
0x45e: {  	v21 =	vadd.s32 $0xF, v6;
	v16 =	vld.idx.msk [tilespmem:v62+s13+$0x0], $0xffff  }
0x45f: {  	v22 =	vadd.s32 $0xF, v8  }
0x460: {  	[tilespmem:s26+$0x18100] =	vst v10  }
0x461: {  	v10 =	vld.idx.msk [tilespmem:v63+s3+$0x0], $0xffff;
	[tilespmem:s28+$0x18100] =	vst v12  }
0x462: {  	v23 =	vadd.s32 $0xF, v2;
	[tilespmem:s31+$0x18100] =	vst v14;
	v12 =	vld.idx.msk [tilespmem:v20+s3+$0x0], $0xffff  }
0x463: {  	v24 =	vadd.s32 $0xF, v4;
	[tilespmem:s30+$0x18100] =	vst v16;
	v14 =	vld.idx.msk [tilespmem:v21+s3+$0x0], $0xffff  }
0x464: {  	v25 =	vadd.s32 $0xF, v7;
	v16 =	vld.idx.msk [tilespmem:v22+s3+$0x0], $0xffff  }
0x465: {  	v26 =	vadd.s32 $0xF, v9  }
0x466: {  	[tilespmem:s26+$0x17180] =	vst v10  }
0x467: {  	v10 =	vld.idx.msk [tilespmem:v23+s13+$0x0], $0xffff;
	[tilespmem:s28+$0x17180] =	vst v12  }
0x468: {  	v27 =	vadd.s32 $0x10, v3;
	[tilespmem:s31+$0x17180] =	vst v14;
	v12 =	vld.idx.msk [tilespmem:v24+s13+$0x0], $0xffff  }
0x469: {  	v28 =	vadd.s32 $0x10, v5;
	[tilespmem:s30+$0x17180] =	vst v16;
	v14 =	vld.idx.msk [tilespmem:v25+s13+$0x0], $0xffff  }
0x46a: {  	v29 =	vadd.s32 $0x10, v6;
	v16 =	vld.idx.msk [tilespmem:v26+s13+$0x0], $0xffff  }
0x46b: {  	v30 =	vadd.s32 $0x10, v8  }
0x46c: {  	[tilespmem:s26+$0x18180] =	vst v10  }
0x46d: {  	v10 =	vld.idx.msk [tilespmem:v27+s3+$0x0], $0xffff;
	[tilespmem:s28+$0x18180] =	vst v12  }
0x46e: {  	v31 =	vadd.s32 $0x10, v2;
	[tilespmem:s31+$0x18180] =	vst v14;
	v12 =	vld.idx.msk [tilespmem:v28+s3+$0x0], $0xffff  }
0x46f: {  	v32 =	vadd.s32 $0x10, v4;
	[tilespmem:s30+$0x18180] =	vst v16;
	v14 =	vld.idx.msk [tilespmem:v29+s3+$0x0], $0xffff  }
0x470: {  	v33 =	vadd.s32 $0x10, v7;
	v16 =	vld.idx.msk [tilespmem:v30+s3+$0x0], $0xffff  }
0x471: {  	v34 =	vadd.s32 $0x10, v9  }
0x472: {  	[tilespmem:s26+$0x17200] =	vst v10  }
0x473: {  	v10 =	vld.idx.msk [tilespmem:v31+s13+$0x0], $0xffff;
	[tilespmem:s28+$0x17200] =	vst v12  }
0x474: {  	v35 =	vadd.s32 $0x11, v3;
	[tilespmem:s31+$0x17200] =	vst v14;
	v12 =	vld.idx.msk [tilespmem:v32+s13+$0x0], $0xffff  }
0x475: {  	v36 =	vadd.s32 $0x11, v5;
	[tilespmem:s30+$0x17200] =	vst v16;
	v14 =	vld.idx.msk [tilespmem:v33+s13+$0x0], $0xffff  }
0x476: {  	v37 =	vadd.s32 $0x11, v6;
	v16 =	vld.idx.msk [tilespmem:v34+s13+$0x0], $0xffff  }
0x477: {  	v38 =	vadd.s32 $0x11, v8  }
0x478: {  	[tilespmem:s26+$0x18200] =	vst v10  }
0x479: {  	v10 =	vld.idx.msk [tilespmem:v35+s3+$0x0], $0xffff;
	[tilespmem:s28+$0x18200] =	vst v12  }
0x47a: {  	v39 =	vadd.s32 $0x11, v2;
	[tilespmem:s31+$0x18200] =	vst v14;
	v12 =	vld.idx.msk [tilespmem:v36+s3+$0x0], $0xffff  }
0x47b: {  	v40 =	vadd.s32 $0x11, v4;
	[tilespmem:s30+$0x18200] =	vst v16;
	v14 =	vld.idx.msk [tilespmem:v37+s3+$0x0], $0xffff  }
0x47c: {  	v41 =	vadd.s32 $0x11, v7;
	v16 =	vld.idx.msk [tilespmem:v38+s3+$0x0], $0xffff  }
0x47d: {  	v42 =	vadd.s32 $0x11, v9  }
0x47e: {  	[tilespmem:s26+$0x17280] =	vst v10  }
0x47f: {  	v10 =	vld.idx.msk [tilespmem:v39+s13+$0x0], $0xffff;
	[tilespmem:s28+$0x17280] =	vst v12  }
0x480: {  	v43 =	vadd.s32 $0x12, v3;
	[tilespmem:s31+$0x17280] =	vst v14;
	v12 =	vld.idx.msk [tilespmem:v40+s13+$0x0], $0xffff  }
0x481: {  	v44 =	vadd.s32 $0x12, v5;
	[tilespmem:s30+$0x17280] =	vst v16;
	v14 =	vld.idx.msk [tilespmem:v41+s13+$0x0], $0xffff  }
0x482: {  	v45 =	vadd.s32 $0x12, v6;
	v16 =	vld.idx.msk [tilespmem:v42+s13+$0x0], $0xffff  }
0x483: {  	v46 =	vadd.s32 $0x12, v8  }
0x484: {  	[tilespmem:s26+$0x18280] =	vst v10  }
0x485: {  	v10 =	vld.idx.msk [tilespmem:v43+s3+$0x0], $0xffff;
	[tilespmem:s28+$0x18280] =	vst v12  }
0x486: {  	v47 =	vadd.s32 $0x12, v2;
	[tilespmem:s31+$0x18280] =	vst v14;
	v12 =	vld.idx.msk [tilespmem:v44+s3+$0x0], $0xffff  }
0x487: {  	v48 =	vadd.s32 $0x12, v4;
	[tilespmem:s30+$0x18280] =	vst v16;
	v14 =	vld.idx.msk [tilespmem:v45+s3+$0x0], $0xffff  }
0x488: {  	v49 =	vadd.s32 $0x12, v7;
	v16 =	vld.idx.msk [tilespmem:v46+s3+$0x0], $0xffff  }
0x489: {  	v50 =	vadd.s32 $0x12, v9  }
0x48a: {  	[tilespmem:s26+$0x17300] =	vst v10  }
0x48b: {  	v10 =	vld.idx.msk [tilespmem:v47+s13+$0x0], $0xffff;
	[tilespmem:s28+$0x17300] =	vst v12  }
0x48c: {  	v51 =	vadd.s32 $0x13, v3;
	[tilespmem:s31+$0x17300] =	vst v14;
	v12 =	vld.idx.msk [tilespmem:v48+s13+$0x0], $0xffff  }
0x48d: {  	v52 =	vadd.s32 $0x13, v5;
	[tilespmem:s30+$0x17300] =	vst v16;
	v14 =	vld.idx.msk [tilespmem:v49+s13+$0x0], $0xffff  }
0x48e: {  	v53 =	vadd.s32 $0x13, v6;
	v16 =	vld.idx.msk [tilespmem:v50+s13+$0x0], $0xffff  }
0x48f: {  	v54 =	vadd.s32 $0x13, v8  }
0x490: {  	[tilespmem:s26+$0x18300] =	vst v10  }
0x491: {  	v10 =	vld.idx.msk [tilespmem:v51+s3+$0x0], $0xffff;
	[tilespmem:s28+$0x18300] =	vst v12  }
0x492: {  	v55 =	vadd.s32 $0x13, v2;
	[tilespmem:s31+$0x18300] =	vst v14;
	v12 =	vld.idx.msk [tilespmem:v52+s3+$0x0], $0xffff  }
0x493: {  	v56 =	vadd.s32 $0x13, v4;
	[tilespmem:s30+$0x18300] =	vst v16;
	v14 =	vld.idx.msk [tilespmem:v53+s3+$0x0], $0xffff  }
0x494: {  	v57 =	vadd.s32 $0x13, v7;
	v16 =	vld.idx.msk [tilespmem:v54+s3+$0x0], $0xffff  }
0x495: {  	v58 =	vadd.s32 $0x13, v9  }
0x496: {  	[tilespmem:s26+$0x17380] =	vst v10  }
0x497: {  	v10 =	vld.idx.msk [tilespmem:v55+s13+$0x0], $0xffff;
	[tilespmem:s28+$0x17380] =	vst v12  }
0x498: {  	v59 =	vadd.s32 $0x14, v3;
	[tilespmem:s31+$0x17380] =	vst v14;
	v12 =	vld.idx.msk [tilespmem:v56+s13+$0x0], $0xffff  }
0x499: {  	v60 =	vadd.s32 $0x14, v5;
	[tilespmem:s30+$0x17380] =	vst v16;
	v14 =	vld.idx.msk [tilespmem:v57+s13+$0x0], $0xffff  }
0x49a: {  	v61 =	vadd.s32 $0x14, v6;
	v16 =	vld.idx.msk [tilespmem:v58+s13+$0x0], $0xffff  }
0x49b: {  	v62 =	vadd.s32 $0x14, v8  }
0x49c: {  	[tilespmem:s26+$0x18380] =	vst v10  }
0x49d: {  	v10 =	vld.idx.msk [tilespmem:v59+s3+$0x0], $0xffff;
	[tilespmem:s28+$0x18380] =	vst v12  }
0x49e: {  	v63 =	vadd.s32 $0x14, v2;
	[tilespmem:s31+$0x18380] =	vst v14;
	v12 =	vld.idx.msk [tilespmem:v60+s3+$0x0], $0xffff  }
0x49f: {  	v20 =	vadd.s32 $0x14, v4;
	[tilespmem:s30+$0x18380] =	vst v16;
	v14 =	vld.idx.msk [tilespmem:v61+s3+$0x0], $0xffff  }
0x4a0: {  	v21 =	vadd.s32 $0x14, v7;
	v16 =	vld.idx.msk [tilespmem:v62+s3+$0x0], $0xffff  }
0x4a1: {  	v22 =	vadd.s32 $0x14, v9  }
0x4a2: {  	[tilespmem:s26+$0x17400] =	vst v10  }
0x4a3: {  	v10 =	vld.idx.msk [tilespmem:v63+s13+$0x0], $0xffff;
	[tilespmem:s28+$0x17400] =	vst v12  }
0x4a4: {  	v23 =	vadd.s32 $0x15, v3;
	[tilespmem:s31+$0x17400] =	vst v14;
	v12 =	vld.idx.msk [tilespmem:v20+s13+$0x0], $0xffff  }
0x4a5: {  	v24 =	vadd.s32 $0x15, v5;
	[tilespmem:s30+$0x17400] =	vst v16;
	v14 =	vld.idx.msk [tilespmem:v21+s13+$0x0], $0xffff  }
0x4a6: {  	v25 =	vadd.s32 $0x15, v6;
	v16 =	vld.idx.msk [tilespmem:v22+s13+$0x0], $0xffff  }
0x4a7: {  	v26 =	vadd.s32 $0x15, v8  }
0x4a8: {  	[tilespmem:s26+$0x18400] =	vst v10  }
0x4a9: {  	v10 =	vld.idx.msk [tilespmem:v23+s3+$0x0], $0xffff;
	[tilespmem:s28+$0x18400] =	vst v12  }
0x4aa: {  	v27 =	vadd.s32 $0x15, v2;
	[tilespmem:s31+$0x18400] =	vst v14;
	v12 =	vld.idx.msk [tilespmem:v24+s3+$0x0], $0xffff  }
0x4ab: {  	v28 =	vadd.s32 $0x15, v4;
	[tilespmem:s30+$0x18400] =	vst v16;
	v14 =	vld.idx.msk [tilespmem:v25+s3+$0x0], $0xffff  }
0x4ac: {  	v29 =	vadd.s32 $0x15, v7;
	v16 =	vld.idx.msk [tilespmem:v26+s3+$0x0], $0xffff  }
0x4ad: {  	v30 =	vadd.s32 $0x15, v9  }
0x4ae: {  	[tilespmem:s26+$0x17480] =	vst v10  }
0x4af: {  	v10 =	vld.idx.msk [tilespmem:v27+s13+$0x0], $0xffff;
	[tilespmem:s28+$0x17480] =	vst v12  }
0x4b0: {  	v31 =	vadd.s32 $0x16, v3;
	[tilespmem:s31+$0x17480] =	vst v14;
	v12 =	vld.idx.msk [tilespmem:v28+s13+$0x0], $0xffff  }
0x4b1: {  	v32 =	vadd.s32 $0x16, v5;
	[tilespmem:s30+$0x17480] =	vst v16;
	v14 =	vld.idx.msk [tilespmem:v29+s13+$0x0], $0xffff  }
0x4b2: {  	v33 =	vadd.s32 $0x16, v6;
	v16 =	vld.idx.msk [tilespmem:v30+s13+$0x0], $0xffff  }
0x4b3: {  	v34 =	vadd.s32 $0x16, v8  }
0x4b4: {  	[tilespmem:s26+$0x18480] =	vst v10  }
0x4b5: {  	v10 =	vld.idx.msk [tilespmem:v31+s3+$0x0], $0xffff;
	[tilespmem:s28+$0x18480] =	vst v12  }
0x4b6: {  	v35 =	vadd.s32 $0x16, v2;
	[tilespmem:s31+$0x18480] =	vst v14;
	v12 =	vld.idx.msk [tilespmem:v32+s3+$0x0], $0xffff  }
0x4b7: {  	v36 =	vadd.s32 $0x16, v4;
	[tilespmem:s30+$0x18480] =	vst v16;
	v14 =	vld.idx.msk [tilespmem:v33+s3+$0x0], $0xffff  }
0x4b8: {  	v37 =	vadd.s32 $0x16, v7;
	v16 =	vld.idx.msk [tilespmem:v34+s3+$0x0], $0xffff  }
0x4b9: {  	v38 =	vadd.s32 $0x16, v9  }
0x4ba: {  	[tilespmem:s26+$0x17500] =	vst v10  }
0x4bb: {  	v10 =	vld.idx.msk [tilespmem:v35+s13+$0x0], $0xffff;
	[tilespmem:s28+$0x17500] =	vst v12  }
0x4bc: {  	v39 =	vadd.s32 $0x17, v3;
	[tilespmem:s31+$0x17500] =	vst v14;
	v12 =	vld.idx.msk [tilespmem:v36+s13+$0x0], $0xffff  }
0x4bd: {  	v40 =	vadd.s32 $0x17, v5;
	[tilespmem:s30+$0x17500] =	vst v16;
	v14 =	vld.idx.msk [tilespmem:v37+s13+$0x0], $0xffff  }
0x4be: {  	v41 =	vadd.s32 $0x17, v6;
	v16 =	vld.idx.msk [tilespmem:v38+s13+$0x0], $0xffff  }
0x4bf: {  	v42 =	vadd.s32 $0x17, v8  }
0x4c0: {  	[tilespmem:s26+$0x18500] =	vst v10  }
0x4c1: {  	v10 =	vld.idx.msk [tilespmem:v39+s3+$0x0], $0xffff;
	[tilespmem:s28+$0x18500] =	vst v12  }
0x4c2: {  	v43 =	vadd.s32 $0x17, v2;
	[tilespmem:s31+$0x18500] =	vst v14;
	v12 =	vld.idx.msk [tilespmem:v40+s3+$0x0], $0xffff  }
0x4c3: {  	v44 =	vadd.s32 $0x17, v4;
	[tilespmem:s30+$0x18500] =	vst v16;
	v14 =	vld.idx.msk [tilespmem:v41+s3+$0x0], $0xffff  }
0x4c4: {  	v45 =	vadd.s32 $0x17, v7;
	v16 =	vld.idx.msk [tilespmem:v42+s3+$0x0], $0xffff  }
0x4c5: {  	v46 =	vadd.s32 $0x17, v9  }
0x4c6: {  	[tilespmem:s26+$0x17580] =	vst v10  }
0x4c7: {  	v10 =	vld.idx.msk [tilespmem:v43+s13+$0x0], $0xffff;
	[tilespmem:s28+$0x17580] =	vst v12  }
0x4c8: {  	v47 =	vadd.s32 $0x18, v3;
	[tilespmem:s31+$0x17580] =	vst v14;
	v12 =	vld.idx.msk [tilespmem:v44+s13+$0x0], $0xffff  }
0x4c9: {  	v48 =	vadd.s32 $0x18, v5;
	[tilespmem:s30+$0x17580] =	vst v16;
	v14 =	vld.idx.msk [tilespmem:v45+s13+$0x0], $0xffff  }
0x4ca: {  	v49 =	vadd.s32 $0x18, v6;
	v16 =	vld.idx.msk [tilespmem:v46+s13+$0x0], $0xffff  }
0x4cb: {  	v50 =	vadd.s32 $0x18, v8  }
0x4cc: {  	[tilespmem:s26+$0x18580] =	vst v10  }
0x4cd: {  	v10 =	vld.idx.msk [tilespmem:v47+s3+$0x0], $0xffff;
	[tilespmem:s28+$0x18580] =	vst v12  }
0x4ce: {  	v51 =	vadd.s32 $0x18, v2;
	[tilespmem:s31+$0x18580] =	vst v14;
	v12 =	vld.idx.msk [tilespmem:v48+s3+$0x0], $0xffff  }
0x4cf: {  	v52 =	vadd.s32 $0x18, v4;
	[tilespmem:s30+$0x18580] =	vst v16;
	v14 =	vld.idx.msk [tilespmem:v49+s3+$0x0], $0xffff  }
0x4d0: {  	v53 =	vadd.s32 $0x18, v7;
	v16 =	vld.idx.msk [tilespmem:v50+s3+$0x0], $0xffff  }
0x4d1: {  	v54 =	vadd.s32 $0x18, v9  }
0x4d2: {  	[tilespmem:s26+$0x17600] =	vst v10  }
0x4d3: {  	v10 =	vld.idx.msk [tilespmem:v51+s13+$0x0], $0xffff;
	[tilespmem:s28+$0x17600] =	vst v12  }
0x4d4: {  	v55 =	vadd.s32 $0x19, v3;
	[tilespmem:s31+$0x17600] =	vst v14;
	v12 =	vld.idx.msk [tilespmem:v52+s13+$0x0], $0xffff  }
0x4d5: {  	v56 =	vadd.s32 $0x19, v5;
	[tilespmem:s30+$0x17600] =	vst v16;
	v14 =	vld.idx.msk [tilespmem:v53+s13+$0x0], $0xffff  }
0x4d6: {  	v57 =	vadd.s32 $0x19, v6;
	v16 =	vld.idx.msk [tilespmem:v54+s13+$0x0], $0xffff  }
0x4d7: {  	v58 =	vadd.s32 $0x19, v8  }
0x4d8: {  	[tilespmem:s26+$0x18600] =	vst v10  }
0x4d9: {  	v10 =	vld.idx.msk [tilespmem:v55+s3+$0x0], $0xffff;
	[tilespmem:s28+$0x18600] =	vst v12  }
0x4da: {  	v59 =	vadd.s32 $0x19, v2;
	[tilespmem:s31+$0x18600] =	vst v14;
	v12 =	vld.idx.msk [tilespmem:v56+s3+$0x0], $0xffff  }
0x4db: {  	v60 =	vadd.s32 $0x19, v4;
	[tilespmem:s30+$0x18600] =	vst v16;
	v14 =	vld.idx.msk [tilespmem:v57+s3+$0x0], $0xffff  }
0x4dc: {  	v61 =	vadd.s32 $0x19, v7;
	v16 =	vld.idx.msk [tilespmem:v58+s3+$0x0], $0xffff  }
0x4dd: {  	v62 =	vadd.s32 $0x19, v9  }
0x4de: {  	[tilespmem:s26+$0x17680] =	vst v10  }
0x4df: {  	v10 =	vld.idx.msk [tilespmem:v59+s13+$0x0], $0xffff;
	[tilespmem:s28+$0x17680] =	vst v12  }
0x4e0: {  	v63 =	vadd.s32 $0x1A, v3;
	[tilespmem:s31+$0x17680] =	vst v14;
	v12 =	vld.idx.msk [tilespmem:v60+s13+$0x0], $0xffff  }
0x4e1: {  	v20 =	vadd.s32 $0x1A, v5;
	[tilespmem:s30+$0x17680] =	vst v16;
	v14 =	vld.idx.msk [tilespmem:v61+s13+$0x0], $0xffff  }
0x4e2: {  	v21 =	vadd.s32 $0x1A, v6;
	v16 =	vld.idx.msk [tilespmem:v62+s13+$0x0], $0xffff  }
0x4e3: {  	v22 =	vadd.s32 $0x1A, v8  }
0x4e4: {  	[tilespmem:s26+$0x18680] =	vst v10  }
0x4e5: {  	v10 =	vld.idx.msk [tilespmem:v63+s3+$0x0], $0xffff;
	[tilespmem:s28+$0x18680] =	vst v12  }
0x4e6: {  	v23 =	vadd.s32 $0x1A, v2;
	[tilespmem:s31+$0x18680] =	vst v14;
	v12 =	vld.idx.msk [tilespmem:v20+s3+$0x0], $0xffff  }
0x4e7: {  	v24 =	vadd.s32 $0x1A, v4;
	[tilespmem:s30+$0x18680] =	vst v16;
	v14 =	vld.idx.msk [tilespmem:v21+s3+$0x0], $0xffff  }
0x4e8: {  	v25 =	vadd.s32 $0x1A, v7;
	v16 =	vld.idx.msk [tilespmem:v22+s3+$0x0], $0xffff  }
0x4e9: {  	v26 =	vadd.s32 $0x1A, v9  }
0x4ea: {  	[tilespmem:s26+$0x17700] =	vst v10  }
0x4eb: {  	v10 =	vld.idx.msk [tilespmem:v23+s13+$0x0], $0xffff;
	[tilespmem:s28+$0x17700] =	vst v12  }
0x4ec: {  	v27 =	vadd.s32 $0x1B, v3;
	[tilespmem:s31+$0x17700] =	vst v14;
	v12 =	vld.idx.msk [tilespmem:v24+s13+$0x0], $0xffff  }
0x4ed: {  	v28 =	vadd.s32 $0x1B, v5;
	[tilespmem:s30+$0x17700] =	vst v16;
	v14 =	vld.idx.msk [tilespmem:v25+s13+$0x0], $0xffff  }
0x4ee: {  	v29 =	vadd.s32 $0x1B, v6;
	v16 =	vld.idx.msk [tilespmem:v26+s13+$0x0], $0xffff  }
0x4ef: {  	v30 =	vadd.s32 $0x1B, v8  }
0x4f0: {  	[tilespmem:s26+$0x18700] =	vst v10  }
0x4f1: {  	v10 =	vld.idx.msk [tilespmem:v27+s3+$0x0], $0xffff;
	[tilespmem:s28+$0x18700] =	vst v12  }
0x4f2: {  	v31 =	vadd.s32 $0x1B, v2;
	[tilespmem:s31+$0x18700] =	vst v14;
	v12 =	vld.idx.msk [tilespmem:v28+s3+$0x0], $0xffff  }
0x4f3: {  	v32 =	vadd.s32 $0x1B, v4;
	[tilespmem:s30+$0x18700] =	vst v16;
	v14 =	vld.idx.msk [tilespmem:v29+s3+$0x0], $0xffff  }
0x4f4: {  	v33 =	vadd.s32 $0x1B, v7;
	v16 =	vld.idx.msk [tilespmem:v30+s3+$0x0], $0xffff  }
0x4f5: {  	v34 =	vadd.s32 $0x1B, v9  }
0x4f6: {  	[tilespmem:s26+$0x17780] =	vst v10  }
0x4f7: {  	v10 =	vld.idx.msk [tilespmem:v31+s13+$0x0], $0xffff;
	[tilespmem:s28+$0x17780] =	vst v12  }
0x4f8: {  	v35 =	vadd.s32 $0x1C, v3;
	[tilespmem:s31+$0x17780] =	vst v14;
	v12 =	vld.idx.msk [tilespmem:v32+s13+$0x0], $0xffff  }
0x4f9: {  	v36 =	vadd.s32 $0x1C, v5;
	[tilespmem:s30+$0x17780] =	vst v16;
	v14 =	vld.idx.msk [tilespmem:v33+s13+$0x0], $0xffff  }
0x4fa: {  	v37 =	vadd.s32 $0x1C, v6;
	v16 =	vld.idx.msk [tilespmem:v34+s13+$0x0], $0xffff  }
0x4fb: {  	v38 =	vadd.s32 $0x1C, v8  }
0x4fc: {  	[tilespmem:s26+$0x18780] =	vst v10  }
0x4fd: {  	v10 =	vld.idx.msk [tilespmem:v35+s3+$0x0], $0xffff;
	[tilespmem:s28+$0x18780] =	vst v12  }
0x4fe: {  	v39 =	vadd.s32 $0x1C, v2;
	[tilespmem:s31+$0x18780] =	vst v14;
	v12 =	vld.idx.msk [tilespmem:v36+s3+$0x0], $0xffff  }
0x4ff: {  	v40 =	vadd.s32 $0x1C, v4;
	[tilespmem:s30+$0x18780] =	vst v16;
	v14 =	vld.idx.msk [tilespmem:v37+s3+$0x0], $0xffff  }
0x500: {  	v41 =	vadd.s32 $0x1C, v7;
	v16 =	vld.idx.msk [tilespmem:v38+s3+$0x0], $0xffff  }
0x501: {  	v42 =	vadd.s32 $0x1C, v9  }
0x502: {  	[tilespmem:s26+$0x17800] =	vst v10  }
0x503: {  	v10 =	vld.idx.msk [tilespmem:v39+s13+$0x0], $0xffff;
	[tilespmem:s28+$0x17800] =	vst v12  }
0x504: {  	v43 =	vadd.s32 $0x1D, v3;
	[tilespmem:s31+$0x17800] =	vst v14;
	v12 =	vld.idx.msk [tilespmem:v40+s13+$0x0], $0xffff  }
0x505: {  	v44 =	vadd.s32 $0x1D, v5;
	[tilespmem:s30+$0x17800] =	vst v16;
	v14 =	vld.idx.msk [tilespmem:v41+s13+$0x0], $0xffff  }
0x506: {  	v45 =	vadd.s32 $0x1D, v6;
	v16 =	vld.idx.msk [tilespmem:v42+s13+$0x0], $0xffff  }
0x507: {  	v46 =	vadd.s32 $0x1D, v8  }
0x508: {  	[tilespmem:s26+$0x18800] =	vst v10  }
0x509: {  	v10 =	vld.idx.msk [tilespmem:v43+s3+$0x0], $0xffff;
	[tilespmem:s28+$0x18800] =	vst v12  }
0x50a: {  	v47 =	vadd.s32 $0x1D, v2;
	[tilespmem:s31+$0x18800] =	vst v14;
	v12 =	vld.idx.msk [tilespmem:v44+s3+$0x0], $0xffff  }
0x50b: {  	v48 =	vadd.s32 $0x1D, v4;
	[tilespmem:s30+$0x18800] =	vst v16;
	v14 =	vld.idx.msk [tilespmem:v45+s3+$0x0], $0xffff  }
0x50c: {  	v49 =	vadd.s32 $0x1D, v7;
	v16 =	vld.idx.msk [tilespmem:v46+s3+$0x0], $0xffff  }
0x50d: {  	v50 =	vadd.s32 $0x1D, v9  }
0x50e: {  	[tilespmem:s26+$0x17880] =	vst v10  }
0x50f: {  	v10 =	vld.idx.msk [tilespmem:v47+s13+$0x0], $0xffff;
	[tilespmem:s28+$0x17880] =	vst v12  }
0x510: {  	v51 =	vadd.s32 $0x1E, v3;
	[tilespmem:s31+$0x17880] =	vst v14;
	v12 =	vld.idx.msk [tilespmem:v48+s13+$0x0], $0xffff  }
0x511: {  	v52 =	vadd.s32 $0x1E, v5;
	[tilespmem:s30+$0x17880] =	vst v16;
	v14 =	vld.idx.msk [tilespmem:v49+s13+$0x0], $0xffff  }
0x512: {  	v53 =	vadd.s32 $0x1E, v6;
	v16 =	vld.idx.msk [tilespmem:v50+s13+$0x0], $0xffff  }
0x513: {  	v54 =	vadd.s32 $0x1E, v8  }
0x514: {  	[tilespmem:s26+$0x18880] =	vst v10  }
0x515: {  	v10 =	vld.idx.msk [tilespmem:v51+s3+$0x0], $0xffff;
	[tilespmem:s28+$0x18880] =	vst v12  }
0x516: {  	v55 =	vadd.s32 $0x1E, v2;
	[tilespmem:s31+$0x18880] =	vst v14;
	v12 =	vld.idx.msk [tilespmem:v52+s3+$0x0], $0xffff  }
0x517: {  	v56 =	vadd.s32 $0x1E, v4;
	[tilespmem:s30+$0x18880] =	vst v16;
	v14 =	vld.idx.msk [tilespmem:v53+s3+$0x0], $0xffff  }
0x518: {  	v57 =	vadd.s32 $0x1E, v7;
	v16 =	vld.idx.msk [tilespmem:v54+s3+$0x0], $0xffff  }
0x519: {  	v58 =	vadd.s32 $0x1E, v9  }
0x51a: {  	[tilespmem:s26+$0x17900] =	vst v10  }
0x51b: {  	v10 =	vld.idx.msk [tilespmem:v55+s13+$0x0], $0xffff;
	[tilespmem:s28+$0x17900] =	vst v12  }
0x51c: {  	v3 =	vadd.s32 $0x1F, v3;
	[tilespmem:s31+$0x17900] =	vst v14;
	v59 =	vld.idx.msk [tilespmem:v56+s13+$0x0], $0xffff  }
0x51d: {  	v5 =	vadd.s32 $0x1F, v5;
	[tilespmem:s30+$0x17900] =	vst v16;
	v60 =	vld.idx.msk [tilespmem:v57+s13+$0x0], $0xffff  }
0x51e: {  	v6 =	vadd.s32 $0x1F, v6;
	v61 =	vld.idx.msk [tilespmem:v58+s13+$0x0], $0xffff  }
0x51f: {  	v8 =	vadd.s32 $0x1F, v8  }
0x520: {  	[tilespmem:s26+$0x18900] =	vst v10  }
0x521: {  	v3 =	vld.idx.msk [tilespmem:v3+s3+$0x0], $0xffff;
	[tilespmem:s28+$0x18900] =	vst v59  }
0x522: {  	v2 =	vadd.s32 $0x1F, v2;
	[tilespmem:s31+$0x18900] =	vst v60;
	v5 =	vld.idx.msk [tilespmem:v5+s3+$0x0], $0xffff  }
0x523: {  	v4 =	vadd.s32 $0x1F, v4;
	[tilespmem:s30+$0x18900] =	vst v61;
	v6 =	vld.idx.msk [tilespmem:v6+s3+$0x0], $0xffff  }
0x524: {  	v7 =	vadd.s32 $0x1F, v7;
	v8 =	vld.idx.msk [tilespmem:v8+s3+$0x0], $0xffff  }
0x525: {  	v9 =	vadd.s32 $0x1F, v9  }
0x526: {  	[tilespmem:s26+$0x17980] =	vst v3  }
0x527: {  	v2 =	vld.idx.msk [tilespmem:v2+s13+$0x0], $0xffff;
	[tilespmem:s28+$0x17980] =	vst v5  }
0x528: {  	[tilespmem:s31+$0x17980] =	vst v6;
	v3 =	vld.idx.msk [tilespmem:v4+s13+$0x0], $0xffff  }
0x529: {  	[tilespmem:s30+$0x17980] =	vst v8;
	v62 =	vld.idx.msk [tilespmem:v7+s13+$0x0], $0xffff  }
0x52a: {  	p1 =	por p0, p0;
	v63 =	vld.idx.msk [tilespmem:v9+s13+$0x0], $0xffff  }
.Ltmp2:
0x52b: {  	_ = 	snop;
	(pc) =	sbr.rel @p1 .LBB2_7-.Ltmp2, $4  }
0x52c: {  	[tilespmem:s26+$0x18980] =	vst v2  }
0x52d: {  	[tilespmem:s28+$0x18980] =	vst v3  }
0x52e: {  	[tilespmem:s31+$0x18980] =	vst v62  }
0x52f: {  	p0 =	por $0x0, $0x0;
	[tilespmem:s30+$0x18980] =	vst v63;
	s28 =	simm.s32 $0x4  }
0x530: {  	s1 =	sshll.u32 s25, $0x12  }
0x531: {  	s1 =	sor.u32 s9, s1  }
0x532: {  	s1 =	sshrl.u32 s1, $0x3  }
0x533: {  	s1 =	sadd.s32 s2, s1  }
0x534: {  	[hbm4b:s1+s16] =	stream.strided.scatter [tilespmem:s18], [sflag:$0x1], $0x2000, s17, s16, $0x38;
	[tilespmem:$0x1AA00] =	vst v63  }
0x535: {  	_ =	swait.ge [sflag:s21], $0x2000  }
0x536: {  	s24 =	sadd.s32 $0x3, s24;
	[sflag:s21] =	ssyncset.done $0x0  }
0x537: {  	s26 =	simm.s32 $0x0;
	p0 =	por $0x1, $0x1;
	[sflag:s21] =	ssyncadd.s32 $0xFFFFE000  }
.LBB2_9:
0x538: {  	s1 =	smul.u32 $0xC80, s26;
	_ =	sdelay $0x1  }
0x539: {  	s1 =	sadd.s32 s24, s1  }
0x53a: {  	v2 =	vadd.s32 s1, v0;
	_ =	sdelay $0x4  }
0x53b: {  	v3 =	vld.idx.msk [tilespmem:v2+s14+$0x0], $0xffff  }
0x53c: {  	v2 =	vld.idx.msk [tilespmem:v2+s15+$0x0], $0xffff;
	_ =	sdelay $0x3  }
0x53d: {  	v3 =	vmul.u32 $0x21, v3  }
0x53e: {  	v2 =	vmul.f32 $2.550000000e+02, v2;
	_ =	sdelay $0x1  }
0x53f: {  	v2 =	vtrunc.f32 v2  }
0x540: {  	v2 =	vcvt.f32.s32 v2;
	_ =	sdelay $0x1  }
0x541: {  	v2 =	vmul.u32 $0x21, v2;
	v4 =	vld.idx.msk [tilespmem:v3+s3+$0x0], $0xffff;
	_ =	sdelay $0x3  }
0x542: {  	s25 =	sshll.u32 s26, $0x4  }
0x543: {  	[tilespmem:s25+$0x18A00] =	vst v4  }
0x544: {  	v4 =	vld.idx.msk [tilespmem:v2+s13+$0x0], $0xffff  }
0x545: {  	v5 =	vadd.s32 $0x1, v3;
	_ =	sdelay $0x3  }
0x546: {  	[tilespmem:s25+$0x19A00] =	vst v4  }
0x547: {  	v4 =	vld.idx.msk [tilespmem:v5+s3+$0x0], $0xffff  }
0x548: {  	v37 =	vadd.s32 $0x1, v2;
	_ =	sdelay $0x3  }
0x549: {  	[tilespmem:s25+$0x18A80] =	vst v4  }
0x54a: {  	v4 =	vld.idx.msk [tilespmem:v37+s13+$0x0], $0xffff  }
0x54b: {  	v38 =	vadd.s32 $0x2, v3;
	_ =	sdelay $0x3  }
0x54c: {  	[tilespmem:s25+$0x19A80] =	vst v4  }
0x54d: {  	v4 =	vld.idx.msk [tilespmem:v38+s3+$0x0], $0xffff  }
0x54e: {  	v39 =	vadd.s32 $0x2, v2;
	_ =	sdelay $0x3  }
0x54f: {  	[tilespmem:s25+$0x18B00] =	vst v4  }
0x550: {  	v4 =	vld.idx.msk [tilespmem:v39+s13+$0x0], $0xffff  }
0x551: {  	v40 =	vadd.s32 $0x3, v3;
	_ =	sdelay $0x3  }
0x552: {  	[tilespmem:s25+$0x19B00] =	vst v4  }
0x553: {  	v4 =	vld.idx.msk [tilespmem:v40+s3+$0x0], $0xffff  }
0x554: {  	v41 =	vadd.s32 $0x3, v2;
	_ =	sdelay $0x3  }
0x555: {  	[tilespmem:s25+$0x18B80] =	vst v4  }
0x556: {  	v4 =	vld.idx.msk [tilespmem:v41+s13+$0x0], $0xffff  }
0x557: {  	v42 =	vadd.s32 $0x4, v3;
	_ =	sdelay $0x2  }
0x558: {  	s1 =	sor.u32 $0x1, s26  }
0x559: {  	s28 =	smul.u32 $0xC80, s1;
	[tilespmem:s25+$0x19B80] =	vst v4  }
0x55a: {  	s29 =	sor.u32 $0x2, s26;
	v4 =	vld.idx.msk [tilespmem:v42+s3+$0x0], $0xffff  }
0x55b: {  	s30 =	smul.u32 $0xC80, s29;
	s28 =	sadd.s32 s24, s28;
	v43 =	vadd.s32 $0x4, v2  }
0x55c: {  	s31 =	sor.u32 $0x3, s26;
	v6 =	vadd.s32 s28, v0  }
0x55d: {  	s26 =	sadd.s32 s24, s30;
	s30 =	smul.u32 $0xC80, s31  }
0x55e: {  	v7 =	vadd.s32 s26, v0  }
0x55f: {  	s30 =	sadd.s32 s24, s30;
	[tilespmem:s25+$0x18C00] =	vst v4  }
0x560: {  	v44 =	vadd.s32 s30, v0;
	v10 =	vld.idx.msk [tilespmem:v43+s13+$0x0], $0xffff  }
0x561: {  	v5 =	vld.idx.msk [tilespmem:v6+s14+$0x0], $0xffff  }
0x562: {  	v6 =	vld.idx.msk [tilespmem:v6+s15+$0x0], $0xffff  }
0x563: {  	v8 =	vld.idx.msk [tilespmem:v7+s14+$0x0], $0xffff  }
0x564: {  	v7 =	vld.idx.msk [tilespmem:v7+s15+$0x0], $0xffff  }
0x565: {  	v9 =	vld.idx.msk [tilespmem:v44+s14+$0x0], $0xffff  }
0x566: {  	v4 =	vld.idx.msk [tilespmem:v44+s15+$0x0], $0xffff;
	_ =	sdelay $0x1  }
0x567: {  	v5 =	vmul.u32 $0x21, v5  }
0x568: {  	v11 =	vmul.f32 $2.550000000e+02, v6;
	v6 =	vmul.u32 $0x21, v8  }
0x569: {  	v7 =	vmul.f32 $2.550000000e+02, v7;
	v8 =	vmul.u32 $0x21, v9  }
0x56a: {  	v4 =	vmul.f32 $2.550000000e+02, v4;
	v45 =	vtrunc.f32 v11  }
0x56b: {  	v7 =	vtrunc.f32 v7;
	v9 =	vcvt.f32.s32 v45  }
0x56c: {  	v46 =	vtrunc.f32 v4;
	v7 =	vcvt.f32.s32 v7  }
0x56d: {  	v47 =	vcvt.f32.s32 v46;
	v4 =	vmul.u32 $0x21, v9;
	v12 =	vld.idx.msk [tilespmem:v5+s3+$0x0], $0xffff  }
0x56e: {  	v7 =	vmul.u32 $0x21, v7;
	v48 =	vld.idx.msk [tilespmem:v6+s3+$0x0], $0xffff  }
0x56f: {  	v9 =	vmul.u32 $0x21, v47;
	v13 =	vld.idx.msk [tilespmem:v8+s3+$0x0], $0xffff;
	_ =	sdelay $0x1  }
0x570: {  	s1 =	sshll.u32 s1, $0x4  }
0x571: {  	s30 =	sshll.u32 s29, $0x4;
	[tilespmem:s1+$0x18A00] =	vst v12  }
0x572: {  	s31 =	sshll.u32 s31, $0x4;
	[tilespmem:s30+$0x18A00] =	vst v48;
	v12 =	vld.idx.msk [tilespmem:v4+s13+$0x0], $0xffff  }
0x573: {  	v49 =	vadd.s32 $0x1, v5;
	[tilespmem:s31+$0x18A00] =	vst v13;
	v14 =	vld.idx.msk [tilespmem:v7+s13+$0x0], $0xffff  }
0x574: {  	v50 =	vadd.s32 $0x1, v6;
	v15 =	vld.idx.msk [tilespmem:v9+s13+$0x0], $0xffff  }
0x575: {  	v16 =	vadd.s32 $0x1, v8;
	_ =	sdelay $0x1  }
0x576: {  	[tilespmem:s1+$0x19A00] =	vst v12  }
0x577: {  	[tilespmem:s30+$0x19A00] =	vst v14;
	v11 =	vld.idx.msk [tilespmem:v49+s3+$0x0], $0xffff  }
0x578: {  	v51 =	vadd.s32 $0x1, v4;
	[tilespmem:s31+$0x19A00] =	vst v15;
	v13 =	vld.idx.msk [tilespmem:v50+s3+$0x0], $0xffff  }
0x579: {  	v52 =	vadd.s32 $0x1, v7;
	v15 =	vld.idx.msk [tilespmem:v16+s3+$0x0], $0xffff  }
0x57a: {  	v53 =	vadd.s32 $0x1, v9;
	_ =	sdelay $0x1  }
0x57b: {  	[tilespmem:s1+$0x18A80] =	vst v11  }
0x57c: {  	[tilespmem:s30+$0x18A80] =	vst v13;
	v11 =	vld.idx.msk [tilespmem:v51+s13+$0x0], $0xffff  }
0x57d: {  	v54 =	vadd.s32 $0x2, v5;
	[tilespmem:s31+$0x18A80] =	vst v15;
	v13 =	vld.idx.msk [tilespmem:v52+s13+$0x0], $0xffff  }
0x57e: {  	v55 =	vadd.s32 $0x2, v6;
	v15 =	vld.idx.msk [tilespmem:v53+s13+$0x0], $0xffff  }
0x57f: {  	v56 =	vadd.s32 $0x2, v8;
	_ =	sdelay $0x1  }
0x580: {  	[tilespmem:s1+$0x19A80] =	vst v11  }
0x581: {  	[tilespmem:s30+$0x19A80] =	vst v13;
	v11 =	vld.idx.msk [tilespmem:v54+s3+$0x0], $0xffff  }
0x582: {  	v57 =	vadd.s32 $0x2, v4;
	[tilespmem:s31+$0x19A80] =	vst v15;
	v13 =	vld.idx.msk [tilespmem:v55+s3+$0x0], $0xffff  }
0x583: {  	v58 =	vadd.s32 $0x2, v7;
	v15 =	vld.idx.msk [tilespmem:v56+s3+$0x0], $0xffff  }
0x584: {  	v59 =	vadd.s32 $0x2, v9;
	_ =	sdelay $0x1  }
0x585: {  	[tilespmem:s1+$0x18B00] =	vst v11  }
0x586: {  	[tilespmem:s30+$0x18B00] =	vst v13;
	v11 =	vld.idx.msk [tilespmem:v57+s13+$0x0], $0xffff  }
0x587: {  	v60 =	vadd.s32 $0x3, v5;
	[tilespmem:s31+$0x18B00] =	vst v15;
	v13 =	vld.idx.msk [tilespmem:v58+s13+$0x0], $0xffff  }
0x588: {  	v61 =	vadd.s32 $0x3, v6;
	v15 =	vld.idx.msk [tilespmem:v59+s13+$0x0], $0xffff  }
0x589: {  	v62 =	vadd.s32 $0x3, v8;
	_ =	sdelay $0x1  }
0x58a: {  	[tilespmem:s1+$0x19B00] =	vst v11  }
0x58b: {  	[tilespmem:s30+$0x19B00] =	vst v13;
	v11 =	vld.idx.msk [tilespmem:v60+s3+$0x0], $0xffff  }
0x58c: {  	v63 =	vadd.s32 $0x3, v4;
	[tilespmem:s31+$0x19B00] =	vst v15;
	v13 =	vld.idx.msk [tilespmem:v61+s3+$0x0], $0xffff  }
0x58d: {  	v20 =	vadd.s32 $0x3, v7;
	v15 =	vld.idx.msk [tilespmem:v62+s3+$0x0], $0xffff  }
0x58e: {  	v21 =	vadd.s32 $0x3, v9;
	_ =	sdelay $0x1  }
0x58f: {  	[tilespmem:s1+$0x18B80] =	vst v11  }
0x590: {  	[tilespmem:s30+$0x18B80] =	vst v13;
	v11 =	vld.idx.msk [tilespmem:v63+s13+$0x0], $0xffff  }
0x591: {  	v22 =	vadd.s32 $0x4, v5;
	[tilespmem:s31+$0x18B80] =	vst v15;
	v13 =	vld.idx.msk [tilespmem:v20+s13+$0x0], $0xffff  }
0x592: {  	v23 =	vadd.s32 $0x4, v6;
	v15 =	vld.idx.msk [tilespmem:v21+s13+$0x0], $0xffff  }
0x593: {  	v24 =	vadd.s32 $0x4, v8;
	_ =	sdelay $0x1  }
0x594: {  	[tilespmem:s1+$0x19B80] =	vst v11  }
0x595: {  	[tilespmem:s30+$0x19B80] =	vst v13;
	v11 =	vld.idx.msk [tilespmem:v22+s3+$0x0], $0xffff  }
0x596: {  	v25 =	vadd.s32 $0x4, v4;
	[tilespmem:s31+$0x19B80] =	vst v15;
	v13 =	vld.idx.msk [tilespmem:v23+s3+$0x0], $0xffff  }
0x597: {  	v26 =	vadd.s32 $0x4, v7;
	v15 =	vld.idx.msk [tilespmem:v24+s3+$0x0], $0xffff  }
0x598: {  	v27 =	vadd.s32 $0x4, v9;
	_ =	sdelay $0x1  }
0x599: {  	[tilespmem:s1+$0x18C00] =	vst v11  }
0x59a: {  	v28 =	vadd.s32 $0x5, v3;
	[tilespmem:s30+$0x18C00] =	vst v13;
	v12 =	vld.idx.msk [tilespmem:v25+s13+$0x0], $0xffff  }
0x59b: {  	v29 =	vadd.s32 $0x5, v5;
	[tilespmem:s31+$0x18C00] =	vst v15;
	v14 =	vld.idx.msk [tilespmem:v26+s13+$0x0], $0xffff  }
0x59c: {  	v30 =	vadd.s32 $0x5, v6;
	v16 =	vld.idx.msk [tilespmem:v27+s13+$0x0], $0xffff  }
0x59d: {  	v17 =	vadd.s32 $0x5, v8  }
0x59e: {  	[tilespmem:s25+$0x19C00] =	vst v10  }
0x59f: {  	v10 =	vld.idx.msk [tilespmem:v28+s3+$0x0], $0xffff;
	[tilespmem:s1+$0x19C00] =	vst v12  }
0x5a0: {  	v31 =	vadd.s32 $0x5, v2;
	[tilespmem:s30+$0x19C00] =	vst v14;
	v12 =	vld.idx.msk [tilespmem:v29+s3+$0x0], $0xffff  }
0x5a1: {  	v32 =	vadd.s32 $0x5, v4;
	[tilespmem:s31+$0x19C00] =	vst v16;
	v14 =	vld.idx.msk [tilespmem:v30+s3+$0x0], $0xffff  }
0x5a2: {  	v33 =	vadd.s32 $0x5, v7;
	v16 =	vld.idx.msk [tilespmem:v17+s3+$0x0], $0xffff  }
0x5a3: {  	v34 =	vadd.s32 $0x5, v9  }
0x5a4: {  	[tilespmem:s25+$0x18C80] =	vst v10  }
0x5a5: {  	v10 =	vld.idx.msk [tilespmem:v31+s13+$0x0], $0xffff;
	[tilespmem:s1+$0x18C80] =	vst v12  }
0x5a6: {  	v35 =	vadd.s32 $0x6, v3;
	[tilespmem:s30+$0x18C80] =	vst v14;
	v12 =	vld.idx.msk [tilespmem:v32+s13+$0x0], $0xffff  }
0x5a7: {  	v36 =	vadd.s32 $0x6, v5;
	[tilespmem:s31+$0x18C80] =	vst v16;
	v14 =	vld.idx.msk [tilespmem:v33+s13+$0x0], $0xffff  }
0x5a8: {  	v37 =	vadd.s32 $0x6, v6;
	v16 =	vld.idx.msk [tilespmem:v34+s13+$0x0], $0xffff  }
0x5a9: {  	v38 =	vadd.s32 $0x6, v8  }
0x5aa: {  	[tilespmem:s25+$0x19C80] =	vst v10  }
0x5ab: {  	v10 =	vld.idx.msk [tilespmem:v35+s3+$0x0], $0xffff;
	[tilespmem:s1+$0x19C80] =	vst v12  }
0x5ac: {  	v39 =	vadd.s32 $0x6, v2;
	[tilespmem:s30+$0x19C80] =	vst v14;
	v12 =	vld.idx.msk [tilespmem:v36+s3+$0x0], $0xffff  }
0x5ad: {  	v40 =	vadd.s32 $0x6, v4;
	[tilespmem:s31+$0x19C80] =	vst v16;
	v14 =	vld.idx.msk [tilespmem:v37+s3+$0x0], $0xffff  }
0x5ae: {  	v41 =	vadd.s32 $0x6, v7;
	v16 =	vld.idx.msk [tilespmem:v38+s3+$0x0], $0xffff  }
0x5af: {  	v42 =	vadd.s32 $0x6, v9  }
0x5b0: {  	[tilespmem:s25+$0x18D00] =	vst v10  }
0x5b1: {  	v10 =	vld.idx.msk [tilespmem:v39+s13+$0x0], $0xffff;
	[tilespmem:s1+$0x18D00] =	vst v12  }
0x5b2: {  	v43 =	vadd.s32 $0x7, v3;
	[tilespmem:s30+$0x18D00] =	vst v14;
	v12 =	vld.idx.msk [tilespmem:v40+s13+$0x0], $0xffff  }
0x5b3: {  	v44 =	vadd.s32 $0x7, v5;
	[tilespmem:s31+$0x18D00] =	vst v16;
	v14 =	vld.idx.msk [tilespmem:v41+s13+$0x0], $0xffff  }
0x5b4: {  	v45 =	vadd.s32 $0x7, v6;
	v16 =	vld.idx.msk [tilespmem:v42+s13+$0x0], $0xffff  }
0x5b5: {  	v46 =	vadd.s32 $0x7, v8  }
0x5b6: {  	[tilespmem:s25+$0x19D00] =	vst v10  }
0x5b7: {  	v10 =	vld.idx.msk [tilespmem:v43+s3+$0x0], $0xffff;
	[tilespmem:s1+$0x19D00] =	vst v12  }
0x5b8: {  	v47 =	vadd.s32 $0x7, v2;
	[tilespmem:s30+$0x19D00] =	vst v14;
	v12 =	vld.idx.msk [tilespmem:v44+s3+$0x0], $0xffff  }
0x5b9: {  	v48 =	vadd.s32 $0x7, v4;
	[tilespmem:s31+$0x19D00] =	vst v16;
	v14 =	vld.idx.msk [tilespmem:v45+s3+$0x0], $0xffff  }
0x5ba: {  	v49 =	vadd.s32 $0x7, v7;
	v16 =	vld.idx.msk [tilespmem:v46+s3+$0x0], $0xffff  }
0x5bb: {  	v50 =	vadd.s32 $0x7, v9  }
0x5bc: {  	[tilespmem:s25+$0x18D80] =	vst v10  }
0x5bd: {  	v10 =	vld.idx.msk [tilespmem:v47+s13+$0x0], $0xffff;
	[tilespmem:s1+$0x18D80] =	vst v12  }
0x5be: {  	v51 =	vadd.s32 $0x8, v3;
	[tilespmem:s30+$0x18D80] =	vst v14;
	v12 =	vld.idx.msk [tilespmem:v48+s13+$0x0], $0xffff  }
0x5bf: {  	v52 =	vadd.s32 $0x8, v5;
	[tilespmem:s31+$0x18D80] =	vst v16;
	v14 =	vld.idx.msk [tilespmem:v49+s13+$0x0], $0xffff  }
0x5c0: {  	v53 =	vadd.s32 $0x8, v6;
	v16 =	vld.idx.msk [tilespmem:v50+s13+$0x0], $0xffff  }
0x5c1: {  	v54 =	vadd.s32 $0x8, v8  }
0x5c2: {  	[tilespmem:s25+$0x19D80] =	vst v10  }
0x5c3: {  	v10 =	vld.idx.msk [tilespmem:v51+s3+$0x0], $0xffff;
	[tilespmem:s1+$0x19D80] =	vst v12  }
0x5c4: {  	v55 =	vadd.s32 $0x8, v2;
	[tilespmem:s30+$0x19D80] =	vst v14;
	v12 =	vld.idx.msk [tilespmem:v52+s3+$0x0], $0xffff  }
0x5c5: {  	v56 =	vadd.s32 $0x8, v4;
	[tilespmem:s31+$0x19D80] =	vst v16;
	v14 =	vld.idx.msk [tilespmem:v53+s3+$0x0], $0xffff  }
0x5c6: {  	v57 =	vadd.s32 $0x8, v7;
	v16 =	vld.idx.msk [tilespmem:v54+s3+$0x0], $0xffff  }
0x5c7: {  	v58 =	vadd.s32 $0x8, v9  }
0x5c8: {  	[tilespmem:s25+$0x18E00] =	vst v10  }
0x5c9: {  	v10 =	vld.idx.msk [tilespmem:v55+s13+$0x0], $0xffff;
	[tilespmem:s1+$0x18E00] =	vst v12  }
0x5ca: {  	v59 =	vadd.s32 $0x9, v3;
	[tilespmem:s30+$0x18E00] =	vst v14;
	v12 =	vld.idx.msk [tilespmem:v56+s13+$0x0], $0xffff  }
0x5cb: {  	v60 =	vadd.s32 $0x9, v5;
	[tilespmem:s31+$0x18E00] =	vst v16;
	v14 =	vld.idx.msk [tilespmem:v57+s13+$0x0], $0xffff  }
0x5cc: {  	v61 =	vadd.s32 $0x9, v6;
	v16 =	vld.idx.msk [tilespmem:v58+s13+$0x0], $0xffff  }
0x5cd: {  	v62 =	vadd.s32 $0x9, v8  }
0x5ce: {  	[tilespmem:s25+$0x19E00] =	vst v10  }
0x5cf: {  	v10 =	vld.idx.msk [tilespmem:v59+s3+$0x0], $0xffff;
	[tilespmem:s1+$0x19E00] =	vst v12  }
0x5d0: {  	v63 =	vadd.s32 $0x9, v2;
	[tilespmem:s30+$0x19E00] =	vst v14;
	v12 =	vld.idx.msk [tilespmem:v60+s3+$0x0], $0xffff  }
0x5d1: {  	v20 =	vadd.s32 $0x9, v4;
	[tilespmem:s31+$0x19E00] =	vst v16;
	v14 =	vld.idx.msk [tilespmem:v61+s3+$0x0], $0xffff  }
0x5d2: {  	v21 =	vadd.s32 $0x9, v7;
	v16 =	vld.idx.msk [tilespmem:v62+s3+$0x0], $0xffff  }
0x5d3: {  	v22 =	vadd.s32 $0x9, v9  }
0x5d4: {  	[tilespmem:s25+$0x18E80] =	vst v10  }
0x5d5: {  	v10 =	vld.idx.msk [tilespmem:v63+s13+$0x0], $0xffff;
	[tilespmem:s1+$0x18E80] =	vst v12  }
0x5d6: {  	v23 =	vadd.s32 $0xA, v3;
	[tilespmem:s30+$0x18E80] =	vst v14;
	v12 =	vld.idx.msk [tilespmem:v20+s13+$0x0], $0xffff  }
0x5d7: {  	v24 =	vadd.s32 $0xA, v5;
	[tilespmem:s31+$0x18E80] =	vst v16;
	v14 =	vld.idx.msk [tilespmem:v21+s13+$0x0], $0xffff  }
0x5d8: {  	v25 =	vadd.s32 $0xA, v6;
	v16 =	vld.idx.msk [tilespmem:v22+s13+$0x0], $0xffff  }
0x5d9: {  	v26 =	vadd.s32 $0xA, v8  }
0x5da: {  	[tilespmem:s25+$0x19E80] =	vst v10  }
0x5db: {  	v10 =	vld.idx.msk [tilespmem:v23+s3+$0x0], $0xffff;
	[tilespmem:s1+$0x19E80] =	vst v12  }
0x5dc: {  	v27 =	vadd.s32 $0xA, v2;
	[tilespmem:s30+$0x19E80] =	vst v14;
	v12 =	vld.idx.msk [tilespmem:v24+s3+$0x0], $0xffff  }
0x5dd: {  	v28 =	vadd.s32 $0xA, v4;
	[tilespmem:s31+$0x19E80] =	vst v16;
	v14 =	vld.idx.msk [tilespmem:v25+s3+$0x0], $0xffff  }
0x5de: {  	v29 =	vadd.s32 $0xA, v7;
	v16 =	vld.idx.msk [tilespmem:v26+s3+$0x0], $0xffff  }
0x5df: {  	v30 =	vadd.s32 $0xA, v9  }
0x5e0: {  	[tilespmem:s25+$0x18F00] =	vst v10  }
0x5e1: {  	v10 =	vld.idx.msk [tilespmem:v27+s13+$0x0], $0xffff;
	[tilespmem:s1+$0x18F00] =	vst v12  }
0x5e2: {  	v31 =	vadd.s32 $0xB, v3;
	[tilespmem:s30+$0x18F00] =	vst v14;
	v12 =	vld.idx.msk [tilespmem:v28+s13+$0x0], $0xffff  }
0x5e3: {  	v32 =	vadd.s32 $0xB, v5;
	[tilespmem:s31+$0x18F00] =	vst v16;
	v14 =	vld.idx.msk [tilespmem:v29+s13+$0x0], $0xffff  }
0x5e4: {  	v33 =	vadd.s32 $0xB, v6;
	v16 =	vld.idx.msk [tilespmem:v30+s13+$0x0], $0xffff  }
0x5e5: {  	v34 =	vadd.s32 $0xB, v8  }
0x5e6: {  	[tilespmem:s25+$0x19F00] =	vst v10  }
0x5e7: {  	v10 =	vld.idx.msk [tilespmem:v31+s3+$0x0], $0xffff;
	[tilespmem:s1+$0x19F00] =	vst v12  }
0x5e8: {  	v35 =	vadd.s32 $0xB, v2;
	[tilespmem:s30+$0x19F00] =	vst v14;
	v12 =	vld.idx.msk [tilespmem:v32+s3+$0x0], $0xffff  }
0x5e9: {  	v36 =	vadd.s32 $0xB, v4;
	[tilespmem:s31+$0x19F00] =	vst v16;
	v14 =	vld.idx.msk [tilespmem:v33+s3+$0x0], $0xffff  }
0x5ea: {  	v37 =	vadd.s32 $0xB, v7;
	v16 =	vld.idx.msk [tilespmem:v34+s3+$0x0], $0xffff  }
0x5eb: {  	v38 =	vadd.s32 $0xB, v9  }
0x5ec: {  	[tilespmem:s25+$0x18F80] =	vst v10  }
0x5ed: {  	v10 =	vld.idx.msk [tilespmem:v35+s13+$0x0], $0xffff;
	[tilespmem:s1+$0x18F80] =	vst v12  }
0x5ee: {  	v39 =	vadd.s32 $0xC, v3;
	[tilespmem:s30+$0x18F80] =	vst v14;
	v12 =	vld.idx.msk [tilespmem:v36+s13+$0x0], $0xffff  }
0x5ef: {  	v40 =	vadd.s32 $0xC, v5;
	[tilespmem:s31+$0x18F80] =	vst v16;
	v14 =	vld.idx.msk [tilespmem:v37+s13+$0x0], $0xffff  }
0x5f0: {  	v41 =	vadd.s32 $0xC, v6;
	v16 =	vld.idx.msk [tilespmem:v38+s13+$0x0], $0xffff  }
0x5f1: {  	v42 =	vadd.s32 $0xC, v8  }
0x5f2: {  	[tilespmem:s25+$0x19F80] =	vst v10  }
0x5f3: {  	v10 =	vld.idx.msk [tilespmem:v39+s3+$0x0], $0xffff;
	[tilespmem:s1+$0x19F80] =	vst v12  }
0x5f4: {  	v43 =	vadd.s32 $0xC, v2;
	[tilespmem:s30+$0x19F80] =	vst v14;
	v12 =	vld.idx.msk [tilespmem:v40+s3+$0x0], $0xffff  }
0x5f5: {  	v44 =	vadd.s32 $0xC, v4;
	[tilespmem:s31+$0x19F80] =	vst v16;
	v14 =	vld.idx.msk [tilespmem:v41+s3+$0x0], $0xffff  }
0x5f6: {  	v45 =	vadd.s32 $0xC, v7;
	v16 =	vld.idx.msk [tilespmem:v42+s3+$0x0], $0xffff  }
0x5f7: {  	v46 =	vadd.s32 $0xC, v9  }
0x5f8: {  	[tilespmem:s25+$0x19000] =	vst v10  }
0x5f9: {  	v10 =	vld.idx.msk [tilespmem:v43+s13+$0x0], $0xffff;
	[tilespmem:s1+$0x19000] =	vst v12  }
0x5fa: {  	v47 =	vadd.s32 $0xD, v3;
	[tilespmem:s30+$0x19000] =	vst v14;
	v12 =	vld.idx.msk [tilespmem:v44+s13+$0x0], $0xffff  }
0x5fb: {  	v48 =	vadd.s32 $0xD, v5;
	[tilespmem:s31+$0x19000] =	vst v16;
	v14 =	vld.idx.msk [tilespmem:v45+s13+$0x0], $0xffff  }
0x5fc: {  	v49 =	vadd.s32 $0xD, v6;
	v16 =	vld.idx.msk [tilespmem:v46+s13+$0x0], $0xffff  }
0x5fd: {  	v50 =	vadd.s32 $0xD, v8  }
0x5fe: {  	[tilespmem:s25+$0x1A000] =	vst v10  }
0x5ff: {  	v10 =	vld.idx.msk [tilespmem:v47+s3+$0x0], $0xffff;
	[tilespmem:s1+$0x1A000] =	vst v12  }
0x600: {  	v51 =	vadd.s32 $0xD, v2;
	[tilespmem:s30+$0x1A000] =	vst v14;
	v12 =	vld.idx.msk [tilespmem:v48+s3+$0x0], $0xffff  }
0x601: {  	v52 =	vadd.s32 $0xD, v4;
	[tilespmem:s31+$0x1A000] =	vst v16;
	v14 =	vld.idx.msk [tilespmem:v49+s3+$0x0], $0xffff  }
0x602: {  	v53 =	vadd.s32 $0xD, v7;
	v16 =	vld.idx.msk [tilespmem:v50+s3+$0x0], $0xffff  }
0x603: {  	v54 =	vadd.s32 $0xD, v9  }
0x604: {  	[tilespmem:s25+$0x19080] =	vst v10  }
0x605: {  	v10 =	vld.idx.msk [tilespmem:v51+s13+$0x0], $0xffff;
	[tilespmem:s1+$0x19080] =	vst v12  }
0x606: {  	v55 =	vadd.s32 $0xE, v3;
	[tilespmem:s30+$0x19080] =	vst v14;
	v12 =	vld.idx.msk [tilespmem:v52+s13+$0x0], $0xffff  }
0x607: {  	v56 =	vadd.s32 $0xE, v5;
	[tilespmem:s31+$0x19080] =	vst v16;
	v14 =	vld.idx.msk [tilespmem:v53+s13+$0x0], $0xffff  }
0x608: {  	v57 =	vadd.s32 $0xE, v6;
	v16 =	vld.idx.msk [tilespmem:v54+s13+$0x0], $0xffff  }
0x609: {  	v58 =	vadd.s32 $0xE, v8  }
0x60a: {  	[tilespmem:s25+$0x1A080] =	vst v10  }
0x60b: {  	v10 =	vld.idx.msk [tilespmem:v55+s3+$0x0], $0xffff;
	[tilespmem:s1+$0x1A080] =	vst v12  }
0x60c: {  	v59 =	vadd.s32 $0xE, v2;
	[tilespmem:s30+$0x1A080] =	vst v14;
	v12 =	vld.idx.msk [tilespmem:v56+s3+$0x0], $0xffff  }
0x60d: {  	v60 =	vadd.s32 $0xE, v4;
	[tilespmem:s31+$0x1A080] =	vst v16;
	v14 =	vld.idx.msk [tilespmem:v57+s3+$0x0], $0xffff  }
0x60e: {  	v61 =	vadd.s32 $0xE, v7;
	v16 =	vld.idx.msk [tilespmem:v58+s3+$0x0], $0xffff  }
0x60f: {  	v62 =	vadd.s32 $0xE, v9  }
0x610: {  	[tilespmem:s25+$0x19100] =	vst v10  }
0x611: {  	v10 =	vld.idx.msk [tilespmem:v59+s13+$0x0], $0xffff;
	[tilespmem:s1+$0x19100] =	vst v12  }
0x612: {  	v63 =	vadd.s32 $0xF, v3;
	[tilespmem:s30+$0x19100] =	vst v14;
	v12 =	vld.idx.msk [tilespmem:v60+s13+$0x0], $0xffff  }
0x613: {  	v20 =	vadd.s32 $0xF, v5;
	[tilespmem:s31+$0x19100] =	vst v16;
	v14 =	vld.idx.msk [tilespmem:v61+s13+$0x0], $0xffff  }
0x614: {  	v21 =	vadd.s32 $0xF, v6;
	v16 =	vld.idx.msk [tilespmem:v62+s13+$0x0], $0xffff  }
0x615: {  	v22 =	vadd.s32 $0xF, v8  }
0x616: {  	[tilespmem:s25+$0x1A100] =	vst v10  }
0x617: {  	v10 =	vld.idx.msk [tilespmem:v63+s3+$0x0], $0xffff;
	[tilespmem:s1+$0x1A100] =	vst v12  }
0x618: {  	v23 =	vadd.s32 $0xF, v2;
	[tilespmem:s30+$0x1A100] =	vst v14;
	v12 =	vld.idx.msk [tilespmem:v20+s3+$0x0], $0xffff  }
0x619: {  	v24 =	vadd.s32 $0xF, v4;
	[tilespmem:s31+$0x1A100] =	vst v16;
	v14 =	vld.idx.msk [tilespmem:v21+s3+$0x0], $0xffff  }
0x61a: {  	v25 =	vadd.s32 $0xF, v7;
	v16 =	vld.idx.msk [tilespmem:v22+s3+$0x0], $0xffff  }
0x61b: {  	v26 =	vadd.s32 $0xF, v9  }
0x61c: {  	[tilespmem:s25+$0x19180] =	vst v10  }
0x61d: {  	v10 =	vld.idx.msk [tilespmem:v23+s13+$0x0], $0xffff;
	[tilespmem:s1+$0x19180] =	vst v12  }
0x61e: {  	v27 =	vadd.s32 $0x10, v3;
	[tilespmem:s30+$0x19180] =	vst v14;
	v12 =	vld.idx.msk [tilespmem:v24+s13+$0x0], $0xffff  }
0x61f: {  	v28 =	vadd.s32 $0x10, v5;
	[tilespmem:s31+$0x19180] =	vst v16;
	v14 =	vld.idx.msk [tilespmem:v25+s13+$0x0], $0xffff  }
0x620: {  	v29 =	vadd.s32 $0x10, v6;
	v16 =	vld.idx.msk [tilespmem:v26+s13+$0x0], $0xffff  }
0x621: {  	v30 =	vadd.s32 $0x10, v8  }
0x622: {  	[tilespmem:s25+$0x1A180] =	vst v10  }
0x623: {  	v10 =	vld.idx.msk [tilespmem:v27+s3+$0x0], $0xffff;
	[tilespmem:s1+$0x1A180] =	vst v12  }
0x624: {  	v31 =	vadd.s32 $0x10, v2;
	[tilespmem:s30+$0x1A180] =	vst v14;
	v12 =	vld.idx.msk [tilespmem:v28+s3+$0x0], $0xffff  }
0x625: {  	v32 =	vadd.s32 $0x10, v4;
	[tilespmem:s31+$0x1A180] =	vst v16;
	v14 =	vld.idx.msk [tilespmem:v29+s3+$0x0], $0xffff  }
0x626: {  	v33 =	vadd.s32 $0x10, v7;
	v16 =	vld.idx.msk [tilespmem:v30+s3+$0x0], $0xffff  }
0x627: {  	v34 =	vadd.s32 $0x10, v9  }
0x628: {  	[tilespmem:s25+$0x19200] =	vst v10  }
0x629: {  	v10 =	vld.idx.msk [tilespmem:v31+s13+$0x0], $0xffff;
	[tilespmem:s1+$0x19200] =	vst v12  }
0x62a: {  	v35 =	vadd.s32 $0x11, v3;
	[tilespmem:s30+$0x19200] =	vst v14;
	v12 =	vld.idx.msk [tilespmem:v32+s13+$0x0], $0xffff  }
0x62b: {  	v36 =	vadd.s32 $0x11, v5;
	[tilespmem:s31+$0x19200] =	vst v16;
	v14 =	vld.idx.msk [tilespmem:v33+s13+$0x0], $0xffff  }
0x62c: {  	v37 =	vadd.s32 $0x11, v6;
	v16 =	vld.idx.msk [tilespmem:v34+s13+$0x0], $0xffff  }
0x62d: {  	v38 =	vadd.s32 $0x11, v8  }
0x62e: {  	[tilespmem:s25+$0x1A200] =	vst v10  }
0x62f: {  	v10 =	vld.idx.msk [tilespmem:v35+s3+$0x0], $0xffff;
	[tilespmem:s1+$0x1A200] =	vst v12  }
0x630: {  	v39 =	vadd.s32 $0x11, v2;
	[tilespmem:s30+$0x1A200] =	vst v14;
	v12 =	vld.idx.msk [tilespmem:v36+s3+$0x0], $0xffff  }
0x631: {  	v40 =	vadd.s32 $0x11, v4;
	[tilespmem:s31+$0x1A200] =	vst v16;
	v14 =	vld.idx.msk [tilespmem:v37+s3+$0x0], $0xffff  }
0x632: {  	v41 =	vadd.s32 $0x11, v7;
	v16 =	vld.idx.msk [tilespmem:v38+s3+$0x0], $0xffff  }
0x633: {  	v42 =	vadd.s32 $0x11, v9  }
0x634: {  	[tilespmem:s25+$0x19280] =	vst v10  }
0x635: {  	v10 =	vld.idx.msk [tilespmem:v39+s13+$0x0], $0xffff;
	[tilespmem:s1+$0x19280] =	vst v12  }
0x636: {  	v43 =	vadd.s32 $0x12, v3;
	[tilespmem:s30+$0x19280] =	vst v14;
	v12 =	vld.idx.msk [tilespmem:v40+s13+$0x0], $0xffff  }
0x637: {  	v44 =	vadd.s32 $0x12, v5;
	[tilespmem:s31+$0x19280] =	vst v16;
	v14 =	vld.idx.msk [tilespmem:v41+s13+$0x0], $0xffff  }
0x638: {  	v45 =	vadd.s32 $0x12, v6;
	v16 =	vld.idx.msk [tilespmem:v42+s13+$0x0], $0xffff  }
0x639: {  	v46 =	vadd.s32 $0x12, v8  }
0x63a: {  	[tilespmem:s25+$0x1A280] =	vst v10  }
0x63b: {  	v10 =	vld.idx.msk [tilespmem:v43+s3+$0x0], $0xffff;
	[tilespmem:s1+$0x1A280] =	vst v12  }
0x63c: {  	v47 =	vadd.s32 $0x12, v2;
	[tilespmem:s30+$0x1A280] =	vst v14;
	v12 =	vld.idx.msk [tilespmem:v44+s3+$0x0], $0xffff  }
0x63d: {  	v48 =	vadd.s32 $0x12, v4;
	[tilespmem:s31+$0x1A280] =	vst v16;
	v14 =	vld.idx.msk [tilespmem:v45+s3+$0x0], $0xffff  }
0x63e: {  	v49 =	vadd.s32 $0x12, v7;
	v16 =	vld.idx.msk [tilespmem:v46+s3+$0x0], $0xffff  }
0x63f: {  	v50 =	vadd.s32 $0x12, v9  }
0x640: {  	[tilespmem:s25+$0x19300] =	vst v10  }
0x641: {  	v10 =	vld.idx.msk [tilespmem:v47+s13+$0x0], $0xffff;
	[tilespmem:s1+$0x19300] =	vst v12  }
0x642: {  	v51 =	vadd.s32 $0x13, v3;
	[tilespmem:s30+$0x19300] =	vst v14;
	v12 =	vld.idx.msk [tilespmem:v48+s13+$0x0], $0xffff  }
0x643: {  	v52 =	vadd.s32 $0x13, v5;
	[tilespmem:s31+$0x19300] =	vst v16;
	v14 =	vld.idx.msk [tilespmem:v49+s13+$0x0], $0xffff  }
0x644: {  	v53 =	vadd.s32 $0x13, v6;
	v16 =	vld.idx.msk [tilespmem:v50+s13+$0x0], $0xffff  }
0x645: {  	v54 =	vadd.s32 $0x13, v8  }
0x646: {  	[tilespmem:s25+$0x1A300] =	vst v10  }
0x647: {  	v10 =	vld.idx.msk [tilespmem:v51+s3+$0x0], $0xffff;
	[tilespmem:s1+$0x1A300] =	vst v12  }
0x648: {  	v55 =	vadd.s32 $0x13, v2;
	[tilespmem:s30+$0x1A300] =	vst v14;
	v12 =	vld.idx.msk [tilespmem:v52+s3+$0x0], $0xffff  }
0x649: {  	v56 =	vadd.s32 $0x13, v4;
	[tilespmem:s31+$0x1A300] =	vst v16;
	v14 =	vld.idx.msk [tilespmem:v53+s3+$0x0], $0xffff  }
0x64a: {  	v57 =	vadd.s32 $0x13, v7;
	v16 =	vld.idx.msk [tilespmem:v54+s3+$0x0], $0xffff  }
0x64b: {  	v58 =	vadd.s32 $0x13, v9  }
0x64c: {  	[tilespmem:s25+$0x19380] =	vst v10  }
0x64d: {  	v10 =	vld.idx.msk [tilespmem:v55+s13+$0x0], $0xffff;
	[tilespmem:s1+$0x19380] =	vst v12  }
0x64e: {  	v59 =	vadd.s32 $0x14, v3;
	[tilespmem:s30+$0x19380] =	vst v14;
	v12 =	vld.idx.msk [tilespmem:v56+s13+$0x0], $0xffff  }
0x64f: {  	v60 =	vadd.s32 $0x14, v5;
	[tilespmem:s31+$0x19380] =	vst v16;
	v14 =	vld.idx.msk [tilespmem:v57+s13+$0x0], $0xffff  }
0x650: {  	v61 =	vadd.s32 $0x14, v6;
	v16 =	vld.idx.msk [tilespmem:v58+s13+$0x0], $0xffff  }
0x651: {  	v62 =	vadd.s32 $0x14, v8  }
0x652: {  	[tilespmem:s25+$0x1A380] =	vst v10  }
0x653: {  	v10 =	vld.idx.msk [tilespmem:v59+s3+$0x0], $0xffff;
	[tilespmem:s1+$0x1A380] =	vst v12  }
0x654: {  	v63 =	vadd.s32 $0x14, v2;
	[tilespmem:s30+$0x1A380] =	vst v14;
	v12 =	vld.idx.msk [tilespmem:v60+s3+$0x0], $0xffff  }
0x655: {  	v20 =	vadd.s32 $0x14, v4;
	[tilespmem:s31+$0x1A380] =	vst v16;
	v14 =	vld.idx.msk [tilespmem:v61+s3+$0x0], $0xffff  }
0x656: {  	v21 =	vadd.s32 $0x14, v7;
	v16 =	vld.idx.msk [tilespmem:v62+s3+$0x0], $0xffff  }
0x657: {  	v22 =	vadd.s32 $0x14, v9  }
0x658: {  	[tilespmem:s25+$0x19400] =	vst v10  }
0x659: {  	v10 =	vld.idx.msk [tilespmem:v63+s13+$0x0], $0xffff;
	[tilespmem:s1+$0x19400] =	vst v12  }
0x65a: {  	v23 =	vadd.s32 $0x15, v3;
	[tilespmem:s30+$0x19400] =	vst v14;
	v12 =	vld.idx.msk [tilespmem:v20+s13+$0x0], $0xffff  }
0x65b: {  	v24 =	vadd.s32 $0x15, v5;
	[tilespmem:s31+$0x19400] =	vst v16;
	v14 =	vld.idx.msk [tilespmem:v21+s13+$0x0], $0xffff  }
0x65c: {  	v25 =	vadd.s32 $0x15, v6;
	v16 =	vld.idx.msk [tilespmem:v22+s13+$0x0], $0xffff  }
0x65d: {  	v26 =	vadd.s32 $0x15, v8  }
0x65e: {  	[tilespmem:s25+$0x1A400] =	vst v10  }
0x65f: {  	v10 =	vld.idx.msk [tilespmem:v23+s3+$0x0], $0xffff;
	[tilespmem:s1+$0x1A400] =	vst v12  }
0x660: {  	v27 =	vadd.s32 $0x15, v2;
	[tilespmem:s30+$0x1A400] =	vst v14;
	v12 =	vld.idx.msk [tilespmem:v24+s3+$0x0], $0xffff  }
0x661: {  	v28 =	vadd.s32 $0x15, v4;
	[tilespmem:s31+$0x1A400] =	vst v16;
	v14 =	vld.idx.msk [tilespmem:v25+s3+$0x0], $0xffff  }
0x662: {  	v29 =	vadd.s32 $0x15, v7;
	v16 =	vld.idx.msk [tilespmem:v26+s3+$0x0], $0xffff  }
0x663: {  	v30 =	vadd.s32 $0x15, v9  }
0x664: {  	[tilespmem:s25+$0x19480] =	vst v10  }
0x665: {  	v10 =	vld.idx.msk [tilespmem:v27+s13+$0x0], $0xffff;
	[tilespmem:s1+$0x19480] =	vst v12  }
0x666: {  	v31 =	vadd.s32 $0x16, v3;
	[tilespmem:s30+$0x19480] =	vst v14;
	v12 =	vld.idx.msk [tilespmem:v28+s13+$0x0], $0xffff  }
0x667: {  	v32 =	vadd.s32 $0x16, v5;
	[tilespmem:s31+$0x19480] =	vst v16;
	v14 =	vld.idx.msk [tilespmem:v29+s13+$0x0], $0xffff  }
0x668: {  	v33 =	vadd.s32 $0x16, v6;
	v16 =	vld.idx.msk [tilespmem:v30+s13+$0x0], $0xffff  }
0x669: {  	v34 =	vadd.s32 $0x16, v8  }
0x66a: {  	[tilespmem:s25+$0x1A480] =	vst v10  }
0x66b: {  	v10 =	vld.idx.msk [tilespmem:v31+s3+$0x0], $0xffff;
	[tilespmem:s1+$0x1A480] =	vst v12  }
0x66c: {  	v35 =	vadd.s32 $0x16, v2;
	[tilespmem:s30+$0x1A480] =	vst v14;
	v12 =	vld.idx.msk [tilespmem:v32+s3+$0x0], $0xffff  }
0x66d: {  	v36 =	vadd.s32 $0x16, v4;
	[tilespmem:s31+$0x1A480] =	vst v16;
	v14 =	vld.idx.msk [tilespmem:v33+s3+$0x0], $0xffff  }
0x66e: {  	v37 =	vadd.s32 $0x16, v7;
	v16 =	vld.idx.msk [tilespmem:v34+s3+$0x0], $0xffff  }
0x66f: {  	v38 =	vadd.s32 $0x16, v9  }
0x670: {  	[tilespmem:s25+$0x19500] =	vst v10  }
0x671: {  	v10 =	vld.idx.msk [tilespmem:v35+s13+$0x0], $0xffff;
	[tilespmem:s1+$0x19500] =	vst v12  }
0x672: {  	v39 =	vadd.s32 $0x17, v3;
	[tilespmem:s30+$0x19500] =	vst v14;
	v12 =	vld.idx.msk [tilespmem:v36+s13+$0x0], $0xffff  }
0x673: {  	v40 =	vadd.s32 $0x17, v5;
	[tilespmem:s31+$0x19500] =	vst v16;
	v14 =	vld.idx.msk [tilespmem:v37+s13+$0x0], $0xffff  }
0x674: {  	v41 =	vadd.s32 $0x17, v6;
	v16 =	vld.idx.msk [tilespmem:v38+s13+$0x0], $0xffff  }
0x675: {  	v42 =	vadd.s32 $0x17, v8  }
0x676: {  	[tilespmem:s25+$0x1A500] =	vst v10  }
0x677: {  	v10 =	vld.idx.msk [tilespmem:v39+s3+$0x0], $0xffff;
	[tilespmem:s1+$0x1A500] =	vst v12  }
0x678: {  	v43 =	vadd.s32 $0x17, v2;
	[tilespmem:s30+$0x1A500] =	vst v14;
	v12 =	vld.idx.msk [tilespmem:v40+s3+$0x0], $0xffff  }
0x679: {  	v44 =	vadd.s32 $0x17, v4;
	[tilespmem:s31+$0x1A500] =	vst v16;
	v14 =	vld.idx.msk [tilespmem:v41+s3+$0x0], $0xffff  }
0x67a: {  	v45 =	vadd.s32 $0x17, v7;
	v16 =	vld.idx.msk [tilespmem:v42+s3+$0x0], $0xffff  }
0x67b: {  	v46 =	vadd.s32 $0x17, v9  }
0x67c: {  	[tilespmem:s25+$0x19580] =	vst v10  }
0x67d: {  	v10 =	vld.idx.msk [tilespmem:v43+s13+$0x0], $0xffff;
	[tilespmem:s1+$0x19580] =	vst v12  }
0x67e: {  	v47 =	vadd.s32 $0x18, v3;
	[tilespmem:s30+$0x19580] =	vst v14;
	v12 =	vld.idx.msk [tilespmem:v44+s13+$0x0], $0xffff  }
0x67f: {  	v48 =	vadd.s32 $0x18, v5;
	[tilespmem:s31+$0x19580] =	vst v16;
	v14 =	vld.idx.msk [tilespmem:v45+s13+$0x0], $0xffff  }
0x680: {  	v49 =	vadd.s32 $0x18, v6;
	v16 =	vld.idx.msk [tilespmem:v46+s13+$0x0], $0xffff  }
0x681: {  	v50 =	vadd.s32 $0x18, v8  }
0x682: {  	[tilespmem:s25+$0x1A580] =	vst v10  }
0x683: {  	v10 =	vld.idx.msk [tilespmem:v47+s3+$0x0], $0xffff;
	[tilespmem:s1+$0x1A580] =	vst v12  }
0x684: {  	v51 =	vadd.s32 $0x18, v2;
	[tilespmem:s30+$0x1A580] =	vst v14;
	v12 =	vld.idx.msk [tilespmem:v48+s3+$0x0], $0xffff  }
0x685: {  	v52 =	vadd.s32 $0x18, v4;
	[tilespmem:s31+$0x1A580] =	vst v16;
	v14 =	vld.idx.msk [tilespmem:v49+s3+$0x0], $0xffff  }
0x686: {  	v53 =	vadd.s32 $0x18, v7;
	v16 =	vld.idx.msk [tilespmem:v50+s3+$0x0], $0xffff  }
0x687: {  	v54 =	vadd.s32 $0x18, v9  }
0x688: {  	[tilespmem:s25+$0x19600] =	vst v10  }
0x689: {  	v10 =	vld.idx.msk [tilespmem:v51+s13+$0x0], $0xffff;
	[tilespmem:s1+$0x19600] =	vst v12  }
0x68a: {  	v55 =	vadd.s32 $0x19, v3;
	[tilespmem:s30+$0x19600] =	vst v14;
	v12 =	vld.idx.msk [tilespmem:v52+s13+$0x0], $0xffff  }
0x68b: {  	v56 =	vadd.s32 $0x19, v5;
	[tilespmem:s31+$0x19600] =	vst v16;
	v14 =	vld.idx.msk [tilespmem:v53+s13+$0x0], $0xffff  }
0x68c: {  	v57 =	vadd.s32 $0x19, v6;
	v16 =	vld.idx.msk [tilespmem:v54+s13+$0x0], $0xffff  }
0x68d: {  	v58 =	vadd.s32 $0x19, v8  }
0x68e: {  	[tilespmem:s25+$0x1A600] =	vst v10  }
0x68f: {  	v10 =	vld.idx.msk [tilespmem:v55+s3+$0x0], $0xffff;
	[tilespmem:s1+$0x1A600] =	vst v12  }
0x690: {  	v59 =	vadd.s32 $0x19, v2;
	[tilespmem:s30+$0x1A600] =	vst v14;
	v12 =	vld.idx.msk [tilespmem:v56+s3+$0x0], $0xffff  }
0x691: {  	v60 =	vadd.s32 $0x19, v4;
	[tilespmem:s31+$0x1A600] =	vst v16;
	v14 =	vld.idx.msk [tilespmem:v57+s3+$0x0], $0xffff  }
0x692: {  	v61 =	vadd.s32 $0x19, v7;
	v16 =	vld.idx.msk [tilespmem:v58+s3+$0x0], $0xffff  }
0x693: {  	v62 =	vadd.s32 $0x19, v9  }
0x694: {  	[tilespmem:s25+$0x19680] =	vst v10  }
0x695: {  	v10 =	vld.idx.msk [tilespmem:v59+s13+$0x0], $0xffff;
	[tilespmem:s1+$0x19680] =	vst v12  }
0x696: {  	v63 =	vadd.s32 $0x1A, v3;
	[tilespmem:s30+$0x19680] =	vst v14;
	v12 =	vld.idx.msk [tilespmem:v60+s13+$0x0], $0xffff  }
0x697: {  	v20 =	vadd.s32 $0x1A, v5;
	[tilespmem:s31+$0x19680] =	vst v16;
	v14 =	vld.idx.msk [tilespmem:v61+s13+$0x0], $0xffff  }
0x698: {  	v21 =	vadd.s32 $0x1A, v6;
	v16 =	vld.idx.msk [tilespmem:v62+s13+$0x0], $0xffff  }
0x699: {  	v22 =	vadd.s32 $0x1A, v8  }
0x69a: {  	[tilespmem:s25+$0x1A680] =	vst v10  }
0x69b: {  	v10 =	vld.idx.msk [tilespmem:v63+s3+$0x0], $0xffff;
	[tilespmem:s1+$0x1A680] =	vst v12  }
0x69c: {  	v23 =	vadd.s32 $0x1A, v2;
	[tilespmem:s30+$0x1A680] =	vst v14;
	v12 =	vld.idx.msk [tilespmem:v20+s3+$0x0], $0xffff  }
0x69d: {  	v24 =	vadd.s32 $0x1A, v4;
	[tilespmem:s31+$0x1A680] =	vst v16;
	v14 =	vld.idx.msk [tilespmem:v21+s3+$0x0], $0xffff  }
0x69e: {  	v25 =	vadd.s32 $0x1A, v7;
	v16 =	vld.idx.msk [tilespmem:v22+s3+$0x0], $0xffff  }
0x69f: {  	v26 =	vadd.s32 $0x1A, v9  }
0x6a0: {  	[tilespmem:s25+$0x19700] =	vst v10  }
0x6a1: {  	v10 =	vld.idx.msk [tilespmem:v23+s13+$0x0], $0xffff;
	[tilespmem:s1+$0x19700] =	vst v12  }
0x6a2: {  	v27 =	vadd.s32 $0x1B, v3;
	[tilespmem:s30+$0x19700] =	vst v14;
	v12 =	vld.idx.msk [tilespmem:v24+s13+$0x0], $0xffff  }
0x6a3: {  	v28 =	vadd.s32 $0x1B, v5;
	[tilespmem:s31+$0x19700] =	vst v16;
	v14 =	vld.idx.msk [tilespmem:v25+s13+$0x0], $0xffff  }
0x6a4: {  	v29 =	vadd.s32 $0x1B, v6;
	v16 =	vld.idx.msk [tilespmem:v26+s13+$0x0], $0xffff  }
0x6a5: {  	v30 =	vadd.s32 $0x1B, v8  }
0x6a6: {  	[tilespmem:s25+$0x1A700] =	vst v10  }
0x6a7: {  	v10 =	vld.idx.msk [tilespmem:v27+s3+$0x0], $0xffff;
	[tilespmem:s1+$0x1A700] =	vst v12  }
0x6a8: {  	v31 =	vadd.s32 $0x1B, v2;
	[tilespmem:s30+$0x1A700] =	vst v14;
	v12 =	vld.idx.msk [tilespmem:v28+s3+$0x0], $0xffff  }
0x6a9: {  	v32 =	vadd.s32 $0x1B, v4;
	[tilespmem:s31+$0x1A700] =	vst v16;
	v14 =	vld.idx.msk [tilespmem:v29+s3+$0x0], $0xffff  }
0x6aa: {  	v33 =	vadd.s32 $0x1B, v7;
	v16 =	vld.idx.msk [tilespmem:v30+s3+$0x0], $0xffff  }
0x6ab: {  	v34 =	vadd.s32 $0x1B, v9  }
0x6ac: {  	[tilespmem:s25+$0x19780] =	vst v10  }
0x6ad: {  	v10 =	vld.idx.msk [tilespmem:v31+s13+$0x0], $0xffff;
	[tilespmem:s1+$0x19780] =	vst v12  }
0x6ae: {  	v35 =	vadd.s32 $0x1C, v3;
	[tilespmem:s30+$0x19780] =	vst v14;
	v12 =	vld.idx.msk [tilespmem:v32+s13+$0x0], $0xffff  }
0x6af: {  	v36 =	vadd.s32 $0x1C, v5;
	[tilespmem:s31+$0x19780] =	vst v16;
	v14 =	vld.idx.msk [tilespmem:v33+s13+$0x0], $0xffff  }
0x6b0: {  	v37 =	vadd.s32 $0x1C, v6;
	v16 =	vld.idx.msk [tilespmem:v34+s13+$0x0], $0xffff  }
0x6b1: {  	v38 =	vadd.s32 $0x1C, v8  }
0x6b2: {  	[tilespmem:s25+$0x1A780] =	vst v10  }
0x6b3: {  	v10 =	vld.idx.msk [tilespmem:v35+s3+$0x0], $0xffff;
	[tilespmem:s1+$0x1A780] =	vst v12  }
0x6b4: {  	v39 =	vadd.s32 $0x1C, v2;
	[tilespmem:s30+$0x1A780] =	vst v14;
	v12 =	vld.idx.msk [tilespmem:v36+s3+$0x0], $0xffff  }
0x6b5: {  	v40 =	vadd.s32 $0x1C, v4;
	[tilespmem:s31+$0x1A780] =	vst v16;
	v14 =	vld.idx.msk [tilespmem:v37+s3+$0x0], $0xffff  }
0x6b6: {  	v41 =	vadd.s32 $0x1C, v7;
	v16 =	vld.idx.msk [tilespmem:v38+s3+$0x0], $0xffff  }
0x6b7: {  	v42 =	vadd.s32 $0x1C, v9  }
0x6b8: {  	[tilespmem:s25+$0x19800] =	vst v10  }
0x6b9: {  	v10 =	vld.idx.msk [tilespmem:v39+s13+$0x0], $0xffff;
	[tilespmem:s1+$0x19800] =	vst v12  }
0x6ba: {  	v43 =	vadd.s32 $0x1D, v3;
	[tilespmem:s30+$0x19800] =	vst v14;
	v12 =	vld.idx.msk [tilespmem:v40+s13+$0x0], $0xffff  }
0x6bb: {  	v44 =	vadd.s32 $0x1D, v5;
	[tilespmem:s31+$0x19800] =	vst v16;
	v14 =	vld.idx.msk [tilespmem:v41+s13+$0x0], $0xffff  }
0x6bc: {  	v45 =	vadd.s32 $0x1D, v6;
	v16 =	vld.idx.msk [tilespmem:v42+s13+$0x0], $0xffff  }
0x6bd: {  	v46 =	vadd.s32 $0x1D, v8  }
0x6be: {  	[tilespmem:s25+$0x1A800] =	vst v10  }
0x6bf: {  	v10 =	vld.idx.msk [tilespmem:v43+s3+$0x0], $0xffff;
	[tilespmem:s1+$0x1A800] =	vst v12  }
0x6c0: {  	v47 =	vadd.s32 $0x1D, v2;
	[tilespmem:s30+$0x1A800] =	vst v14;
	v12 =	vld.idx.msk [tilespmem:v44+s3+$0x0], $0xffff  }
0x6c1: {  	v48 =	vadd.s32 $0x1D, v4;
	[tilespmem:s31+$0x1A800] =	vst v16;
	v14 =	vld.idx.msk [tilespmem:v45+s3+$0x0], $0xffff  }
0x6c2: {  	v49 =	vadd.s32 $0x1D, v7;
	v16 =	vld.idx.msk [tilespmem:v46+s3+$0x0], $0xffff  }
0x6c3: {  	v50 =	vadd.s32 $0x1D, v9  }
0x6c4: {  	[tilespmem:s25+$0x19880] =	vst v10  }
0x6c5: {  	v10 =	vld.idx.msk [tilespmem:v47+s13+$0x0], $0xffff;
	[tilespmem:s1+$0x19880] =	vst v12  }
0x6c6: {  	v51 =	vadd.s32 $0x1E, v3;
	[tilespmem:s30+$0x19880] =	vst v14;
	v12 =	vld.idx.msk [tilespmem:v48+s13+$0x0], $0xffff  }
0x6c7: {  	v52 =	vadd.s32 $0x1E, v5;
	[tilespmem:s31+$0x19880] =	vst v16;
	v14 =	vld.idx.msk [tilespmem:v49+s13+$0x0], $0xffff  }
0x6c8: {  	v53 =	vadd.s32 $0x1E, v6;
	v16 =	vld.idx.msk [tilespmem:v50+s13+$0x0], $0xffff  }
0x6c9: {  	v54 =	vadd.s32 $0x1E, v8  }
0x6ca: {  	[tilespmem:s25+$0x1A880] =	vst v10  }
0x6cb: {  	v10 =	vld.idx.msk [tilespmem:v51+s3+$0x0], $0xffff;
	[tilespmem:s1+$0x1A880] =	vst v12  }
0x6cc: {  	v55 =	vadd.s32 $0x1E, v2;
	[tilespmem:s30+$0x1A880] =	vst v14;
	v12 =	vld.idx.msk [tilespmem:v52+s3+$0x0], $0xffff  }
0x6cd: {  	v56 =	vadd.s32 $0x1E, v4;
	[tilespmem:s31+$0x1A880] =	vst v16;
	v14 =	vld.idx.msk [tilespmem:v53+s3+$0x0], $0xffff  }
0x6ce: {  	v57 =	vadd.s32 $0x1E, v7;
	v16 =	vld.idx.msk [tilespmem:v54+s3+$0x0], $0xffff  }
0x6cf: {  	v58 =	vadd.s32 $0x1E, v9  }
0x6d0: {  	[tilespmem:s25+$0x19900] =	vst v10  }
0x6d1: {  	v10 =	vld.idx.msk [tilespmem:v55+s13+$0x0], $0xffff;
	[tilespmem:s1+$0x19900] =	vst v12  }
0x6d2: {  	v3 =	vadd.s32 $0x1F, v3;
	[tilespmem:s30+$0x19900] =	vst v14;
	v59 =	vld.idx.msk [tilespmem:v56+s13+$0x0], $0xffff  }
0x6d3: {  	v5 =	vadd.s32 $0x1F, v5;
	[tilespmem:s31+$0x19900] =	vst v16;
	v60 =	vld.idx.msk [tilespmem:v57+s13+$0x0], $0xffff  }
0x6d4: {  	v6 =	vadd.s32 $0x1F, v6;
	v61 =	vld.idx.msk [tilespmem:v58+s13+$0x0], $0xffff  }
0x6d5: {  	v8 =	vadd.s32 $0x1F, v8  }
0x6d6: {  	[tilespmem:s25+$0x1A900] =	vst v10  }
0x6d7: {  	v3 =	vld.idx.msk [tilespmem:v3+s3+$0x0], $0xffff;
	[tilespmem:s1+$0x1A900] =	vst v59  }
0x6d8: {  	v2 =	vadd.s32 $0x1F, v2;
	[tilespmem:s30+$0x1A900] =	vst v60;
	v5 =	vld.idx.msk [tilespmem:v5+s3+$0x0], $0xffff  }
0x6d9: {  	v4 =	vadd.s32 $0x1F, v4;
	[tilespmem:s31+$0x1A900] =	vst v61;
	v6 =	vld.idx.msk [tilespmem:v6+s3+$0x0], $0xffff  }
0x6da: {  	v7 =	vadd.s32 $0x1F, v7;
	v8 =	vld.idx.msk [tilespmem:v8+s3+$0x0], $0xffff  }
0x6db: {  	v9 =	vadd.s32 $0x1F, v9  }
0x6dc: {  	[tilespmem:s25+$0x19980] =	vst v3  }
0x6dd: {  	v2 =	vld.idx.msk [tilespmem:v2+s13+$0x0], $0xffff;
	[tilespmem:s1+$0x19980] =	vst v5  }
0x6de: {  	[tilespmem:s30+$0x19980] =	vst v6;
	v3 =	vld.idx.msk [tilespmem:v4+s13+$0x0], $0xffff  }
0x6df: {  	[tilespmem:s31+$0x19980] =	vst v8;
	v62 =	vld.idx.msk [tilespmem:v7+s13+$0x0], $0xffff  }
0x6e0: {  	p1 =	por p0, p0;
	v63 =	vld.idx.msk [tilespmem:v9+s13+$0x0], $0xffff  }
.Ltmp3:
0x6e1: {  	_ = 	snop;
	(pc) =	sbr.rel @p1 .LBB2_9-.Ltmp3, $4  }
0x6e2: {  	[tilespmem:s25+$0x1A980] =	vst v2  }
0x6e3: {  	[tilespmem:s1+$0x1A980] =	vst v3  }
0x6e4: {  	[tilespmem:s30+$0x1A980] =	vst v62  }
0x6e5: {  	p0 =	por $0x0, $0x0;
	s26 =	simm.s32 $0x4;
	[tilespmem:s31+$0x1A980] =	vst v63  }
0x6e6: {  	s23 =	sadd.s32 $0x1, s23  }
0x6e7: {  	p0 =	sne.s32 s23, $0x63  }
.Ltmp4:
0x6e8: {  	s1 =	sshll.u32 s24, $0x12;
	(pc) =	sbr.rel @p0 .LBB2_6-.Ltmp4, $4  }
0x6e9: {  	s1 =	sor.u32 s9, s1  }
0x6ea: {  	s1 =	sshrl.u32 s1, $0x3  }
0x6eb: {  	s1 =	sadd.s32 s2, s1  }
0x6ec: {  	[hbm4b:s1+s16] =	stream.strided.scatter [tilespmem:s19], [sflag:$0x2], $0x2000, s17, s16, $0x38;
	[tilespmem:$0x1AA00] =	vst v63  }
0x6ed: {  	s22 =	sadd.s32 $0x1, s22  }
0x6ee: {  	_ =	swait.ge [sflag:s20], $0x2000;
	p0 =	sne.s32 s22, s11  }
.Ltmp5:
0x6ef: {  	[sflag:s20] =	ssyncset.done $0x0;
	(pc) =	sbr.rel @p0 .LBB2_1-.Ltmp5, $4  }
0x6f0: {  	[sflag:s20] =	ssyncadd.s32 $0xFFFFE000  }
0x6f1: {  	_ =	swait.ge [sflag:s21], $0x2000  }
0x6f2: {  	[sflag:s21] =	ssyncset.done $0x0  }
0x6f3: {  	[sflag:s21] =	ssyncadd.s32 $0xFFFFE000  }
0x6f4: {  	_ =	sfence.sel $0x180000  }
0x6f5: {  	[bflag:$0x0] =	sbarrier.arrive $0xFFFF  }
0x6f6: {  	_ =	strace $0x90000047  }
0x6f7: {  	[bflag:$0x2] =	sbarrier.arrive $0xFFFF  }
0x6f8: {  	p0 =	sne.s32 s0, $0x0;
	s0 =	rddreg [dreg:$0x2]  }
0x6f9: {  	s0 =	sadd.s32 @!p0 $0x100000, s0  }
0x6fa: {  	[sflag:s0] =	ssyncadd.tile.s32 @!p0 $0x1;
	_ =	shalt  }
.Lfunc_end2:
_tile_overlayer_lowered:
.L_overlay_start_2:
0x6fb: {  	(tag) =	ssettag $0x2  }
0x6fc: {  	s0 =	rddreg [dreg:$0x0];
	s2 =	stileid.u32  }
0x6fd: {  	s1 =	rddreg [dreg:$0x1];
	p0 =	sne.s32 s2, $0x0  }
0x6fe: {  	s3 =	rddreg [dreg:$0x2];
	[bflag:$0x3] =	sbarrier.arrive $0xFFFF;
	s2 =	simm.s32 @!p0 $0x1C03  }
0x6ff: {  	[timem:s3], [sflag:s2] =	dma.local @!p0 [hbm:s0], s1  }
0x700: {  	s0 =	simm.s32 @!p0 $0x3  }
0x701: {  	_ =	swait.ge @!p0 [sflag:s0], s1  }
0x702: {  	s1 =	ssub.s32 @!p0 $0x0, s1;
	[sflag:s0] =	ssyncset.done @!p0 $0x0  }
0x703: {  	[sflag:s0] =	ssyncadd.s32 @!p0 s1  }
0x704: {  	[bflag:$0x3] =	sbarrier.arrive $0xFFFF  }
0x705: {  	_ =	shalt  }

</sc_bundles>
